<compile_context>
chip_gen: v7x
topology: tpu7x:2x2x1
jax: 0.10.2.dev20260603
libtpu: 0.0.44.dev20260713+nightly
codegen_flags: <defaults>
</compile_context>

<pallas_src>
import functools

import jax
import jax.numpy as jnp
from jax import lax
from jax.experimental import pallas as pl
from jax.experimental.pallas import tpu as pltpu
from jax.experimental.pallas import tpu_sc as plsc

N = 50000
C = 32
E = 800000

NW = 32
EPW = E // NW
CHUNK = 1000
NCHUNK = EPW // CHUNK

K_RANK = 1440000


_PBS = 2000


def _prep_body(ls_ref, lt_ref, cs_ref, ct_ref, ds_ref, dt_ref,
               ps_ref, pt_ref, ms_ref, mt_ref):
    for l_ref, p_ref in ((ls_ref, ps_ref), (lt_ref, pt_ref)):
        x = l_ref[...]
        m = jnp.max(x, axis=1, keepdims=True)
        e = jnp.exp(x - m)
        p = e / jnp.sum(e, axis=1, keepdims=True)
        u = lax.bitcast_convert_type(p, jnp.int32)
        r = lax.shift_right_logical(
            u + 0x7FFF + (lax.shift_right_logical(u, 16) & 1), 16)
        p_ref[...] = r[:, 0:16] | lax.shift_left(r[:, 16:32], 16)

    @pl.when(pl.program_id(0) == 0)
    def _():
        ms_ref[...] = cs_ref[...] * 16 + ds_ref[...].astype(jnp.int32)
        mt_ref[...] = ct_ref[...] * 16 + dt_ref[...].astype(jnp.int32)


def _prep(logits_src, logits_tgt, cl_src, cl_tgt, d_src, d_tgt):
    r16 = lambda a: a.reshape(N // 16, 16)
    lspec = pl.BlockSpec((_PBS, C), lambda i: (i, 0))
    pspec = pl.BlockSpec((_PBS, C // 2), lambda i: (i, 0))
    mspec = pl.BlockSpec((N // 16, 16), lambda i: (0, 0))
    outs = pl.pallas_call(
        _prep_body,
        grid=(N // _PBS,),
        in_specs=[lspec, lspec, mspec, mspec, mspec, mspec],
        out_specs=(pspec, pspec, mspec, mspec),
        out_shape=(
            jax.ShapeDtypeStruct((N, C // 2), jnp.int32),
            jax.ShapeDtypeStruct((N, C // 2), jnp.int32),
            jax.ShapeDtypeStruct((N // 16, 16), jnp.int32),
            jax.ShapeDtypeStruct((N // 16, 16), jnp.int32),
        ),
    )(logits_src, logits_tgt, r16(cl_src), r16(cl_tgt), r16(d_src), r16(d_tgt))
    ps, pt, ms, mt = outs
    return ps, pt, ms.reshape(N), mt.reshape(N)


def _edges_body(ps_hbm, pt_hbm, ms_hbm, mt_hbm, eis_hbm, eit_hbm,
                sq_hbm, fl_hbm,
                idx_i, idx_j, rows_i, rows_j, mi_v, mj_v, sq_v, fl_v,
                sems):
    wid = lax.axis_index("s") * 2 + lax.axis_index("c")
    base_w = wid * EPW
    lane = lax.iota(jnp.int32, 16)
    himask = jnp.int32(-65536)
    NG = (CHUNK + 15) // 16

    def do_domain(probs_hbm, meta_hbm, ei_hbm, out_base):
        def out_slice(cidx):
            return pl.ds(out_base + base_w + cidx * CHUNK, CHUNK)

        def issue(cidx, b):
            base = base_w + cidx * CHUNK
            pltpu.sync_copy(ei_hbm.at[pl.ds(base, CHUNK)], idx_i[b])
            pltpu.sync_copy(ei_hbm.at[pl.ds(E + base, CHUNK)], idx_j[b])
            pltpu.async_copy(probs_hbm.at[idx_i[b]], rows_i[b], sems[b])
            pltpu.async_copy(probs_hbm.at[idx_j[b]], rows_j[b], sems[b])
            pltpu.async_copy(meta_hbm.at[idx_i[b]], mi_v[b], sems[b])
            pltpu.async_copy(meta_hbm.at[idx_j[b]], mj_v[b], sems[b])

        def consume(cidx, b):
            pltpu.make_async_copy(probs_hbm.at[idx_i[b]], rows_i[b],
                                  sems[b]).wait()
            pltpu.make_async_copy(probs_hbm.at[idx_j[b]], rows_j[b],
                                  sems[b]).wait()
            pltpu.make_async_copy(meta_hbm.at[idx_i[b]], mi_v[b],
                                  sems[b]).wait()
            pltpu.make_async_copy(meta_hbm.at[idx_j[b]], mj_v[b],
                                  sems[b]).wait()

            ri = rows_i[b]
            rj = rows_j[b]
            sqo = sq_v[b]
            flo = fl_v[b]
            miv = mi_v[b]
            mjv = mj_v[b]

            def group_body(g, c):
                off = jnp.minimum(g * 16, CHUNK - 16)
                eidx = off + lane
                a0 = jnp.zeros((16,), jnp.float32)
                a1 = jnp.zeros((16,), jnp.float32)
                for comp in range(C // 2):
                    cvec = jnp.full((16,), comp, jnp.int32)
                    gi = plsc.load_gather(ri, [eidx, cvec])
                    gj = plsc.load_gather(rj, [eidx, cvec])
                    li = plsc.bitcast(lax.shift_left(gi, 16), jnp.float32)
                    lj = plsc.bitcast(lax.shift_left(gj, 16), jnp.float32)
                    hi = plsc.bitcast(gi & himask, jnp.float32)
                    hj = plsc.bitcast(gj & himask, jnp.float32)
                    d0 = li - lj
                    d1 = hi - hj
                    a0 = d0 * d0 + a0
                    a1 = d1 * d1 + a1
                sqo[pl.ds(off, 16)] = a0 + a1

                mi = miv[pl.ds(off, 16)]
                mj = mjv[pl.ds(off, 16)]
                same = (lax.shift_right_logical(mi, 4)
                        == lax.shift_right_logical(mj, 4)).astype(jnp.int32)
                dd = jnp.abs((mi & 15) - (mj & 15))
                near = (dd < 3).astype(jnp.int32)
                flo[pl.ds(off, 16)] = same + 2 * near
                return c

            lax.fori_loop(0, NG, group_body, 0)

            pltpu.sync_copy(sqo, sq_hbm.at[out_slice(cidx)])
            pltpu.sync_copy(flo, fl_hbm.at[out_slice(cidx)])

        issue(0, 0)

        def pair_body(t, carry):
            c0 = t * 2
            issue(c0 + 1, 1)
            consume(c0, 0)
            issue(c0 + 2, 0)
            consume(c0 + 1, 1)
            return carry

        lax.fori_loop(0, (NCHUNK - 1) // 2, pair_body, 0)
        consume(NCHUNK - 1, 0)

    do_domain(ps_hbm, ms_hbm, eis_hbm, 0)
    do_domain(pt_hbm, mt_hbm, eit_hbm, E)


def _edges(probs_src, probs_tgt, meta_src, meta_tgt, ei_src, ei_tgt):
    mesh = plsc.VectorSubcoreMesh(core_axis_name="c", subcore_axis_name="s")
    buf2 = lambda shape, dt: [pltpu.VMEM(shape, dt), pltpu.VMEM(shape, dt)]
    fn = functools.partial(
        pl.kernel,
        out_type=(
            jax.ShapeDtypeStruct((2 * E,), jnp.float32),
            jax.ShapeDtypeStruct((2 * E,), jnp.int32),
        ),
        mesh=mesh,
        scratch_types=[
            buf2((CHUNK,), jnp.int32),
            buf2((CHUNK,), jnp.int32),
            buf2((CHUNK, C // 2), jnp.int32),
            buf2((CHUNK, C // 2), jnp.int32),
            buf2((CHUNK,), jnp.int32),
            buf2((CHUNK,), jnp.int32),
            buf2((CHUNK,), jnp.float32),
            buf2((CHUNK,), jnp.int32),
            [pltpu.SemaphoreType.DMA, pltpu.SemaphoreType.DMA],
        ],
        compiler_params=pltpu.CompilerParams(
            needs_layout_passes=False, use_tc_tiling_on_sc=False),
    )(_edges_body)
    return fn(probs_src, probs_tgt, meta_src, meta_tgt,
              ei_src.reshape(2 * E), ei_tgt.reshape(2 * E))


_FCH = 25


def _fin_body(sq_ref, fl_ref, raw_ref, out_ref):
    nch = sq_ref.shape[0]

    def acc_body(i, c):
        sum_c, cnt_c, sum_d, cnt_d = c
        s = sq_ref[i]
        fl = fl_ref[i]
        pd = jnp.sqrt(s)
        cs = (fl & 1) > 0
        dn = (fl & 2) > 0
        sum_c += jnp.sum(jnp.where(cs, pd, 0.0))
        cnt_c += jnp.sum(cs.astype(jnp.float32))
        sum_d += jnp.sum(jnp.where(dn, pd, 0.0))
        cnt_d += jnp.sum(dn.astype(jnp.float32))
        return sum_c, cnt_c, sum_d, cnt_d

    z = jnp.float32(0.0)
    sum_c, cnt_c, sum_d, cnt_d = lax.fori_loop(
        0, nch, acc_body, (z, z, z, z))

    def bs_body(_, lohi):
        lo, hi = lohi
        mid = lo + lax.shift_right_logical(hi - lo, 1)

        def cnt_body(i, c):
            bits = lax.bitcast_convert_type(sq_ref[i], jnp.int32)
            return c + jnp.sum((bits <= mid).astype(jnp.int32))

        cnt = lax.fori_loop(0, nch, cnt_body, jnp.int32(0))
        ge = cnt >= K_RANK
        return jnp.where(ge, lo, mid), jnp.where(ge, mid, hi)

    lo0 = jnp.int32(-1)
    hi0 = jnp.int32(0x40800000)
    _, b_hi = lax.fori_loop(0, 31, bs_body, (lo0, hi0))

    def jmp_body(i, c):
        sum_j, cnt_j = c
        s = sq_ref[i]
        bits = lax.bitcast_convert_type(s, jnp.int32)
        jm = bits > b_hi
        sum_j += jnp.sum(jnp.where(jm, jnp.sqrt(s), 0.0))
        cnt_j += jnp.sum(jm.astype(jnp.float32))
        return sum_j, cnt_j

    sum_j, cnt_j = lax.fori_loop(0, nch, jmp_body, (z, z))

    def mmean(s, c):
        return jnp.where(c > 0, s / jnp.maximum(c, 1.0), 0.0)

    p_c = mmean(sum_c, cnt_c)
    p_d = mmean(sum_d, cnt_d)
    p_j = mmean(sum_j, cnt_j)

    r0 = raw_ref[0]
    r1 = raw_ref[1]
    r2 = raw_ref[2]
    rm = jnp.maximum(r0, jnp.maximum(r1, r2))
    e0 = jnp.exp(r0 - rm)
    e1 = jnp.exp(r1 - rm)
    e2 = jnp.exp(r2 - rm)
    es = e0 + e1 + e2
    total = (e0 * p_c + e1 * p_d + e2 * p_j) / es
    out_ref[...] = jnp.broadcast_to(total, (1, 1))


def _finalize(sq, fl, raw):
    out = pl.pallas_call(
        _fin_body,
        out_shape=jax.ShapeDtypeStruct((1, 1), jnp.float32),
        in_specs=[
            pl.BlockSpec(memory_space=pltpu.VMEM),
            pl.BlockSpec(memory_space=pltpu.VMEM),
            pl.BlockSpec(memory_space=pltpu.SMEM),
        ],
        out_specs=pl.BlockSpec(memory_space=pltpu.VMEM),
    )(sq.reshape(_FCH, 2 * E // _FCH // 128, 128),
      fl.reshape(_FCH, 2 * E // _FCH // 128, 128), raw)
    return out[0, 0]


def kernel(logits_src, logits_tgt, edge_index_src, edge_index_tgt,
           cluster_labels_src, cluster_labels_tgt, depth_src, depth_tgt, raw):
    probs_src, probs_tgt, meta_src, meta_tgt = _prep(
        logits_src, logits_tgt, cluster_labels_src, cluster_labels_tgt,
        depth_src, depth_tgt)
    sq, fl = _edges(probs_src, probs_tgt, meta_src, meta_tgt,
                    edge_index_src, edge_index_tgt)
    return _finalize(sq, fl, raw)

# --- scband reference (transcript-rebuilt; emitter-appended) ---
"""Pipeline reference for scband-adaptive-jump-penalty-56427280334981 (READ-ONLY COPY).

The authoritative reference and input builder live on the scoring server;
editing this copy changes nothing except your own understanding.
"""

import jax, jax.numpy as jnp
import numpy as np


def _safe_norm(d):
    # L2 norm along axis=1 with safe gradient at 0 (matches torch.norm values)
    s = jnp.sum(d * d, axis=1)
    safe = jnp.where(s > 0, s, 1.0)
    return jnp.where(s > 0, jnp.sqrt(safe), 0.0)


def _masked_mean(x, mask):
    # equivalent to x[mask].mean() if mask.any() else 0.0, but trace-safe
    cnt = jnp.sum(mask.astype(jnp.float32))
    s = jnp.sum(jnp.where(mask, x, 0.0))
    return jnp.where(cnt > 0, s / jnp.maximum(cnt, 1.0), 0.0)


def setup_inputs(seed: int = 0) -> dict:
    key = jax.random.key(seed)
    ks = jax.random.split(key, 9)
    N, C, E = 50000, 32, 800000
    logits_src = jax.random.normal(ks[0], (N, C), dtype=jnp.float32)
    logits_tgt = jax.random.normal(ks[1], (N, C), dtype=jnp.float32)
    edge_index_src = jax.random.randint(ks[2], (2, E), 0, N, dtype=jnp.int32)
    edge_index_tgt = jax.random.randint(ks[3], (2, E), 0, N, dtype=jnp.int32)
    cluster_labels_src = jax.random.randint(ks[4], (N,), 0, 100, dtype=jnp.int32)
    cluster_labels_tgt = jax.random.randint(ks[5], (N,), 0, 100, dtype=jnp.int32)
    depth_src = jax.random.randint(ks[6], (N,), 0, 10).astype(jnp.float32)
    depth_tgt = jax.random.randint(ks[7], (N,), 0, 10).astype(jnp.float32)
    raw = jnp.zeros((3,), dtype=jnp.float32)  # nn.Parameter self.raw
    return {
        "logits_src": logits_src,
        "logits_tgt": logits_tgt,
        "edge_index_src": edge_index_src,
        "edge_index_tgt": edge_index_tgt,
        "cluster_labels_src": cluster_labels_src,
        "cluster_labels_tgt": cluster_labels_tgt,
        "depth_src": depth_src,
        "depth_tgt": depth_tgt,
        "raw": raw,
    }


def reference(logits_src, logits_tgt, edge_index_src, edge_index_tgt,
              cluster_labels_src, cluster_labels_tgt, depth_src, depth_tgt, raw):
    probs_src = jax.nn.softmax(logits_src, axis=1)
    i_src, j_src = edge_index_src[0], edge_index_src[1]
    pred_diff_src = _safe_norm(probs_src[i_src] - probs_src[j_src])
    depth_diff_src = jnp.abs(depth_src[i_src] - depth_src[j_src])
    cluster_same_src = cluster_labels_src[i_src] == cluster_labels_src[j_src]

    probs_tgt = jax.nn.softmax(logits_tgt, axis=1)
    i_tgt, j_tgt = edge_index_tgt[0], edge_index_tgt[1]
    pred_diff_tgt = _safe_norm(probs_tgt[i_tgt] - probs_tgt[j_tgt])
    depth_diff_tgt = jnp.abs(depth_tgt[i_tgt] - depth_tgt[j_tgt])
    cluster_same_tgt = cluster_labels_tgt[i_tgt] == cluster_labels_tgt[j_tgt]

    pred_diff = jnp.concatenate([pred_diff_src, pred_diff_tgt])
    depth_diff = jnp.concatenate([depth_diff_src, depth_diff_tgt])
    cluster_same = jnp.concatenate([cluster_same_src, cluster_same_tgt])

    penalty_cluster = _masked_mean(pred_diff, cluster_same)
    penalty_depth = _masked_mean(pred_diff, depth_diff < 3.0)

    dynamic_threshold = jnp.quantile(pred_diff, 0.9)
    mask_jump = pred_diff > dynamic_threshold
    penalty_jump = _masked_mean(pred_diff, mask_jump)

    w = jax.nn.softmax(raw, axis=0)
    total_penalty = w[0] * penalty_cluster + w[1] * penalty_depth + w[2] * penalty_jump
    return total_penalty

if __name__ == "__main__":
    import jax
    _d = setup_inputs()
    print(jax.jit(kernel)(*tuple(_d.values())))

</pallas_src>

<mosaic_0001>
#map = affine_map<(d0, d1) -> (0, 0)>
#map1 = affine_map<(d0, d1) -> (0)>
module attributes {stable_mosaic.version = 14 : i64} {
  func.func @_edges_body(%arg0: i32, %arg1: i32, %arg2: memref<50000x16xi32, #tpu.memory_space<hbm>>, %arg3: memref<50000x16xi32, #tpu.memory_space<hbm>>, %arg4: memref<50000xi32, #tpu.memory_space<hbm>>, %arg5: memref<50000xi32, #tpu.memory_space<hbm>>, %arg6: memref<1600000xi32, #tpu.memory_space<hbm>>, %arg7: memref<1600000xi32, #tpu.memory_space<hbm>>, %arg8: memref<1600000xf32, #tpu.memory_space<hbm>>, %arg9: memref<1600000xi32, #tpu.memory_space<hbm>>, %arg10: memref<1000xi32, #tpu.memory_space<vmem>>, %arg11: memref<1000xi32, #tpu.memory_space<vmem>>, %arg12: memref<1000xi32, #tpu.memory_space<vmem>>, %arg13: memref<1000xi32, #tpu.memory_space<vmem>>, %arg14: memref<1000x16xi32, #tpu.memory_space<vmem>>, %arg15: memref<1000x16xi32, #tpu.memory_space<vmem>>, %arg16: memref<1000x16xi32, #tpu.memory_space<vmem>>, %arg17: memref<1000x16xi32, #tpu.memory_space<vmem>>, %arg18: memref<1000xi32, #tpu.memory_space<vmem>>, %arg19: memref<1000xi32, #tpu.memory_space<vmem>>, %arg20: memref<1000xi32, #tpu.memory_space<vmem>>, %arg21: memref<1000xi32, #tpu.memory_space<vmem>>, %arg22: memref<1000xf32, #tpu.memory_space<vmem>>, %arg23: memref<1000xf32, #tpu.memory_space<vmem>>, %arg24: memref<1000xi32, #tpu.memory_space<vmem>>, %arg25: memref<1000xi32, #tpu.memory_space<vmem>>, %arg26: memref<!tpu.dma_semaphore, #tpu.memory_space<semaphore_mem>>, %arg27: memref<!tpu.dma_semaphore, #tpu.memory_space<semaphore_mem>>) attributes {dimension_semantics = [#tpu.dimension_semantics<core_parallel>, #tpu.dimension_semantics<subcore_parallel>], iteration_bounds = array<i64: 2, 16>, scalar_prefetch = 0 : i64, scratch_operands = 18 : i64, tpu.core_type = #tpu.core_type<sc_vector_subcore>, window_params = [{transform_indices = #map}, {transform_indices = #map}, {transform_indices = #map1}, {transform_indices = #map1}, {transform_indices = #map1}, {transform_indices = #map1}, {transform_indices = #map1}, {transform_indices = #map1}]} {
    %mul3A = arith.constant 2 : i32
    %mul3A_0 = arith.muli %arg1, %mul3A : i32
    %add3A = arith.addi %mul3A_0, %arg0 : i32
    %mul3A_1 = arith.constant 25000 : i32
    %mul3A_2 = arith.muli %add3A, %mul3A_1 : i32
    %iota3A = tpu.iota {dimensions = array<i32: 0>} : vector<16xi32>
    %add3A_3 = arith.constant 0 : i32
    %add3A_4 = arith.addi %mul3A_2, %add3A_3 : i32
    "tpu.region"() ({
      %run_scoped3A = tpu.sem_alloc : memref<!tpu.dma_semaphore, #tpu.memory_space<semaphore_mem>>
      %dma_start3A_92 = tpu.memref_slice %arg6[%add3A_4] : memref<1600000xi32, #tpu.memory_space<hbm>> -> memref<1000xi32, #tpu.memory_space<hbm>>
      %dma_start3A_93 = tpu.memref_slice %arg6[%add3A_4] : memref<1600000xi32, #tpu.memory_space<hbm>> -> memref<1000xi32, #tpu.memory_space<hbm>>
      tpu.enqueue_dma source(%dma_start3A_93 : memref<1000xi32, #tpu.memory_space<hbm>>) target(%arg10 : memref<1000xi32, #tpu.memory_space<vmem>>) target_semaphore(%run_scoped3A : memref<!tpu.dma_semaphore, #tpu.memory_space<semaphore_mem>>)
      %dma_wait3A_94 = tpu.memref_slice %arg6[%add3A_4] : memref<1600000xi32, #tpu.memory_space<hbm>> -> memref<1000xi32, #tpu.memory_space<hbm>>
      %dma_wait3A_95 = tpu.memref_slice %arg6[%add3A_4] : memref<1600000xi32, #tpu.memory_space<hbm>> -> memref<1000xi32, #tpu.memory_space<hbm>>
      tpu.wait_dma2 semaphore(%run_scoped3A : memref<!tpu.dma_semaphore, #tpu.memory_space<semaphore_mem>>) src(%dma_wait3A_95 : memref<1000xi32, #tpu.memory_space<hbm>>) dst(%arg10 : memref<1000xi32, #tpu.memory_space<vmem>>)
      tpu.yield
    }) : () -> ()
    %add3A_5 = arith.constant 800000 : i32
    %add3A_6 = arith.addi %add3A_5, %add3A_4 : i32
    "tpu.region"() ({
      %run_scoped3A = tpu.sem_alloc : memref<!tpu.dma_semaphore, #tpu.memory_space<semaphore_mem>>
      %dma_start3A_92 = tpu.memref_slice %arg6[%add3A_6] : memref<1600000xi32, #tpu.memory_space<hbm>> -> memref<1000xi32, #tpu.memory_space<hbm>>
      %dma_start3A_93 = tpu.memref_slice %arg6[%add3A_6] : memref<1600000xi32, #tpu.memory_space<hbm>> -> memref<1000xi32, #tpu.memory_space<hbm>>
      tpu.enqueue_dma source(%dma_start3A_93 : memref<1000xi32, #tpu.memory_space<hbm>>) target(%arg12 : memref<1000xi32, #tpu.memory_space<vmem>>) target_semaphore(%run_scoped3A : memref<!tpu.dma_semaphore, #tpu.memory_space<semaphore_mem>>)
      %dma_wait3A_94 = tpu.memref_slice %arg6[%add3A_6] : memref<1600000xi32, #tpu.memory_space<hbm>> -> memref<1000xi32, #tpu.memory_space<hbm>>
      %dma_wait3A_95 = tpu.memref_slice %arg6[%add3A_6] : memref<1600000xi32, #tpu.memory_space<hbm>> -> memref<1000xi32, #tpu.memory_space<hbm>>
      tpu.wait_dma2 semaphore(%run_scoped3A : memref<!tpu.dma_semaphore, #tpu.memory_space<semaphore_mem>>) src(%dma_wait3A_95 : memref<1000xi32, #tpu.memory_space<hbm>>) dst(%arg12 : memref<1000xi32, #tpu.memory_space<vmem>>)
      tpu.yield
    }) : () -> ()
    %dma_start3A = arith.constant 0 : i32
    %dma_start3A_7 = arith.constant 0 : i32
    %dma_start3A_8 = tpu.memref_slice %arg2[%dma_start3A, %dma_start3A_7] : memref<50000x16xi32, #tpu.memory_space<hbm>> -> memref<50000x16xi32, #tpu.memory_space<hbm>>
    tpu.enqueue_indirect_dma source(%dma_start3A_8 : memref<50000x16xi32, #tpu.memory_space<hbm>>) target(%arg14 : memref<1000x16xi32, #tpu.memory_space<vmem>>) offsets(%arg10 : memref<1000xi32, #tpu.memory_space<vmem>>) semaphore(%arg26 : memref<!tpu.dma_semaphore, #tpu.memory_space<semaphore_mem>>)
    %dma_start3A_9 = arith.constant 0 : i32
    %dma_start3A_10 = arith.constant 0 : i32
    %dma_start3A_11 = tpu.memref_slice %arg2[%dma_start3A_9, %dma_start3A_10] : memref<50000x16xi32, #tpu.memory_space<hbm>> -> memref<50000x16xi32, #tpu.memory_space<hbm>>
    tpu.enqueue_indirect_dma source(%dma_start3A_11 : memref<50000x16xi32, #tpu.memory_space<hbm>>) target(%arg16 : memref<1000x16xi32, #tpu.memory_space<vmem>>) offsets(%arg12 : memref<1000xi32, #tpu.memory_space<vmem>>) semaphore(%arg26 : memref<!tpu.dma_semaphore, #tpu.memory_space<semaphore_mem>>)
    %dma_start3A_12 = arith.constant 0 : i32
    %dma_start3A_13 = tpu.memref_slice %arg4[%dma_start3A_12] : memref<50000xi32, #tpu.memory_space<hbm>> -> memref<50000xi32, #tpu.memory_space<hbm>>
    tpu.enqueue_indirect_dma source(%dma_start3A_13 : memref<50000xi32, #tpu.memory_space<hbm>>) target(%arg18 : memref<1000xi32, #tpu.memory_space<vmem>>) offsets(%arg10 : memref<1000xi32, #tpu.memory_space<vmem>>) semaphore(%arg26 : memref<!tpu.dma_semaphore, #tpu.memory_space<semaphore_mem>>)
    %dma_start3A_14 = arith.constant 0 : i32
    %dma_start3A_15 = tpu.memref_slice %arg4[%dma_start3A_14] : memref<50000xi32, #tpu.memory_space<hbm>> -> memref<50000xi32, #tpu.memory_space<hbm>>
    tpu.enqueue_indirect_dma source(%dma_start3A_15 : memref<50000xi32, #tpu.memory_space<hbm>>) target(%arg20 : memref<1000xi32, #tpu.memory_space<vmem>>) offsets(%arg12 : memref<1000xi32, #tpu.memory_space<vmem>>) semaphore(%arg26 : memref<!tpu.dma_semaphore, #tpu.memory_space<semaphore_mem>>)
    %scan3A = arith.constant 0 : i32
    %scan3A_16 = arith.constant -65536 : i32
    %scan3A_17 = arith.constant 0 : i32
    %scan3A_18 = arith.constant 12 : i32
    %scan3A_19 = arith.addi %scan3A_17, %scan3A_18 : i32
    %scan3A_20 = arith.constant 1 : i32
    scf.for %scan3A_92 = %scan3A_17 to %scan3A_19 step %scan3A_20  : i32 {
      %mul3A_93 = arith.constant 2 : i32
      %mul3A_94 = arith.muli %scan3A_92, %mul3A_93 : i32
      %add3A_95 = arith.constant 1 : i32
      %add3A_96 = arith.addi %mul3A_94, %add3A_95 : i32
      %mul3A_97 = arith.constant 1000 : i32
      %mul3A_98 = arith.muli %add3A_96, %mul3A_97 : i32
      %add3A_99 = arith.addi %mul3A_2, %mul3A_98 : i32
      "tpu.region"() ({
        %run_scoped3A = tpu.sem_alloc : memref<!tpu.dma_semaphore, #tpu.memory_space<semaphore_mem>>
        %dma_start3A_183 = tpu.memref_slice %arg6[%add3A_99] : memref<1600000xi32, #tpu.memory_space<hbm>> -> memref<1000xi32, #tpu.memory_space<hbm>>
        %dma_start3A_184 = tpu.memref_slice %arg6[%add3A_99] : memref<1600000xi32, #tpu.memory_space<hbm>> -> memref<1000xi32, #tpu.memory_space<hbm>>
        tpu.enqueue_dma source(%dma_start3A_184 : memref<1000xi32, #tpu.memory_space<hbm>>) target(%arg11 : memref<1000xi32, #tpu.memory_space<vmem>>) target_semaphore(%run_scoped3A : memref<!tpu.dma_semaphore, #tpu.memory_space<semaphore_mem>>)
        %dma_wait3A_185 = tpu.memref_slice %arg6[%add3A_99] : memref<1600000xi32, #tpu.memory_space<hbm>> -> memref<1000xi32, #tpu.memory_space<hbm>>
        %dma_wait3A_186 = tpu.memref_slice %arg6[%add3A_99] : memref<1600000xi32, #tpu.memory_space<hbm>> -> memref<1000xi32, #tpu.memory_space<hbm>>
        tpu.wait_dma2 semaphore(%run_scoped3A : memref<!tpu.dma_semaphore, #tpu.memory_space<semaphore_mem>>) src(%dma_wait3A_186 : memref<1000xi32, #tpu.memory_space<hbm>>) dst(%arg11 : memref<1000xi32, #tpu.memory_space<vmem>>)
        tpu.yield
      }) : () -> ()
      %add3A_100 = arith.constant 800000 : i32
      %add3A_101 = arith.addi %add3A_100, %add3A_99 : i32
      "tpu.region"() ({
        %run_scoped3A = tpu.sem_alloc : memref<!tpu.dma_semaphore, #tpu.memory_space<semaphore_mem>>
        %dma_start3A_183 = tpu.memref_slice %arg6[%add3A_101] : memref<1600000xi32, #tpu.memory_space<hbm>> -> memref<1000xi32, #tpu.memory_space<hbm>>
        %dma_start3A_184 = tpu.memref_slice %arg6[%add3A_101] : memref<1600000xi32, #tpu.memory_space<hbm>> -> memref<1000xi32, #tpu.memory_space<hbm>>
        tpu.enqueue_dma source(%dma_start3A_184 : memref<1000xi32, #tpu.memory_space<hbm>>) target(%arg13 : memref<1000xi32, #tpu.memory_space<vmem>>) target_semaphore(%run_scoped3A : memref<!tpu.dma_semaphore, #tpu.memory_space<semaphore_mem>>)
        %dma_wait3A_185 = tpu.memref_slice %arg6[%add3A_101] : memref<1600000xi32, #tpu.memory_space<hbm>> -> memref<1000xi32, #tpu.memory_space<hbm>>
        %dma_wait3A_186 = tpu.memref_slice %arg6[%add3A_101] : memref<1600000xi32, #tpu.memory_space<hbm>> -> memref<1000xi32, #tpu.memory_space<hbm>>
        tpu.wait_dma2 semaphore(%run_scoped3A : memref<!tpu.dma_semaphore, #tpu.memory_space<semaphore_mem>>) src(%dma_wait3A_186 : memref<1000xi32, #tpu.memory_space<hbm>>) dst(%arg13 : memref<1000xi32, #tpu.memory_space<vmem>>)
        tpu.yield
      }) : () -> ()
      %dma_start3A_102 = arith.constant 0 : i32
      %dma_start3A_103 = arith.constant 0 : i32
      %dma_start3A_104 = tpu.memref_slice %arg2[%dma_start3A_102, %dma_start3A_103] : memref<50000x16xi32, #tpu.memory_space<hbm>> -> memref<50000x16xi32, #tpu.memory_space<hbm>>
      tpu.enqueue_indirect_dma source(%dma_start3A_104 : memref<50000x16xi32, #tpu.memory_space<hbm>>) target(%arg15 : memref<1000x16xi32, #tpu.memory_space<vmem>>) offsets(%arg11 : memref<1000xi32, #tpu.memory_space<vmem>>) semaphore(%arg27 : memref<!tpu.dma_semaphore, #tpu.memory_space<semaphore_mem>>)
      %dma_start3A_105 = arith.constant 0 : i32
      %dma_start3A_106 = arith.constant 0 : i32
      %dma_start3A_107 = tpu.memref_slice %arg2[%dma_start3A_105, %dma_start3A_106] : memref<50000x16xi32, #tpu.memory_space<hbm>> -> memref<50000x16xi32, #tpu.memory_space<hbm>>
      tpu.enqueue_indirect_dma source(%dma_start3A_107 : memref<50000x16xi32, #tpu.memory_space<hbm>>) target(%arg17 : memref<1000x16xi32, #tpu.memory_space<vmem>>) offsets(%arg13 : memref<1000xi32, #tpu.memory_space<vmem>>) semaphore(%arg27 : memref<!tpu.dma_semaphore, #tpu.memory_space<semaphore_mem>>)
      %dma_start3A_108 = arith.constant 0 : i32
      %dma_start3A_109 = tpu.memref_slice %arg4[%dma_start3A_108] : memref<50000xi32, #tpu.memory_space<hbm>> -> memref<50000xi32, #tpu.memory_space<hbm>>
      tpu.enqueue_indirect_dma source(%dma_start3A_109 : memref<50000xi32, #tpu.memory_space<hbm>>) target(%arg19 : memref<1000xi32, #tpu.memory_space<vmem>>) offsets(%arg11 : memref<1000xi32, #tpu.memory_space<vmem>>) semaphore(%arg27 : memref<!tpu.dma_semaphore, #tpu.memory_space<semaphore_mem>>)
      %dma_start3A_110 = arith.constant 0 : i32
      %dma_start3A_111 = tpu.memref_slice %arg4[%dma_start3A_110] : memref<50000xi32, #tpu.memory_space<hbm>> -> memref<50000xi32, #tpu.memory_space<hbm>>
      tpu.enqueue_indirect_dma source(%dma_start3A_111 : memref<50000xi32, #tpu.memory_space<hbm>>) target(%arg21 : memref<1000xi32, #tpu.memory_space<vmem>>) offsets(%arg13 : memref<1000xi32, #tpu.memory_space<vmem>>) semaphore(%arg27 : memref<!tpu.dma_semaphore, #tpu.memory_space<semaphore_mem>>)
      %dma_wait3A_112 = arith.constant 0 : i32
      %dma_wait3A_113 = arith.constant 0 : i32
      %dma_wait3A_114 = tpu.memref_slice %arg2[%dma_wait3A_112, %dma_wait3A_113] : memref<50000x16xi32, #tpu.memory_space<hbm>> -> memref<50000x16xi32, #tpu.memory_space<hbm>>
      tpu.wait_indirect_dma semaphore(%arg26 : memref<!tpu.dma_semaphore, #tpu.memory_space<semaphore_mem>>) src(%dma_wait3A_114 : memref<50000x16xi32, #tpu.memory_space<hbm>>) dst(%arg14 : memref<1000x16xi32, #tpu.memory_space<vmem>>)
      %dma_wait3A_115 = arith.constant 0 : i32
      %dma_wait3A_116 = arith.constant 0 : i32
      %dma_wait3A_117 = tpu.memref_slice %arg2[%dma_wait3A_115, %dma_wait3A_116] : memref<50000x16xi32, #tpu.memory_space<hbm>> -> memref<50000x16xi32, #tpu.memory_space<hbm>>
      tpu.wait_indirect_dma semaphore(%arg26 : memref<!tpu.dma_semaphore, #tpu.memory_space<semaphore_mem>>) src(%dma_wait3A_117 : memref<50000x16xi32, #tpu.memory_space<hbm>>) dst(%arg16 : memref<1000x16xi32, #tpu.memory_space<vmem>>)
      %dma_wait3A_118 = arith.constant 0 : i32
      %dma_wait3A_119 = tpu.memref_slice %arg4[%dma_wait3A_118] : memref<50000xi32, #tpu.memory_space<hbm>> -> memref<50000xi32, #tpu.memory_space<hbm>>
      tpu.wait_indirect_dma semaphore(%arg26 : memref<!tpu.dma_semaphore, #tpu.memory_space<semaphore_mem>>) src(%dma_wait3A_119 : memref<50000xi32, #tpu.memory_space<hbm>>) dst(%arg18 : memref<1000xi32, #tpu.memory_space<vmem>>)
      %dma_wait3A_120 = arith.constant 0 : i32
      %dma_wait3A_121 = tpu.memref_slice %arg4[%dma_wait3A_120] : memref<50000xi32, #tpu.memory_space<hbm>> -> memref<50000xi32, #tpu.memory_space<hbm>>
      tpu.wait_indirect_dma semaphore(%arg26 : memref<!tpu.dma_semaphore, #tpu.memory_space<semaphore_mem>>) src(%dma_wait3A_121 : memref<50000xi32, #tpu.memory_space<hbm>>) dst(%arg20 : memref<1000xi32, #tpu.memory_space<vmem>>)
      %scan3A_122 = arith.constant 0 : i32
      %scan3A_123 = arith.constant 0 : i32
      %scan3A_124 = arith.constant 63 : i32
      %scan3A_125 = arith.addi %scan3A_123, %scan3A_124 : i32
      %scan3A_126 = arith.constant 1 : i32
      scf.for %scan3A_183 = %scan3A_123 to %scan3A_125 step %scan3A_126  : i32 {
        %mul3A_184 = arith.constant 16 : i32
        %mul3A_185 = arith.muli %scan3A_183, %mul3A_184 : i32
        %min3A = arith.constant 984 : i32
        %min3A_186 = arith.minsi %mul3A_185, %min3A : i32
        %add3A_187 = vector.broadcast %min3A_186 : i32 to vector<16xi32>
        %add3A_188 = arith.addi %add3A_187, %iota3A : vector<16xi32>
        %broadcast_in_dim3A = arith.constant 0.000000e+00 : f32
        %broadcast_in_dim3A_189 = vector.broadcast %broadcast_in_dim3A : f32 to vector<16xf32>
        %broadcast_in_dim3A_190 = arith.constant 0.000000e+00 : f32
        %broadcast_in_dim3A_191 = vector.broadcast %broadcast_in_dim3A_190 : f32 to vector<16xf32>
        %broadcast_in_dim3A_192 = arith.constant 0 : i32
        %broadcast_in_dim3A_193 = vector.broadcast %broadcast_in_dim3A_192 : i32 to vector<16xi32>
        %gather3A = tpu.vector_load_idx %arg14[%add3A_188, %broadcast_in_dim3A_193] : memref<1000x16xi32, #tpu.memory_space<vmem>>[vector<16xi32>, vector<16xi32>], vector<16xi32>,
        %gather3A_194 = tpu.vector_load_idx %arg16[%add3A_188, %broadcast_in_dim3A_193] : memref<1000x16xi32, #tpu.memory_space<vmem>>[vector<16xi32>, vector<16xi32>], vector<16xi32>,
        %shift_left3A = arith.constant 16 : i32
        %shift_left3A_195 = vector.broadcast %shift_left3A : i32 to vector<16xi32>
        %shift_left3A_196 = arith.shli %gather3A, %shift_left3A_195 : vector<16xi32>
        %bitcast3A = vector.bitcast %shift_left3A_196 : vector<16xi32> to vector<16xf32>
        %shift_left3A_197 = arith.constant 16 : i32
        %shift_left3A_198 = vector.broadcast %shift_left3A_197 : i32 to vector<16xi32>
        %shift_left3A_199 = arith.shli %gather3A_194, %shift_left3A_198 : vector<16xi32>
        %bitcast3A_200 = vector.bitcast %shift_left3A_199 : vector<16xi32> to vector<16xf32>
        %and3A = vector.broadcast %scan3A_16 : i32 to vector<16xi32>
        %and3A_201 = arith.andi %gather3A, %and3A : vector<16xi32>
        %bitcast3A_202 = vector.bitcast %and3A_201 : vector<16xi32> to vector<16xf32>
        %and3A_203 = vector.broadcast %scan3A_16 : i32 to vector<16xi32>
        %and3A_204 = arith.andi %gather3A_194, %and3A_203 : vector<16xi32>
        %bitcast3A_205 = vector.bitcast %and3A_204 : vector<16xi32> to vector<16xf32>
        %sub3A = arith.subf %bitcast3A, %bitcast3A_200 : vector<16xf32>
        %sub3A_206 = arith.subf %bitcast3A_202, %bitcast3A_205 : vector<16xf32>
        %mul3A_207 = arith.mulf %sub3A, %sub3A : vector<16xf32>
        %add3A_208 = arith.addf %mul3A_207, %broadcast_in_dim3A_189 : vector<16xf32>
        %mul3A_209 = arith.mulf %sub3A_206, %sub3A_206 : vector<16xf32>
        %add3A_210 = arith.addf %mul3A_209, %broadcast_in_dim3A_191 : vector<16xf32>
        %broadcast_in_dim3A_211 = arith.constant 1 : i32
        %broadcast_in_dim3A_212 = vector.broadcast %broadcast_in_dim3A_211 : i32 to vector<16xi32>
        %gather3A_213 = tpu.vector_load_idx %arg14[%add3A_188, %broadcast_in_dim3A_212] : memref<1000x16xi32, #tpu.memory_space<vmem>>[vector<16xi32>, vector<16xi32>], vector<16xi32>,
        %gather3A_214 = tpu.vector_load_idx %arg16[%add3A_188, %broadcast_in_dim3A_212] : memref<1000x16xi32, #tpu.memory_space<vmem>>[vector<16xi32>, vector<16xi32>], vector<16xi32>,
        %shift_left3A_215 = arith.constant 16 : i32
        %shift_left3A_216 = vector.broadcast %shift_left3A_215 : i32 to vector<16xi32>
        %shift_left3A_217 = arith.shli %gather3A_213, %shift_left3A_216 : vector<16xi32>
        %bitcast3A_218 = vector.bitcast %shift_left3A_217 : vector<16xi32> to vector<16xf32>
        %shift_left3A_219 = arith.constant 16 : i32
        %shift_left3A_220 = vector.broadcast %shift_left3A_219 : i32 to vector<16xi32>
        %shift_left3A_221 = arith.shli %gather3A_214, %shift_left3A_220 : vector<16xi32>
        %bitcast3A_222 = vector.bitcast %shift_left3A_221 : vector<16xi32> to vector<16xf32>
        %and3A_223 = vector.broadcast %scan3A_16 : i32 to vector<16xi32>
        %and3A_224 = arith.andi %gather3A_213, %and3A_223 : vector<16xi32>
        %bitcast3A_225 = vector.bitcast %and3A_224 : vector<16xi32> to vector<16xf32>
        %and3A_226 = vector.broadcast %scan3A_16 : i32 to vector<16xi32>
        %and3A_227 = arith.andi %gather3A_214, %and3A_226 : vector<16xi32>
        %bitcast3A_228 = vector.bitcast %and3A_227 : vector<16xi32> to vector<16xf32>
        %sub3A_229 = arith.subf %bitcast3A_218, %bitcast3A_222 : vector<16xf32>
        %sub3A_230 = arith.subf %bitcast3A_225, %bitcast3A_228 : vector<16xf32>
        %mul3A_231 = arith.mulf %sub3A_229, %sub3A_229 : vector<16xf32>
        %add3A_232 = arith.addf %mul3A_231, %add3A_208 : vector<16xf32>
        %mul3A_233 = arith.mulf %sub3A_230, %sub3A_230 : vector<16xf32>
        %add3A_234 = arith.addf %mul3A_233, %add3A_210 : vector<16xf32>
        %broadcast_in_dim3A_235 = arith.constant 2 : i32
        %broadcast_in_dim3A_236 = vector.broadcast %broadcast_in_dim3A_235 : i32 to vector<16xi32>
        %gather3A_237 = tpu.vector_load_idx %arg14[%add3A_188, %broadcast_in_dim3A_236] : memref<1000x16xi32, #tpu.memory_space<vmem>>[vector<16xi32>, vector<16xi32>], vector<16xi32>,
        %gather3A_238 = tpu.vector_load_idx %arg16[%add3A_188, %broadcast_in_dim3A_236] : memref<1000x16xi32, #tpu.memory_space<vmem>>[vector<16xi32>, vector<16xi32>], vector<16xi32>,
        %shift_left3A_239 = arith.constant 16 : i32
        %shift_left3A_240 = vector.broadcast %shift_left3A_239 : i32 to vector<16xi32>
        %shift_left3A_241 = arith.shli %gather3A_237, %shift_left3A_240 : vector<16xi32>
        %bitcast3A_242 = vector.bitcast %shift_left3A_241 : vector<16xi32> to vector<16xf32>
        %shift_left3A_243 = arith.constant 16 : i32
        %shift_left3A_244 = vector.broadcast %shift_left3A_243 : i32 to vector<16xi32>
        %shift_left3A_245 = arith.shli %gather3A_238, %shift_left3A_244 : vector<16xi32>
        %bitcast3A_246 = vector.bitcast %shift_left3A_245 : vector<16xi32> to vector<16xf32>
        %and3A_247 = vector.broadcast %scan3A_16 : i32 to vector<16xi32>
        %and3A_248 = arith.andi %gather3A_237, %and3A_247 : vector<16xi32>
        %bitcast3A_249 = vector.bitcast %and3A_248 : vector<16xi32> to vector<16xf32>
        %and3A_250 = vector.broadcast %scan3A_16 : i32 to vector<16xi32>
        %and3A_251 = arith.andi %gather3A_238, %and3A_250 : vector<16xi32>
        %bitcast3A_252 = vector.bitcast %and3A_251 : vector<16xi32> to vector<16xf32>
        %sub3A_253 = arith.subf %bitcast3A_242, %bitcast3A_246 : vector<16xf32>
        %sub3A_254 = arith.subf %bitcast3A_249, %bitcast3A_252 : vector<16xf32>
        %mul3A_255 = arith.mulf %sub3A_253, %sub3A_253 : vector<16xf32>
        %add3A_256 = arith.addf %mul3A_255, %add3A_232 : vector<16xf32>
        %mul3A_257 = arith.mulf %sub3A_254, %sub3A_254 : vector<16xf32>
        %add3A_258 = arith.addf %mul3A_257, %add3A_234 : vector<16xf32>
        %broadcast_in_dim3A_259 = arith.constant 3 : i32
        %broadcast_in_dim3A_260 = vector.broadcast %broadcast_in_dim3A_259 : i32 to vector<16xi32>
        %gather3A_261 = tpu.vector_load_idx %arg14[%add3A_188, %broadcast_in_dim3A_260] : memref<1000x16xi32, #tpu.memory_space<vmem>>[vector<16xi32>, vector<16xi32>], vector<16xi32>,
        %gather3A_262 = tpu.vector_load_idx %arg16[%add3A_188, %broadcast_in_dim3A_260] : memref<1000x16xi32, #tpu.memory_space<vmem>>[vector<16xi32>, vector<16xi32>], vector<16xi32>,
        %shift_left3A_263 = arith.constant 16 : i32
        %shift_left3A_264 = vector.broadcast %shift_left3A_263 : i32 to vector<16xi32>
        %shift_left3A_265 = arith.shli %gather3A_261, %shift_left3A_264 : vector<16xi32>
        %bitcast3A_266 = vector.bitcast %shift_left3A_265 : vector<16xi32> to vector<16xf32>
        %shift_left3A_267 = arith.constant 16 : i32
        %shift_left3A_268 = vector.broadcast %shift_left3A_267 : i32 to vector<16xi32>
        %shift_left3A_269 = arith.shli %gather3A_262, %shift_left3A_268 : vector<16xi32>
        %bitcast3A_270 = vector.bitcast %shift_left3A_269 : vector<16xi32> to vector<16xf32>
        %and3A_271 = vector.broadcast %scan3A_16 : i32 to vector<16xi32>
        %and3A_272 = arith.andi %gather3A_261, %and3A_271 : vector<16xi32>
        %bitcast3A_273 = vector.bitcast %and3A_272 : vector<16xi32> to vector<16xf32>
        %and3A_274 = vector.broadcast %scan3A_16 : i32 to vector<16xi32>
        %and3A_275 = arith.andi %gather3A_262, %and3A_274 : vector<16xi32>
        %bitcast3A_276 = vector.bitcast %and3A_275 : vector<16xi32> to vector<16xf32>
        %sub3A_277 = arith.subf %bitcast3A_266, %bitcast3A_270 : vector<16xf32>
        %sub3A_278 = arith.subf %bitcast3A_273, %bitcast3A_276 : vector<16xf32>
        %mul3A_279 = arith.mulf %sub3A_277, %sub3A_277 : vector<16xf32>
        %add3A_280 = arith.addf %mul3A_279, %add3A_256 : vector<16xf32>
        %mul3A_281 = arith.mulf %sub3A_278, %sub3A_278 : vector<16xf32>
        %add3A_282 = arith.addf %mul3A_281, %add3A_258 : vector<16xf32>
        %broadcast_in_dim3A_283 = arith.constant 4 : i32
        %broadcast_in_dim3A_284 = vector.broadcast %broadcast_in_dim3A_283 : i32 to vector<16xi32>
        %gather3A_285 = tpu.vector_load_idx %arg14[%add3A_188, %broadcast_in_dim3A_284] : memref<1000x16xi32, #tpu.memory_space<vmem>>[vector<16xi32>, vector<16xi32>], vector<16xi32>,
        %gather3A_286 = tpu.vector_load_idx %arg16[%add3A_188, %broadcast_in_dim3A_284] : memref<1000x16xi32, #tpu.memory_space<vmem>>[vector<16xi32>, vector<16xi32>], vector<16xi32>,
        %shift_left3A_287 = arith.constant 16 : i32
        %shift_left3A_288 = vector.broadcast %shift_left3A_287 : i32 to vector<16xi32>
        %shift_left3A_289 = arith.shli %gather3A_285, %shift_left3A_288 : vector<16xi32>
        %bitcast3A_290 = vector.bitcast %shift_left3A_289 : vector<16xi32> to vector<16xf32>
        %shift_left3A_291 = arith.constant 16 : i32
        %shift_left3A_292 = vector.broadcast %shift_left3A_291 : i32 to vector<16xi32>
        %shift_left3A_293 = arith.shli %gather3A_286, %shift_left3A_292 : vector<16xi32>
        %bitcast3A_294 = vector.bitcast %shift_left3A_293 : vector<16xi32> to vector<16xf32>
        %and3A_295 = vector.broadcast %scan3A_16 : i32 to vector<16xi32>
        %and3A_296 = arith.andi %gather3A_285, %and3A_295 : vector<16xi32>
        %bitcast3A_297 = vector.bitcast %and3A_296 : vector<16xi32> to vector<16xf32>
        %and3A_298 = vector.broadcast %scan3A_16 : i32 to vector<16xi32>
        %and3A_299 = arith.andi %gather3A_286, %and3A_298 : vector<16xi32>
        %bitcast3A_300 = vector.bitcast %and3A_299 : vector<16xi32> to vector<16xf32>
        %sub3A_301 = arith.subf %bitcast3A_290, %bitcast3A_294 : vector<16xf32>
        %sub3A_302 = arith.subf %bitcast3A_297, %bitcast3A_300 : vector<16xf32>
        %mul3A_303 = arith.mulf %sub3A_301, %sub3A_301 : vector<16xf32>
        %add3A_304 = arith.addf %mul3A_303, %add3A_280 : vector<16xf32>
        %mul3A_305 = arith.mulf %sub3A_302, %sub3A_302 : vector<16xf32>
        %add3A_306 = arith.addf %mul3A_305, %add3A_282 : vector<16xf32>
        %broadcast_in_dim3A_307 = arith.constant 5 : i32
        %broadcast_in_dim3A_308 = vector.broadcast %broadcast_in_dim3A_307 : i32 to vector<16xi32>
        %gather3A_309 = tpu.vector_load_idx %arg14[%add3A_188, %broadcast_in_dim3A_308] : memref<1000x16xi32, #tpu.memory_space<vmem>>[vector<16xi32>, vector<16xi32>], vector<16xi32>,
        %gather3A_310 = tpu.vector_load_idx %arg16[%add3A_188, %broadcast_in_dim3A_308] : memref<1000x16xi32, #tpu.memory_space<vmem>>[vector<16xi32>, vector<16xi32>], vector<16xi32>,
        %shift_left3A_311 = arith.constant 16 : i32
        %shift_left3A_312 = vector.broadcast %shift_left3A_311 : i32 to vector<16xi32>
        %shift_left3A_313 = arith.shli %gather3A_309, %shift_left3A_312 : vector<16xi32>
        %bitcast3A_314 = vector.bitcast %shift_left3A_313 : vector<16xi32> to vector<16xf32>
        %shift_left3A_315 = arith.constant 16 : i32
        %shift_left3A_316 = vector.broadcast %shift_left3A_315 : i32 to vector<16xi32>
        %shift_left3A_317 = arith.shli %gather3A_310, %shift_left3A_316 : vector<16xi32>
        %bitcast3A_318 = vector.bitcast %shift_left3A_317 : vector<16xi32> to vector<16xf32>
        %and3A_319 = vector.broadcast %scan3A_16 : i32 to vector<16xi32>
        %and3A_320 = arith.andi %gather3A_309, %and3A_319 : vector<16xi32>
        %bitcast3A_321 = vector.bitcast %and3A_320 : vector<16xi32> to vector<16xf32>
        %and3A_322 = vector.broadcast %scan3A_16 : i32 to vector<16xi32>
        %and3A_323 = arith.andi %gather3A_310, %and3A_322 : vector<16xi32>
        %bitcast3A_324 = vector.bitcast %and3A_323 : vector<16xi32> to vector<16xf32>
        %sub3A_325 = arith.subf %bitcast3A_314, %bitcast3A_318 : vector<16xf32>
        %sub3A_326 = arith.subf %bitcast3A_321, %bitcast3A_324 : vector<16xf32>
        %mul3A_327 = arith.mulf %sub3A_325, %sub3A_325 : vector<16xf32>
        %add3A_328 = arith.addf %mul3A_327, %add3A_304 : vector<16xf32>
        %mul3A_329 = arith.mulf %sub3A_326, %sub3A_326 : vector<16xf32>
        %add3A_330 = arith.addf %mul3A_329, %add3A_306 : vector<16xf32>
        %broadcast_in_dim3A_331 = arith.constant 6 : i32
        %broadcast_in_dim3A_332 = vector.broadcast %broadcast_in_dim3A_331 : i32 to vector<16xi32>
        %gather3A_333 = tpu.vector_load_idx %arg14[%add3A_188, %broadcast_in_dim3A_332] : memref<1000x16xi32, #tpu.memory_space<vmem>>[vector<16xi32>, vector<16xi32>], vector<16xi32>,
        %gather3A_334 = tpu.vector_load_idx %arg16[%add3A_188, %broadcast_in_dim3A_332] : memref<1000x16xi32, #tpu.memory_space<vmem>>[vector<16xi32>, vector<16xi32>], vector<16xi32>,
        %shift_left3A_335 = arith.constant 16 : i32
        %shift_left3A_336 = vector.broadcast %shift_left3A_335 : i32 to vector<16xi32>
        %shift_left3A_337 = arith.shli %gather3A_333, %shift_left3A_336 : vector<16xi32>
        %bitcast3A_338 = vector.bitcast %shift_left3A_337 : vector<16xi32> to vector<16xf32>
        %shift_left3A_339 = arith.constant 16 : i32
        %shift_left3A_340 = vector.broadcast %shift_left3A_339 : i32 to vector<16xi32>
        %shift_left3A_341 = arith.shli %gather3A_334, %shift_left3A_340 : vector<16xi32>
        %bitcast3A_342 = vector.bitcast %shift_left3A_341 : vector<16xi32> to vector<16xf32>
        %and3A_343 = vector.broadcast %scan3A_16 : i32 to vector<16xi32>
        %and3A_344 = arith.andi %gather3A_333, %and3A_343 : vector<16xi32>
        %bitcast3A_345 = vector.bitcast %and3A_344 : vector<16xi32> to vector<16xf32>
        %and3A_346 = vector.broadcast %scan3A_16 : i32 to vector<16xi32>
        %and3A_347 = arith.andi %gather3A_334, %and3A_346 : vector<16xi32>
        %bitcast3A_348 = vector.bitcast %and3A_347 : vector<16xi32> to vector<16xf32>
        %sub3A_349 = arith.subf %bitcast3A_338, %bitcast3A_342 : vector<16xf32>
        %sub3A_350 = arith.subf %bitcast3A_345, %bitcast3A_348 : vector<16xf32>
        %mul3A_351 = arith.mulf %sub3A_349, %sub3A_349 : vector<16xf32>
        %add3A_352 = arith.addf %mul3A_351, %add3A_328 : vector<16xf32>
        %mul3A_353 = arith.mulf %sub3A_350, %sub3A_350 : vector<16xf32>
        %add3A_354 = arith.addf %mul3A_353, %add3A_330 : vector<16xf32>
        %broadcast_in_dim3A_355 = arith.constant 7 : i32
        %broadcast_in_dim3A_356 = vector.broadcast %broadcast_in_dim3A_355 : i32 to vector<16xi32>
        %gather3A_357 = tpu.vector_load_idx %arg14[%add3A_188, %broadcast_in_dim3A_356] : memref<1000x16xi32, #tpu.memory_space<vmem>>[vector<16xi32>, vector<16xi32>], vector<16xi32>,
        %gather3A_358 = tpu.vector_load_idx %arg16[%add3A_188, %broadcast_in_dim3A_356] : memref<1000x16xi32, #tpu.memory_space<vmem>>[vector<16xi32>, vector<16xi32>], vector<16xi32>,
        %shift_left3A_359 = arith.constant 16 : i32
        %shift_left3A_360 = vector.broadcast %shift_left3A_359 : i32 to vector<16xi32>
        %shift_left3A_361 = arith.shli %gather3A_357, %shift_left3A_360 : vector<16xi32>
        %bitcast3A_362 = vector.bitcast %shift_left3A_361 : vector<16xi32> to vector<16xf32>
        %shift_left3A_363 = arith.constant 16 : i32
        %shift_left3A_364 = vector.broadcast %shift_left3A_363 : i32 to vector<16xi32>
        %shift_left3A_365 = arith.shli %gather3A_358, %shift_left3A_364 : vector<16xi32>
        %bitcast3A_366 = vector.bitcast %shift_left3A_365 : vector<16xi32> to vector<16xf32>
        %and3A_367 = vector.broadcast %scan3A_16 : i32 to vector<16xi32>
        %and3A_368 = arith.andi %gather3A_357, %and3A_367 : vector<16xi32>
        %bitcast3A_369 = vector.bitcast %and3A_368 : vector<16xi32> to vector<16xf32>
        %and3A_370 = vector.broadcast %scan3A_16 : i32 to vector<16xi32>
        %and3A_371 = arith.andi %gather3A_358, %and3A_370 : vector<16xi32>
        %bitcast3A_372 = vector.bitcast %and3A_371 : vector<16xi32> to vector<16xf32>
        %sub3A_373 = arith.subf %bitcast3A_362, %bitcast3A_366 : vector<16xf32>
        %sub3A_374 = arith.subf %bitcast3A_369, %bitcast3A_372 : vector<16xf32>
        %mul3A_375 = arith.mulf %sub3A_373, %sub3A_373 : vector<16xf32>
        %add3A_376 = arith.addf %mul3A_375, %add3A_352 : vector<16xf32>
        %mul3A_377 = arith.mulf %sub3A_374, %sub3A_374 : vector<16xf32>
        %add3A_378 = arith.addf %mul3A_377, %add3A_354 : vector<16xf32>
        %broadcast_in_dim3A_379 = arith.constant 8 : i32
        %broadcast_in_dim3A_380 = vector.broadcast %broadcast_in_dim3A_379 : i32 to vector<16xi32>
        %gather3A_381 = tpu.vector_load_idx %arg14[%add3A_188, %broadcast_in_dim3A_380] : memref<1000x16xi32, #tpu.memory_space<vmem>>[vector<16xi32>, vector<16xi32>], vector<16xi32>,
        %gather3A_382 = tpu.vector_load_idx %arg16[%add3A_188, %broadcast_in_dim3A_380] : memref<1000x16xi32, #tpu.memory_space<vmem>>[vector<16xi32>, vector<16xi32>], vector<16xi32>,
        %shift_left3A_383 = arith.constant 16 : i32
        %shift_left3A_384 = vector.broadcast %shift_left3A_383 : i32 to vector<16xi32>
        %shift_left3A_385 = arith.shli %gather3A_381, %shift_left3A_384 : vector<16xi32>
        %bitcast3A_386 = vector.bitcast %shift_left3A_385 : vector<16xi32> to vector<16xf32>
        %shift_left3A_387 = arith.constant 16 : i32
        %shift_left3A_388 = vector.broadcast %shift_left3A_387 : i32 to vector<16xi32>
        %shift_left3A_389 = arith.shli %gather3A_382, %shift_left3A_388 : vector<16xi32>
        %bitcast3A_390 = vector.bitcast %shift_left3A_389 : vector<16xi32> to vector<16xf32>
        %and3A_391 = vector.broadcast %scan3A_16 : i32 to vector<16xi32>
        %and3A_392 = arith.andi %gather3A_381, %and3A_391 : vector<16xi32>
        %bitcast3A_393 = vector.bitcast %and3A_392 : vector<16xi32> to vector<16xf32>
        %and3A_394 = vector.broadcast %scan3A_16 : i32 to vector<16xi32>
        %and3A_395 = arith.andi %gather3A_382, %and3A_394 : vector<16xi32>
        %bitcast3A_396 = vector.bitcast %and3A_395 : vector<16xi32> to vector<16xf32>
        %sub3A_397 = arith.subf %bitcast3A_386, %bitcast3A_390 : vector<16xf32>
        %sub3A_398 = arith.subf %bitcast3A_393, %bitcast3A_396 : vector<16xf32>
        %mul3A_399 = arith.mulf %sub3A_397, %sub3A_397 : vector<16xf32>
        %add3A_400 = arith.addf %mul3A_399, %add3A_376 : vector<16xf32>
        %mul3A_401 = arith.mulf %sub3A_398, %sub3A_398 : vector<16xf32>
        %add3A_402 = arith.addf %mul3A_401, %add3A_378 : vector<16xf32>
        %broadcast_in_dim3A_403 = arith.constant 9 : i32
        %broadcast_in_dim3A_404 = vector.broadcast %broadcast_in_dim3A_403 : i32 to vector<16xi32>
        %gather3A_405 = tpu.vector_load_idx %arg14[%add3A_188, %broadcast_in_dim3A_404] : memref<1000x16xi32, #tpu.memory_space<vmem>>[vector<16xi32>, vector<16xi32>], vector<16xi32>,
        %gather3A_406 = tpu.vector_load_idx %arg16[%add3A_188, %broadcast_in_dim3A_404] : memref<1000x16xi32, #tpu.memory_space<vmem>>[vector<16xi32>, vector<16xi32>], vector<16xi32>,
        %shift_left3A_407 = arith.constant 16 : i32
        %shift_left3A_408 = vector.broadcast %shift_left3A_407 : i32 to vector<16xi32>
        %shift_left3A_409 = arith.shli %gather3A_405, %shift_left3A_408 : vector<16xi32>
        %bitcast3A_410 = vector.bitcast %shift_left3A_409 : vector<16xi32> to vector<16xf32>
        %shift_left3A_411 = arith.constant 16 : i32
        %shift_left3A_412 = vector.broadcast %shift_left3A_411 : i32 to vector<16xi32>
        %shift_left3A_413 = arith.shli %gather3A_406, %shift_left3A_412 : vector<16xi32>
        %bitcast3A_414 = vector.bitcast %shift_left3A_413 : vector<16xi32> to vector<16xf32>
        %and3A_415 = vector.broadcast %scan3A_16 : i32 to vector<16xi32>
        %and3A_416 = arith.andi %gather3A_405, %and3A_415 : vector<16xi32>
        %bitcast3A_417 = vector.bitcast %and3A_416 : vector<16xi32> to vector<16xf32>
        %and3A_418 = vector.broadcast %scan3A_16 : i32 to vector<16xi32>
        %and3A_419 = arith.andi %gather3A_406, %and3A_418 : vector<16xi32>
        %bitcast3A_420 = vector.bitcast %and3A_419 : vector<16xi32> to vector<16xf32>
        %sub3A_421 = arith.subf %bitcast3A_410, %bitcast3A_414 : vector<16xf32>
        %sub3A_422 = arith.subf %bitcast3A_417, %bitcast3A_420 : vector<16xf32>
        %mul3A_423 = arith.mulf %sub3A_421, %sub3A_421 : vector<16xf32>
        %add3A_424 = arith.addf %mul3A_423, %add3A_400 : vector<16xf32>
        %mul3A_425 = arith.mulf %sub3A_422, %sub3A_422 : vector<16xf32>
        %add3A_426 = arith.addf %mul3A_425, %add3A_402 : vector<16xf32>
        %broadcast_in_dim3A_427 = arith.constant 10 : i32
        %broadcast_in_dim3A_428 = vector.broadcast %broadcast_in_dim3A_427 : i32 to vector<16xi32>
        %gather3A_429 = tpu.vector_load_idx %arg14[%add3A_188, %broadcast_in_dim3A_428] : memref<1000x16xi32, #tpu.memory_space<vmem>>[vector<16xi32>, vector<16xi32>], vector<16xi32>,
        %gather3A_430 = tpu.vector_load_idx %arg16[%add3A_188, %broadcast_in_dim3A_428] : memref<1000x16xi32, #tpu.memory_space<vmem>>[vector<16xi32>, vector<16xi32>], vector<16xi32>,
        %shift_left3A_431 = arith.constant 16 : i32
        %shift_left3A_432 = vector.broadcast %shift_left3A_431 : i32 to vector<16xi32>
        %shift_left3A_433 = arith.shli %gather3A_429, %shift_left3A_432 : vector<16xi32>
        %bitcast3A_434 = vector.bitcast %shift_left3A_433 : vector<16xi32> to vector<16xf32>
        %shift_left3A_435 = arith.constant 16 : i32
        %shift_left3A_436 = vector.broadcast %shift_left3A_435 : i32 to vector<16xi32>
        %shift_left3A_437 = arith.shli %gather3A_430, %shift_left3A_436 : vector<16xi32>
        %bitcast3A_438 = vector.bitcast %shift_left3A_437 : vector<16xi32> to vector<16xf32>
        %and3A_439 = vector.broadcast %scan3A_16 : i32 to vector<16xi32>
        %and3A_440 = arith.andi %gather3A_429, %and3A_439 : vector<16xi32>
        %bitcast3A_441 = vector.bitcast %and3A_440 : vector<16xi32> to vector<16xf32>
        %and3A_442 = vector.broadcast %scan3A_16 : i32 to vector<16xi32>
        %and3A_443 = arith.andi %gather3A_430, %and3A_442 : vector<16xi32>
        %bitcast3A_444 = vector.bitcast %and3A_443 : vector<16xi32> to vector<16xf32>
        %sub3A_445 = arith.subf %bitcast3A_434, %bitcast3A_438 : vector<16xf32>
        %sub3A_446 = arith.subf %bitcast3A_441, %bitcast3A_444 : vector<16xf32>
        %mul3A_447 = arith.mulf %sub3A_445, %sub3A_445 : vector<16xf32>
        %add3A_448 = arith.addf %mul3A_447, %add3A_424 : vector<16xf32>
        %mul3A_449 = arith.mulf %sub3A_446, %sub3A_446 : vector<16xf32>
        %add3A_450 = arith.addf %mul3A_449, %add3A_426 : vector<16xf32>
        %broadcast_in_dim3A_451 = arith.constant 11 : i32
        %broadcast_in_dim3A_452 = vector.broadcast %broadcast_in_dim3A_451 : i32 to vector<16xi32>
        %gather3A_453 = tpu.vector_load_idx %arg14[%add3A_188, %broadcast_in_dim3A_452] : memref<1000x16xi32, #tpu.memory_space<vmem>>[vector<16xi32>, vector<16xi32>], vector<16xi32>,
        %gather3A_454 = tpu.vector_load_idx %arg16[%add3A_188, %broadcast_in_dim3A_452] : memref<1000x16xi32, #tpu.memory_space<vmem>>[vector<16xi32>, vector<16xi32>], vector<16xi32>,
        %shift_left3A_455 = arith.constant 16 : i32
        %shift_left3A_456 = vector.broadcast %shift_left3A_455 : i32 to vector<16xi32>
        %shift_left3A_457 = arith.shli %gather3A_453, %shift_left3A_456 : vector<16xi32>
        %bitcast3A_458 = vector.bitcast %shift_left3A_457 : vector<16xi32> to vector<16xf32>
        %shift_left3A_459 = arith.constant 16 : i32
        %shift_left3A_460 = vector.broadcast %shift_left3A_459 : i32 to vector<16xi32>
        %shift_left3A_461 = arith.shli %gather3A_454, %shift_left3A_460 : vector<16xi32>
        %bitcast3A_462 = vector.bitcast %shift_left3A_461 : vector<16xi32> to vector<16xf32>
        %and3A_463 = vector.broadcast %scan3A_16 : i32 to vector<16xi32>
        %and3A_464 = arith.andi %gather3A_453, %and3A_463 : vector<16xi32>
        %bitcast3A_465 = vector.bitcast %and3A_464 : vector<16xi32> to vector<16xf32>
        %and3A_466 = vector.broadcast %scan3A_16 : i32 to vector<16xi32>
        %and3A_467 = arith.andi %gather3A_454, %and3A_466 : vector<16xi32>
        %bitcast3A_468 = vector.bitcast %and3A_467 : vector<16xi32> to vector<16xf32>
        %sub3A_469 = arith.subf %bitcast3A_458, %bitcast3A_462 : vector<16xf32>
        %sub3A_470 = arith.subf %bitcast3A_465, %bitcast3A_468 : vector<16xf32>
        %mul3A_471 = arith.mulf %sub3A_469, %sub3A_469 : vector<16xf32>
        %add3A_472 = arith.addf %mul3A_471, %add3A_448 : vector<16xf32>
        %mul3A_473 = arith.mulf %sub3A_470, %sub3A_470 : vector<16xf32>
        %add3A_474 = arith.addf %mul3A_473, %add3A_450 : vector<16xf32>
        %broadcast_in_dim3A_475 = arith.constant 12 : i32
        %broadcast_in_dim3A_476 = vector.broadcast %broadcast_in_dim3A_475 : i32 to vector<16xi32>
        %gather3A_477 = tpu.vector_load_idx %arg14[%add3A_188, %broadcast_in_dim3A_476] : memref<1000x16xi32, #tpu.memory_space<vmem>>[vector<16xi32>, vector<16xi32>], vector<16xi32>,
        %gather3A_478 = tpu.vector_load_idx %arg16[%add3A_188, %broadcast_in_dim3A_476] : memref<1000x16xi32, #tpu.memory_space<vmem>>[vector<16xi32>, vector<16xi32>], vector<16xi32>,
        %shift_left3A_479 = arith.constant 16 : i32
        %shift_left3A_480 = vector.broadcast %shift_left3A_479 : i32 to vector<16xi32>
        %shift_left3A_481 = arith.shli %gather3A_477, %shift_left3A_480 : vector<16xi32>
        %bitcast3A_482 = vector.bitcast %shift_left3A_481 : vector<16xi32> to vector<16xf32>
        %shift_left3A_483 = arith.constant 16 : i32
        %shift_left3A_484 = vector.broadcast %shift_left3A_483 : i32 to vector<16xi32>
        %shift_left3A_485 = arith.shli %gather3A_478, %shift_left3A_484 : vector<16xi32>
        %bitcast3A_486 = vector.bitcast %shift_left3A_485 : vector<16xi32> to vector<16xf32>
        %and3A_487 = vector.broadcast %scan3A_16 : i32 to vector<16xi32>
        %and3A_488 = arith.andi %gather3A_477, %and3A_487 : vector<16xi32>
        %bitcast3A_489 = vector.bitcast %and3A_488 : vector<16xi32> to vector<16xf32>
        %and3A_490 = vector.broadcast %scan3A_16 : i32 to vector<16xi32>
        %and3A_491 = arith.andi %gather3A_478, %and3A_490 : vector<16xi32>
        %bitcast3A_492 = vector.bitcast %and3A_491 : vector<16xi32> to vector<16xf32>
        %sub3A_493 = arith.subf %bitcast3A_482, %bitcast3A_486 : vector<16xf32>
        %sub3A_494 = arith.subf %bitcast3A_489, %bitcast3A_492 : vector<16xf32>
        %mul3A_495 = arith.mulf %sub3A_493, %sub3A_493 : vector<16xf32>
        %add3A_496 = arith.addf %mul3A_495, %add3A_472 : vector<16xf32>
        %mul3A_497 = arith.mulf %sub3A_494, %sub3A_494 : vector<16xf32>
        %add3A_498 = arith.addf %mul3A_497, %add3A_474 : vector<16xf32>
        %broadcast_in_dim3A_499 = arith.constant 13 : i32
        %broadcast_in_dim3A_500 = vector.broadcast %broadcast_in_dim3A_499 : i32 to vector<16xi32>
        %gather3A_501 = tpu.vector_load_idx %arg14[%add3A_188, %broadcast_in_dim3A_500] : memref<1000x16xi32, #tpu.memory_space<vmem>>[vector<16xi32>, vector<16xi32>], vector<16xi32>,
        %gather3A_502 = tpu.vector_load_idx %arg16[%add3A_188, %broadcast_in_dim3A_500] : memref<1000x16xi32, #tpu.memory_space<vmem>>[vector<16xi32>, vector<16xi32>], vector<16xi32>,
        %shift_left3A_503 = arith.constant 16 : i32
        %shift_left3A_504 = vector.broadcast %shift_left3A_503 : i32 to vector<16xi32>
        %shift_left3A_505 = arith.shli %gather3A_501, %shift_left3A_504 : vector<16xi32>
        %bitcast3A_506 = vector.bitcast %shift_left3A_505 : vector<16xi32> to vector<16xf32>
        %shift_left3A_507 = arith.constant 16 : i32
        %shift_left3A_508 = vector.broadcast %shift_left3A_507 : i32 to vector<16xi32>
        %shift_left3A_509 = arith.shli %gather3A_502, %shift_left3A_508 : vector<16xi32>
        %bitcast3A_510 = vector.bitcast %shift_left3A_509 : vector<16xi32> to vector<16xf32>
        %and3A_511 = vector.broadcast %scan3A_16 : i32 to vector<16xi32>
        %and3A_512 = arith.andi %gather3A_501, %and3A_511 : vector<16xi32>
        %bitcast3A_513 = vector.bitcast %and3A_512 : vector<16xi32> to vector<16xf32>
        %and3A_514 = vector.broadcast %scan3A_16 : i32 to vector<16xi32>
        %and3A_515 = arith.andi %gather3A_502, %and3A_514 : vector<16xi32>
        %bitcast3A_516 = vector.bitcast %and3A_515 : vector<16xi32> to vector<16xf32>
        %sub3A_517 = arith.subf %bitcast3A_506, %bitcast3A_510 : vector<16xf32>
        %sub3A_518 = arith.subf %bitcast3A_513, %bitcast3A_516 : vector<16xf32>
        %mul3A_519 = arith.mulf %sub3A_517, %sub3A_517 : vector<16xf32>
        %add3A_520 = arith.addf %mul3A_519, %add3A_496 : vector<16xf32>
        %mul3A_521 = arith.mulf %sub3A_518, %sub3A_518 : vector<16xf32>
        %add3A_522 = arith.addf %mul3A_521, %add3A_498 : vector<16xf32>
        %broadcast_in_dim3A_523 = arith.constant 14 : i32
        %broadcast_in_dim3A_524 = vector.broadcast %broadcast_in_dim3A_523 : i32 to vector<16xi32>
        %gather3A_525 = tpu.vector_load_idx %arg14[%add3A_188, %broadcast_in_dim3A_524] : memref<1000x16xi32, #tpu.memory_space<vmem>>[vector<16xi32>, vector<16xi32>], vector<16xi32>,
        %gather3A_526 = tpu.vector_load_idx %arg16[%add3A_188, %broadcast_in_dim3A_524] : memref<1000x16xi32, #tpu.memory_space<vmem>>[vector<16xi32>, vector<16xi32>], vector<16xi32>,
        %shift_left3A_527 = arith.constant 16 : i32
        %shift_left3A_528 = vector.broadcast %shift_left3A_527 : i32 to vector<16xi32>
        %shift_left3A_529 = arith.shli %gather3A_525, %shift_left3A_528 : vector<16xi32>
        %bitcast3A_530 = vector.bitcast %shift_left3A_529 : vector<16xi32> to vector<16xf32>
        %shift_left3A_531 = arith.constant 16 : i32
        %shift_left3A_532 = vector.broadcast %shift_left3A_531 : i32 to vector<16xi32>
        %shift_left3A_533 = arith.shli %gather3A_526, %shift_left3A_532 : vector<16xi32>
        %bitcast3A_534 = vector.bitcast %shift_left3A_533 : vector<16xi32> to vector<16xf32>
        %and3A_535 = vector.broadcast %scan3A_16 : i32 to vector<16xi32>
        %and3A_536 = arith.andi %gather3A_525, %and3A_535 : vector<16xi32>
        %bitcast3A_537 = vector.bitcast %and3A_536 : vector<16xi32> to vector<16xf32>
        %and3A_538 = vector.broadcast %scan3A_16 : i32 to vector<16xi32>
        %and3A_539 = arith.andi %gather3A_526, %and3A_538 : vector<16xi32>
        %bitcast3A_540 = vector.bitcast %and3A_539 : vector<16xi32> to vector<16xf32>
        %sub3A_541 = arith.subf %bitcast3A_530, %bitcast3A_534 : vector<16xf32>
        %sub3A_542 = arith.subf %bitcast3A_537, %bitcast3A_540 : vector<16xf32>
        %mul3A_543 = arith.mulf %sub3A_541, %sub3A_541 : vector<16xf32>
        %add3A_544 = arith.addf %mul3A_543, %add3A_520 : vector<16xf32>
        %mul3A_545 = arith.mulf %sub3A_542, %sub3A_542 : vector<16xf32>
        %add3A_546 = arith.addf %mul3A_545, %add3A_522 : vector<16xf32>
        %broadcast_in_dim3A_547 = arith.constant 15 : i32
        %broadcast_in_dim3A_548 = vector.broadcast %broadcast_in_dim3A_547 : i32 to vector<16xi32>
        %gather3A_549 = tpu.vector_load_idx %arg14[%add3A_188, %broadcast_in_dim3A_548] : memref<1000x16xi32, #tpu.memory_space<vmem>>[vector<16xi32>, vector<16xi32>], vector<16xi32>,
        %gather3A_550 = tpu.vector_load_idx %arg16[%add3A_188, %broadcast_in_dim3A_548] : memref<1000x16xi32, #tpu.memory_space<vmem>>[vector<16xi32>, vector<16xi32>], vector<16xi32>,
        %shift_left3A_551 = arith.constant 16 : i32
        %shift_left3A_552 = vector.broadcast %shift_left3A_551 : i32 to vector<16xi32>
        %shift_left3A_553 = arith.shli %gather3A_549, %shift_left3A_552 : vector<16xi32>
        %bitcast3A_554 = vector.bitcast %shift_left3A_553 : vector<16xi32> to vector<16xf32>
        %shift_left3A_555 = arith.constant 16 : i32
        %shift_left3A_556 = vector.broadcast %shift_left3A_555 : i32 to vector<16xi32>
        %shift_left3A_557 = arith.shli %gather3A_550, %shift_left3A_556 : vector<16xi32>
        %bitcast3A_558 = vector.bitcast %shift_left3A_557 : vector<16xi32> to vector<16xf32>
        %and3A_559 = vector.broadcast %scan3A_16 : i32 to vector<16xi32>
        %and3A_560 = arith.andi %gather3A_549, %and3A_559 : vector<16xi32>
        %bitcast3A_561 = vector.bitcast %and3A_560 : vector<16xi32> to vector<16xf32>
        %and3A_562 = vector.broadcast %scan3A_16 : i32 to vector<16xi32>
        %and3A_563 = arith.andi %gather3A_550, %and3A_562 : vector<16xi32>
        %bitcast3A_564 = vector.bitcast %and3A_563 : vector<16xi32> to vector<16xf32>
        %sub3A_565 = arith.subf %bitcast3A_554, %bitcast3A_558 : vector<16xf32>
        %sub3A_566 = arith.subf %bitcast3A_561, %bitcast3A_564 : vector<16xf32>
        %mul3A_567 = arith.mulf %sub3A_565, %sub3A_565 : vector<16xf32>
        %add3A_568 = arith.addf %mul3A_567, %add3A_544 : vector<16xf32>
        %mul3A_569 = arith.mulf %sub3A_566, %sub3A_566 : vector<16xf32>
        %add3A_570 = arith.addf %mul3A_569, %add3A_546 : vector<16xf32>
        %add3A_571 = arith.addf %add3A_568, %add3A_570 : vector<16xf32>
        %swap3A = arith.index_cast %min3A_186 : i32 to index
        %swap3A_572 = tpu.vector_load %arg22[%swap3A] {strides = array<i32>} : memref<1000xf32, #tpu.memory_space<vmem>>, vector<16xf32>,
        tpu.vector_store %arg22[%swap3A], %add3A_571 {strides = array<i32>} : memref<1000xf32, #tpu.memory_space<vmem>>, vector<16xf32>,
        %get3A = arith.index_cast %min3A_186 : i32 to index
        %get3A_573 = tpu.vector_load %arg18[%get3A] {strides = array<i32>} : memref<1000xi32, #tpu.memory_space<vmem>>, vector<16xi32>,
        %get3A_574 = arith.index_cast %min3A_186 : i32 to index
        %get3A_575 = tpu.vector_load %arg20[%get3A_574] {strides = array<i32>} : memref<1000xi32, #tpu.memory_space<vmem>>, vector<16xi32>,
        %shift_right_logical3A = arith.constant 4 : i32
        %shift_right_logical3A_576 = vector.broadcast %shift_right_logical3A : i32 to vector<16xi32>
        %shift_right_logical3A_577 = arith.shrui %get3A_573, %shift_right_logical3A_576 : vector<16xi32>
        %shift_right_logical3A_578 = arith.constant 4 : i32
        %shift_right_logical3A_579 = vector.broadcast %shift_right_logical3A_578 : i32 to vector<16xi32>
        %shift_right_logical3A_580 = arith.shrui %get3A_575, %shift_right_logical3A_579 : vector<16xi32>
        %eq3A = arith.cmpi eq, %shift_right_logical3A_577, %shift_right_logical3A_580 : vector<16xi32>
        %convert_element_type3A = arith.extui %eq3A : vector<16xi1> to vector<16xi32>
        %and3A_581 = arith.constant 15 : i32
        %and3A_582 = vector.broadcast %and3A_581 : i32 to vector<16xi32>
        %and3A_583 = arith.andi %get3A_573, %and3A_582 : vector<16xi32>
        %and3A_584 = arith.constant 15 : i32
        %and3A_585 = vector.broadcast %and3A_584 : i32 to vector<16xi32>
        %and3A_586 = arith.andi %get3A_575, %and3A_585 : vector<16xi32>
        %sub3A_587 = arith.subi %and3A_583, %and3A_586 : vector<16xi32>
        %abs3A = math.absi %sub3A_587 : vector<16xi32>
        %lt3A = arith.constant 3 : i32
        %lt3A_588 = vector.broadcast %lt3A : i32 to vector<16xi32>
        %lt3A_589 = arith.cmpi slt, %abs3A, %lt3A_588 : vector<16xi32>
        %convert_element_type3A_590 = arith.extui %lt3A_589 : vector<16xi1> to vector<16xi32>
        %mul3A_591 = arith.constant 2 : i32
        %mul3A_592 = vector.broadcast %mul3A_591 : i32 to vector<16xi32>
        %mul3A_593 = arith.muli %mul3A_592, %convert_element_type3A_590 : vector<16xi32>
        %add3A_594 = arith.addi %convert_element_type3A, %mul3A_593 : vector<16xi32>
        %swap3A_595 = arith.index_cast %min3A_186 : i32 to index
        %swap3A_596 = tpu.vector_load %arg24[%swap3A_595] {strides = array<i32>} : memref<1000xi32, #tpu.memory_space<vmem>>, vector<16xi32>,
        tpu.vector_store %arg24[%swap3A_595], %add3A_594 {strides = array<i32>} : memref<1000xi32, #tpu.memory_space<vmem>>, vector<16xi32>,
      }
      %scan3A_127 = arith.constant 63 : i32
      %add3A_128 = arith.constant 0 : i32
      %add3A_129 = arith.addi %add3A_128, %mul3A_2 : i32
      %mul3A_130 = arith.constant 1000 : i32
      %mul3A_131 = arith.muli %mul3A_94, %mul3A_130 : i32
      %add3A_132 = arith.addi %add3A_129, %mul3A_131 : i32
      "tpu.region"() ({
        %run_scoped3A = tpu.sem_alloc : memref<!tpu.dma_semaphore, #tpu.memory_space<semaphore_mem>>
        %dma_start3A_183 = tpu.memref_slice %arg8[%add3A_132] : memref<1600000xf32, #tpu.memory_space<hbm>> -> memref<1000xf32, #tpu.memory_space<hbm>>
        %dma_start3A_184 = tpu.memref_slice %arg8[%add3A_132] : memref<1600000xf32, #tpu.memory_space<hbm>> -> memref<1000xf32, #tpu.memory_space<hbm>>
        tpu.enqueue_dma source(%arg22 : memref<1000xf32, #tpu.memory_space<vmem>>) target(%dma_start3A_184 : memref<1000xf32, #tpu.memory_space<hbm>>) target_semaphore(%run_scoped3A : memref<!tpu.dma_semaphore, #tpu.memory_space<semaphore_mem>>)
        %dma_wait3A_185 = tpu.memref_slice %arg8[%add3A_132] : memref<1600000xf32, #tpu.memory_space<hbm>> -> memref<1000xf32, #tpu.memory_space<hbm>>
        %dma_wait3A_186 = tpu.memref_slice %arg8[%add3A_132] : memref<1600000xf32, #tpu.memory_space<hbm>> -> memref<1000xf32, #tpu.memory_space<hbm>>
        tpu.wait_dma2 semaphore(%run_scoped3A : memref<!tpu.dma_semaphore, #tpu.memory_space<semaphore_mem>>) src(%arg22 : memref<1000xf32, #tpu.memory_space<vmem>>) dst(%dma_wait3A_186 : memref<1000xf32, #tpu.memory_space<hbm>>)
        tpu.yield
      }) : () -> ()
      %add3A_133 = arith.constant 0 : i32
      %add3A_134 = arith.addi %add3A_133, %mul3A_2 : i32
      %mul3A_135 = arith.constant 1000 : i32
      %mul3A_136 = arith.muli %mul3A_94, %mul3A_135 : i32
      %add3A_137 = arith.addi %add3A_134, %mul3A_136 : i32
      "tpu.region"() ({
        %run_scoped3A = tpu.sem_alloc : memref<!tpu.dma_semaphore, #tpu.memory_space<semaphore_mem>>
        %dma_start3A_183 = tpu.memref_slice %arg9[%add3A_137] : memref<1600000xi32, #tpu.memory_space<hbm>> -> memref<1000xi32, #tpu.memory_space<hbm>>
        %dma_start3A_184 = tpu.memref_slice %arg9[%add3A_137] : memref<1600000xi32, #tpu.memory_space<hbm>> -> memref<1000xi32, #tpu.memory_space<hbm>>
        tpu.enqueue_dma source(%arg24 : memref<1000xi32, #tpu.memory_space<vmem>>) target(%dma_start3A_184 : memref<1000xi32, #tpu.memory_space<hbm>>) target_semaphore(%run_scoped3A : memref<!tpu.dma_semaphore, #tpu.memory_space<semaphore_mem>>)
        %dma_wait3A_185 = tpu.memref_slice %arg9[%add3A_137] : memref<1600000xi32, #tpu.memory_space<hbm>> -> memref<1000xi32, #tpu.memory_space<hbm>>
        %dma_wait3A_186 = tpu.memref_slice %arg9[%add3A_137] : memref<1600000xi32, #tpu.memory_space<hbm>> -> memref<1000xi32, #tpu.memory_space<hbm>>
        tpu.wait_dma2 semaphore(%run_scoped3A : memref<!tpu.dma_semaphore, #tpu.memory_space<semaphore_mem>>) src(%arg24 : memref<1000xi32, #tpu.memory_space<vmem>>) dst(%dma_wait3A_186 : memref<1000xi32, #tpu.memory_space<hbm>>)
        tpu.yield
      }) : () -> ()
      %add3A_138 = arith.constant 2 : i32
      %add3A_139 = arith.addi %mul3A_94, %add3A_138 : i32
      %mul3A_140 = arith.constant 1000 : i32
      %mul3A_141 = arith.muli %add3A_139, %mul3A_140 : i32
      %add3A_142 = arith.addi %mul3A_2, %mul3A_141 : i32
      "tpu.region"() ({
        %run_scoped3A = tpu.sem_alloc : memref<!tpu.dma_semaphore, #tpu.memory_space<semaphore_mem>>
        %dma_start3A_183 = tpu.memref_slice %arg6[%add3A_142] : memref<1600000xi32, #tpu.memory_space<hbm>> -> memref<1000xi32, #tpu.memory_space<hbm>>
        %dma_start3A_184 = tpu.memref_slice %arg6[%add3A_142] : memref<1600000xi32, #tpu.memory_space<hbm>> -> memref<1000xi32, #tpu.memory_space<hbm>>
        tpu.enqueue_dma source(%dma_start3A_184 : memref<1000xi32, #tpu.memory_space<hbm>>) target(%arg10 : memref<1000xi32, #tpu.memory_space<vmem>>) target_semaphore(%run_scoped3A : memref<!tpu.dma_semaphore, #tpu.memory_space<semaphore_mem>>)
        %dma_wait3A_185 = tpu.memref_slice %arg6[%add3A_142] : memref<1600000xi32, #tpu.memory_space<hbm>> -> memref<1000xi32, #tpu.memory_space<hbm>>
        %dma_wait3A_186 = tpu.memref_slice %arg6[%add3A_142] : memref<1600000xi32, #tpu.memory_space<hbm>> -> memref<1000xi32, #tpu.memory_space<hbm>>
        tpu.wait_dma2 semaphore(%run_scoped3A : memref<!tpu.dma_semaphore, #tpu.memory_space<semaphore_mem>>) src(%dma_wait3A_186 : memref<1000xi32, #tpu.memory_space<hbm>>) dst(%arg10 : memref<1000xi32, #tpu.memory_space<vmem>>)
        tpu.yield
      }) : () -> ()
      %add3A_143 = arith.constant 800000 : i32
      %add3A_144 = arith.addi %add3A_143, %add3A_142 : i32
      "tpu.region"() ({
        %run_scoped3A = tpu.sem_alloc : memref<!tpu.dma_semaphore, #tpu.memory_space<semaphore_mem>>
        %dma_start3A_183 = tpu.memref_slice %arg6[%add3A_144] : memref<1600000xi32, #tpu.memory_space<hbm>> -> memref<1000xi32, #tpu.memory_space<hbm>>
        %dma_start3A_184 = tpu.memref_slice %arg6[%add3A_144] : memref<1600000xi32, #tpu.memory_space<hbm>> -> memref<1000xi32, #tpu.memory_space<hbm>>
        tpu.enqueue_dma source(%dma_start3A_184 : memref<1000xi32, #tpu.memory_space<hbm>>) target(%arg12 : memref<1000xi32, #tpu.memory_space<vmem>>) target_semaphore(%run_scoped3A : memref<!tpu.dma_semaphore, #tpu.memory_space<semaphore_mem>>)
        %dma_wait3A_185 = tpu.memref_slice %arg6[%add3A_144] : memref<1600000xi32, #tpu.memory_space<hbm>> -> memref<1000xi32, #tpu.memory_space<hbm>>
        %dma_wait3A_186 = tpu.memref_slice %arg6[%add3A_144] : memref<1600000xi32, #tpu.memory_space<hbm>> -> memref<1000xi32, #tpu.memory_space<hbm>>
        tpu.wait_dma2 semaphore(%run_scoped3A : memref<!tpu.dma_semaphore, #tpu.memory_space<semaphore_mem>>) src(%dma_wait3A_186 : memref<1000xi32, #tpu.memory_space<hbm>>) dst(%arg12 : memref<1000xi32, #tpu.memory_space<vmem>>)
        tpu.yield
      }) : () -> ()
      %dma_start3A_145 = arith.constant 0 : i32
      %dma_start3A_146 = arith.constant 0 : i32
      %dma_start3A_147 = tpu.memref_slice %arg2[%dma_start3A_145, %dma_start3A_146] : memref<50000x16xi32, #tpu.memory_space<hbm>> -> memref<50000x16xi32, #tpu.memory_space<hbm>>
      tpu.enqueue_indirect_dma source(%dma_start3A_147 : memref<50000x16xi32, #tpu.memory_space<hbm>>) target(%arg14 : memref<1000x16xi32, #tpu.memory_space<vmem>>) offsets(%arg10 : memref<1000xi32, #tpu.memory_space<vmem>>) semaphore(%arg26 : memref<!tpu.dma_semaphore, #tpu.memory_space<semaphore_mem>>)
      %dma_start3A_148 = arith.constant 0 : i32
      %dma_start3A_149 = arith.constant 0 : i32
      %dma_start3A_150 = tpu.memref_slice %arg2[%dma_start3A_148, %dma_start3A_149] : memref<50000x16xi32, #tpu.memory_space<hbm>> -> memref<50000x16xi32, #tpu.memory_space<hbm>>
      tpu.enqueue_indirect_dma source(%dma_start3A_150 : memref<50000x16xi32, #tpu.memory_space<hbm>>) target(%arg16 : memref<1000x16xi32, #tpu.memory_space<vmem>>) offsets(%arg12 : memref<1000xi32, #tpu.memory_space<vmem>>) semaphore(%arg26 : memref<!tpu.dma_semaphore, #tpu.memory_space<semaphore_mem>>)
      %dma_start3A_151 = arith.constant 0 : i32
      %dma_start3A_152 = tpu.memref_slice %arg4[%dma_start3A_151] : memref<50000xi32, #tpu.memory_space<hbm>> -> memref<50000xi32, #tpu.memory_space<hbm>>
      tpu.enqueue_indirect_dma source(%dma_start3A_152 : memref<50000xi32, #tpu.memory_space<hbm>>) target(%arg18 : memref<1000xi32, #tpu.memory_space<vmem>>) offsets(%arg10 : memref<1000xi32, #tpu.memory_space<vmem>>) semaphore(%arg26 : memref<!tpu.dma_semaphore, #tpu.memory_space<semaphore_mem>>)
      %dma_start3A_153 = arith.constant 0 : i32
      %dma_start3A_154 = tpu.memref_slice %arg4[%dma_start3A_153] : memref<50000xi32, #tpu.memory_space<hbm>> -> memref<50000xi32, #tpu.memory_space<hbm>>
      tpu.enqueue_indirect_dma source(%dma_start3A_154 : memref<50000xi32, #tpu.memory_space<hbm>>) target(%arg20 : memref<1000xi32, #tpu.memory_space<vmem>>) offsets(%arg12 : memref<1000xi32, #tpu.memory_space<vmem>>) semaphore(%arg26 : memref<!tpu.dma_semaphore, #tpu.memory_space<semaphore_mem>>)
      %add3A_155 = arith.constant 1 : i32
      %add3A_156 = arith.addi %mul3A_94, %add3A_155 : i32
      %dma_wait3A_157 = arith.constant 0 : i32
      %dma_wait3A_158 = arith.constant 0 : i32
      %dma_wait3A_159 = tpu.memref_slice %arg2[%dma_wait3A_157, %dma_wait3A_158] : memref<50000x16xi32, #tpu.memory_space<hbm>> -> memref<50000x16xi32, #tpu.memory_space<hbm>>
      tpu.wait_indirect_dma semaphore(%arg27 : memref<!tpu.dma_semaphore, #tpu.memory_space<semaphore_mem>>) src(%dma_wait3A_159 : memref<50000x16xi32, #tpu.memory_space<hbm>>) dst(%arg15 : memref<1000x16xi32, #tpu.memory_space<vmem>>)
      %dma_wait3A_160 = arith.constant 0 : i32
      %dma_wait3A_161 = arith.constant 0 : i32
      %dma_wait3A_162 = tpu.memref_slice %arg2[%dma_wait3A_160, %dma_wait3A_161] : memref<50000x16xi32, #tpu.memory_space<hbm>> -> memref<50000x16xi32, #tpu.memory_space<hbm>>
      tpu.wait_indirect_dma semaphore(%arg27 : memref<!tpu.dma_semaphore, #tpu.memory_space<semaphore_mem>>) src(%dma_wait3A_162 : memref<50000x16xi32, #tpu.memory_space<hbm>>) dst(%arg17 : memref<1000x16xi32, #tpu.memory_space<vmem>>)
      %dma_wait3A_163 = arith.constant 0 : i32
      %dma_wait3A_164 = tpu.memref_slice %arg4[%dma_wait3A_163] : memref<50000xi32, #tpu.memory_space<hbm>> -> memref<50000xi32, #tpu.memory_space<hbm>>
      tpu.wait_indirect_dma semaphore(%arg27 : memref<!tpu.dma_semaphore, #tpu.memory_space<semaphore_mem>>) src(%dma_wait3A_164 : memref<50000xi32, #tpu.memory_space<hbm>>) dst(%arg19 : memref<1000xi32, #tpu.memory_space<vmem>>)
      %dma_wait3A_165 = arith.constant 0 : i32
      %dma_wait3A_166 = tpu.memref_slice %arg4[%dma_wait3A_165] : memref<50000xi32, #tpu.memory_space<hbm>> -> memref<50000xi32, #tpu.memory_space<hbm>>
      tpu.wait_indirect_dma semaphore(%arg27 : memref<!tpu.dma_semaphore, #tpu.memory_space<semaphore_mem>>) src(%dma_wait3A_166 : memref<50000xi32, #tpu.memory_space<hbm>>) dst(%arg21 : memref<1000xi32, #tpu.memory_space<vmem>>)
      %scan3A_167 = arith.constant 0 : i32
      %scan3A_168 = arith.constant 0 : i32
      %scan3A_169 = arith.constant 63 : i32
      %scan3A_170 = arith.addi %scan3A_168, %scan3A_169 : i32
      %scan3A_171 = arith.constant 1 : i32
      scf.for %scan3A_183 = %scan3A_168 to %scan3A_170 step %scan3A_171  : i32 {
        %mul3A_184 = arith.constant 16 : i32
        %mul3A_185 = arith.muli %scan3A_183, %mul3A_184 : i32
        %min3A = arith.constant 984 : i32
        %min3A_186 = arith.minsi %mul3A_185, %min3A : i32
        %add3A_187 = vector.broadcast %min3A_186 : i32 to vector<16xi32>
        %add3A_188 = arith.addi %add3A_187, %iota3A : vector<16xi32>
        %broadcast_in_dim3A = arith.constant 0.000000e+00 : f32
        %broadcast_in_dim3A_189 = vector.broadcast %broadcast_in_dim3A : f32 to vector<16xf32>
        %broadcast_in_dim3A_190 = arith.constant 0.000000e+00 : f32
        %broadcast_in_dim3A_191 = vector.broadcast %broadcast_in_dim3A_190 : f32 to vector<16xf32>
        %broadcast_in_dim3A_192 = arith.constant 0 : i32
        %broadcast_in_dim3A_193 = vector.broadcast %broadcast_in_dim3A_192 : i32 to vector<16xi32>
        %gather3A = tpu.vector_load_idx %arg15[%add3A_188, %broadcast_in_dim3A_193] : memref<1000x16xi32, #tpu.memory_space<vmem>>[vector<16xi32>, vector<16xi32>], vector<16xi32>,
        %gather3A_194 = tpu.vector_load_idx %arg17[%add3A_188, %broadcast_in_dim3A_193] : memref<1000x16xi32, #tpu.memory_space<vmem>>[vector<16xi32>, vector<16xi32>], vector<16xi32>,
        %shift_left3A = arith.constant 16 : i32
        %shift_left3A_195 = vector.broadcast %shift_left3A : i32 to vector<16xi32>
        %shift_left3A_196 = arith.shli %gather3A, %shift_left3A_195 : vector<16xi32>
        %bitcast3A = vector.bitcast %shift_left3A_196 : vector<16xi32> to vector<16xf32>
        %shift_left3A_197 = arith.constant 16 : i32
        %shift_left3A_198 = vector.broadcast %shift_left3A_197 : i32 to vector<16xi32>
        %shift_left3A_199 = arith.shli %gather3A_194, %shift_left3A_198 : vector<16xi32>
        %bitcast3A_200 = vector.bitcast %shift_left3A_199 : vector<16xi32> to vector<16xf32>
        %and3A = vector.broadcast %scan3A_16 : i32 to vector<16xi32>
        %and3A_201 = arith.andi %gather3A, %and3A : vector<16xi32>
        %bitcast3A_202 = vector.bitcast %and3A_201 : vector<16xi32> to vector<16xf32>
        %and3A_203 = vector.broadcast %scan3A_16 : i32 to vector<16xi32>
        %and3A_204 = arith.andi %gather3A_194, %and3A_203 : vector<16xi32>
        %bitcast3A_205 = vector.bitcast %and3A_204 : vector<16xi32> to vector<16xf32>
        %sub3A = arith.subf %bitcast3A, %bitcast3A_200 : vector<16xf32>
        %sub3A_206 = arith.subf %bitcast3A_202, %bitcast3A_205 : vector<16xf32>
        %mul3A_207 = arith.mulf %sub3A, %sub3A : vector<16xf32>
        %add3A_208 = arith.addf %mul3A_207, %broadcast_in_dim3A_189 : vector<16xf32>
        %mul3A_209 = arith.mulf %sub3A_206, %sub3A_206 : vector<16xf32>
        %add3A_210 = arith.addf %mul3A_209, %broadcast_in_dim3A_191 : vector<16xf32>
        %broadcast_in_dim3A_211 = arith.constant 1 : i32
        %broadcast_in_dim3A_212 = vector.broadcast %broadcast_in_dim3A_211 : i32 to vector<16xi32>
        %gather3A_213 = tpu.vector_load_idx %arg15[%add3A_188, %broadcast_in_dim3A_212] : memref<1000x16xi32, #tpu.memory_space<vmem>>[vector<16xi32>, vector<16xi32>], vector<16xi32>,
        %gather3A_214 = tpu.vector_load_idx %arg17[%add3A_188, %broadcast_in_dim3A_212] : memref<1000x16xi32, #tpu.memory_space<vmem>>[vector<16xi32>, vector<16xi32>], vector<16xi32>,
        %shift_left3A_215 = arith.constant 16 : i32
        %shift_left3A_216 = vector.broadcast %shift_left3A_215 : i32 to vector<16xi32>
        %shift_left3A_217 = arith.shli %gather3A_213, %shift_left3A_216 : vector<16xi32>
        %bitcast3A_218 = vector.bitcast %shift_left3A_217 : vector<16xi32> to vector<16xf32>
        %shift_left3A_219 = arith.constant 16 : i32
        %shift_left3A_220 = vector.broadcast %shift_left3A_219 : i32 to vector<16xi32>
        %shift_left3A_221 = arith.shli %gather3A_214, %shift_left3A_220 : vector<16xi32>
        %bitcast3A_222 = vector.bitcast %shift_left3A_221 : vector<16xi32> to vector<16xf32>
        %and3A_223 = vector.broadcast %scan3A_16 : i32 to vector<16xi32>
        %and3A_224 = arith.andi %gather3A_213, %and3A_223 : vector<16xi32>
        %bitcast3A_225 = vector.bitcast %and3A_224 : vector<16xi32> to vector<16xf32>
        %and3A_226 = vector.broadcast %scan3A_16 : i32 to vector<16xi32>
        %and3A_227 = arith.andi %gather3A_214, %and3A_226 : vector<16xi32>
        %bitcast3A_228 = vector.bitcast %and3A_227 : vector<16xi32> to vector<16xf32>
        %sub3A_229 = arith.subf %bitcast3A_218, %bitcast3A_222 : vector<16xf32>
        %sub3A_230 = arith.subf %bitcast3A_225, %bitcast3A_228 : vector<16xf32>
        %mul3A_231 = arith.mulf %sub3A_229, %sub3A_229 : vector<16xf32>
        %add3A_232 = arith.addf %mul3A_231, %add3A_208 : vector<16xf32>
        %mul3A_233 = arith.mulf %sub3A_230, %sub3A_230 : vector<16xf32>
        %add3A_234 = arith.addf %mul3A_233, %add3A_210 : vector<16xf32>
        %broadcast_in_dim3A_235 = arith.constant 2 : i32
        %broadcast_in_dim3A_236 = vector.broadcast %broadcast_in_dim3A_235 : i32 to vector<16xi32>
        %gather3A_237 = tpu.vector_load_idx %arg15[%add3A_188, %broadcast_in_dim3A_236] : memref<1000x16xi32, #tpu.memory_space<vmem>>[vector<16xi32>, vector<16xi32>], vector<16xi32>,
        %gather3A_238 = tpu.vector_load_idx %arg17[%add3A_188, %broadcast_in_dim3A_236] : memref<1000x16xi32, #tpu.memory_space<vmem>>[vector<16xi32>, vector<16xi32>], vector<16xi32>,
        %shift_left3A_239 = arith.constant 16 : i32
        %shift_left3A_240 = vector.broadcast %shift_left3A_239 : i32 to vector<16xi32>
        %shift_left3A_241 = arith.shli %gather3A_237, %shift_left3A_240 : vector<16xi32>
        %bitcast3A_242 = vector.bitcast %shift_left3A_241 : vector<16xi32> to vector<16xf32>
        %shift_left3A_243 = arith.constant 16 : i32
        %shift_left3A_244 = vector.broadcast %shift_left3A_243 : i32 to vector<16xi32>
        %shift_left3A_245 = arith.shli %gather3A_238, %shift_left3A_244 : vector<16xi32>
        %bitcast3A_246 = vector.bitcast %shift_left3A_245 : vector<16xi32> to vector<16xf32>
        %and3A_247 = vector.broadcast %scan3A_16 : i32 to vector<16xi32>
        %and3A_248 = arith.andi %gather3A_237, %and3A_247 : vector<16xi32>
        %bitcast3A_249 = vector.bitcast %and3A_248 : vector<16xi32> to vector<16xf32>
        %and3A_250 = vector.broadcast %scan3A_16 : i32 to vector<16xi32>
        %and3A_251 = arith.andi %gather3A_238, %and3A_250 : vector<16xi32>
        %bitcast3A_252 = vector.bitcast %and3A_251 : vector<16xi32> to vector<16xf32>
        %sub3A_253 = arith.subf %bitcast3A_242, %bitcast3A_246 : vector<16xf32>
        %sub3A_254 = arith.subf %bitcast3A_249, %bitcast3A_252 : vector<16xf32>
        %mul3A_255 = arith.mulf %sub3A_253, %sub3A_253 : vector<16xf32>
        %add3A_256 = arith.addf %mul3A_255, %add3A_232 : vector<16xf32>
        %mul3A_257 = arith.mulf %sub3A_254, %sub3A_254 : vector<16xf32>
        %add3A_258 = arith.addf %mul3A_257, %add3A_234 : vector<16xf32>
        %broadcast_in_dim3A_259 = arith.constant 3 : i32
        %broadcast_in_dim3A_260 = vector.broadcast %broadcast_in_dim3A_259 : i32 to vector<16xi32>
        %gather3A_261 = tpu.vector_load_idx %arg15[%add3A_188, %broadcast_in_dim3A_260] : memref<1000x16xi32, #tpu.memory_space<vmem>>[vector<16xi32>, vector<16xi32>], vector<16xi32>,
        %gather3A_262 = tpu.vector_load_idx %arg17[%add3A_188, %broadcast_in_dim3A_260] : memref<1000x16xi32, #tpu.memory_space<vmem>>[vector<16xi32>, vector<16xi32>], vector<16xi32>,
        %shift_left3A_263 = arith.constant 16 : i32
        %shift_left3A_264 = vector.broadcast %shift_left3A_263 : i32 to vector<16xi32>
        %shift_left3A_265 = arith.shli %gather3A_261, %shift_left3A_264 : vector<16xi32>
        %bitcast3A_266 = vector.bitcast %shift_left3A_265 : vector<16xi32> to vector<16xf32>
        %shift_left3A_267 = arith.constant 16 : i32
        %shift_left3A_268 = vector.broadcast %shift_left3A_267 : i32 to vector<16xi32>
        %shift_left3A_269 = arith.shli %gather3A_262, %shift_left3A_268 : vector<16xi32>
        %bitcast3A_270 = vector.bitcast %shift_left3A_269 : vector<16xi32> to vector<16xf32>
        %and3A_271 = vector.broadcast %scan3A_16 : i32 to vector<16xi32>
        %and3A_272 = arith.andi %gather3A_261, %and3A_271 : vector<16xi32>
        %bitcast3A_273 = vector.bitcast %and3A_272 : vector<16xi32> to vector<16xf32>
        %and3A_274 = vector.broadcast %scan3A_16 : i32 to vector<16xi32>
        %and3A_275 = arith.andi %gather3A_262, %and3A_274 : vector<16xi32>
        %bitcast3A_276 = vector.bitcast %and3A_275 : vector<16xi32> to vector<16xf32>
        %sub3A_277 = arith.subf %bitcast3A_266, %bitcast3A_270 : vector<16xf32>
        %sub3A_278 = arith.subf %bitcast3A_273, %bitcast3A_276 : vector<16xf32>
        %mul3A_279 = arith.mulf %sub3A_277, %sub3A_277 : vector<16xf32>
        %add3A_280 = arith.addf %mul3A_279, %add3A_256 : vector<16xf32>
        %mul3A_281 = arith.mulf %sub3A_278, %sub3A_278 : vector<16xf32>
        %add3A_282 = arith.addf %mul3A_281, %add3A_258 : vector<16xf32>
        %broadcast_in_dim3A_283 = arith.constant 4 : i32
        %broadcast_in_dim3A_284 = vector.broadcast %broadcast_in_dim3A_283 : i32 to vector<16xi32>
        %gather3A_285 = tpu.vector_load_idx %arg15[%add3A_188, %broadcast_in_dim3A_284] : memref<1000x16xi32, #tpu.memory_space<vmem>>[vector<16xi32>, vector<16xi32>], vector<16xi32>,
        %gather3A_286 = tpu.vector_load_idx %arg17[%add3A_188, %broadcast_in_dim3A_284] : memref<1000x16xi32, #tpu.memory_space<vmem>>[vector<16xi32>, vector<16xi32>], vector<16xi32>,
        %shift_left3A_287 = arith.constant 16 : i32
        %shift_left3A_288 = vector.broadcast %shift_left3A_287 : i32 to vector<16xi32>
        %shift_left3A_289 = arith.shli %gather3A_285, %shift_left3A_288 : vector<16xi32>
        %bitcast3A_290 = vector.bitcast %shift_left3A_289 : vector<16xi32> to vector<16xf32>
        %shift_left3A_291 = arith.constant 16 : i32
        %shift_left3A_292 = vector.broadcast %shift_left3A_291 : i32 to vector<16xi32>
        %shift_left3A_293 = arith.shli %gather3A_286, %shift_left3A_292 : vector<16xi32>
        %bitcast3A_294 = vector.bitcast %shift_left3A_293 : vector<16xi32> to vector<16xf32>
        %and3A_295 = vector.broadcast %scan3A_16 : i32 to vector<16xi32>
        %and3A_296 = arith.andi %gather3A_285, %and3A_295 : vector<16xi32>
        %bitcast3A_297 = vector.bitcast %and3A_296 : vector<16xi32> to vector<16xf32>
        %and3A_298 = vector.broadcast %scan3A_16 : i32 to vector<16xi32>
        %and3A_299 = arith.andi %gather3A_286, %and3A_298 : vector<16xi32>
        %bitcast3A_300 = vector.bitcast %and3A_299 : vector<16xi32> to vector<16xf32>
        %sub3A_301 = arith.subf %bitcast3A_290, %bitcast3A_294 : vector<16xf32>
        %sub3A_302 = arith.subf %bitcast3A_297, %bitcast3A_300 : vector<16xf32>
        %mul3A_303 = arith.mulf %sub3A_301, %sub3A_301 : vector<16xf32>
        %add3A_304 = arith.addf %mul3A_303, %add3A_280 : vector<16xf32>
        %mul3A_305 = arith.mulf %sub3A_302, %sub3A_302 : vector<16xf32>
        %add3A_306 = arith.addf %mul3A_305, %add3A_282 : vector<16xf32>
        %broadcast_in_dim3A_307 = arith.constant 5 : i32
        %broadcast_in_dim3A_308 = vector.broadcast %broadcast_in_dim3A_307 : i32 to vector<16xi32>
        %gather3A_309 = tpu.vector_load_idx %arg15[%add3A_188, %broadcast_in_dim3A_308] : memref<1000x16xi32, #tpu.memory_space<vmem>>[vector<16xi32>, vector<16xi32>], vector<16xi32>,
        %gather3A_310 = tpu.vector_load_idx %arg17[%add3A_188, %broadcast_in_dim3A_308] : memref<1000x16xi32, #tpu.memory_space<vmem>>[vector<16xi32>, vector<16xi32>], vector<16xi32>,
        %shift_left3A_311 = arith.constant 16 : i32
        %shift_left3A_312 = vector.broadcast %shift_left3A_311 : i32 to vector<16xi32>
        %shift_left3A_313 = arith.shli %gather3A_309, %shift_left3A_312 : vector<16xi32>
        %bitcast3A_314 = vector.bitcast %shift_left3A_313 : vector<16xi32> to vector<16xf32>
        %shift_left3A_315 = arith.constant 16 : i32
        %shift_left3A_316 = vector.broadcast %shift_left3A_315 : i32 to vector<16xi32>
        %shift_left3A_317 = arith.shli %gather3A_310, %shift_left3A_316 : vector<16xi32>
        %bitcast3A_318 = vector.bitcast %shift_left3A_317 : vector<16xi32> to vector<16xf32>
        %and3A_319 = vector.broadcast %scan3A_16 : i32 to vector<16xi32>
        %and3A_320 = arith.andi %gather3A_309, %and3A_319 : vector<16xi32>
        %bitcast3A_321 = vector.bitcast %and3A_320 : vector<16xi32> to vector<16xf32>
        %and3A_322 = vector.broadcast %scan3A_16 : i32 to vector<16xi32>
        %and3A_323 = arith.andi %gather3A_310, %and3A_322 : vector<16xi32>
        %bitcast3A_324 = vector.bitcast %and3A_323 : vector<16xi32> to vector<16xf32>
        %sub3A_325 = arith.subf %bitcast3A_314, %bitcast3A_318 : vector<16xf32>
        %sub3A_326 = arith.subf %bitcast3A_321, %bitcast3A_324 : vector<16xf32>
        %mul3A_327 = arith.mulf %sub3A_325, %sub3A_325 : vector<16xf32>
        %add3A_328 = arith.addf %mul3A_327, %add3A_304 : vector<16xf32>
        %mul3A_329 = arith.mulf %sub3A_326, %sub3A_326 : vector<16xf32>
        %add3A_330 = arith.addf %mul3A_329, %add3A_306 : vector<16xf32>
        %broadcast_in_dim3A_331 = arith.constant 6 : i32
        %broadcast_in_dim3A_332 = vector.broadcast %broadcast_in_dim3A_331 : i32 to vector<16xi32>
        %gather3A_333 = tpu.vector_load_idx %arg15[%add3A_188, %broadcast_in_dim3A_332] : memref<1000x16xi32, #tpu.memory_space<vmem>>[vector<16xi32>, vector<16xi32>], vector<16xi32>,
        %gather3A_334 = tpu.vector_load_idx %arg17[%add3A_188, %broadcast_in_dim3A_332] : memref<1000x16xi32, #tpu.memory_space<vmem>>[vector<16xi32>, vector<16xi32>], vector<16xi32>,
        %shift_left3A_335 = arith.constant 16 : i32
        %shift_left3A_336 = vector.broadcast %shift_left3A_335 : i32 to vector<16xi32>
        %shift_left3A_337 = arith.shli %gather3A_333, %shift_left3A_336 : vector<16xi32>
        %bitcast3A_338 = vector.bitcast %shift_left3A_337 : vector<16xi32> to vector<16xf32>
        %shift_left3A_339 = arith.constant 16 : i32
        %shift_left3A_340 = vector.broadcast %shift_left3A_339 : i32 to vector<16xi32>
        %shift_left3A_341 = arith.shli %gather3A_334, %shift_left3A_340 : vector<16xi32>
        %bitcast3A_342 = vector.bitcast %shift_left3A_341 : vector<16xi32> to vector<16xf32>
        %and3A_343 = vector.broadcast %scan3A_16 : i32 to vector<16xi32>
        %and3A_344 = arith.andi %gather3A_333, %and3A_343 : vector<16xi32>
        %bitcast3A_345 = vector.bitcast %and3A_344 : vector<16xi32> to vector<16xf32>
        %and3A_346 = vector.broadcast %scan3A_16 : i32 to vector<16xi32>
        %and3A_347 = arith.andi %gather3A_334, %and3A_346 : vector<16xi32>
        %bitcast3A_348 = vector.bitcast %and3A_347 : vector<16xi32> to vector<16xf32>
        %sub3A_349 = arith.subf %bitcast3A_338, %bitcast3A_342 : vector<16xf32>
        %sub3A_350 = arith.subf %bitcast3A_345, %bitcast3A_348 : vector<16xf32>
        %mul3A_351 = arith.mulf %sub3A_349, %sub3A_349 : vector<16xf32>
        %add3A_352 = arith.addf %mul3A_351, %add3A_328 : vector<16xf32>
        %mul3A_353 = arith.mulf %sub3A_350, %sub3A_350 : vector<16xf32>
        %add3A_354 = arith.addf %mul3A_353, %add3A_330 : vector<16xf32>
        %broadcast_in_dim3A_355 = arith.constant 7 : i32
        %broadcast_in_dim3A_356 = vector.broadcast %broadcast_in_dim3A_355 : i32 to vector<16xi32>
        %gather3A_357 = tpu.vector_load_idx %arg15[%add3A_188, %broadcast_in_dim3A_356] : memref<1000x16xi32, #tpu.memory_space<vmem>>[vector<16xi32>, vector<16xi32>], vector<16xi32>,
        %gather3A_358 = tpu.vector_load_idx %arg17[%add3A_188, %broadcast_in_dim3A_356] : memref<1000x16xi32, #tpu.memory_space<vmem>>[vector<16xi32>, vector<16xi32>], vector<16xi32>,
        %shift_left3A_359 = arith.constant 16 : i32
        %shift_left3A_360 = vector.broadcast %shift_left3A_359 : i32 to vector<16xi32>
        %shift_left3A_361 = arith.shli %gather3A_357, %shift_left3A_360 : vector<16xi32>
        %bitcast3A_362 = vector.bitcast %shift_left3A_361 : vector<16xi32> to vector<16xf32>
        %shift_left3A_363 = arith.constant 16 : i32
        %shift_left3A_364 = vector.broadcast %shift_left3A_363 : i32 to vector<16xi32>
        %shift_left3A_365 = arith.shli %gather3A_358, %shift_left3A_364 : vector<16xi32>
        %bitcast3A_366 = vector.bitcast %shift_left3A_365 : vector<16xi32> to vector<16xf32>
        %and3A_367 = vector.broadcast %scan3A_16 : i32 to vector<16xi32>
        %and3A_368 = arith.andi %gather3A_357, %and3A_367 : vector<16xi32>
        %bitcast3A_369 = vector.bitcast %and3A_368 : vector<16xi32> to vector<16xf32>
        %and3A_370 = vector.broadcast %scan3A_16 : i32 to vector<16xi32>
        %and3A_371 = arith.andi %gather3A_358, %and3A_370 : vector<16xi32>
        %bitcast3A_372 = vector.bitcast %and3A_371 : vector<16xi32> to vector<16xf32>
        %sub3A_373 = arith.subf %bitcast3A_362, %bitcast3A_366 : vector<16xf32>
        %sub3A_374 = arith.subf %bitcast3A_369, %bitcast3A_372 : vector<16xf32>
        %mul3A_375 = arith.mulf %sub3A_373, %sub3A_373 : vector<16xf32>
        %add3A_376 = arith.addf %mul3A_375, %add3A_352 : vector<16xf32>
        %mul3A_377 = arith.mulf %sub3A_374, %sub3A_374 : vector<16xf32>
        %add3A_378 = arith.addf %mul3A_377, %add3A_354 : vector<16xf32>
        %broadcast_in_dim3A_379 = arith.constant 8 : i32
        %broadcast_in_dim3A_380 = vector.broadcast %broadcast_in_dim3A_379 : i32 to vector<16xi32>
        %gather3A_381 = tpu.vector_load_idx %arg15[%add3A_188, %broadcast_in_dim3A_380] : memref<1000x16xi32, #tpu.memory_space<vmem>>[vector<16xi32>, vector<16xi32>], vector<16xi32>,
        %gather3A_382 = tpu.vector_load_idx %arg17[%add3A_188, %broadcast_in_dim3A_380] : memref<1000x16xi32, #tpu.memory_space<vmem>>[vector<16xi32>, vector<16xi32>], vector<16xi32>,
        %shift_left3A_383 = arith.constant 16 : i32
        %shift_left3A_384 = vector.broadcast %shift_left3A_383 : i32 to vector<16xi32>
        %shift_left3A_385 = arith.shli %gather3A_381, %shift_left3A_384 : vector<16xi32>
        %bitcast3A_386 = vector.bitcast %shift_left3A_385 : vector<16xi32> to vector<16xf32>
        %shift_left3A_387 = arith.constant 16 : i32
        %shift_left3A_388 = vector.broadcast %shift_left3A_387 : i32 to vector<16xi32>
        %shift_left3A_389 = arith.shli %gather3A_382, %shift_left3A_388 : vector<16xi32>
        %bitcast3A_390 = vector.bitcast %shift_left3A_389 : vector<16xi32> to vector<16xf32>
        %and3A_391 = vector.broadcast %scan3A_16 : i32 to vector<16xi32>
        %and3A_392 = arith.andi %gather3A_381, %and3A_391 : vector<16xi32>
        %bitcast3A_393 = vector.bitcast %and3A_392 : vector<16xi32> to vector<16xf32>
        %and3A_394 = vector.broadcast %scan3A_16 : i32 to vector<16xi32>
        %and3A_395 = arith.andi %gather3A_382, %and3A_394 : vector<16xi32>
        %bitcast3A_396 = vector.bitcast %and3A_395 : vector<16xi32> to vector<16xf32>
        %sub3A_397 = arith.subf %bitcast3A_386, %bitcast3A_390 : vector<16xf32>
        %sub3A_398 = arith.subf %bitcast3A_393, %bitcast3A_396 : vector<16xf32>
        %mul3A_399 = arith.mulf %sub3A_397, %sub3A_397 : vector<16xf32>
        %add3A_400 = arith.addf %mul3A_399, %add3A_376 : vector<16xf32>
        %mul3A_401 = arith.mulf %sub3A_398, %sub3A_398 : vector<16xf32>
        %add3A_402 = arith.addf %mul3A_401, %add3A_378 : vector<16xf32>
        %broadcast_in_dim3A_403 = arith.constant 9 : i32
        %broadcast_in_dim3A_404 = vector.broadcast %broadcast_in_dim3A_403 : i32 to vector<16xi32>
        %gather3A_405 = tpu.vector_load_idx %arg15[%add3A_188, %broadcast_in_dim3A_404] : memref<1000x16xi32, #tpu.memory_space<vmem>>[vector<16xi32>, vector<16xi32>], vector<16xi32>,
        %gather3A_406 = tpu.vector_load_idx %arg17[%add3A_188, %broadcast_in_dim3A_404] : memref<1000x16xi32, #tpu.memory_space<vmem>>[vector<16xi32>, vector<16xi32>], vector<16xi32>,
        %shift_left3A_407 = arith.constant 16 : i32
        %shift_left3A_408 = vector.broadcast %shift_left3A_407 : i32 to vector<16xi32>
        %shift_left3A_409 = arith.shli %gather3A_405, %shift_left3A_408 : vector<16xi32>
        %bitcast3A_410 = vector.bitcast %shift_left3A_409 : vector<16xi32> to vector<16xf32>
        %shift_left3A_411 = arith.constant 16 : i32
        %shift_left3A_412 = vector.broadcast %shift_left3A_411 : i32 to vector<16xi32>
        %shift_left3A_413 = arith.shli %gather3A_406, %shift_left3A_412 : vector<16xi32>
        %bitcast3A_414 = vector.bitcast %shift_left3A_413 : vector<16xi32> to vector<16xf32>
        %and3A_415 = vector.broadcast %scan3A_16 : i32 to vector<16xi32>
        %and3A_416 = arith.andi %gather3A_405, %and3A_415 : vector<16xi32>
        %bitcast3A_417 = vector.bitcast %and3A_416 : vector<16xi32> to vector<16xf32>
        %and3A_418 = vector.broadcast %scan3A_16 : i32 to vector<16xi32>
        %and3A_419 = arith.andi %gather3A_406, %and3A_418 : vector<16xi32>
        %bitcast3A_420 = vector.bitcast %and3A_419 : vector<16xi32> to vector<16xf32>
        %sub3A_421 = arith.subf %bitcast3A_410, %bitcast3A_414 : vector<16xf32>
        %sub3A_422 = arith.subf %bitcast3A_417, %bitcast3A_420 : vector<16xf32>
        %mul3A_423 = arith.mulf %sub3A_421, %sub3A_421 : vector<16xf32>
        %add3A_424 = arith.addf %mul3A_423, %add3A_400 : vector<16xf32>
        %mul3A_425 = arith.mulf %sub3A_422, %sub3A_422 : vector<16xf32>
        %add3A_426 = arith.addf %mul3A_425, %add3A_402 : vector<16xf32>
        %broadcast_in_dim3A_427 = arith.constant 10 : i32
        %broadcast_in_dim3A_428 = vector.broadcast %broadcast_in_dim3A_427 : i32 to vector<16xi32>
        %gather3A_429 = tpu.vector_load_idx %arg15[%add3A_188, %broadcast_in_dim3A_428] : memref<1000x16xi32, #tpu.memory_space<vmem>>[vector<16xi32>, vector<16xi32>], vector<16xi32>,
        %gather3A_430 = tpu.vector_load_idx %arg17[%add3A_188, %broadcast_in_dim3A_428] : memref<1000x16xi32, #tpu.memory_space<vmem>>[vector<16xi32>, vector<16xi32>], vector<16xi32>,
        %shift_left3A_431 = arith.constant 16 : i32
        %shift_left3A_432 = vector.broadcast %shift_left3A_431 : i32 to vector<16xi32>
        %shift_left3A_433 = arith.shli %gather3A_429, %shift_left3A_432 : vector<16xi32>
        %bitcast3A_434 = vector.bitcast %shift_left3A_433 : vector<16xi32> to vector<16xf32>
        %shift_left3A_435 = arith.constant 16 : i32
        %shift_left3A_436 = vector.broadcast %shift_left3A_435 : i32 to vector<16xi32>
        %shift_left3A_437 = arith.shli %gather3A_430, %shift_left3A_436 : vector<16xi32>
        %bitcast3A_438 = vector.bitcast %shift_left3A_437 : vector<16xi32> to vector<16xf32>
        %and3A_439 = vector.broadcast %scan3A_16 : i32 to vector<16xi32>
        %and3A_440 = arith.andi %gather3A_429, %and3A_439 : vector<16xi32>
        %bitcast3A_441 = vector.bitcast %and3A_440 : vector<16xi32> to vector<16xf32>
        %and3A_442 = vector.broadcast %scan3A_16 : i32 to vector<16xi32>
        %and3A_443 = arith.andi %gather3A_430, %and3A_442 : vector<16xi32>
        %bitcast3A_444 = vector.bitcast %and3A_443 : vector<16xi32> to vector<16xf32>
        %sub3A_445 = arith.subf %bitcast3A_434, %bitcast3A_438 : vector<16xf32>
        %sub3A_446 = arith.subf %bitcast3A_441, %bitcast3A_444 : vector<16xf32>
        %mul3A_447 = arith.mulf %sub3A_445, %sub3A_445 : vector<16xf32>
        %add3A_448 = arith.addf %mul3A_447, %add3A_424 : vector<16xf32>
        %mul3A_449 = arith.mulf %sub3A_446, %sub3A_446 : vector<16xf32>
        %add3A_450 = arith.addf %mul3A_449, %add3A_426 : vector<16xf32>
        %broadcast_in_dim3A_451 = arith.constant 11 : i32
        %broadcast_in_dim3A_452 = vector.broadcast %broadcast_in_dim3A_451 : i32 to vector<16xi32>
        %gather3A_453 = tpu.vector_load_idx %arg15[%add3A_188, %broadcast_in_dim3A_452] : memref<1000x16xi32, #tpu.memory_space<vmem>>[vector<16xi32>, vector<16xi32>], vector<16xi32>,
        %gather3A_454 = tpu.vector_load_idx %arg17[%add3A_188, %broadcast_in_dim3A_452] : memref<1000x16xi32, #tpu.memory_space<vmem>>[vector<16xi32>, vector<16xi32>], vector<16xi32>,
        %shift_left3A_455 = arith.constant 16 : i32
        %shift_left3A_456 = vector.broadcast %shift_left3A_455 : i32 to vector<16xi32>
        %shift_left3A_457 = arith.shli %gather3A_453, %shift_left3A_456 : vector<16xi32>
        %bitcast3A_458 = vector.bitcast %shift_left3A_457 : vector<16xi32> to vector<16xf32>
        %shift_left3A_459 = arith.constant 16 : i32
        %shift_left3A_460 = vector.broadcast %shift_left3A_459 : i32 to vector<16xi32>
        %shift_left3A_461 = arith.shli %gather3A_454, %shift_left3A_460 : vector<16xi32>
        %bitcast3A_462 = vector.bitcast %shift_left3A_461 : vector<16xi32> to vector<16xf32>
        %and3A_463 = vector.broadcast %scan3A_16 : i32 to vector<16xi32>
        %and3A_464 = arith.andi %gather3A_453, %and3A_463 : vector<16xi32>
        %bitcast3A_465 = vector.bitcast %and3A_464 : vector<16xi32> to vector<16xf32>
        %and3A_466 = vector.broadcast %scan3A_16 : i32 to vector<16xi32>
        %and3A_467 = arith.andi %gather3A_454, %and3A_466 : vector<16xi32>
        %bitcast3A_468 = vector.bitcast %and3A_467 : vector<16xi32> to vector<16xf32>
        %sub3A_469 = arith.subf %bitcast3A_458, %bitcast3A_462 : vector<16xf32>
        %sub3A_470 = arith.subf %bitcast3A_465, %bitcast3A_468 : vector<16xf32>
        %mul3A_471 = arith.mulf %sub3A_469, %sub3A_469 : vector<16xf32>
        %add3A_472 = arith.addf %mul3A_471, %add3A_448 : vector<16xf32>
        %mul3A_473 = arith.mulf %sub3A_470, %sub3A_470 : vector<16xf32>
        %add3A_474 = arith.addf %mul3A_473, %add3A_450 : vector<16xf32>
        %broadcast_in_dim3A_475 = arith.constant 12 : i32
        %broadcast_in_dim3A_476 = vector.broadcast %broadcast_in_dim3A_475 : i32 to vector<16xi32>
        %gather3A_477 = tpu.vector_load_idx %arg15[%add3A_188, %broadcast_in_dim3A_476] : memref<1000x16xi32, #tpu.memory_space<vmem>>[vector<16xi32>, vector<16xi32>], vector<16xi32>,
        %gather3A_478 = tpu.vector_load_idx %arg17[%add3A_188, %broadcast_in_dim3A_476] : memref<1000x16xi32, #tpu.memory_space<vmem>>[vector<16xi32>, vector<16xi32>], vector<16xi32>,
        %shift_left3A_479 = arith.constant 16 : i32
        %shift_left3A_480 = vector.broadcast %shift_left3A_479 : i32 to vector<16xi32>
        %shift_left3A_481 = arith.shli %gather3A_477, %shift_left3A_480 : vector<16xi32>
        %bitcast3A_482 = vector.bitcast %shift_left3A_481 : vector<16xi32> to vector<16xf32>
        %shift_left3A_483 = arith.constant 16 : i32
        %shift_left3A_484 = vector.broadcast %shift_left3A_483 : i32 to vector<16xi32>
        %shift_left3A_485 = arith.shli %gather3A_478, %shift_left3A_484 : vector<16xi32>
        %bitcast3A_486 = vector.bitcast %shift_left3A_485 : vector<16xi32> to vector<16xf32>
        %and3A_487 = vector.broadcast %scan3A_16 : i32 to vector<16xi32>
        %and3A_488 = arith.andi %gather3A_477, %and3A_487 : vector<16xi32>
        %bitcast3A_489 = vector.bitcast %and3A_488 : vector<16xi32> to vector<16xf32>
        %and3A_490 = vector.broadcast %scan3A_16 : i32 to vector<16xi32>
        %and3A_491 = arith.andi %gather3A_478, %and3A_490 : vector<16xi32>
        %bitcast3A_492 = vector.bitcast %and3A_491 : vector<16xi32> to vector<16xf32>
        %sub3A_493 = arith.subf %bitcast3A_482, %bitcast3A_486 : vector<16xf32>
        %sub3A_494 = arith.subf %bitcast3A_489, %bitcast3A_492 : vector<16xf32>
        %mul3A_495 = arith.mulf %sub3A_493, %sub3A_493 : vector<16xf32>
        %add3A_496 = arith.addf %mul3A_495, %add3A_472 : vector<16xf32>
        %mul3A_497 = arith.mulf %sub3A_494, %sub3A_494 : vector<16xf32>
        %add3A_498 = arith.addf %mul3A_497, %add3A_474 : vector<16xf32>
        %broadcast_in_dim3A_499 = arith.constant 13 : i32
        %broadcast_in_dim3A_500 = vector.broadcast %broadcast_in_dim3A_499 : i32 to vector<16xi32>
        %gather3A_501 = tpu.vector_load_idx %arg15[%add3A_188, %broadcast_in_dim3A_500] : memref<1000x16xi32, #tpu.memory_space<vmem>>[vector<16xi32>, vector<16xi32>], vector<16xi32>,
        %gather3A_502 = tpu.vector_load_idx %arg17[%add3A_188, %broadcast_in_dim3A_500] : memref<1000x16xi32, #tpu.memory_space<vmem>>[vector<16xi32>, vector<16xi32>], vector<16xi32>,
        %shift_left3A_503 = arith.constant 16 : i32
        %shift_left3A_504 = vector.broadcast %shift_left3A_503 : i32 to vector<16xi32>
        %shift_left3A_505 = arith.shli %gather3A_501, %shift_left3A_504 : vector<16xi32>
        %bitcast3A_506 = vector.bitcast %shift_left3A_505 : vector<16xi32> to vector<16xf32>
        %shift_left3A_507 = arith.constant 16 : i32
        %shift_left3A_508 = vector.broadcast %shift_left3A_507 : i32 to vector<16xi32>
        %shift_left3A_509 = arith.shli %gather3A_502, %shift_left3A_508 : vector<16xi32>
        %bitcast3A_510 = vector.bitcast %shift_left3A_509 : vector<16xi32> to vector<16xf32>
        %and3A_511 = vector.broadcast %scan3A_16 : i32 to vector<16xi32>
        %and3A_512 = arith.andi %gather3A_501, %and3A_511 : vector<16xi32>
        %bitcast3A_513 = vector.bitcast %and3A_512 : vector<16xi32> to vector<16xf32>
        %and3A_514 = vector.broadcast %scan3A_16 : i32 to vector<16xi32>
        %and3A_515 = arith.andi %gather3A_502, %and3A_514 : vector<16xi32>
        %bitcast3A_516 = vector.bitcast %and3A_515 : vector<16xi32> to vector<16xf32>
        %sub3A_517 = arith.subf %bitcast3A_506, %bitcast3A_510 : vector<16xf32>
        %sub3A_518 = arith.subf %bitcast3A_513, %bitcast3A_516 : vector<16xf32>
        %mul3A_519 = arith.mulf %sub3A_517, %sub3A_517 : vector<16xf32>
        %add3A_520 = arith.addf %mul3A_519, %add3A_496 : vector<16xf32>
        %mul3A_521 = arith.mulf %sub3A_518, %sub3A_518 : vector<16xf32>
        %add3A_522 = arith.addf %mul3A_521, %add3A_498 : vector<16xf32>
        %broadcast_in_dim3A_523 = arith.constant 14 : i32
        %broadcast_in_dim3A_524 = vector.broadcast %broadcast_in_dim3A_523 : i32 to vector<16xi32>
        %gather3A_525 = tpu.vector_load_idx %arg15[%add3A_188, %broadcast_in_dim3A_524] : memref<1000x16xi32, #tpu.memory_space<vmem>>[vector<16xi32>, vector<16xi32>], vector<16xi32>,
        %gather3A_526 = tpu.vector_load_idx %arg17[%add3A_188, %broadcast_in_dim3A_524] : memref<1000x16xi32, #tpu.memory_space<vmem>>[vector<16xi32>, vector<16xi32>], vector<16xi32>,
        %shift_left3A_527 = arith.constant 16 : i32
        %shift_left3A_528 = vector.broadcast %shift_left3A_527 : i32 to vector<16xi32>
        %shift_left3A_529 = arith.shli %gather3A_525, %shift_left3A_528 : vector<16xi32>
        %bitcast3A_530 = vector.bitcast %shift_left3A_529 : vector<16xi32> to vector<16xf32>
        %shift_left3A_531 = arith.constant 16 : i32
        %shift_left3A_532 = vector.broadcast %shift_left3A_531 : i32 to vector<16xi32>
        %shift_left3A_533 = arith.shli %gather3A_526, %shift_left3A_532 : vector<16xi32>
        %bitcast3A_534 = vector.bitcast %shift_left3A_533 : vector<16xi32> to vector<16xf32>
        %and3A_535 = vector.broadcast %scan3A_16 : i32 to vector<16xi32>
        %and3A_536 = arith.andi %gather3A_525, %and3A_535 : vector<16xi32>
        %bitcast3A_537 = vector.bitcast %and3A_536 : vector<16xi32> to vector<16xf32>
        %and3A_538 = vector.broadcast %scan3A_16 : i32 to vector<16xi32>
        %and3A_539 = arith.andi %gather3A_526, %and3A_538 : vector<16xi32>
        %bitcast3A_540 = vector.bitcast %and3A_539 : vector<16xi32> to vector<16xf32>
        %sub3A_541 = arith.subf %bitcast3A_530, %bitcast3A_534 : vector<16xf32>
        %sub3A_542 = arith.subf %bitcast3A_537, %bitcast3A_540 : vector<16xf32>
        %mul3A_543 = arith.mulf %sub3A_541, %sub3A_541 : vector<16xf32>
        %add3A_544 = arith.addf %mul3A_543, %add3A_520 : vector<16xf32>
        %mul3A_545 = arith.mulf %sub3A_542, %sub3A_542 : vector<16xf32>
        %add3A_546 = arith.addf %mul3A_545, %add3A_522 : vector<16xf32>
        %broadcast_in_dim3A_547 = arith.constant 15 : i32
        %broadcast_in_dim3A_548 = vector.broadcast %broadcast_in_dim3A_547 : i32 to vector<16xi32>
        %gather3A_549 = tpu.vector_load_idx %arg15[%add3A_188, %broadcast_in_dim3A_548] : memref<1000x16xi32, #tpu.memory_space<vmem>>[vector<16xi32>, vector<16xi32>], vector<16xi32>,
        %gather3A_550 = tpu.vector_load_idx %arg17[%add3A_188, %broadcast_in_dim3A_548] : memref<1000x16xi32, #tpu.memory_space<vmem>>[vector<16xi32>, vector<16xi32>], vector<16xi32>,
        %shift_left3A_551 = arith.constant 16 : i32
        %shift_left3A_552 = vector.broadcast %shift_left3A_551 : i32 to vector<16xi32>
        %shift_left3A_553 = arith.shli %gather3A_549, %shift_left3A_552 : vector<16xi32>
        %bitcast3A_554 = vector.bitcast %shift_left3A_553 : vector<16xi32> to vector<16xf32>
        %shift_left3A_555 = arith.constant 16 : i32
        %shift_left3A_556 = vector.broadcast %shift_left3A_555 : i32 to vector<16xi32>
        %shift_left3A_557 = arith.shli %gather3A_550, %shift_left3A_556 : vector<16xi32>
        %bitcast3A_558 = vector.bitcast %shift_left3A_557 : vector<16xi32> to vector<16xf32>
        %and3A_559 = vector.broadcast %scan3A_16 : i32 to vector<16xi32>
        %and3A_560 = arith.andi %gather3A_549, %and3A_559 : vector<16xi32>
        %bitcast3A_561 = vector.bitcast %and3A_560 : vector<16xi32> to vector<16xf32>
        %and3A_562 = vector.broadcast %scan3A_16 : i32 to vector<16xi32>
        %and3A_563 = arith.andi %gather3A_550, %and3A_562 : vector<16xi32>
        %bitcast3A_564 = vector.bitcast %and3A_563 : vector<16xi32> to vector<16xf32>
        %sub3A_565 = arith.subf %bitcast3A_554, %bitcast3A_558 : vector<16xf32>
        %sub3A_566 = arith.subf %bitcast3A_561, %bitcast3A_564 : vector<16xf32>
        %mul3A_567 = arith.mulf %sub3A_565, %sub3A_565 : vector<16xf32>
        %add3A_568 = arith.addf %mul3A_567, %add3A_544 : vector<16xf32>
        %mul3A_569 = arith.mulf %sub3A_566, %sub3A_566 : vector<16xf32>
        %add3A_570 = arith.addf %mul3A_569, %add3A_546 : vector<16xf32>
        %add3A_571 = arith.addf %add3A_568, %add3A_570 : vector<16xf32>
        %swap3A = arith.index_cast %min3A_186 : i32 to index
        %swap3A_572 = tpu.vector_load %arg23[%swap3A] {strides = array<i32>} : memref<1000xf32, #tpu.memory_space<vmem>>, vector<16xf32>,
        tpu.vector_store %arg23[%swap3A], %add3A_571 {strides = array<i32>} : memref<1000xf32, #tpu.memory_space<vmem>>, vector<16xf32>,
        %get3A = arith.index_cast %min3A_186 : i32 to index
        %get3A_573 = tpu.vector_load %arg19[%get3A] {strides = array<i32>} : memref<1000xi32, #tpu.memory_space<vmem>>, vector<16xi32>,
        %get3A_574 = arith.index_cast %min3A_186 : i32 to index
        %get3A_575 = tpu.vector_load %arg21[%get3A_574] {strides = array<i32>} : memref<1000xi32, #tpu.memory_space<vmem>>, vector<16xi32>,
        %shift_right_logical3A = arith.constant 4 : i32
        %shift_right_logical3A_576 = vector.broadcast %shift_right_logical3A : i32 to vector<16xi32>
        %shift_right_logical3A_577 = arith.shrui %get3A_573, %shift_right_logical3A_576 : vector<16xi32>
        %shift_right_logical3A_578 = arith.constant 4 : i32
        %shift_right_logical3A_579 = vector.broadcast %shift_right_logical3A_578 : i32 to vector<16xi32>
        %shift_right_logical3A_580 = arith.shrui %get3A_575, %shift_right_logical3A_579 : vector<16xi32>
        %eq3A = arith.cmpi eq, %shift_right_logical3A_577, %shift_right_logical3A_580 : vector<16xi32>
        %convert_element_type3A = arith.extui %eq3A : vector<16xi1> to vector<16xi32>
        %and3A_581 = arith.constant 15 : i32
        %and3A_582 = vector.broadcast %and3A_581 : i32 to vector<16xi32>
        %and3A_583 = arith.andi %get3A_573, %and3A_582 : vector<16xi32>
        %and3A_584 = arith.constant 15 : i32
        %and3A_585 = vector.broadcast %and3A_584 : i32 to vector<16xi32>
        %and3A_586 = arith.andi %get3A_575, %and3A_585 : vector<16xi32>
        %sub3A_587 = arith.subi %and3A_583, %and3A_586 : vector<16xi32>
        %abs3A = math.absi %sub3A_587 : vector<16xi32>
        %lt3A = arith.constant 3 : i32
        %lt3A_588 = vector.broadcast %lt3A : i32 to vector<16xi32>
        %lt3A_589 = arith.cmpi slt, %abs3A, %lt3A_588 : vector<16xi32>
        %convert_element_type3A_590 = arith.extui %lt3A_589 : vector<16xi1> to vector<16xi32>
        %mul3A_591 = arith.constant 2 : i32
        %mul3A_592 = vector.broadcast %mul3A_591 : i32 to vector<16xi32>
        %mul3A_593 = arith.muli %mul3A_592, %convert_element_type3A_590 : vector<16xi32>
        %add3A_594 = arith.addi %convert_element_type3A, %mul3A_593 : vector<16xi32>
        %swap3A_595 = arith.index_cast %min3A_186 : i32 to index
        %swap3A_596 = tpu.vector_load %arg25[%swap3A_595] {strides = array<i32>} : memref<1000xi32, #tpu.memory_space<vmem>>, vector<16xi32>,
        tpu.vector_store %arg25[%swap3A_595], %add3A_594 {strides = array<i32>} : memref<1000xi32, #tpu.memory_space<vmem>>, vector<16xi32>,
      }
      %scan3A_172 = arith.constant 63 : i32
      %add3A_173 = arith.constant 0 : i32
      %add3A_174 = arith.addi %add3A_173, %mul3A_2 : i32
      %mul3A_175 = arith.constant 1000 : i32
      %mul3A_176 = arith.muli %add3A_156, %mul3A_175 : i32
      %add3A_177 = arith.addi %add3A_174, %mul3A_176 : i32
      "tpu.region"() ({
        %run_scoped3A = tpu.sem_alloc : memref<!tpu.dma_semaphore, #tpu.memory_space<semaphore_mem>>
        %dma_start3A_183 = tpu.memref_slice %arg8[%add3A_177] : memref<1600000xf32, #tpu.memory_space<hbm>> -> memref<1000xf32, #tpu.memory_space<hbm>>
        %dma_start3A_184 = tpu.memref_slice %arg8[%add3A_177] : memref<1600000xf32, #tpu.memory_space<hbm>> -> memref<1000xf32, #tpu.memory_space<hbm>>
        tpu.enqueue_dma source(%arg23 : memref<1000xf32, #tpu.memory_space<vmem>>) target(%dma_start3A_184 : memref<1000xf32, #tpu.memory_space<hbm>>) target_semaphore(%run_scoped3A : memref<!tpu.dma_semaphore, #tpu.memory_space<semaphore_mem>>)
        %dma_wait3A_185 = tpu.memref_slice %arg8[%add3A_177] : memref<1600000xf32, #tpu.memory_space<hbm>> -> memref<1000xf32, #tpu.memory_space<hbm>>
        %dma_wait3A_186 = tpu.memref_slice %arg8[%add3A_177] : memref<1600000xf32, #tpu.memory_space<hbm>> -> memref<1000xf32, #tpu.memory_space<hbm>>
        tpu.wait_dma2 semaphore(%run_scoped3A : memref<!tpu.dma_semaphore, #tpu.memory_space<semaphore_mem>>) src(%arg23 : memref<1000xf32, #tpu.memory_space<vmem>>) dst(%dma_wait3A_186 : memref<1000xf32, #tpu.memory_space<hbm>>)
        tpu.yield
      }) : () -> ()
      %add3A_178 = arith.constant 0 : i32
      %add3A_179 = arith.addi %add3A_178, %mul3A_2 : i32
      %mul3A_180 = arith.constant 1000 : i32
      %mul3A_181 = arith.muli %add3A_156, %mul3A_180 : i32
      %add3A_182 = arith.addi %add3A_179, %mul3A_181 : i32
      "tpu.region"() ({
        %run_scoped3A = tpu.sem_alloc : memref<!tpu.dma_semaphore, #tpu.memory_space<semaphore_mem>>
        %dma_start3A_183 = tpu.memref_slice %arg9[%add3A_182] : memref<1600000xi32, #tpu.memory_space<hbm>> -> memref<1000xi32, #tpu.memory_space<hbm>>
        %dma_start3A_184 = tpu.memref_slice %arg9[%add3A_182] : memref<1600000xi32, #tpu.memory_space<hbm>> -> memref<1000xi32, #tpu.memory_space<hbm>>
        tpu.enqueue_dma source(%arg25 : memref<1000xi32, #tpu.memory_space<vmem>>) target(%dma_start3A_184 : memref<1000xi32, #tpu.memory_space<hbm>>) target_semaphore(%run_scoped3A : memref<!tpu.dma_semaphore, #tpu.memory_space<semaphore_mem>>)
        %dma_wait3A_185 = tpu.memref_slice %arg9[%add3A_182] : memref<1600000xi32, #tpu.memory_space<hbm>> -> memref<1000xi32, #tpu.memory_space<hbm>>
        %dma_wait3A_186 = tpu.memref_slice %arg9[%add3A_182] : memref<1600000xi32, #tpu.memory_space<hbm>> -> memref<1000xi32, #tpu.memory_space<hbm>>
        tpu.wait_dma2 semaphore(%run_scoped3A : memref<!tpu.dma_semaphore, #tpu.memory_space<semaphore_mem>>) src(%arg25 : memref<1000xi32, #tpu.memory_space<vmem>>) dst(%dma_wait3A_186 : memref<1000xi32, #tpu.memory_space<hbm>>)
        tpu.yield
      }) : () -> ()
    }
    %scan3A_21 = arith.constant 12 : i32
    %dma_wait3A = arith.constant 0 : i32
    %dma_wait3A_22 = arith.constant 0 : i32
    %dma_wait3A_23 = tpu.memref_slice %arg2[%dma_wait3A, %dma_wait3A_22] : memref<50000x16xi32, #tpu.memory_space<hbm>> -> memref<50000x16xi32, #tpu.memory_space<hbm>>
    tpu.wait_indirect_dma semaphore(%arg26 : memref<!tpu.dma_semaphore, #tpu.memory_space<semaphore_mem>>) src(%dma_wait3A_23 : memref<50000x16xi32, #tpu.memory_space<hbm>>) dst(%arg14 : memref<1000x16xi32, #tpu.memory_space<vmem>>)
    %dma_wait3A_24 = arith.constant 0 : i32
    %dma_wait3A_25 = arith.constant 0 : i32
    %dma_wait3A_26 = tpu.memref_slice %arg2[%dma_wait3A_24, %dma_wait3A_25] : memref<50000x16xi32, #tpu.memory_space<hbm>> -> memref<50000x16xi32, #tpu.memory_space<hbm>>
    tpu.wait_indirect_dma semaphore(%arg26 : memref<!tpu.dma_semaphore, #tpu.memory_space<semaphore_mem>>) src(%dma_wait3A_26 : memref<50000x16xi32, #tpu.memory_space<hbm>>) dst(%arg16 : memref<1000x16xi32, #tpu.memory_space<vmem>>)
    %dma_wait3A_27 = arith.constant 0 : i32
    %dma_wait3A_28 = tpu.memref_slice %arg4[%dma_wait3A_27] : memref<50000xi32, #tpu.memory_space<hbm>> -> memref<50000xi32, #tpu.memory_space<hbm>>
    tpu.wait_indirect_dma semaphore(%arg26 : memref<!tpu.dma_semaphore, #tpu.memory_space<semaphore_mem>>) src(%dma_wait3A_28 : memref<50000xi32, #tpu.memory_space<hbm>>) dst(%arg18 : memref<1000xi32, #tpu.memory_space<vmem>>)
    %dma_wait3A_29 = arith.constant 0 : i32
    %dma_wait3A_30 = tpu.memref_slice %arg4[%dma_wait3A_29] : memref<50000xi32, #tpu.memory_space<hbm>> -> memref<50000xi32, #tpu.memory_space<hbm>>
    tpu.wait_indirect_dma semaphore(%arg26 : memref<!tpu.dma_semaphore, #tpu.memory_space<semaphore_mem>>) src(%dma_wait3A_30 : memref<50000xi32, #tpu.memory_space<hbm>>) dst(%arg20 : memref<1000xi32, #tpu.memory_space<vmem>>)
    %scan3A_31 = arith.constant 0 : i32
    %scan3A_32 = arith.constant -65536 : i32
    %scan3A_33 = arith.constant 0 : i32
    %scan3A_34 = arith.constant 63 : i32
    %scan3A_35 = arith.addi %scan3A_33, %scan3A_34 : i32
    %scan3A_36 = arith.constant 1 : i32
    scf.for %scan3A_92 = %scan3A_33 to %scan3A_35 step %scan3A_36  : i32 {
      %mul3A_93 = arith.constant 16 : i32
      %mul3A_94 = arith.muli %scan3A_92, %mul3A_93 : i32
      %min3A = arith.constant 984 : i32
      %min3A_95 = arith.minsi %mul3A_94, %min3A : i32
      %add3A_96 = vector.broadcast %min3A_95 : i32 to vector<16xi32>
      %add3A_97 = arith.addi %add3A_96, %iota3A : vector<16xi32>
      %broadcast_in_dim3A = arith.constant 0.000000e+00 : f32
      %broadcast_in_dim3A_98 = vector.broadcast %broadcast_in_dim3A : f32 to vector<16xf32>
      %broadcast_in_dim3A_99 = arith.constant 0.000000e+00 : f32
      %broadcast_in_dim3A_100 = vector.broadcast %broadcast_in_dim3A_99 : f32 to vector<16xf32>
      %broadcast_in_dim3A_101 = arith.constant 0 : i32
      %broadcast_in_dim3A_102 = vector.broadcast %broadcast_in_dim3A_101 : i32 to vector<16xi32>
      %gather3A = tpu.vector_load_idx %arg14[%add3A_97, %broadcast_in_dim3A_102] : memref<1000x16xi32, #tpu.memory_space<vmem>>[vector<16xi32>, vector<16xi32>], vector<16xi32>,
      %gather3A_103 = tpu.vector_load_idx %arg16[%add3A_97, %broadcast_in_dim3A_102] : memref<1000x16xi32, #tpu.memory_space<vmem>>[vector<16xi32>, vector<16xi32>], vector<16xi32>,
      %shift_left3A = arith.constant 16 : i32
      %shift_left3A_104 = vector.broadcast %shift_left3A : i32 to vector<16xi32>
      %shift_left3A_105 = arith.shli %gather3A, %shift_left3A_104 : vector<16xi32>
      %bitcast3A = vector.bitcast %shift_left3A_105 : vector<16xi32> to vector<16xf32>
      %shift_left3A_106 = arith.constant 16 : i32
      %shift_left3A_107 = vector.broadcast %shift_left3A_106 : i32 to vector<16xi32>
      %shift_left3A_108 = arith.shli %gather3A_103, %shift_left3A_107 : vector<16xi32>
      %bitcast3A_109 = vector.bitcast %shift_left3A_108 : vector<16xi32> to vector<16xf32>
      %and3A = vector.broadcast %scan3A_32 : i32 to vector<16xi32>
      %and3A_110 = arith.andi %gather3A, %and3A : vector<16xi32>
      %bitcast3A_111 = vector.bitcast %and3A_110 : vector<16xi32> to vector<16xf32>
      %and3A_112 = vector.broadcast %scan3A_32 : i32 to vector<16xi32>
      %and3A_113 = arith.andi %gather3A_103, %and3A_112 : vector<16xi32>
      %bitcast3A_114 = vector.bitcast %and3A_113 : vector<16xi32> to vector<16xf32>
      %sub3A = arith.subf %bitcast3A, %bitcast3A_109 : vector<16xf32>
      %sub3A_115 = arith.subf %bitcast3A_111, %bitcast3A_114 : vector<16xf32>
      %mul3A_116 = arith.mulf %sub3A, %sub3A : vector<16xf32>
      %add3A_117 = arith.addf %mul3A_116, %broadcast_in_dim3A_98 : vector<16xf32>
      %mul3A_118 = arith.mulf %sub3A_115, %sub3A_115 : vector<16xf32>
      %add3A_119 = arith.addf %mul3A_118, %broadcast_in_dim3A_100 : vector<16xf32>
      %broadcast_in_dim3A_120 = arith.constant 1 : i32
      %broadcast_in_dim3A_121 = vector.broadcast %broadcast_in_dim3A_120 : i32 to vector<16xi32>
      %gather3A_122 = tpu.vector_load_idx %arg14[%add3A_97, %broadcast_in_dim3A_121] : memref<1000x16xi32, #tpu.memory_space<vmem>>[vector<16xi32>, vector<16xi32>], vector<16xi32>,
      %gather3A_123 = tpu.vector_load_idx %arg16[%add3A_97, %broadcast_in_dim3A_121] : memref<1000x16xi32, #tpu.memory_space<vmem>>[vector<16xi32>, vector<16xi32>], vector<16xi32>,
      %shift_left3A_124 = arith.constant 16 : i32
      %shift_left3A_125 = vector.broadcast %shift_left3A_124 : i32 to vector<16xi32>
      %shift_left3A_126 = arith.shli %gather3A_122, %shift_left3A_125 : vector<16xi32>
      %bitcast3A_127 = vector.bitcast %shift_left3A_126 : vector<16xi32> to vector<16xf32>
      %shift_left3A_128 = arith.constant 16 : i32
      %shift_left3A_129 = vector.broadcast %shift_left3A_128 : i32 to vector<16xi32>
      %shift_left3A_130 = arith.shli %gather3A_123, %shift_left3A_129 : vector<16xi32>
      %bitcast3A_131 = vector.bitcast %shift_left3A_130 : vector<16xi32> to vector<16xf32>
      %and3A_132 = vector.broadcast %scan3A_32 : i32 to vector<16xi32>
      %and3A_133 = arith.andi %gather3A_122, %and3A_132 : vector<16xi32>
      %bitcast3A_134 = vector.bitcast %and3A_133 : vector<16xi32> to vector<16xf32>
      %and3A_135 = vector.broadcast %scan3A_32 : i32 to vector<16xi32>
      %and3A_136 = arith.andi %gather3A_123, %and3A_135 : vector<16xi32>
      %bitcast3A_137 = vector.bitcast %and3A_136 : vector<16xi32> to vector<16xf32>
      %sub3A_138 = arith.subf %bitcast3A_127, %bitcast3A_131 : vector<16xf32>
      %sub3A_139 = arith.subf %bitcast3A_134, %bitcast3A_137 : vector<16xf32>
      %mul3A_140 = arith.mulf %sub3A_138, %sub3A_138 : vector<16xf32>
      %add3A_141 = arith.addf %mul3A_140, %add3A_117 : vector<16xf32>
      %mul3A_142 = arith.mulf %sub3A_139, %sub3A_139 : vector<16xf32>
      %add3A_143 = arith.addf %mul3A_142, %add3A_119 : vector<16xf32>
      %broadcast_in_dim3A_144 = arith.constant 2 : i32
      %broadcast_in_dim3A_145 = vector.broadcast %broadcast_in_dim3A_144 : i32 to vector<16xi32>
      %gather3A_146 = tpu.vector_load_idx %arg14[%add3A_97, %broadcast_in_dim3A_145] : memref<1000x16xi32, #tpu.memory_space<vmem>>[vector<16xi32>, vector<16xi32>], vector<16xi32>,
      %gather3A_147 = tpu.vector_load_idx %arg16[%add3A_97, %broadcast_in_dim3A_145] : memref<1000x16xi32, #tpu.memory_space<vmem>>[vector<16xi32>, vector<16xi32>], vector<16xi32>,
      %shift_left3A_148 = arith.constant 16 : i32
      %shift_left3A_149 = vector.broadcast %shift_left3A_148 : i32 to vector<16xi32>
      %shift_left3A_150 = arith.shli %gather3A_146, %shift_left3A_149 : vector<16xi32>
      %bitcast3A_151 = vector.bitcast %shift_left3A_150 : vector<16xi32> to vector<16xf32>
      %shift_left3A_152 = arith.constant 16 : i32
      %shift_left3A_153 = vector.broadcast %shift_left3A_152 : i32 to vector<16xi32>
      %shift_left3A_154 = arith.shli %gather3A_147, %shift_left3A_153 : vector<16xi32>
      %bitcast3A_155 = vector.bitcast %shift_left3A_154 : vector<16xi32> to vector<16xf32>
      %and3A_156 = vector.broadcast %scan3A_32 : i32 to vector<16xi32>
      %and3A_157 = arith.andi %gather3A_146, %and3A_156 : vector<16xi32>
      %bitcast3A_158 = vector.bitcast %and3A_157 : vector<16xi32> to vector<16xf32>
      %and3A_159 = vector.broadcast %scan3A_32 : i32 to vector<16xi32>
      %and3A_160 = arith.andi %gather3A_147, %and3A_159 : vector<16xi32>
      %bitcast3A_161 = vector.bitcast %and3A_160 : vector<16xi32> to vector<16xf32>
      %sub3A_162 = arith.subf %bitcast3A_151, %bitcast3A_155 : vector<16xf32>
      %sub3A_163 = arith.subf %bitcast3A_158, %bitcast3A_161 : vector<16xf32>
      %mul3A_164 = arith.mulf %sub3A_162, %sub3A_162 : vector<16xf32>
      %add3A_165 = arith.addf %mul3A_164, %add3A_141 : vector<16xf32>
      %mul3A_166 = arith.mulf %sub3A_163, %sub3A_163 : vector<16xf32>
      %add3A_167 = arith.addf %mul3A_166, %add3A_143 : vector<16xf32>
      %broadcast_in_dim3A_168 = arith.constant 3 : i32
      %broadcast_in_dim3A_169 = vector.broadcast %broadcast_in_dim3A_168 : i32 to vector<16xi32>
      %gather3A_170 = tpu.vector_load_idx %arg14[%add3A_97, %broadcast_in_dim3A_169] : memref<1000x16xi32, #tpu.memory_space<vmem>>[vector<16xi32>, vector<16xi32>], vector<16xi32>,
      %gather3A_171 = tpu.vector_load_idx %arg16[%add3A_97, %broadcast_in_dim3A_169] : memref<1000x16xi32, #tpu.memory_space<vmem>>[vector<16xi32>, vector<16xi32>], vector<16xi32>,
      %shift_left3A_172 = arith.constant 16 : i32
      %shift_left3A_173 = vector.broadcast %shift_left3A_172 : i32 to vector<16xi32>
      %shift_left3A_174 = arith.shli %gather3A_170, %shift_left3A_173 : vector<16xi32>
      %bitcast3A_175 = vector.bitcast %shift_left3A_174 : vector<16xi32> to vector<16xf32>
      %shift_left3A_176 = arith.constant 16 : i32
      %shift_left3A_177 = vector.broadcast %shift_left3A_176 : i32 to vector<16xi32>
      %shift_left3A_178 = arith.shli %gather3A_171, %shift_left3A_177 : vector<16xi32>
      %bitcast3A_179 = vector.bitcast %shift_left3A_178 : vector<16xi32> to vector<16xf32>
      %and3A_180 = vector.broadcast %scan3A_32 : i32 to vector<16xi32>
      %and3A_181 = arith.andi %gather3A_170, %and3A_180 : vector<16xi32>
      %bitcast3A_182 = vector.bitcast %and3A_181 : vector<16xi32> to vector<16xf32>
      %and3A_183 = vector.broadcast %scan3A_32 : i32 to vector<16xi32>
      %and3A_184 = arith.andi %gather3A_171, %and3A_183 : vector<16xi32>
      %bitcast3A_185 = vector.bitcast %and3A_184 : vector<16xi32> to vector<16xf32>
      %sub3A_186 = arith.subf %bitcast3A_175, %bitcast3A_179 : vector<16xf32>
      %sub3A_187 = arith.subf %bitcast3A_182, %bitcast3A_185 : vector<16xf32>
      %mul3A_188 = arith.mulf %sub3A_186, %sub3A_186 : vector<16xf32>
      %add3A_189 = arith.addf %mul3A_188, %add3A_165 : vector<16xf32>
      %mul3A_190 = arith.mulf %sub3A_187, %sub3A_187 : vector<16xf32>
      %add3A_191 = arith.addf %mul3A_190, %add3A_167 : vector<16xf32>
      %broadcast_in_dim3A_192 = arith.constant 4 : i32
      %broadcast_in_dim3A_193 = vector.broadcast %broadcast_in_dim3A_192 : i32 to vector<16xi32>
      %gather3A_194 = tpu.vector_load_idx %arg14[%add3A_97, %broadcast_in_dim3A_193] : memref<1000x16xi32, #tpu.memory_space<vmem>>[vector<16xi32>, vector<16xi32>], vector<16xi32>,
      %gather3A_195 = tpu.vector_load_idx %arg16[%add3A_97, %broadcast_in_dim3A_193] : memref<1000x16xi32, #tpu.memory_space<vmem>>[vector<16xi32>, vector<16xi32>], vector<16xi32>,
      %shift_left3A_196 = arith.constant 16 : i32
      %shift_left3A_197 = vector.broadcast %shift_left3A_196 : i32 to vector<16xi32>
      %shift_left3A_198 = arith.shli %gather3A_194, %shift_left3A_197 : vector<16xi32>
      %bitcast3A_199 = vector.bitcast %shift_left3A_198 : vector<16xi32> to vector<16xf32>
      %shift_left3A_200 = arith.constant 16 : i32
      %shift_left3A_201 = vector.broadcast %shift_left3A_200 : i32 to vector<16xi32>
      %shift_left3A_202 = arith.shli %gather3A_195, %shift_left3A_201 : vector<16xi32>
      %bitcast3A_203 = vector.bitcast %shift_left3A_202 : vector<16xi32> to vector<16xf32>
      %and3A_204 = vector.broadcast %scan3A_32 : i32 to vector<16xi32>
      %and3A_205 = arith.andi %gather3A_194, %and3A_204 : vector<16xi32>
      %bitcast3A_206 = vector.bitcast %and3A_205 : vector<16xi32> to vector<16xf32>
      %and3A_207 = vector.broadcast %scan3A_32 : i32 to vector<16xi32>
      %and3A_208 = arith.andi %gather3A_195, %and3A_207 : vector<16xi32>
      %bitcast3A_209 = vector.bitcast %and3A_208 : vector<16xi32> to vector<16xf32>
      %sub3A_210 = arith.subf %bitcast3A_199, %bitcast3A_203 : vector<16xf32>
      %sub3A_211 = arith.subf %bitcast3A_206, %bitcast3A_209 : vector<16xf32>
      %mul3A_212 = arith.mulf %sub3A_210, %sub3A_210 : vector<16xf32>
      %add3A_213 = arith.addf %mul3A_212, %add3A_189 : vector<16xf32>
      %mul3A_214 = arith.mulf %sub3A_211, %sub3A_211 : vector<16xf32>
      %add3A_215 = arith.addf %mul3A_214, %add3A_191 : vector<16xf32>
      %broadcast_in_dim3A_216 = arith.constant 5 : i32
      %broadcast_in_dim3A_217 = vector.broadcast %broadcast_in_dim3A_216 : i32 to vector<16xi32>
      %gather3A_218 = tpu.vector_load_idx %arg14[%add3A_97, %broadcast_in_dim3A_217] : memref<1000x16xi32, #tpu.memory_space<vmem>>[vector<16xi32>, vector<16xi32>], vector<16xi32>,
      %gather3A_219 = tpu.vector_load_idx %arg16[%add3A_97, %broadcast_in_dim3A_217] : memref<1000x16xi32, #tpu.memory_space<vmem>>[vector<16xi32>, vector<16xi32>], vector<16xi32>,
      %shift_left3A_220 = arith.constant 16 : i32
      %shift_left3A_221 = vector.broadcast %shift_left3A_220 : i32 to vector<16xi32>
      %shift_left3A_222 = arith.shli %gather3A_218, %shift_left3A_221 : vector<16xi32>
      %bitcast3A_223 = vector.bitcast %shift_left3A_222 : vector<16xi32> to vector<16xf32>
      %shift_left3A_224 = arith.constant 16 : i32
      %shift_left3A_225 = vector.broadcast %shift_left3A_224 : i32 to vector<16xi32>
      %shift_left3A_226 = arith.shli %gather3A_219, %shift_left3A_225 : vector<16xi32>
      %bitcast3A_227 = vector.bitcast %shift_left3A_226 : vector<16xi32> to vector<16xf32>
      %and3A_228 = vector.broadcast %scan3A_32 : i32 to vector<16xi32>
      %and3A_229 = arith.andi %gather3A_218, %and3A_228 : vector<16xi32>
      %bitcast3A_230 = vector.bitcast %and3A_229 : vector<16xi32> to vector<16xf32>
      %and3A_231 = vector.broadcast %scan3A_32 : i32 to vector<16xi32>
      %and3A_232 = arith.andi %gather3A_219, %and3A_231 : vector<16xi32>
      %bitcast3A_233 = vector.bitcast %and3A_232 : vector<16xi32> to vector<16xf32>
      %sub3A_234 = arith.subf %bitcast3A_223, %bitcast3A_227 : vector<16xf32>
      %sub3A_235 = arith.subf %bitcast3A_230, %bitcast3A_233 : vector<16xf32>
      %mul3A_236 = arith.mulf %sub3A_234, %sub3A_234 : vector<16xf32>
      %add3A_237 = arith.addf %mul3A_236, %add3A_213 : vector<16xf32>
      %mul3A_238 = arith.mulf %sub3A_235, %sub3A_235 : vector<16xf32>
      %add3A_239 = arith.addf %mul3A_238, %add3A_215 : vector<16xf32>
      %broadcast_in_dim3A_240 = arith.constant 6 : i32
      %broadcast_in_dim3A_241 = vector.broadcast %broadcast_in_dim3A_240 : i32 to vector<16xi32>
      %gather3A_242 = tpu.vector_load_idx %arg14[%add3A_97, %broadcast_in_dim3A_241] : memref<1000x16xi32, #tpu.memory_space<vmem>>[vector<16xi32>, vector<16xi32>], vector<16xi32>,
      %gather3A_243 = tpu.vector_load_idx %arg16[%add3A_97, %broadcast_in_dim3A_241] : memref<1000x16xi32, #tpu.memory_space<vmem>>[vector<16xi32>, vector<16xi32>], vector<16xi32>,
      %shift_left3A_244 = arith.constant 16 : i32
      %shift_left3A_245 = vector.broadcast %shift_left3A_244 : i32 to vector<16xi32>
      %shift_left3A_246 = arith.shli %gather3A_242, %shift_left3A_245 : vector<16xi32>
      %bitcast3A_247 = vector.bitcast %shift_left3A_246 : vector<16xi32> to vector<16xf32>
      %shift_left3A_248 = arith.constant 16 : i32
      %shift_left3A_249 = vector.broadcast %shift_left3A_248 : i32 to vector<16xi32>
      %shift_left3A_250 = arith.shli %gather3A_243, %shift_left3A_249 : vector<16xi32>
      %bitcast3A_251 = vector.bitcast %shift_left3A_250 : vector<16xi32> to vector<16xf32>
      %and3A_252 = vector.broadcast %scan3A_32 : i32 to vector<16xi32>
      %and3A_253 = arith.andi %gather3A_242, %and3A_252 : vector<16xi32>
      %bitcast3A_254 = vector.bitcast %and3A_253 : vector<16xi32> to vector<16xf32>
      %and3A_255 = vector.broadcast %scan3A_32 : i32 to vector<16xi32>
      %and3A_256 = arith.andi %gather3A_243, %and3A_255 : vector<16xi32>
      %bitcast3A_257 = vector.bitcast %and3A_256 : vector<16xi32> to vector<16xf32>
      %sub3A_258 = arith.subf %bitcast3A_247, %bitcast3A_251 : vector<16xf32>
      %sub3A_259 = arith.subf %bitcast3A_254, %bitcast3A_257 : vector<16xf32>
      %mul3A_260 = arith.mulf %sub3A_258, %sub3A_258 : vector<16xf32>
      %add3A_261 = arith.addf %mul3A_260, %add3A_237 : vector<16xf32>
      %mul3A_262 = arith.mulf %sub3A_259, %sub3A_259 : vector<16xf32>
      %add3A_263 = arith.addf %mul3A_262, %add3A_239 : vector<16xf32>
      %broadcast_in_dim3A_264 = arith.constant 7 : i32
      %broadcast_in_dim3A_265 = vector.broadcast %broadcast_in_dim3A_264 : i32 to vector<16xi32>
      %gather3A_266 = tpu.vector_load_idx %arg14[%add3A_97, %broadcast_in_dim3A_265] : memref<1000x16xi32, #tpu.memory_space<vmem>>[vector<16xi32>, vector<16xi32>], vector<16xi32>,
      %gather3A_267 = tpu.vector_load_idx %arg16[%add3A_97, %broadcast_in_dim3A_265] : memref<1000x16xi32, #tpu.memory_space<vmem>>[vector<16xi32>, vector<16xi32>], vector<16xi32>,
      %shift_left3A_268 = arith.constant 16 : i32
      %shift_left3A_269 = vector.broadcast %shift_left3A_268 : i32 to vector<16xi32>
      %shift_left3A_270 = arith.shli %gather3A_266, %shift_left3A_269 : vector<16xi32>
      %bitcast3A_271 = vector.bitcast %shift_left3A_270 : vector<16xi32> to vector<16xf32>
      %shift_left3A_272 = arith.constant 16 : i32
      %shift_left3A_273 = vector.broadcast %shift_left3A_272 : i32 to vector<16xi32>
      %shift_left3A_274 = arith.shli %gather3A_267, %shift_left3A_273 : vector<16xi32>
      %bitcast3A_275 = vector.bitcast %shift_left3A_274 : vector<16xi32> to vector<16xf32>
      %and3A_276 = vector.broadcast %scan3A_32 : i32 to vector<16xi32>
      %and3A_277 = arith.andi %gather3A_266, %and3A_276 : vector<16xi32>
      %bitcast3A_278 = vector.bitcast %and3A_277 : vector<16xi32> to vector<16xf32>
      %and3A_279 = vector.broadcast %scan3A_32 : i32 to vector<16xi32>
      %and3A_280 = arith.andi %gather3A_267, %and3A_279 : vector<16xi32>
      %bitcast3A_281 = vector.bitcast %and3A_280 : vector<16xi32> to vector<16xf32>
      %sub3A_282 = arith.subf %bitcast3A_271, %bitcast3A_275 : vector<16xf32>
      %sub3A_283 = arith.subf %bitcast3A_278, %bitcast3A_281 : vector<16xf32>
      %mul3A_284 = arith.mulf %sub3A_282, %sub3A_282 : vector<16xf32>
      %add3A_285 = arith.addf %mul3A_284, %add3A_261 : vector<16xf32>
      %mul3A_286 = arith.mulf %sub3A_283, %sub3A_283 : vector<16xf32>
      %add3A_287 = arith.addf %mul3A_286, %add3A_263 : vector<16xf32>
      %broadcast_in_dim3A_288 = arith.constant 8 : i32
      %broadcast_in_dim3A_289 = vector.broadcast %broadcast_in_dim3A_288 : i32 to vector<16xi32>
      %gather3A_290 = tpu.vector_load_idx %arg14[%add3A_97, %broadcast_in_dim3A_289] : memref<1000x16xi32, #tpu.memory_space<vmem>>[vector<16xi32>, vector<16xi32>], vector<16xi32>,
      %gather3A_291 = tpu.vector_load_idx %arg16[%add3A_97, %broadcast_in_dim3A_289] : memref<1000x16xi32, #tpu.memory_space<vmem>>[vector<16xi32>, vector<16xi32>], vector<16xi32>,
      %shift_left3A_292 = arith.constant 16 : i32
      %shift_left3A_293 = vector.broadcast %shift_left3A_292 : i32 to vector<16xi32>
      %shift_left3A_294 = arith.shli %gather3A_290, %shift_left3A_293 : vector<16xi32>
      %bitcast3A_295 = vector.bitcast %shift_left3A_294 : vector<16xi32> to vector<16xf32>
      %shift_left3A_296 = arith.constant 16 : i32
      %shift_left3A_297 = vector.broadcast %shift_left3A_296 : i32 to vector<16xi32>
      %shift_left3A_298 = arith.shli %gather3A_291, %shift_left3A_297 : vector<16xi32>
      %bitcast3A_299 = vector.bitcast %shift_left3A_298 : vector<16xi32> to vector<16xf32>
      %and3A_300 = vector.broadcast %scan3A_32 : i32 to vector<16xi32>
      %and3A_301 = arith.andi %gather3A_290, %and3A_300 : vector<16xi32>
      %bitcast3A_302 = vector.bitcast %and3A_301 : vector<16xi32> to vector<16xf32>
      %and3A_303 = vector.broadcast %scan3A_32 : i32 to vector<16xi32>
      %and3A_304 = arith.andi %gather3A_291, %and3A_303 : vector<16xi32>
      %bitcast3A_305 = vector.bitcast %and3A_304 : vector<16xi32> to vector<16xf32>
      %sub3A_306 = arith.subf %bitcast3A_295, %bitcast3A_299 : vector<16xf32>
      %sub3A_307 = arith.subf %bitcast3A_302, %bitcast3A_305 : vector<16xf32>
      %mul3A_308 = arith.mulf %sub3A_306, %sub3A_306 : vector<16xf32>
      %add3A_309 = arith.addf %mul3A_308, %add3A_285 : vector<16xf32>
      %mul3A_310 = arith.mulf %sub3A_307, %sub3A_307 : vector<16xf32>
      %add3A_311 = arith.addf %mul3A_310, %add3A_287 : vector<16xf32>
      %broadcast_in_dim3A_312 = arith.constant 9 : i32
      %broadcast_in_dim3A_313 = vector.broadcast %broadcast_in_dim3A_312 : i32 to vector<16xi32>
      %gather3A_314 = tpu.vector_load_idx %arg14[%add3A_97, %broadcast_in_dim3A_313] : memref<1000x16xi32, #tpu.memory_space<vmem>>[vector<16xi32>, vector<16xi32>], vector<16xi32>,
      %gather3A_315 = tpu.vector_load_idx %arg16[%add3A_97, %broadcast_in_dim3A_313] : memref<1000x16xi32, #tpu.memory_space<vmem>>[vector<16xi32>, vector<16xi32>], vector<16xi32>,
      %shift_left3A_316 = arith.constant 16 : i32
      %shift_left3A_317 = vector.broadcast %shift_left3A_316 : i32 to vector<16xi32>
      %shift_left3A_318 = arith.shli %gather3A_314, %shift_left3A_317 : vector<16xi32>
      %bitcast3A_319 = vector.bitcast %shift_left3A_318 : vector<16xi32> to vector<16xf32>
      %shift_left3A_320 = arith.constant 16 : i32
      %shift_left3A_321 = vector.broadcast %shift_left3A_320 : i32 to vector<16xi32>
      %shift_left3A_322 = arith.shli %gather3A_315, %shift_left3A_321 : vector<16xi32>
      %bitcast3A_323 = vector.bitcast %shift_left3A_322 : vector<16xi32> to vector<16xf32>
      %and3A_324 = vector.broadcast %scan3A_32 : i32 to vector<16xi32>
      %and3A_325 = arith.andi %gather3A_314, %and3A_324 : vector<16xi32>
      %bitcast3A_326 = vector.bitcast %and3A_325 : vector<16xi32> to vector<16xf32>
      %and3A_327 = vector.broadcast %scan3A_32 : i32 to vector<16xi32>
      %and3A_328 = arith.andi %gather3A_315, %and3A_327 : vector<16xi32>
      %bitcast3A_329 = vector.bitcast %and3A_328 : vector<16xi32> to vector<16xf32>
      %sub3A_330 = arith.subf %bitcast3A_319, %bitcast3A_323 : vector<16xf32>
      %sub3A_331 = arith.subf %bitcast3A_326, %bitcast3A_329 : vector<16xf32>
      %mul3A_332 = arith.mulf %sub3A_330, %sub3A_330 : vector<16xf32>
      %add3A_333 = arith.addf %mul3A_332, %add3A_309 : vector<16xf32>
      %mul3A_334 = arith.mulf %sub3A_331, %sub3A_331 : vector<16xf32>
      %add3A_335 = arith.addf %mul3A_334, %add3A_311 : vector<16xf32>
      %broadcast_in_dim3A_336 = arith.constant 10 : i32
      %broadcast_in_dim3A_337 = vector.broadcast %broadcast_in_dim3A_336 : i32 to vector<16xi32>
      %gather3A_338 = tpu.vector_load_idx %arg14[%add3A_97, %broadcast_in_dim3A_337] : memref<1000x16xi32, #tpu.memory_space<vmem>>[vector<16xi32>, vector<16xi32>], vector<16xi32>,
      %gather3A_339 = tpu.vector_load_idx %arg16[%add3A_97, %broadcast_in_dim3A_337] : memref<1000x16xi32, #tpu.memory_space<vmem>>[vector<16xi32>, vector<16xi32>], vector<16xi32>,
      %shift_left3A_340 = arith.constant 16 : i32
      %shift_left3A_341 = vector.broadcast %shift_left3A_340 : i32 to vector<16xi32>
      %shift_left3A_342 = arith.shli %gather3A_338, %shift_left3A_341 : vector<16xi32>
      %bitcast3A_343 = vector.bitcast %shift_left3A_342 : vector<16xi32> to vector<16xf32>
      %shift_left3A_344 = arith.constant 16 : i32
      %shift_left3A_345 = vector.broadcast %shift_left3A_344 : i32 to vector<16xi32>
      %shift_left3A_346 = arith.shli %gather3A_339, %shift_left3A_345 : vector<16xi32>
      %bitcast3A_347 = vector.bitcast %shift_left3A_346 : vector<16xi32> to vector<16xf32>
      %and3A_348 = vector.broadcast %scan3A_32 : i32 to vector<16xi32>
      %and3A_349 = arith.andi %gather3A_338, %and3A_348 : vector<16xi32>
      %bitcast3A_350 = vector.bitcast %and3A_349 : vector<16xi32> to vector<16xf32>
      %and3A_351 = vector.broadcast %scan3A_32 : i32 to vector<16xi32>
      %and3A_352 = arith.andi %gather3A_339, %and3A_351 : vector<16xi32>
      %bitcast3A_353 = vector.bitcast %and3A_352 : vector<16xi32> to vector<16xf32>
      %sub3A_354 = arith.subf %bitcast3A_343, %bitcast3A_347 : vector<16xf32>
      %sub3A_355 = arith.subf %bitcast3A_350, %bitcast3A_353 : vector<16xf32>
      %mul3A_356 = arith.mulf %sub3A_354, %sub3A_354 : vector<16xf32>
      %add3A_357 = arith.addf %mul3A_356, %add3A_333 : vector<16xf32>
      %mul3A_358 = arith.mulf %sub3A_355, %sub3A_355 : vector<16xf32>
      %add3A_359 = arith.addf %mul3A_358, %add3A_335 : vector<16xf32>
      %broadcast_in_dim3A_360 = arith.constant 11 : i32
      %broadcast_in_dim3A_361 = vector.broadcast %broadcast_in_dim3A_360 : i32 to vector<16xi32>
      %gather3A_362 = tpu.vector_load_idx %arg14[%add3A_97, %broadcast_in_dim3A_361] : memref<1000x16xi32, #tpu.memory_space<vmem>>[vector<16xi32>, vector<16xi32>], vector<16xi32>,
      %gather3A_363 = tpu.vector_load_idx %arg16[%add3A_97, %broadcast_in_dim3A_361] : memref<1000x16xi32, #tpu.memory_space<vmem>>[vector<16xi32>, vector<16xi32>], vector<16xi32>,
      %shift_left3A_364 = arith.constant 16 : i32
      %shift_left3A_365 = vector.broadcast %shift_left3A_364 : i32 to vector<16xi32>
      %shift_left3A_366 = arith.shli %gather3A_362, %shift_left3A_365 : vector<16xi32>
      %bitcast3A_367 = vector.bitcast %shift_left3A_366 : vector<16xi32> to vector<16xf32>
      %shift_left3A_368 = arith.constant 16 : i32
      %shift_left3A_369 = vector.broadcast %shift_left3A_368 : i32 to vector<16xi32>
      %shift_left3A_370 = arith.shli %gather3A_363, %shift_left3A_369 : vector<16xi32>
      %bitcast3A_371 = vector.bitcast %shift_left3A_370 : vector<16xi32> to vector<16xf32>
      %and3A_372 = vector.broadcast %scan3A_32 : i32 to vector<16xi32>
      %and3A_373 = arith.andi %gather3A_362, %and3A_372 : vector<16xi32>
      %bitcast3A_374 = vector.bitcast %and3A_373 : vector<16xi32> to vector<16xf32>
      %and3A_375 = vector.broadcast %scan3A_32 : i32 to vector<16xi32>
      %and3A_376 = arith.andi %gather3A_363, %and3A_375 : vector<16xi32>
      %bitcast3A_377 = vector.bitcast %and3A_376 : vector<16xi32> to vector<16xf32>
      %sub3A_378 = arith.subf %bitcast3A_367, %bitcast3A_371 : vector<16xf32>
      %sub3A_379 = arith.subf %bitcast3A_374, %bitcast3A_377 : vector<16xf32>
      %mul3A_380 = arith.mulf %sub3A_378, %sub3A_378 : vector<16xf32>
      %add3A_381 = arith.addf %mul3A_380, %add3A_357 : vector<16xf32>
      %mul3A_382 = arith.mulf %sub3A_379, %sub3A_379 : vector<16xf32>
      %add3A_383 = arith.addf %mul3A_382, %add3A_359 : vector<16xf32>
      %broadcast_in_dim3A_384 = arith.constant 12 : i32
      %broadcast_in_dim3A_385 = vector.broadcast %broadcast_in_dim3A_384 : i32 to vector<16xi32>
      %gather3A_386 = tpu.vector_load_idx %arg14[%add3A_97, %broadcast_in_dim3A_385] : memref<1000x16xi32, #tpu.memory_space<vmem>>[vector<16xi32>, vector<16xi32>], vector<16xi32>,
      %gather3A_387 = tpu.vector_load_idx %arg16[%add3A_97, %broadcast_in_dim3A_385] : memref<1000x16xi32, #tpu.memory_space<vmem>>[vector<16xi32>, vector<16xi32>], vector<16xi32>,
      %shift_left3A_388 = arith.constant 16 : i32
      %shift_left3A_389 = vector.broadcast %shift_left3A_388 : i32 to vector<16xi32>
      %shift_left3A_390 = arith.shli %gather3A_386, %shift_left3A_389 : vector<16xi32>
      %bitcast3A_391 = vector.bitcast %shift_left3A_390 : vector<16xi32> to vector<16xf32>
      %shift_left3A_392 = arith.constant 16 : i32
      %shift_left3A_393 = vector.broadcast %shift_left3A_392 : i32 to vector<16xi32>
      %shift_left3A_394 = arith.shli %gather3A_387, %shift_left3A_393 : vector<16xi32>
      %bitcast3A_395 = vector.bitcast %shift_left3A_394 : vector<16xi32> to vector<16xf32>
      %and3A_396 = vector.broadcast %scan3A_32 : i32 to vector<16xi32>
      %and3A_397 = arith.andi %gather3A_386, %and3A_396 : vector<16xi32>
      %bitcast3A_398 = vector.bitcast %and3A_397 : vector<16xi32> to vector<16xf32>
      %and3A_399 = vector.broadcast %scan3A_32 : i32 to vector<16xi32>
      %and3A_400 = arith.andi %gather3A_387, %and3A_399 : vector<16xi32>
      %bitcast3A_401 = vector.bitcast %and3A_400 : vector<16xi32> to vector<16xf32>
      %sub3A_402 = arith.subf %bitcast3A_391, %bitcast3A_395 : vector<16xf32>
      %sub3A_403 = arith.subf %bitcast3A_398, %bitcast3A_401 : vector<16xf32>
      %mul3A_404 = arith.mulf %sub3A_402, %sub3A_402 : vector<16xf32>
      %add3A_405 = arith.addf %mul3A_404, %add3A_381 : vector<16xf32>
      %mul3A_406 = arith.mulf %sub3A_403, %sub3A_403 : vector<16xf32>
      %add3A_407 = arith.addf %mul3A_406, %add3A_383 : vector<16xf32>
      %broadcast_in_dim3A_408 = arith.constant 13 : i32
      %broadcast_in_dim3A_409 = vector.broadcast %broadcast_in_dim3A_408 : i32 to vector<16xi32>
      %gather3A_410 = tpu.vector_load_idx %arg14[%add3A_97, %broadcast_in_dim3A_409] : memref<1000x16xi32, #tpu.memory_space<vmem>>[vector<16xi32>, vector<16xi32>], vector<16xi32>,
      %gather3A_411 = tpu.vector_load_idx %arg16[%add3A_97, %broadcast_in_dim3A_409] : memref<1000x16xi32, #tpu.memory_space<vmem>>[vector<16xi32>, vector<16xi32>], vector<16xi32>,
      %shift_left3A_412 = arith.constant 16 : i32
      %shift_left3A_413 = vector.broadcast %shift_left3A_412 : i32 to vector<16xi32>
      %shift_left3A_414 = arith.shli %gather3A_410, %shift_left3A_413 : vector<16xi32>
      %bitcast3A_415 = vector.bitcast %shift_left3A_414 : vector<16xi32> to vector<16xf32>
      %shift_left3A_416 = arith.constant 16 : i32
      %shift_left3A_417 = vector.broadcast %shift_left3A_416 : i32 to vector<16xi32>
      %shift_left3A_418 = arith.shli %gather3A_411, %shift_left3A_417 : vector<16xi32>
      %bitcast3A_419 = vector.bitcast %shift_left3A_418 : vector<16xi32> to vector<16xf32>
      %and3A_420 = vector.broadcast %scan3A_32 : i32 to vector<16xi32>
      %and3A_421 = arith.andi %gather3A_410, %and3A_420 : vector<16xi32>
      %bitcast3A_422 = vector.bitcast %and3A_421 : vector<16xi32> to vector<16xf32>
      %and3A_423 = vector.broadcast %scan3A_32 : i32 to vector<16xi32>
      %and3A_424 = arith.andi %gather3A_411, %and3A_423 : vector<16xi32>
      %bitcast3A_425 = vector.bitcast %and3A_424 : vector<16xi32> to vector<16xf32>
      %sub3A_426 = arith.subf %bitcast3A_415, %bitcast3A_419 : vector<16xf32>
      %sub3A_427 = arith.subf %bitcast3A_422, %bitcast3A_425 : vector<16xf32>
      %mul3A_428 = arith.mulf %sub3A_426, %sub3A_426 : vector<16xf32>
      %add3A_429 = arith.addf %mul3A_428, %add3A_405 : vector<16xf32>
      %mul3A_430 = arith.mulf %sub3A_427, %sub3A_427 : vector<16xf32>
      %add3A_431 = arith.addf %mul3A_430, %add3A_407 : vector<16xf32>
      %broadcast_in_dim3A_432 = arith.constant 14 : i32
      %broadcast_in_dim3A_433 = vector.broadcast %broadcast_in_dim3A_432 : i32 to vector<16xi32>
      %gather3A_434 = tpu.vector_load_idx %arg14[%add3A_97, %broadcast_in_dim3A_433] : memref<1000x16xi32, #tpu.memory_space<vmem>>[vector<16xi32>, vector<16xi32>], vector<16xi32>,
      %gather3A_435 = tpu.vector_load_idx %arg16[%add3A_97, %broadcast_in_dim3A_433] : memref<1000x16xi32, #tpu.memory_space<vmem>>[vector<16xi32>, vector<16xi32>], vector<16xi32>,
      %shift_left3A_436 = arith.constant 16 : i32
      %shift_left3A_437 = vector.broadcast %shift_left3A_436 : i32 to vector<16xi32>
      %shift_left3A_438 = arith.shli %gather3A_434, %shift_left3A_437 : vector<16xi32>
      %bitcast3A_439 = vector.bitcast %shift_left3A_438 : vector<16xi32> to vector<16xf32>
      %shift_left3A_440 = arith.constant 16 : i32
      %shift_left3A_441 = vector.broadcast %shift_left3A_440 : i32 to vector<16xi32>
      %shift_left3A_442 = arith.shli %gather3A_435, %shift_left3A_441 : vector<16xi32>
      %bitcast3A_443 = vector.bitcast %shift_left3A_442 : vector<16xi32> to vector<16xf32>
      %and3A_444 = vector.broadcast %scan3A_32 : i32 to vector<16xi32>
      %and3A_445 = arith.andi %gather3A_434, %and3A_444 : vector<16xi32>
      %bitcast3A_446 = vector.bitcast %and3A_445 : vector<16xi32> to vector<16xf32>
      %and3A_447 = vector.broadcast %scan3A_32 : i32 to vector<16xi32>
      %and3A_448 = arith.andi %gather3A_435, %and3A_447 : vector<16xi32>
      %bitcast3A_449 = vector.bitcast %and3A_448 : vector<16xi32> to vector<16xf32>
      %sub3A_450 = arith.subf %bitcast3A_439, %bitcast3A_443 : vector<16xf32>
      %sub3A_451 = arith.subf %bitcast3A_446, %bitcast3A_449 : vector<16xf32>
      %mul3A_452 = arith.mulf %sub3A_450, %sub3A_450 : vector<16xf32>
      %add3A_453 = arith.addf %mul3A_452, %add3A_429 : vector<16xf32>
      %mul3A_454 = arith.mulf %sub3A_451, %sub3A_451 : vector<16xf32>
      %add3A_455 = arith.addf %mul3A_454, %add3A_431 : vector<16xf32>
      %broadcast_in_dim3A_456 = arith.constant 15 : i32
      %broadcast_in_dim3A_457 = vector.broadcast %broadcast_in_dim3A_456 : i32 to vector<16xi32>
      %gather3A_458 = tpu.vector_load_idx %arg14[%add3A_97, %broadcast_in_dim3A_457] : memref<1000x16xi32, #tpu.memory_space<vmem>>[vector<16xi32>, vector<16xi32>], vector<16xi32>,
      %gather3A_459 = tpu.vector_load_idx %arg16[%add3A_97, %broadcast_in_dim3A_457] : memref<1000x16xi32, #tpu.memory_space<vmem>>[vector<16xi32>, vector<16xi32>], vector<16xi32>,
      %shift_left3A_460 = arith.constant 16 : i32
      %shift_left3A_461 = vector.broadcast %shift_left3A_460 : i32 to vector<16xi32>
      %shift_left3A_462 = arith.shli %gather3A_458, %shift_left3A_461 : vector<16xi32>
      %bitcast3A_463 = vector.bitcast %shift_left3A_462 : vector<16xi32> to vector<16xf32>
      %shift_left3A_464 = arith.constant 16 : i32
      %shift_left3A_465 = vector.broadcast %shift_left3A_464 : i32 to vector<16xi32>
      %shift_left3A_466 = arith.shli %gather3A_459, %shift_left3A_465 : vector<16xi32>
      %bitcast3A_467 = vector.bitcast %shift_left3A_466 : vector<16xi32> to vector<16xf32>
      %and3A_468 = vector.broadcast %scan3A_32 : i32 to vector<16xi32>
      %and3A_469 = arith.andi %gather3A_458, %and3A_468 : vector<16xi32>
      %bitcast3A_470 = vector.bitcast %and3A_469 : vector<16xi32> to vector<16xf32>
      %and3A_471 = vector.broadcast %scan3A_32 : i32 to vector<16xi32>
      %and3A_472 = arith.andi %gather3A_459, %and3A_471 : vector<16xi32>
      %bitcast3A_473 = vector.bitcast %and3A_472 : vector<16xi32> to vector<16xf32>
      %sub3A_474 = arith.subf %bitcast3A_463, %bitcast3A_467 : vector<16xf32>
      %sub3A_475 = arith.subf %bitcast3A_470, %bitcast3A_473 : vector<16xf32>
      %mul3A_476 = arith.mulf %sub3A_474, %sub3A_474 : vector<16xf32>
      %add3A_477 = arith.addf %mul3A_476, %add3A_453 : vector<16xf32>
      %mul3A_478 = arith.mulf %sub3A_475, %sub3A_475 : vector<16xf32>
      %add3A_479 = arith.addf %mul3A_478, %add3A_455 : vector<16xf32>
      %add3A_480 = arith.addf %add3A_477, %add3A_479 : vector<16xf32>
      %swap3A = arith.index_cast %min3A_95 : i32 to index
      %swap3A_481 = tpu.vector_load %arg22[%swap3A] {strides = array<i32>} : memref<1000xf32, #tpu.memory_space<vmem>>, vector<16xf32>,
      tpu.vector_store %arg22[%swap3A], %add3A_480 {strides = array<i32>} : memref<1000xf32, #tpu.memory_space<vmem>>, vector<16xf32>,
      %get3A = arith.index_cast %min3A_95 : i32 to index
      %get3A_482 = tpu.vector_load %arg18[%get3A] {strides = array<i32>} : memref<1000xi32, #tpu.memory_space<vmem>>, vector<16xi32>,
      %get3A_483 = arith.index_cast %min3A_95 : i32 to index
      %get3A_484 = tpu.vector_load %arg20[%get3A_483] {strides = array<i32>} : memref<1000xi32, #tpu.memory_space<vmem>>, vector<16xi32>,
      %shift_right_logical3A = arith.constant 4 : i32
      %shift_right_logical3A_485 = vector.broadcast %shift_right_logical3A : i32 to vector<16xi32>
      %shift_right_logical3A_486 = arith.shrui %get3A_482, %shift_right_logical3A_485 : vector<16xi32>
      %shift_right_logical3A_487 = arith.constant 4 : i32
      %shift_right_logical3A_488 = vector.broadcast %shift_right_logical3A_487 : i32 to vector<16xi32>
      %shift_right_logical3A_489 = arith.shrui %get3A_484, %shift_right_logical3A_488 : vector<16xi32>
      %eq3A = arith.cmpi eq, %shift_right_logical3A_486, %shift_right_logical3A_489 : vector<16xi32>
      %convert_element_type3A = arith.extui %eq3A : vector<16xi1> to vector<16xi32>
      %and3A_490 = arith.constant 15 : i32
      %and3A_491 = vector.broadcast %and3A_490 : i32 to vector<16xi32>
      %and3A_492 = arith.andi %get3A_482, %and3A_491 : vector<16xi32>
      %and3A_493 = arith.constant 15 : i32
      %and3A_494 = vector.broadcast %and3A_493 : i32 to vector<16xi32>
      %and3A_495 = arith.andi %get3A_484, %and3A_494 : vector<16xi32>
      %sub3A_496 = arith.subi %and3A_492, %and3A_495 : vector<16xi32>
      %abs3A = math.absi %sub3A_496 : vector<16xi32>
      %lt3A = arith.constant 3 : i32
      %lt3A_497 = vector.broadcast %lt3A : i32 to vector<16xi32>
      %lt3A_498 = arith.cmpi slt, %abs3A, %lt3A_497 : vector<16xi32>
      %convert_element_type3A_499 = arith.extui %lt3A_498 : vector<16xi1> to vector<16xi32>
      %mul3A_500 = arith.constant 2 : i32
      %mul3A_501 = vector.broadcast %mul3A_500 : i32 to vector<16xi32>
      %mul3A_502 = arith.muli %mul3A_501, %convert_element_type3A_499 : vector<16xi32>
      %add3A_503 = arith.addi %convert_element_type3A, %mul3A_502 : vector<16xi32>
      %swap3A_504 = arith.index_cast %min3A_95 : i32 to index
      %swap3A_505 = tpu.vector_load %arg24[%swap3A_504] {strides = array<i32>} : memref<1000xi32, #tpu.memory_space<vmem>>, vector<16xi32>,
      tpu.vector_store %arg24[%swap3A_504], %add3A_503 {strides = array<i32>} : memref<1000xi32, #tpu.memory_space<vmem>>, vector<16xi32>,
    }
    %scan3A_37 = arith.constant 63 : i32
    %add3A_38 = arith.constant 0 : i32
    %add3A_39 = arith.addi %add3A_38, %mul3A_2 : i32
    %add3A_40 = arith.constant 24000 : i32
    %add3A_41 = arith.addi %add3A_39, %add3A_40 : i32
    "tpu.region"() ({
      %run_scoped3A = tpu.sem_alloc : memref<!tpu.dma_semaphore, #tpu.memory_space<semaphore_mem>>
      %dma_start3A_92 = tpu.memref_slice %arg8[%add3A_41] : memref<1600000xf32, #tpu.memory_space<hbm>> -> memref<1000xf32, #tpu.memory_space<hbm>>
      %dma_start3A_93 = tpu.memref_slice %arg8[%add3A_41] : memref<1600000xf32, #tpu.memory_space<hbm>> -> memref<1000xf32, #tpu.memory_space<hbm>>
      tpu.enqueue_dma source(%arg22 : memref<1000xf32, #tpu.memory_space<vmem>>) target(%dma_start3A_93 : memref<1000xf32, #tpu.memory_space<hbm>>) target_semaphore(%run_scoped3A : memref<!tpu.dma_semaphore, #tpu.memory_space<semaphore_mem>>)
      %dma_wait3A_94 = tpu.memref_slice %arg8[%add3A_41] : memref<1600000xf32, #tpu.memory_space<hbm>> -> memref<1000xf32, #tpu.memory_space<hbm>>
      %dma_wait3A_95 = tpu.memref_slice %arg8[%add3A_41] : memref<1600000xf32, #tpu.memory_space<hbm>> -> memref<1000xf32, #tpu.memory_space<hbm>>
      tpu.wait_dma2 semaphore(%run_scoped3A : memref<!tpu.dma_semaphore, #tpu.memory_space<semaphore_mem>>) src(%arg22 : memref<1000xf32, #tpu.memory_space<vmem>>) dst(%dma_wait3A_95 : memref<1000xf32, #tpu.memory_space<hbm>>)
      tpu.yield
    }) : () -> ()
    %add3A_42 = arith.constant 0 : i32
    %add3A_43 = arith.addi %add3A_42, %mul3A_2 : i32
    %add3A_44 = arith.constant 24000 : i32
    %add3A_45 = arith.addi %add3A_43, %add3A_44 : i32
    "tpu.region"() ({
      %run_scoped3A = tpu.sem_alloc : memref<!tpu.dma_semaphore, #tpu.memory_space<semaphore_mem>>
      %dma_start3A_92 = tpu.memref_slice %arg9[%add3A_45] : memref<1600000xi32, #tpu.memory_space<hbm>> -> memref<1000xi32, #tpu.memory_space<hbm>>
      %dma_start3A_93 = tpu.memref_slice %arg9[%add3A_45] : memref<1600000xi32, #tpu.memory_space<hbm>> -> memref<1000xi32, #tpu.memory_space<hbm>>
      tpu.enqueue_dma source(%arg24 : memref<1000xi32, #tpu.memory_space<vmem>>) target(%dma_start3A_93 : memref<1000xi32, #tpu.memory_space<hbm>>) target_semaphore(%run_scoped3A : memref<!tpu.dma_semaphore, #tpu.memory_space<semaphore_mem>>)
      %dma_wait3A_94 = tpu.memref_slice %arg9[%add3A_45] : memref<1600000xi32, #tpu.memory_space<hbm>> -> memref<1000xi32, #tpu.memory_space<hbm>>
      %dma_wait3A_95 = tpu.memref_slice %arg9[%add3A_45] : memref<1600000xi32, #tpu.memory_space<hbm>> -> memref<1000xi32, #tpu.memory_space<hbm>>
      tpu.wait_dma2 semaphore(%run_scoped3A : memref<!tpu.dma_semaphore, #tpu.memory_space<semaphore_mem>>) src(%arg24 : memref<1000xi32, #tpu.memory_space<vmem>>) dst(%dma_wait3A_95 : memref<1000xi32, #tpu.memory_space<hbm>>)
      tpu.yield
    }) : () -> ()
    %add3A_46 = arith.constant 0 : i32
    %add3A_47 = arith.addi %mul3A_2, %add3A_46 : i32
    "tpu.region"() ({
      %run_scoped3A = tpu.sem_alloc : memref<!tpu.dma_semaphore, #tpu.memory_space<semaphore_mem>>
      %dma_start3A_92 = tpu.memref_slice %arg7[%add3A_47] : memref<1600000xi32, #tpu.memory_space<hbm>> -> memref<1000xi32, #tpu.memory_space<hbm>>
      %dma_start3A_93 = tpu.memref_slice %arg7[%add3A_47] : memref<1600000xi32, #tpu.memory_space<hbm>> -> memref<1000xi32, #tpu.memory_space<hbm>>
      tpu.enqueue_dma source(%dma_start3A_93 : memref<1000xi32, #tpu.memory_space<hbm>>) target(%arg10 : memref<1000xi32, #tpu.memory_space<vmem>>) target_semaphore(%run_scoped3A : memref<!tpu.dma_semaphore, #tpu.memory_space<semaphore_mem>>)
      %dma_wait3A_94 = tpu.memref_slice %arg7[%add3A_47] : memref<1600000xi32, #tpu.memory_space<hbm>> -> memref<1000xi32, #tpu.memory_space<hbm>>
      %dma_wait3A_95 = tpu.memref_slice %arg7[%add3A_47] : memref<1600000xi32, #tpu.memory_space<hbm>> -> memref<1000xi32, #tpu.memory_space<hbm>>
      tpu.wait_dma2 semaphore(%run_scoped3A : memref<!tpu.dma_semaphore, #tpu.memory_space<semaphore_mem>>) src(%dma_wait3A_95 : memref<1000xi32, #tpu.memory_space<hbm>>) dst(%arg10 : memref<1000xi32, #tpu.memory_space<vmem>>)
      tpu.yield
    }) : () -> ()
    %add3A_48 = arith.constant 800000 : i32
    %add3A_49 = arith.addi %add3A_48, %add3A_47 : i32
    "tpu.region"() ({
      %run_scoped3A = tpu.sem_alloc : memref<!tpu.dma_semaphore, #tpu.memory_space<semaphore_mem>>
      %dma_start3A_92 = tpu.memref_slice %arg7[%add3A_49] : memref<1600000xi32, #tpu.memory_space<hbm>> -> memref<1000xi32, #tpu.memory_space<hbm>>
      %dma_start3A_93 = tpu.memref_slice %arg7[%add3A_49] : memref<1600000xi32, #tpu.memory_space<hbm>> -> memref<1000xi32, #tpu.memory_space<hbm>>
      tpu.enqueue_dma source(%dma_start3A_93 : memref<1000xi32, #tpu.memory_space<hbm>>) target(%arg12 : memref<1000xi32, #tpu.memory_space<vmem>>) target_semaphore(%run_scoped3A : memref<!tpu.dma_semaphore, #tpu.memory_space<semaphore_mem>>)
      %dma_wait3A_94 = tpu.memref_slice %arg7[%add3A_49] : memref<1600000xi32, #tpu.memory_space<hbm>> -> memref<1000xi32, #tpu.memory_space<hbm>>
      %dma_wait3A_95 = tpu.memref_slice %arg7[%add3A_49] : memref<1600000xi32, #tpu.memory_space<hbm>> -> memref<1000xi32, #tpu.memory_space<hbm>>
      tpu.wait_dma2 semaphore(%run_scoped3A : memref<!tpu.dma_semaphore, #tpu.memory_space<semaphore_mem>>) src(%dma_wait3A_95 : memref<1000xi32, #tpu.memory_space<hbm>>) dst(%arg12 : memref<1000xi32, #tpu.memory_space<vmem>>)
      tpu.yield
    }) : () -> ()
    %dma_start3A_50 = arith.constant 0 : i32
    %dma_start3A_51 = arith.constant 0 : i32
    %dma_start3A_52 = tpu.memref_slice %arg3[%dma_start3A_50, %dma_start3A_51] : memref<50000x16xi32, #tpu.memory_space<hbm>> -> memref<50000x16xi32, #tpu.memory_space<hbm>>
    tpu.enqueue_indirect_dma source(%dma_start3A_52 : memref<50000x16xi32, #tpu.memory_space<hbm>>) target(%arg14 : memref<1000x16xi32, #tpu.memory_space<vmem>>) offsets(%arg10 : memref<1000xi32, #tpu.memory_space<vmem>>) semaphore(%arg26 : memref<!tpu.dma_semaphore, #tpu.memory_space<semaphore_mem>>)
    %dma_start3A_53 = arith.constant 0 : i32
    %dma_start3A_54 = arith.constant 0 : i32
    %dma_start3A_55 = tpu.memref_slice %arg3[%dma_start3A_53, %dma_start3A_54] : memref<50000x16xi32, #tpu.memory_space<hbm>> -> memref<50000x16xi32, #tpu.memory_space<hbm>>
    tpu.enqueue_indirect_dma source(%dma_start3A_55 : memref<50000x16xi32, #tpu.memory_space<hbm>>) target(%arg16 : memref<1000x16xi32, #tpu.memory_space<vmem>>) offsets(%arg12 : memref<1000xi32, #tpu.memory_space<vmem>>) semaphore(%arg26 : memref<!tpu.dma_semaphore, #tpu.memory_space<semaphore_mem>>)
    %dma_start3A_56 = arith.constant 0 : i32
    %dma_start3A_57 = tpu.memref_slice %arg5[%dma_start3A_56] : memref<50000xi32, #tpu.memory_space<hbm>> -> memref<50000xi32, #tpu.memory_space<hbm>>
    tpu.enqueue_indirect_dma source(%dma_start3A_57 : memref<50000xi32, #tpu.memory_space<hbm>>) target(%arg18 : memref<1000xi32, #tpu.memory_space<vmem>>) offsets(%arg10 : memref<1000xi32, #tpu.memory_space<vmem>>) semaphore(%arg26 : memref<!tpu.dma_semaphore, #tpu.memory_space<semaphore_mem>>)
    %dma_start3A_58 = arith.constant 0 : i32
    %dma_start3A_59 = tpu.memref_slice %arg5[%dma_start3A_58] : memref<50000xi32, #tpu.memory_space<hbm>> -> memref<50000xi32, #tpu.memory_space<hbm>>
    tpu.enqueue_indirect_dma source(%dma_start3A_59 : memref<50000xi32, #tpu.memory_space<hbm>>) target(%arg20 : memref<1000xi32, #tpu.memory_space<vmem>>) offsets(%arg12 : memref<1000xi32, #tpu.memory_space<vmem>>) semaphore(%arg26 : memref<!tpu.dma_semaphore, #tpu.memory_space<semaphore_mem>>)
    %scan3A_60 = arith.constant 0 : i32
    %scan3A_61 = arith.constant -65536 : i32
    %scan3A_62 = arith.constant 0 : i32
    %scan3A_63 = arith.constant 12 : i32
    %scan3A_64 = arith.addi %scan3A_62, %scan3A_63 : i32
    %scan3A_65 = arith.constant 1 : i32
    scf.for %scan3A_92 = %scan3A_62 to %scan3A_64 step %scan3A_65  : i32 {
      %mul3A_93 = arith.constant 2 : i32
      %mul3A_94 = arith.muli %scan3A_92, %mul3A_93 : i32
      %add3A_95 = arith.constant 1 : i32
      %add3A_96 = arith.addi %mul3A_94, %add3A_95 : i32
      %mul3A_97 = arith.constant 1000 : i32
      %mul3A_98 = arith.muli %add3A_96, %mul3A_97 : i32
      %add3A_99 = arith.addi %mul3A_2, %mul3A_98 : i32
      "tpu.region"() ({
        %run_scoped3A = tpu.sem_alloc : memref<!tpu.dma_semaphore, #tpu.memory_space<semaphore_mem>>
        %dma_start3A_183 = tpu.memref_slice %arg7[%add3A_99] : memref<1600000xi32, #tpu.memory_space<hbm>> -> memref<1000xi32, #tpu.memory_space<hbm>>
        %dma_start3A_184 = tpu.memref_slice %arg7[%add3A_99] : memref<1600000xi32, #tpu.memory_space<hbm>> -> memref<1000xi32, #tpu.memory_space<hbm>>
        tpu.enqueue_dma source(%dma_start3A_184 : memref<1000xi32, #tpu.memory_space<hbm>>) target(%arg11 : memref<1000xi32, #tpu.memory_space<vmem>>) target_semaphore(%run_scoped3A : memref<!tpu.dma_semaphore, #tpu.memory_space<semaphore_mem>>)
        %dma_wait3A_185 = tpu.memref_slice %arg7[%add3A_99] : memref<1600000xi32, #tpu.memory_space<hbm>> -> memref<1000xi32, #tpu.memory_space<hbm>>
        %dma_wait3A_186 = tpu.memref_slice %arg7[%add3A_99] : memref<1600000xi32, #tpu.memory_space<hbm>> -> memref<1000xi32, #tpu.memory_space<hbm>>
        tpu.wait_dma2 semaphore(%run_scoped3A : memref<!tpu.dma_semaphore, #tpu.memory_space<semaphore_mem>>) src(%dma_wait3A_186 : memref<1000xi32, #tpu.memory_space<hbm>>) dst(%arg11 : memref<1000xi32, #tpu.memory_space<vmem>>)
        tpu.yield
      }) : () -> ()
      %add3A_100 = arith.constant 800000 : i32
      %add3A_101 = arith.addi %add3A_100, %add3A_99 : i32
      "tpu.region"() ({
        %run_scoped3A = tpu.sem_alloc : memref<!tpu.dma_semaphore, #tpu.memory_space<semaphore_mem>>
        %dma_start3A_183 = tpu.memref_slice %arg7[%add3A_101] : memref<1600000xi32, #tpu.memory_space<hbm>> -> memref<1000xi32, #tpu.memory_space<hbm>>
        %dma_start3A_184 = tpu.memref_slice %arg7[%add3A_101] : memref<1600000xi32, #tpu.memory_space<hbm>> -> memref<1000xi32, #tpu.memory_space<hbm>>
        tpu.enqueue_dma source(%dma_start3A_184 : memref<1000xi32, #tpu.memory_space<hbm>>) target(%arg13 : memref<1000xi32, #tpu.memory_space<vmem>>) target_semaphore(%run_scoped3A : memref<!tpu.dma_semaphore, #tpu.memory_space<semaphore_mem>>)
        %dma_wait3A_185 = tpu.memref_slice %arg7[%add3A_101] : memref<1600000xi32, #tpu.memory_space<hbm>> -> memref<1000xi32, #tpu.memory_space<hbm>>
        %dma_wait3A_186 = tpu.memref_slice %arg7[%add3A_101] : memref<1600000xi32, #tpu.memory_space<hbm>> -> memref<1000xi32, #tpu.memory_space<hbm>>
        tpu.wait_dma2 semaphore(%run_scoped3A : memref<!tpu.dma_semaphore, #tpu.memory_space<semaphore_mem>>) src(%dma_wait3A_186 : memref<1000xi32, #tpu.memory_space<hbm>>) dst(%arg13 : memref<1000xi32, #tpu.memory_space<vmem>>)
        tpu.yield
      }) : () -> ()
      %dma_start3A_102 = arith.constant 0 : i32
      %dma_start3A_103 = arith.constant 0 : i32
      %dma_start3A_104 = tpu.memref_slice %arg3[%dma_start3A_102, %dma_start3A_103] : memref<50000x16xi32, #tpu.memory_space<hbm>> -> memref<50000x16xi32, #tpu.memory_space<hbm>>
      tpu.enqueue_indirect_dma source(%dma_start3A_104 : memref<50000x16xi32, #tpu.memory_space<hbm>>) target(%arg15 : memref<1000x16xi32, #tpu.memory_space<vmem>>) offsets(%arg11 : memref<1000xi32, #tpu.memory_space<vmem>>) semaphore(%arg27 : memref<!tpu.dma_semaphore, #tpu.memory_space<semaphore_mem>>)
      %dma_start3A_105 = arith.constant 0 : i32
      %dma_start3A_106 = arith.constant 0 : i32
      %dma_start3A_107 = tpu.memref_slice %arg3[%dma_start3A_105, %dma_start3A_106] : memref<50000x16xi32, #tpu.memory_space<hbm>> -> memref<50000x16xi32, #tpu.memory_space<hbm>>
      tpu.enqueue_indirect_dma source(%dma_start3A_107 : memref<50000x16xi32, #tpu.memory_space<hbm>>) target(%arg17 : memref<1000x16xi32, #tpu.memory_space<vmem>>) offsets(%arg13 : memref<1000xi32, #tpu.memory_space<vmem>>) semaphore(%arg27 : memref<!tpu.dma_semaphore, #tpu.memory_space<semaphore_mem>>)
      %dma_start3A_108 = arith.constant 0 : i32
      %dma_start3A_109 = tpu.memref_slice %arg5[%dma_start3A_108] : memref<50000xi32, #tpu.memory_space<hbm>> -> memref<50000xi32, #tpu.memory_space<hbm>>
      tpu.enqueue_indirect_dma source(%dma_start3A_109 : memref<50000xi32, #tpu.memory_space<hbm>>) target(%arg19 : memref<1000xi32, #tpu.memory_space<vmem>>) offsets(%arg11 : memref<1000xi32, #tpu.memory_space<vmem>>) semaphore(%arg27 : memref<!tpu.dma_semaphore, #tpu.memory_space<semaphore_mem>>)
      %dma_start3A_110 = arith.constant 0 : i32
      %dma_start3A_111 = tpu.memref_slice %arg5[%dma_start3A_110] : memref<50000xi32, #tpu.memory_space<hbm>> -> memref<50000xi32, #tpu.memory_space<hbm>>
      tpu.enqueue_indirect_dma source(%dma_start3A_111 : memref<50000xi32, #tpu.memory_space<hbm>>) target(%arg21 : memref<1000xi32, #tpu.memory_space<vmem>>) offsets(%arg13 : memref<1000xi32, #tpu.memory_space<vmem>>) semaphore(%arg27 : memref<!tpu.dma_semaphore, #tpu.memory_space<semaphore_mem>>)
      %dma_wait3A_112 = arith.constant 0 : i32
      %dma_wait3A_113 = arith.constant 0 : i32
      %dma_wait3A_114 = tpu.memref_slice %arg3[%dma_wait3A_112, %dma_wait3A_113] : memref<50000x16xi32, #tpu.memory_space<hbm>> -> memref<50000x16xi32, #tpu.memory_space<hbm>>
      tpu.wait_indirect_dma semaphore(%arg26 : memref<!tpu.dma_semaphore, #tpu.memory_space<semaphore_mem>>) src(%dma_wait3A_114 : memref<50000x16xi32, #tpu.memory_space<hbm>>) dst(%arg14 : memref<1000x16xi32, #tpu.memory_space<vmem>>)
      %dma_wait3A_115 = arith.constant 0 : i32
      %dma_wait3A_116 = arith.constant 0 : i32
      %dma_wait3A_117 = tpu.memref_slice %arg3[%dma_wait3A_115, %dma_wait3A_116] : memref<50000x16xi32, #tpu.memory_space<hbm>> -> memref<50000x16xi32, #tpu.memory_space<hbm>>
      tpu.wait_indirect_dma semaphore(%arg26 : memref<!tpu.dma_semaphore, #tpu.memory_space<semaphore_mem>>) src(%dma_wait3A_117 : memref<50000x16xi32, #tpu.memory_space<hbm>>) dst(%arg16 : memref<1000x16xi32, #tpu.memory_space<vmem>>)
      %dma_wait3A_118 = arith.constant 0 : i32
      %dma_wait3A_119 = tpu.memref_slice %arg5[%dma_wait3A_118] : memref<50000xi32, #tpu.memory_space<hbm>> -> memref<50000xi32, #tpu.memory_space<hbm>>
      tpu.wait_indirect_dma semaphore(%arg26 : memref<!tpu.dma_semaphore, #tpu.memory_space<semaphore_mem>>) src(%dma_wait3A_119 : memref<50000xi32, #tpu.memory_space<hbm>>) dst(%arg18 : memref<1000xi32, #tpu.memory_space<vmem>>)
      %dma_wait3A_120 = arith.constant 0 : i32
      %dma_wait3A_121 = tpu.memref_slice %arg5[%dma_wait3A_120] : memref<50000xi32, #tpu.memory_space<hbm>> -> memref<50000xi32, #tpu.memory_space<hbm>>
      tpu.wait_indirect_dma semaphore(%arg26 : memref<!tpu.dma_semaphore, #tpu.memory_space<semaphore_mem>>) src(%dma_wait3A_121 : memref<50000xi32, #tpu.memory_space<hbm>>) dst(%arg20 : memref<1000xi32, #tpu.memory_space<vmem>>)
      %scan3A_122 = arith.constant 0 : i32
      %scan3A_123 = arith.constant 0 : i32
      %scan3A_124 = arith.constant 63 : i32
      %scan3A_125 = arith.addi %scan3A_123, %scan3A_124 : i32
      %scan3A_126 = arith.constant 1 : i32
      scf.for %scan3A_183 = %scan3A_123 to %scan3A_125 step %scan3A_126  : i32 {
        %mul3A_184 = arith.constant 16 : i32
        %mul3A_185 = arith.muli %scan3A_183, %mul3A_184 : i32
        %min3A = arith.constant 984 : i32
        %min3A_186 = arith.minsi %mul3A_185, %min3A : i32
        %add3A_187 = vector.broadcast %min3A_186 : i32 to vector<16xi32>
        %add3A_188 = arith.addi %add3A_187, %iota3A : vector<16xi32>
        %broadcast_in_dim3A = arith.constant 0.000000e+00 : f32
        %broadcast_in_dim3A_189 = vector.broadcast %broadcast_in_dim3A : f32 to vector<16xf32>
        %broadcast_in_dim3A_190 = arith.constant 0.000000e+00 : f32
        %broadcast_in_dim3A_191 = vector.broadcast %broadcast_in_dim3A_190 : f32 to vector<16xf32>
        %broadcast_in_dim3A_192 = arith.constant 0 : i32
        %broadcast_in_dim3A_193 = vector.broadcast %broadcast_in_dim3A_192 : i32 to vector<16xi32>
        %gather3A = tpu.vector_load_idx %arg14[%add3A_188, %broadcast_in_dim3A_193] : memref<1000x16xi32, #tpu.memory_space<vmem>>[vector<16xi32>, vector<16xi32>], vector<16xi32>,
        %gather3A_194 = tpu.vector_load_idx %arg16[%add3A_188, %broadcast_in_dim3A_193] : memref<1000x16xi32, #tpu.memory_space<vmem>>[vector<16xi32>, vector<16xi32>], vector<16xi32>,
        %shift_left3A = arith.constant 16 : i32
        %shift_left3A_195 = vector.broadcast %shift_left3A : i32 to vector<16xi32>
        %shift_left3A_196 = arith.shli %gather3A, %shift_left3A_195 : vector<16xi32>
        %bitcast3A = vector.bitcast %shift_left3A_196 : vector<16xi32> to vector<16xf32>
        %shift_left3A_197 = arith.constant 16 : i32
        %shift_left3A_198 = vector.broadcast %shift_left3A_197 : i32 to vector<16xi32>
        %shift_left3A_199 = arith.shli %gather3A_194, %shift_left3A_198 : vector<16xi32>
        %bitcast3A_200 = vector.bitcast %shift_left3A_199 : vector<16xi32> to vector<16xf32>
        %and3A = vector.broadcast %scan3A_61 : i32 to vector<16xi32>
        %and3A_201 = arith.andi %gather3A, %and3A : vector<16xi32>
        %bitcast3A_202 = vector.bitcast %and3A_201 : vector<16xi32> to vector<16xf32>
        %and3A_203 = vector.broadcast %scan3A_61 : i32 to vector<16xi32>
        %and3A_204 = arith.andi %gather3A_194, %and3A_203 : vector<16xi32>
        %bitcast3A_205 = vector.bitcast %and3A_204 : vector<16xi32> to vector<16xf32>
        %sub3A = arith.subf %bitcast3A, %bitcast3A_200 : vector<16xf32>
        %sub3A_206 = arith.subf %bitcast3A_202, %bitcast3A_205 : vector<16xf32>
        %mul3A_207 = arith.mulf %sub3A, %sub3A : vector<16xf32>
        %add3A_208 = arith.addf %mul3A_207, %broadcast_in_dim3A_189 : vector<16xf32>
        %mul3A_209 = arith.mulf %sub3A_206, %sub3A_206 : vector<16xf32>
        %add3A_210 = arith.addf %mul3A_209, %broadcast_in_dim3A_191 : vector<16xf32>
        %broadcast_in_dim3A_211 = arith.constant 1 : i32
        %broadcast_in_dim3A_212 = vector.broadcast %broadcast_in_dim3A_211 : i32 to vector<16xi32>
        %gather3A_213 = tpu.vector_load_idx %arg14[%add3A_188, %broadcast_in_dim3A_212] : memref<1000x16xi32, #tpu.memory_space<vmem>>[vector<16xi32>, vector<16xi32>], vector<16xi32>,
        %gather3A_214 = tpu.vector_load_idx %arg16[%add3A_188, %broadcast_in_dim3A_212] : memref<1000x16xi32, #tpu.memory_space<vmem>>[vector<16xi32>, vector<16xi32>], vector<16xi32>,
        %shift_left3A_215 = arith.constant 16 : i32
        %shift_left3A_216 = vector.broadcast %shift_left3A_215 : i32 to vector<16xi32>
        %shift_left3A_217 = arith.shli %gather3A_213, %shift_left3A_216 : vector<16xi32>
        %bitcast3A_218 = vector.bitcast %shift_left3A_217 : vector<16xi32> to vector<16xf32>
        %shift_left3A_219 = arith.constant 16 : i32
        %shift_left3A_220 = vector.broadcast %shift_left3A_219 : i32 to vector<16xi32>
        %shift_left3A_221 = arith.shli %gather3A_214, %shift_left3A_220 : vector<16xi32>
        %bitcast3A_222 = vector.bitcast %shift_left3A_221 : vector<16xi32> to vector<16xf32>
        %and3A_223 = vector.broadcast %scan3A_61 : i32 to vector<16xi32>
        %and3A_224 = arith.andi %gather3A_213, %and3A_223 : vector<16xi32>
        %bitcast3A_225 = vector.bitcast %and3A_224 : vector<16xi32> to vector<16xf32>
        %and3A_226 = vector.broadcast %scan3A_61 : i32 to vector<16xi32>
        %and3A_227 = arith.andi %gather3A_214, %and3A_226 : vector<16xi32>
        %bitcast3A_228 = vector.bitcast %and3A_227 : vector<16xi32> to vector<16xf32>
        %sub3A_229 = arith.subf %bitcast3A_218, %bitcast3A_222 : vector<16xf32>
        %sub3A_230 = arith.subf %bitcast3A_225, %bitcast3A_228 : vector<16xf32>
        %mul3A_231 = arith.mulf %sub3A_229, %sub3A_229 : vector<16xf32>
        %add3A_232 = arith.addf %mul3A_231, %add3A_208 : vector<16xf32>
        %mul3A_233 = arith.mulf %sub3A_230, %sub3A_230 : vector<16xf32>
        %add3A_234 = arith.addf %mul3A_233, %add3A_210 : vector<16xf32>
        %broadcast_in_dim3A_235 = arith.constant 2 : i32
        %broadcast_in_dim3A_236 = vector.broadcast %broadcast_in_dim3A_235 : i32 to vector<16xi32>
        %gather3A_237 = tpu.vector_load_idx %arg14[%add3A_188, %broadcast_in_dim3A_236] : memref<1000x16xi32, #tpu.memory_space<vmem>>[vector<16xi32>, vector<16xi32>], vector<16xi32>,
        %gather3A_238 = tpu.vector_load_idx %arg16[%add3A_188, %broadcast_in_dim3A_236] : memref<1000x16xi32, #tpu.memory_space<vmem>>[vector<16xi32>, vector<16xi32>], vector<16xi32>,
        %shift_left3A_239 = arith.constant 16 : i32
        %shift_left3A_240 = vector.broadcast %shift_left3A_239 : i32 to vector<16xi32>
        %shift_left3A_241 = arith.shli %gather3A_237, %shift_left3A_240 : vector<16xi32>
        %bitcast3A_242 = vector.bitcast %shift_left3A_241 : vector<16xi32> to vector<16xf32>
        %shift_left3A_243 = arith.constant 16 : i32
        %shift_left3A_244 = vector.broadcast %shift_left3A_243 : i32 to vector<16xi32>
        %shift_left3A_245 = arith.shli %gather3A_238, %shift_left3A_244 : vector<16xi32>
        %bitcast3A_246 = vector.bitcast %shift_left3A_245 : vector<16xi32> to vector<16xf32>
        %and3A_247 = vector.broadcast %scan3A_61 : i32 to vector<16xi32>
        %and3A_248 = arith.andi %gather3A_237, %and3A_247 : vector<16xi32>
        %bitcast3A_249 = vector.bitcast %and3A_248 : vector<16xi32> to vector<16xf32>
        %and3A_250 = vector.broadcast %scan3A_61 : i32 to vector<16xi32>
        %and3A_251 = arith.andi %gather3A_238, %and3A_250 : vector<16xi32>
        %bitcast3A_252 = vector.bitcast %and3A_251 : vector<16xi32> to vector<16xf32>
        %sub3A_253 = arith.subf %bitcast3A_242, %bitcast3A_246 : vector<16xf32>
        %sub3A_254 = arith.subf %bitcast3A_249, %bitcast3A_252 : vector<16xf32>
        %mul3A_255 = arith.mulf %sub3A_253, %sub3A_253 : vector<16xf32>
        %add3A_256 = arith.addf %mul3A_255, %add3A_232 : vector<16xf32>
        %mul3A_257 = arith.mulf %sub3A_254, %sub3A_254 : vector<16xf32>
        %add3A_258 = arith.addf %mul3A_257, %add3A_234 : vector<16xf32>
        %broadcast_in_dim3A_259 = arith.constant 3 : i32
        %broadcast_in_dim3A_260 = vector.broadcast %broadcast_in_dim3A_259 : i32 to vector<16xi32>
        %gather3A_261 = tpu.vector_load_idx %arg14[%add3A_188, %broadcast_in_dim3A_260] : memref<1000x16xi32, #tpu.memory_space<vmem>>[vector<16xi32>, vector<16xi32>], vector<16xi32>,
        %gather3A_262 = tpu.vector_load_idx %arg16[%add3A_188, %broadcast_in_dim3A_260] : memref<1000x16xi32, #tpu.memory_space<vmem>>[vector<16xi32>, vector<16xi32>], vector<16xi32>,
        %shift_left3A_263 = arith.constant 16 : i32
        %shift_left3A_264 = vector.broadcast %shift_left3A_263 : i32 to vector<16xi32>
        %shift_left3A_265 = arith.shli %gather3A_261, %shift_left3A_264 : vector<16xi32>
        %bitcast3A_266 = vector.bitcast %shift_left3A_265 : vector<16xi32> to vector<16xf32>
        %shift_left3A_267 = arith.constant 16 : i32
        %shift_left3A_268 = vector.broadcast %shift_left3A_267 : i32 to vector<16xi32>
        %shift_left3A_269 = arith.shli %gather3A_262, %shift_left3A_268 : vector<16xi32>
        %bitcast3A_270 = vector.bitcast %shift_left3A_269 : vector<16xi32> to vector<16xf32>
        %and3A_271 = vector.broadcast %scan3A_61 : i32 to vector<16xi32>
        %and3A_272 = arith.andi %gather3A_261, %and3A_271 : vector<16xi32>
        %bitcast3A_273 = vector.bitcast %and3A_272 : vector<16xi32> to vector<16xf32>
        %and3A_274 = vector.broadcast %scan3A_61 : i32 to vector<16xi32>
        %and3A_275 = arith.andi %gather3A_262, %and3A_274 : vector<16xi32>
        %bitcast3A_276 = vector.bitcast %and3A_275 : vector<16xi32> to vector<16xf32>
        %sub3A_277 = arith.subf %bitcast3A_266, %bitcast3A_270 : vector<16xf32>
        %sub3A_278 = arith.subf %bitcast3A_273, %bitcast3A_276 : vector<16xf32>
        %mul3A_279 = arith.mulf %sub3A_277, %sub3A_277 : vector<16xf32>
        %add3A_280 = arith.addf %mul3A_279, %add3A_256 : vector<16xf32>
        %mul3A_281 = arith.mulf %sub3A_278, %sub3A_278 : vector<16xf32>
        %add3A_282 = arith.addf %mul3A_281, %add3A_258 : vector<16xf32>
        %broadcast_in_dim3A_283 = arith.constant 4 : i32
        %broadcast_in_dim3A_284 = vector.broadcast %broadcast_in_dim3A_283 : i32 to vector<16xi32>
        %gather3A_285 = tpu.vector_load_idx %arg14[%add3A_188, %broadcast_in_dim3A_284] : memref<1000x16xi32, #tpu.memory_space<vmem>>[vector<16xi32>, vector<16xi32>], vector<16xi32>,
        %gather3A_286 = tpu.vector_load_idx %arg16[%add3A_188, %broadcast_in_dim3A_284] : memref<1000x16xi32, #tpu.memory_space<vmem>>[vector<16xi32>, vector<16xi32>], vector<16xi32>,
        %shift_left3A_287 = arith.constant 16 : i32
        %shift_left3A_288 = vector.broadcast %shift_left3A_287 : i32 to vector<16xi32>
        %shift_left3A_289 = arith.shli %gather3A_285, %shift_left3A_288 : vector<16xi32>
        %bitcast3A_290 = vector.bitcast %shift_left3A_289 : vector<16xi32> to vector<16xf32>
        %shift_left3A_291 = arith.constant 16 : i32
        %shift_left3A_292 = vector.broadcast %shift_left3A_291 : i32 to vector<16xi32>
        %shift_left3A_293 = arith.shli %gather3A_286, %shift_left3A_292 : vector<16xi32>
        %bitcast3A_294 = vector.bitcast %shift_left3A_293 : vector<16xi32> to vector<16xf32>
        %and3A_295 = vector.broadcast %scan3A_61 : i32 to vector<16xi32>
        %and3A_296 = arith.andi %gather3A_285, %and3A_295 : vector<16xi32>
        %bitcast3A_297 = vector.bitcast %and3A_296 : vector<16xi32> to vector<16xf32>
        %and3A_298 = vector.broadcast %scan3A_61 : i32 to vector<16xi32>
        %and3A_299 = arith.andi %gather3A_286, %and3A_298 : vector<16xi32>
        %bitcast3A_300 = vector.bitcast %and3A_299 : vector<16xi32> to vector<16xf32>
        %sub3A_301 = arith.subf %bitcast3A_290, %bitcast3A_294 : vector<16xf32>
        %sub3A_302 = arith.subf %bitcast3A_297, %bitcast3A_300 : vector<16xf32>
        %mul3A_303 = arith.mulf %sub3A_301, %sub3A_301 : vector<16xf32>
        %add3A_304 = arith.addf %mul3A_303, %add3A_280 : vector<16xf32>
        %mul3A_305 = arith.mulf %sub3A_302, %sub3A_302 : vector<16xf32>
        %add3A_306 = arith.addf %mul3A_305, %add3A_282 : vector<16xf32>
        %broadcast_in_dim3A_307 = arith.constant 5 : i32
        %broadcast_in_dim3A_308 = vector.broadcast %broadcast_in_dim3A_307 : i32 to vector<16xi32>
        %gather3A_309 = tpu.vector_load_idx %arg14[%add3A_188, %broadcast_in_dim3A_308] : memref<1000x16xi32, #tpu.memory_space<vmem>>[vector<16xi32>, vector<16xi32>], vector<16xi32>,
        %gather3A_310 = tpu.vector_load_idx %arg16[%add3A_188, %broadcast_in_dim3A_308] : memref<1000x16xi32, #tpu.memory_space<vmem>>[vector<16xi32>, vector<16xi32>], vector<16xi32>,
        %shift_left3A_311 = arith.constant 16 : i32
        %shift_left3A_312 = vector.broadcast %shift_left3A_311 : i32 to vector<16xi32>
        %shift_left3A_313 = arith.shli %gather3A_309, %shift_left3A_312 : vector<16xi32>
        %bitcast3A_314 = vector.bitcast %shift_left3A_313 : vector<16xi32> to vector<16xf32>
        %shift_left3A_315 = arith.constant 16 : i32
        %shift_left3A_316 = vector.broadcast %shift_left3A_315 : i32 to vector<16xi32>
        %shift_left3A_317 = arith.shli %gather3A_310, %shift_left3A_316 : vector<16xi32>
        %bitcast3A_318 = vector.bitcast %shift_left3A_317 : vector<16xi32> to vector<16xf32>
        %and3A_319 = vector.broadcast %scan3A_61 : i32 to vector<16xi32>
        %and3A_320 = arith.andi %gather3A_309, %and3A_319 : vector<16xi32>
        %bitcast3A_321 = vector.bitcast %and3A_320 : vector<16xi32> to vector<16xf32>
        %and3A_322 = vector.broadcast %scan3A_61 : i32 to vector<16xi32>
        %and3A_323 = arith.andi %gather3A_310, %and3A_322 : vector<16xi32>
        %bitcast3A_324 = vector.bitcast %and3A_323 : vector<16xi32> to vector<16xf32>
        %sub3A_325 = arith.subf %bitcast3A_314, %bitcast3A_318 : vector<16xf32>
        %sub3A_326 = arith.subf %bitcast3A_321, %bitcast3A_324 : vector<16xf32>
        %mul3A_327 = arith.mulf %sub3A_325, %sub3A_325 : vector<16xf32>
        %add3A_328 = arith.addf %mul3A_327, %add3A_304 : vector<16xf32>
        %mul3A_329 = arith.mulf %sub3A_326, %sub3A_326 : vector<16xf32>
        %add3A_330 = arith.addf %mul3A_329, %add3A_306 : vector<16xf32>
        %broadcast_in_dim3A_331 = arith.constant 6 : i32
        %broadcast_in_dim3A_332 = vector.broadcast %broadcast_in_dim3A_331 : i32 to vector<16xi32>
        %gather3A_333 = tpu.vector_load_idx %arg14[%add3A_188, %broadcast_in_dim3A_332] : memref<1000x16xi32, #tpu.memory_space<vmem>>[vector<16xi32>, vector<16xi32>], vector<16xi32>,
        %gather3A_334 = tpu.vector_load_idx %arg16[%add3A_188, %broadcast_in_dim3A_332] : memref<1000x16xi32, #tpu.memory_space<vmem>>[vector<16xi32>, vector<16xi32>], vector<16xi32>,
        %shift_left3A_335 = arith.constant 16 : i32
        %shift_left3A_336 = vector.broadcast %shift_left3A_335 : i32 to vector<16xi32>
        %shift_left3A_337 = arith.shli %gather3A_333, %shift_left3A_336 : vector<16xi32>
        %bitcast3A_338 = vector.bitcast %shift_left3A_337 : vector<16xi32> to vector<16xf32>
        %shift_left3A_339 = arith.constant 16 : i32
        %shift_left3A_340 = vector.broadcast %shift_left3A_339 : i32 to vector<16xi32>
        %shift_left3A_341 = arith.shli %gather3A_334, %shift_left3A_340 : vector<16xi32>
        %bitcast3A_342 = vector.bitcast %shift_left3A_341 : vector<16xi32> to vector<16xf32>
        %and3A_343 = vector.broadcast %scan3A_61 : i32 to vector<16xi32>
        %and3A_344 = arith.andi %gather3A_333, %and3A_343 : vector<16xi32>
        %bitcast3A_345 = vector.bitcast %and3A_344 : vector<16xi32> to vector<16xf32>
        %and3A_346 = vector.broadcast %scan3A_61 : i32 to vector<16xi32>
        %and3A_347 = arith.andi %gather3A_334, %and3A_346 : vector<16xi32>
        %bitcast3A_348 = vector.bitcast %and3A_347 : vector<16xi32> to vector<16xf32>
        %sub3A_349 = arith.subf %bitcast3A_338, %bitcast3A_342 : vector<16xf32>
        %sub3A_350 = arith.subf %bitcast3A_345, %bitcast3A_348 : vector<16xf32>
        %mul3A_351 = arith.mulf %sub3A_349, %sub3A_349 : vector<16xf32>
        %add3A_352 = arith.addf %mul3A_351, %add3A_328 : vector<16xf32>
        %mul3A_353 = arith.mulf %sub3A_350, %sub3A_350 : vector<16xf32>
        %add3A_354 = arith.addf %mul3A_353, %add3A_330 : vector<16xf32>
        %broadcast_in_dim3A_355 = arith.constant 7 : i32
        %broadcast_in_dim3A_356 = vector.broadcast %broadcast_in_dim3A_355 : i32 to vector<16xi32>
        %gather3A_357 = tpu.vector_load_idx %arg14[%add3A_188, %broadcast_in_dim3A_356] : memref<1000x16xi32, #tpu.memory_space<vmem>>[vector<16xi32>, vector<16xi32>], vector<16xi32>,
        %gather3A_358 = tpu.vector_load_idx %arg16[%add3A_188, %broadcast_in_dim3A_356] : memref<1000x16xi32, #tpu.memory_space<vmem>>[vector<16xi32>, vector<16xi32>], vector<16xi32>,
        %shift_left3A_359 = arith.constant 16 : i32
        %shift_left3A_360 = vector.broadcast %shift_left3A_359 : i32 to vector<16xi32>
        %shift_left3A_361 = arith.shli %gather3A_357, %shift_left3A_360 : vector<16xi32>
        %bitcast3A_362 = vector.bitcast %shift_left3A_361 : vector<16xi32> to vector<16xf32>
        %shift_left3A_363 = arith.constant 16 : i32
        %shift_left3A_364 = vector.broadcast %shift_left3A_363 : i32 to vector<16xi32>
        %shift_left3A_365 = arith.shli %gather3A_358, %shift_left3A_364 : vector<16xi32>
        %bitcast3A_366 = vector.bitcast %shift_left3A_365 : vector<16xi32> to vector<16xf32>
        %and3A_367 = vector.broadcast %scan3A_61 : i32 to vector<16xi32>
        %and3A_368 = arith.andi %gather3A_357, %and3A_367 : vector<16xi32>
        %bitcast3A_369 = vector.bitcast %and3A_368 : vector<16xi32> to vector<16xf32>
        %and3A_370 = vector.broadcast %scan3A_61 : i32 to vector<16xi32>
        %and3A_371 = arith.andi %gather3A_358, %and3A_370 : vector<16xi32>
        %bitcast3A_372 = vector.bitcast %and3A_371 : vector<16xi32> to vector<16xf32>
        %sub3A_373 = arith.subf %bitcast3A_362, %bitcast3A_366 : vector<16xf32>
        %sub3A_374 = arith.subf %bitcast3A_369, %bitcast3A_372 : vector<16xf32>
        %mul3A_375 = arith.mulf %sub3A_373, %sub3A_373 : vector<16xf32>
        %add3A_376 = arith.addf %mul3A_375, %add3A_352 : vector<16xf32>
        %mul3A_377 = arith.mulf %sub3A_374, %sub3A_374 : vector<16xf32>
        %add3A_378 = arith.addf %mul3A_377, %add3A_354 : vector<16xf32>
        %broadcast_in_dim3A_379 = arith.constant 8 : i32
        %broadcast_in_dim3A_380 = vector.broadcast %broadcast_in_dim3A_379 : i32 to vector<16xi32>
        %gather3A_381 = tpu.vector_load_idx %arg14[%add3A_188, %broadcast_in_dim3A_380] : memref<1000x16xi32, #tpu.memory_space<vmem>>[vector<16xi32>, vector<16xi32>], vector<16xi32>,
        %gather3A_382 = tpu.vector_load_idx %arg16[%add3A_188, %broadcast_in_dim3A_380] : memref<1000x16xi32, #tpu.memory_space<vmem>>[vector<16xi32>, vector<16xi32>], vector<16xi32>,
        %shift_left3A_383 = arith.constant 16 : i32
        %shift_left3A_384 = vector.broadcast %shift_left3A_383 : i32 to vector<16xi32>
        %shift_left3A_385 = arith.shli %gather3A_381, %shift_left3A_384 : vector<16xi32>
        %bitcast3A_386 = vector.bitcast %shift_left3A_385 : vector<16xi32> to vector<16xf32>
        %shift_left3A_387 = arith.constant 16 : i32
        %shift_left3A_388 = vector.broadcast %shift_left3A_387 : i32 to vector<16xi32>
        %shift_left3A_389 = arith.shli %gather3A_382, %shift_left3A_388 : vector<16xi32>
        %bitcast3A_390 = vector.bitcast %shift_left3A_389 : vector<16xi32> to vector<16xf32>
        %and3A_391 = vector.broadcast %scan3A_61 : i32 to vector<16xi32>
        %and3A_392 = arith.andi %gather3A_381, %and3A_391 : vector<16xi32>
        %bitcast3A_393 = vector.bitcast %and3A_392 : vector<16xi32> to vector<16xf32>
        %and3A_394 = vector.broadcast %scan3A_61 : i32 to vector<16xi32>
        %and3A_395 = arith.andi %gather3A_382, %and3A_394 : vector<16xi32>
        %bitcast3A_396 = vector.bitcast %and3A_395 : vector<16xi32> to vector<16xf32>
        %sub3A_397 = arith.subf %bitcast3A_386, %bitcast3A_390 : vector<16xf32>
        %sub3A_398 = arith.subf %bitcast3A_393, %bitcast3A_396 : vector<16xf32>
        %mul3A_399 = arith.mulf %sub3A_397, %sub3A_397 : vector<16xf32>
        %add3A_400 = arith.addf %mul3A_399, %add3A_376 : vector<16xf32>
        %mul3A_401 = arith.mulf %sub3A_398, %sub3A_398 : vector<16xf32>
        %add3A_402 = arith.addf %mul3A_401, %add3A_378 : vector<16xf32>
        %broadcast_in_dim3A_403 = arith.constant 9 : i32
        %broadcast_in_dim3A_404 = vector.broadcast %broadcast_in_dim3A_403 : i32 to vector<16xi32>
        %gather3A_405 = tpu.vector_load_idx %arg14[%add3A_188, %broadcast_in_dim3A_404] : memref<1000x16xi32, #tpu.memory_space<vmem>>[vector<16xi32>, vector<16xi32>], vector<16xi32>,
        %gather3A_406 = tpu.vector_load_idx %arg16[%add3A_188, %broadcast_in_dim3A_404] : memref<1000x16xi32, #tpu.memory_space<vmem>>[vector<16xi32>, vector<16xi32>], vector<16xi32>,
        %shift_left3A_407 = arith.constant 16 : i32
        %shift_left3A_408 = vector.broadcast %shift_left3A_407 : i32 to vector<16xi32>
        %shift_left3A_409 = arith.shli %gather3A_405, %shift_left3A_408 : vector<16xi32>
        %bitcast3A_410 = vector.bitcast %shift_left3A_409 : vector<16xi32> to vector<16xf32>
        %shift_left3A_411 = arith.constant 16 : i32
        %shift_left3A_412 = vector.broadcast %shift_left3A_411 : i32 to vector<16xi32>
        %shift_left3A_413 = arith.shli %gather3A_406, %shift_left3A_412 : vector<16xi32>
        %bitcast3A_414 = vector.bitcast %shift_left3A_413 : vector<16xi32> to vector<16xf32>
        %and3A_415 = vector.broadcast %scan3A_61 : i32 to vector<16xi32>
        %and3A_416 = arith.andi %gather3A_405, %and3A_415 : vector<16xi32>
        %bitcast3A_417 = vector.bitcast %and3A_416 : vector<16xi32> to vector<16xf32>
        %and3A_418 = vector.broadcast %scan3A_61 : i32 to vector<16xi32>
        %and3A_419 = arith.andi %gather3A_406, %and3A_418 : vector<16xi32>
        %bitcast3A_420 = vector.bitcast %and3A_419 : vector<16xi32> to vector<16xf32>
        %sub3A_421 = arith.subf %bitcast3A_410, %bitcast3A_414 : vector<16xf32>
        %sub3A_422 = arith.subf %bitcast3A_417, %bitcast3A_420 : vector<16xf32>
        %mul3A_423 = arith.mulf %sub3A_421, %sub3A_421 : vector<16xf32>
        %add3A_424 = arith.addf %mul3A_423, %add3A_400 : vector<16xf32>
        %mul3A_425 = arith.mulf %sub3A_422, %sub3A_422 : vector<16xf32>
        %add3A_426 = arith.addf %mul3A_425, %add3A_402 : vector<16xf32>
        %broadcast_in_dim3A_427 = arith.constant 10 : i32
        %broadcast_in_dim3A_428 = vector.broadcast %broadcast_in_dim3A_427 : i32 to vector<16xi32>
        %gather3A_429 = tpu.vector_load_idx %arg14[%add3A_188, %broadcast_in_dim3A_428] : memref<1000x16xi32, #tpu.memory_space<vmem>>[vector<16xi32>, vector<16xi32>], vector<16xi32>,
        %gather3A_430 = tpu.vector_load_idx %arg16[%add3A_188, %broadcast_in_dim3A_428] : memref<1000x16xi32, #tpu.memory_space<vmem>>[vector<16xi32>, vector<16xi32>], vector<16xi32>,
        %shift_left3A_431 = arith.constant 16 : i32
        %shift_left3A_432 = vector.broadcast %shift_left3A_431 : i32 to vector<16xi32>
        %shift_left3A_433 = arith.shli %gather3A_429, %shift_left3A_432 : vector<16xi32>
        %bitcast3A_434 = vector.bitcast %shift_left3A_433 : vector<16xi32> to vector<16xf32>
        %shift_left3A_435 = arith.constant 16 : i32
        %shift_left3A_436 = vector.broadcast %shift_left3A_435 : i32 to vector<16xi32>
        %shift_left3A_437 = arith.shli %gather3A_430, %shift_left3A_436 : vector<16xi32>
        %bitcast3A_438 = vector.bitcast %shift_left3A_437 : vector<16xi32> to vector<16xf32>
        %and3A_439 = vector.broadcast %scan3A_61 : i32 to vector<16xi32>
        %and3A_440 = arith.andi %gather3A_429, %and3A_439 : vector<16xi32>
        %bitcast3A_441 = vector.bitcast %and3A_440 : vector<16xi32> to vector<16xf32>
        %and3A_442 = vector.broadcast %scan3A_61 : i32 to vector<16xi32>
        %and3A_443 = arith.andi %gather3A_430, %and3A_442 : vector<16xi32>
        %bitcast3A_444 = vector.bitcast %and3A_443 : vector<16xi32> to vector<16xf32>
        %sub3A_445 = arith.subf %bitcast3A_434, %bitcast3A_438 : vector<16xf32>
        %sub3A_446 = arith.subf %bitcast3A_441, %bitcast3A_444 : vector<16xf32>
        %mul3A_447 = arith.mulf %sub3A_445, %sub3A_445 : vector<16xf32>
        %add3A_448 = arith.addf %mul3A_447, %add3A_424 : vector<16xf32>
        %mul3A_449 = arith.mulf %sub3A_446, %sub3A_446 : vector<16xf32>
        %add3A_450 = arith.addf %mul3A_449, %add3A_426 : vector<16xf32>
        %broadcast_in_dim3A_451 = arith.constant 11 : i32
        %broadcast_in_dim3A_452 = vector.broadcast %broadcast_in_dim3A_451 : i32 to vector<16xi32>
        %gather3A_453 = tpu.vector_load_idx %arg14[%add3A_188, %broadcast_in_dim3A_452] : memref<1000x16xi32, #tpu.memory_space<vmem>>[vector<16xi32>, vector<16xi32>], vector<16xi32>,
        %gather3A_454 = tpu.vector_load_idx %arg16[%add3A_188, %broadcast_in_dim3A_452] : memref<1000x16xi32, #tpu.memory_space<vmem>>[vector<16xi32>, vector<16xi32>], vector<16xi32>,
        %shift_left3A_455 = arith.constant 16 : i32
        %shift_left3A_456 = vector.broadcast %shift_left3A_455 : i32 to vector<16xi32>
        %shift_left3A_457 = arith.shli %gather3A_453, %shift_left3A_456 : vector<16xi32>
        %bitcast3A_458 = vector.bitcast %shift_left3A_457 : vector<16xi32> to vector<16xf32>
        %shift_left3A_459 = arith.constant 16 : i32
        %shift_left3A_460 = vector.broadcast %shift_left3A_459 : i32 to vector<16xi32>
        %shift_left3A_461 = arith.shli %gather3A_454, %shift_left3A_460 : vector<16xi32>
        %bitcast3A_462 = vector.bitcast %shift_left3A_461 : vector<16xi32> to vector<16xf32>
        %and3A_463 = vector.broadcast %scan3A_61 : i32 to vector<16xi32>
        %and3A_464 = arith.andi %gather3A_453, %and3A_463 : vector<16xi32>
        %bitcast3A_465 = vector.bitcast %and3A_464 : vector<16xi32> to vector<16xf32>
        %and3A_466 = vector.broadcast %scan3A_61 : i32 to vector<16xi32>
        %and3A_467 = arith.andi %gather3A_454, %and3A_466 : vector<16xi32>
        %bitcast3A_468 = vector.bitcast %and3A_467 : vector<16xi32> to vector<16xf32>
        %sub3A_469 = arith.subf %bitcast3A_458, %bitcast3A_462 : vector<16xf32>
        %sub3A_470 = arith.subf %bitcast3A_465, %bitcast3A_468 : vector<16xf32>
        %mul3A_471 = arith.mulf %sub3A_469, %sub3A_469 : vector<16xf32>
        %add3A_472 = arith.addf %mul3A_471, %add3A_448 : vector<16xf32>
        %mul3A_473 = arith.mulf %sub3A_470, %sub3A_470 : vector<16xf32>
        %add3A_474 = arith.addf %mul3A_473, %add3A_450 : vector<16xf32>
        %broadcast_in_dim3A_475 = arith.constant 12 : i32
        %broadcast_in_dim3A_476 = vector.broadcast %broadcast_in_dim3A_475 : i32 to vector<16xi32>
        %gather3A_477 = tpu.vector_load_idx %arg14[%add3A_188, %broadcast_in_dim3A_476] : memref<1000x16xi32, #tpu.memory_space<vmem>>[vector<16xi32>, vector<16xi32>], vector<16xi32>,
        %gather3A_478 = tpu.vector_load_idx %arg16[%add3A_188, %broadcast_in_dim3A_476] : memref<1000x16xi32, #tpu.memory_space<vmem>>[vector<16xi32>, vector<16xi32>], vector<16xi32>,
        %shift_left3A_479 = arith.constant 16 : i32
        %shift_left3A_480 = vector.broadcast %shift_left3A_479 : i32 to vector<16xi32>
        %shift_left3A_481 = arith.shli %gather3A_477, %shift_left3A_480 : vector<16xi32>
        %bitcast3A_482 = vector.bitcast %shift_left3A_481 : vector<16xi32> to vector<16xf32>
        %shift_left3A_483 = arith.constant 16 : i32
        %shift_left3A_484 = vector.broadcast %shift_left3A_483 : i32 to vector<16xi32>
        %shift_left3A_485 = arith.shli %gather3A_478, %shift_left3A_484 : vector<16xi32>
        %bitcast3A_486 = vector.bitcast %shift_left3A_485 : vector<16xi32> to vector<16xf32>
        %and3A_487 = vector.broadcast %scan3A_61 : i32 to vector<16xi32>
        %and3A_488 = arith.andi %gather3A_477, %and3A_487 : vector<16xi32>
        %bitcast3A_489 = vector.bitcast %and3A_488 : vector<16xi32> to vector<16xf32>
        %and3A_490 = vector.broadcast %scan3A_61 : i32 to vector<16xi32>
        %and3A_491 = arith.andi %gather3A_478, %and3A_490 : vector<16xi32>
        %bitcast3A_492 = vector.bitcast %and3A_491 : vector<16xi32> to vector<16xf32>
        %sub3A_493 = arith.subf %bitcast3A_482, %bitcast3A_486 : vector<16xf32>
        %sub3A_494 = arith.subf %bitcast3A_489, %bitcast3A_492 : vector<16xf32>
        %mul3A_495 = arith.mulf %sub3A_493, %sub3A_493 : vector<16xf32>
        %add3A_496 = arith.addf %mul3A_495, %add3A_472 : vector<16xf32>
        %mul3A_497 = arith.mulf %sub3A_494, %sub3A_494 : vector<16xf32>
        %add3A_498 = arith.addf %mul3A_497, %add3A_474 : vector<16xf32>
        %broadcast_in_dim3A_499 = arith.constant 13 : i32
        %broadcast_in_dim3A_500 = vector.broadcast %broadcast_in_dim3A_499 : i32 to vector<16xi32>
        %gather3A_501 = tpu.vector_load_idx %arg14[%add3A_188, %broadcast_in_dim3A_500] : memref<1000x16xi32, #tpu.memory_space<vmem>>[vector<16xi32>, vector<16xi32>], vector<16xi32>,
        %gather3A_502 = tpu.vector_load_idx %arg16[%add3A_188, %broadcast_in_dim3A_500] : memref<1000x16xi32, #tpu.memory_space<vmem>>[vector<16xi32>, vector<16xi32>], vector<16xi32>,
        %shift_left3A_503 = arith.constant 16 : i32
        %shift_left3A_504 = vector.broadcast %shift_left3A_503 : i32 to vector<16xi32>
        %shift_left3A_505 = arith.shli %gather3A_501, %shift_left3A_504 : vector<16xi32>
        %bitcast3A_506 = vector.bitcast %shift_left3A_505 : vector<16xi32> to vector<16xf32>
        %shift_left3A_507 = arith.constant 16 : i32
        %shift_left3A_508 = vector.broadcast %shift_left3A_507 : i32 to vector<16xi32>
        %shift_left3A_509 = arith.shli %gather3A_502, %shift_left3A_508 : vector<16xi32>
        %bitcast3A_510 = vector.bitcast %shift_left3A_509 : vector<16xi32> to vector<16xf32>
        %and3A_511 = vector.broadcast %scan3A_61 : i32 to vector<16xi32>
        %and3A_512 = arith.andi %gather3A_501, %and3A_511 : vector<16xi32>
        %bitcast3A_513 = vector.bitcast %and3A_512 : vector<16xi32> to vector<16xf32>
        %and3A_514 = vector.broadcast %scan3A_61 : i32 to vector<16xi32>
        %and3A_515 = arith.andi %gather3A_502, %and3A_514 : vector<16xi32>
        %bitcast3A_516 = vector.bitcast %and3A_515 : vector<16xi32> to vector<16xf32>
        %sub3A_517 = arith.subf %bitcast3A_506, %bitcast3A_510 : vector<16xf32>
        %sub3A_518 = arith.subf %bitcast3A_513, %bitcast3A_516 : vector<16xf32>
        %mul3A_519 = arith.mulf %sub3A_517, %sub3A_517 : vector<16xf32>
        %add3A_520 = arith.addf %mul3A_519, %add3A_496 : vector<16xf32>
        %mul3A_521 = arith.mulf %sub3A_518, %sub3A_518 : vector<16xf32>
        %add3A_522 = arith.addf %mul3A_521, %add3A_498 : vector<16xf32>
        %broadcast_in_dim3A_523 = arith.constant 14 : i32
        %broadcast_in_dim3A_524 = vector.broadcast %broadcast_in_dim3A_523 : i32 to vector<16xi32>
        %gather3A_525 = tpu.vector_load_idx %arg14[%add3A_188, %broadcast_in_dim3A_524] : memref<1000x16xi32, #tpu.memory_space<vmem>>[vector<16xi32>, vector<16xi32>], vector<16xi32>,
        %gather3A_526 = tpu.vector_load_idx %arg16[%add3A_188, %broadcast_in_dim3A_524] : memref<1000x16xi32, #tpu.memory_space<vmem>>[vector<16xi32>, vector<16xi32>], vector<16xi32>,
        %shift_left3A_527 = arith.constant 16 : i32
        %shift_left3A_528 = vector.broadcast %shift_left3A_527 : i32 to vector<16xi32>
        %shift_left3A_529 = arith.shli %gather3A_525, %shift_left3A_528 : vector<16xi32>
        %bitcast3A_530 = vector.bitcast %shift_left3A_529 : vector<16xi32> to vector<16xf32>
        %shift_left3A_531 = arith.constant 16 : i32
        %shift_left3A_532 = vector.broadcast %shift_left3A_531 : i32 to vector<16xi32>
        %shift_left3A_533 = arith.shli %gather3A_526, %shift_left3A_532 : vector<16xi32>
        %bitcast3A_534 = vector.bitcast %shift_left3A_533 : vector<16xi32> to vector<16xf32>
        %and3A_535 = vector.broadcast %scan3A_61 : i32 to vector<16xi32>
        %and3A_536 = arith.andi %gather3A_525, %and3A_535 : vector<16xi32>
        %bitcast3A_537 = vector.bitcast %and3A_536 : vector<16xi32> to vector<16xf32>
        %and3A_538 = vector.broadcast %scan3A_61 : i32 to vector<16xi32>
        %and3A_539 = arith.andi %gather3A_526, %and3A_538 : vector<16xi32>
        %bitcast3A_540 = vector.bitcast %and3A_539 : vector<16xi32> to vector<16xf32>
        %sub3A_541 = arith.subf %bitcast3A_530, %bitcast3A_534 : vector<16xf32>
        %sub3A_542 = arith.subf %bitcast3A_537, %bitcast3A_540 : vector<16xf32>
        %mul3A_543 = arith.mulf %sub3A_541, %sub3A_541 : vector<16xf32>
        %add3A_544 = arith.addf %mul3A_543, %add3A_520 : vector<16xf32>
        %mul3A_545 = arith.mulf %sub3A_542, %sub3A_542 : vector<16xf32>
        %add3A_546 = arith.addf %mul3A_545, %add3A_522 : vector<16xf32>
        %broadcast_in_dim3A_547 = arith.constant 15 : i32
        %broadcast_in_dim3A_548 = vector.broadcast %broadcast_in_dim3A_547 : i32 to vector<16xi32>
        %gather3A_549 = tpu.vector_load_idx %arg14[%add3A_188, %broadcast_in_dim3A_548] : memref<1000x16xi32, #tpu.memory_space<vmem>>[vector<16xi32>, vector<16xi32>], vector<16xi32>,
        %gather3A_550 = tpu.vector_load_idx %arg16[%add3A_188, %broadcast_in_dim3A_548] : memref<1000x16xi32, #tpu.memory_space<vmem>>[vector<16xi32>, vector<16xi32>], vector<16xi32>,
        %shift_left3A_551 = arith.constant 16 : i32
        %shift_left3A_552 = vector.broadcast %shift_left3A_551 : i32 to vector<16xi32>
        %shift_left3A_553 = arith.shli %gather3A_549, %shift_left3A_552 : vector<16xi32>
        %bitcast3A_554 = vector.bitcast %shift_left3A_553 : vector<16xi32> to vector<16xf32>
        %shift_left3A_555 = arith.constant 16 : i32
        %shift_left3A_556 = vector.broadcast %shift_left3A_555 : i32 to vector<16xi32>
        %shift_left3A_557 = arith.shli %gather3A_550, %shift_left3A_556 : vector<16xi32>
        %bitcast3A_558 = vector.bitcast %shift_left3A_557 : vector<16xi32> to vector<16xf32>
        %and3A_559 = vector.broadcast %scan3A_61 : i32 to vector<16xi32>
        %and3A_560 = arith.andi %gather3A_549, %and3A_559 : vector<16xi32>
        %bitcast3A_561 = vector.bitcast %and3A_560 : vector<16xi32> to vector<16xf32>
        %and3A_562 = vector.broadcast %scan3A_61 : i32 to vector<16xi32>
        %and3A_563 = arith.andi %gather3A_550, %and3A_562 : vector<16xi32>
        %bitcast3A_564 = vector.bitcast %and3A_563 : vector<16xi32> to vector<16xf32>
        %sub3A_565 = arith.subf %bitcast3A_554, %bitcast3A_558 : vector<16xf32>
        %sub3A_566 = arith.subf %bitcast3A_561, %bitcast3A_564 : vector<16xf32>
        %mul3A_567 = arith.mulf %sub3A_565, %sub3A_565 : vector<16xf32>
        %add3A_568 = arith.addf %mul3A_567, %add3A_544 : vector<16xf32>
        %mul3A_569 = arith.mulf %sub3A_566, %sub3A_566 : vector<16xf32>
        %add3A_570 = arith.addf %mul3A_569, %add3A_546 : vector<16xf32>
        %add3A_571 = arith.addf %add3A_568, %add3A_570 : vector<16xf32>
        %swap3A = arith.index_cast %min3A_186 : i32 to index
        %swap3A_572 = tpu.vector_load %arg22[%swap3A] {strides = array<i32>} : memref<1000xf32, #tpu.memory_space<vmem>>, vector<16xf32>,
        tpu.vector_store %arg22[%swap3A], %add3A_571 {strides = array<i32>} : memref<1000xf32, #tpu.memory_space<vmem>>, vector<16xf32>,
        %get3A = arith.index_cast %min3A_186 : i32 to index
        %get3A_573 = tpu.vector_load %arg18[%get3A] {strides = array<i32>} : memref<1000xi32, #tpu.memory_space<vmem>>, vector<16xi32>,
        %get3A_574 = arith.index_cast %min3A_186 : i32 to index
        %get3A_575 = tpu.vector_load %arg20[%get3A_574] {strides = array<i32>} : memref<1000xi32, #tpu.memory_space<vmem>>, vector<16xi32>,
        %shift_right_logical3A = arith.constant 4 : i32
        %shift_right_logical3A_576 = vector.broadcast %shift_right_logical3A : i32 to vector<16xi32>
        %shift_right_logical3A_577 = arith.shrui %get3A_573, %shift_right_logical3A_576 : vector<16xi32>
        %shift_right_logical3A_578 = arith.constant 4 : i32
        %shift_right_logical3A_579 = vector.broadcast %shift_right_logical3A_578 : i32 to vector<16xi32>
        %shift_right_logical3A_580 = arith.shrui %get3A_575, %shift_right_logical3A_579 : vector<16xi32>
        %eq3A = arith.cmpi eq, %shift_right_logical3A_577, %shift_right_logical3A_580 : vector<16xi32>
        %convert_element_type3A = arith.extui %eq3A : vector<16xi1> to vector<16xi32>
        %and3A_581 = arith.constant 15 : i32
        %and3A_582 = vector.broadcast %and3A_581 : i32 to vector<16xi32>
        %and3A_583 = arith.andi %get3A_573, %and3A_582 : vector<16xi32>
        %and3A_584 = arith.constant 15 : i32
        %and3A_585 = vector.broadcast %and3A_584 : i32 to vector<16xi32>
        %and3A_586 = arith.andi %get3A_575, %and3A_585 : vector<16xi32>
        %sub3A_587 = arith.subi %and3A_583, %and3A_586 : vector<16xi32>
        %abs3A = math.absi %sub3A_587 : vector<16xi32>
        %lt3A = arith.constant 3 : i32
        %lt3A_588 = vector.broadcast %lt3A : i32 to vector<16xi32>
        %lt3A_589 = arith.cmpi slt, %abs3A, %lt3A_588 : vector<16xi32>
        %convert_element_type3A_590 = arith.extui %lt3A_589 : vector<16xi1> to vector<16xi32>
        %mul3A_591 = arith.constant 2 : i32
        %mul3A_592 = vector.broadcast %mul3A_591 : i32 to vector<16xi32>
        %mul3A_593 = arith.muli %mul3A_592, %convert_element_type3A_590 : vector<16xi32>
        %add3A_594 = arith.addi %convert_element_type3A, %mul3A_593 : vector<16xi32>
        %swap3A_595 = arith.index_cast %min3A_186 : i32 to index
        %swap3A_596 = tpu.vector_load %arg24[%swap3A_595] {strides = array<i32>} : memref<1000xi32, #tpu.memory_space<vmem>>, vector<16xi32>,
        tpu.vector_store %arg24[%swap3A_595], %add3A_594 {strides = array<i32>} : memref<1000xi32, #tpu.memory_space<vmem>>, vector<16xi32>,
      }
      %scan3A_127 = arith.constant 63 : i32
      %add3A_128 = arith.constant 800000 : i32
      %add3A_129 = arith.addi %add3A_128, %mul3A_2 : i32
      %mul3A_130 = arith.constant 1000 : i32
      %mul3A_131 = arith.muli %mul3A_94, %mul3A_130 : i32
      %add3A_132 = arith.addi %add3A_129, %mul3A_131 : i32
      "tpu.region"() ({
        %run_scoped3A = tpu.sem_alloc : memref<!tpu.dma_semaphore, #tpu.memory_space<semaphore_mem>>
        %dma_start3A_183 = tpu.memref_slice %arg8[%add3A_132] : memref<1600000xf32, #tpu.memory_space<hbm>> -> memref<1000xf32, #tpu.memory_space<hbm>>
        %dma_start3A_184 = tpu.memref_slice %arg8[%add3A_132] : memref<1600000xf32, #tpu.memory_space<hbm>> -> memref<1000xf32, #tpu.memory_space<hbm>>
        tpu.enqueue_dma source(%arg22 : memref<1000xf32, #tpu.memory_space<vmem>>) target(%dma_start3A_184 : memref<1000xf32, #tpu.memory_space<hbm>>) target_semaphore(%run_scoped3A : memref<!tpu.dma_semaphore, #tpu.memory_space<semaphore_mem>>)
        %dma_wait3A_185 = tpu.memref_slice %arg8[%add3A_132] : memref<1600000xf32, #tpu.memory_space<hbm>> -> memref<1000xf32, #tpu.memory_space<hbm>>
        %dma_wait3A_186 = tpu.memref_slice %arg8[%add3A_132] : memref<1600000xf32, #tpu.memory_space<hbm>> -> memref<1000xf32, #tpu.memory_space<hbm>>
        tpu.wait_dma2 semaphore(%run_scoped3A : memref<!tpu.dma_semaphore, #tpu.memory_space<semaphore_mem>>) src(%arg22 : memref<1000xf32, #tpu.memory_space<vmem>>) dst(%dma_wait3A_186 : memref<1000xf32, #tpu.memory_space<hbm>>)
        tpu.yield
      }) : () -> ()
      %add3A_133 = arith.constant 800000 : i32
      %add3A_134 = arith.addi %add3A_133, %mul3A_2 : i32
      %mul3A_135 = arith.constant 1000 : i32
      %mul3A_136 = arith.muli %mul3A_94, %mul3A_135 : i32
      %add3A_137 = arith.addi %add3A_134, %mul3A_136 : i32
      "tpu.region"() ({
        %run_scoped3A = tpu.sem_alloc : memref<!tpu.dma_semaphore, #tpu.memory_space<semaphore_mem>>
        %dma_start3A_183 = tpu.memref_slice %arg9[%add3A_137] : memref<1600000xi32, #tpu.memory_space<hbm>> -> memref<1000xi32, #tpu.memory_space<hbm>>
        %dma_start3A_184 = tpu.memref_slice %arg9[%add3A_137] : memref<1600000xi32, #tpu.memory_space<hbm>> -> memref<1000xi32, #tpu.memory_space<hbm>>
        tpu.enqueue_dma source(%arg24 : memref<1000xi32, #tpu.memory_space<vmem>>) target(%dma_start3A_184 : memref<1000xi32, #tpu.memory_space<hbm>>) target_semaphore(%run_scoped3A : memref<!tpu.dma_semaphore, #tpu.memory_space<semaphore_mem>>)
        %dma_wait3A_185 = tpu.memref_slice %arg9[%add3A_137] : memref<1600000xi32, #tpu.memory_space<hbm>> -> memref<1000xi32, #tpu.memory_space<hbm>>
        %dma_wait3A_186 = tpu.memref_slice %arg9[%add3A_137] : memref<1600000xi32, #tpu.memory_space<hbm>> -> memref<1000xi32, #tpu.memory_space<hbm>>
        tpu.wait_dma2 semaphore(%run_scoped3A : memref<!tpu.dma_semaphore, #tpu.memory_space<semaphore_mem>>) src(%arg24 : memref<1000xi32, #tpu.memory_space<vmem>>) dst(%dma_wait3A_186 : memref<1000xi32, #tpu.memory_space<hbm>>)
        tpu.yield
      }) : () -> ()
      %add3A_138 = arith.constant 2 : i32
      %add3A_139 = arith.addi %mul3A_94, %add3A_138 : i32
      %mul3A_140 = arith.constant 1000 : i32
      %mul3A_141 = arith.muli %add3A_139, %mul3A_140 : i32
      %add3A_142 = arith.addi %mul3A_2, %mul3A_141 : i32
      "tpu.region"() ({
        %run_scoped3A = tpu.sem_alloc : memref<!tpu.dma_semaphore, #tpu.memory_space<semaphore_mem>>
        %dma_start3A_183 = tpu.memref_slice %arg7[%add3A_142] : memref<1600000xi32, #tpu.memory_space<hbm>> -> memref<1000xi32, #tpu.memory_space<hbm>>
        %dma_start3A_184 = tpu.memref_slice %arg7[%add3A_142] : memref<1600000xi32, #tpu.memory_space<hbm>> -> memref<1000xi32, #tpu.memory_space<hbm>>
        tpu.enqueue_dma source(%dma_start3A_184 : memref<1000xi32, #tpu.memory_space<hbm>>) target(%arg10 : memref<1000xi32, #tpu.memory_space<vmem>>) target_semaphore(%run_scoped3A : memref<!tpu.dma_semaphore, #tpu.memory_space<semaphore_mem>>)
        %dma_wait3A_185 = tpu.memref_slice %arg7[%add3A_142] : memref<1600000xi32, #tpu.memory_space<hbm>> -> memref<1000xi32, #tpu.memory_space<hbm>>
        %dma_wait3A_186 = tpu.memref_slice %arg7[%add3A_142] : memref<1600000xi32, #tpu.memory_space<hbm>> -> memref<1000xi32, #tpu.memory_space<hbm>>
        tpu.wait_dma2 semaphore(%run_scoped3A : memref<!tpu.dma_semaphore, #tpu.memory_space<semaphore_mem>>) src(%dma_wait3A_186 : memref<1000xi32, #tpu.memory_space<hbm>>) dst(%arg10 : memref<1000xi32, #tpu.memory_space<vmem>>)
        tpu.yield
      }) : () -> ()
      %add3A_143 = arith.constant 800000 : i32
      %add3A_144 = arith.addi %add3A_143, %add3A_142 : i32
      "tpu.region"() ({
        %run_scoped3A = tpu.sem_alloc : memref<!tpu.dma_semaphore, #tpu.memory_space<semaphore_mem>>
        %dma_start3A_183 = tpu.memref_slice %arg7[%add3A_144] : memref<1600000xi32, #tpu.memory_space<hbm>> -> memref<1000xi32, #tpu.memory_space<hbm>>
        %dma_start3A_184 = tpu.memref_slice %arg7[%add3A_144] : memref<1600000xi32, #tpu.memory_space<hbm>> -> memref<1000xi32, #tpu.memory_space<hbm>>
        tpu.enqueue_dma source(%dma_start3A_184 : memref<1000xi32, #tpu.memory_space<hbm>>) target(%arg12 : memref<1000xi32, #tpu.memory_space<vmem>>) target_semaphore(%run_scoped3A : memref<!tpu.dma_semaphore, #tpu.memory_space<semaphore_mem>>)
        %dma_wait3A_185 = tpu.memref_slice %arg7[%add3A_144] : memref<1600000xi32, #tpu.memory_space<hbm>> -> memref<1000xi32, #tpu.memory_space<hbm>>
        %dma_wait3A_186 = tpu.memref_slice %arg7[%add3A_144] : memref<1600000xi32, #tpu.memory_space<hbm>> -> memref<1000xi32, #tpu.memory_space<hbm>>
        tpu.wait_dma2 semaphore(%run_scoped3A : memref<!tpu.dma_semaphore, #tpu.memory_space<semaphore_mem>>) src(%dma_wait3A_186 : memref<1000xi32, #tpu.memory_space<hbm>>) dst(%arg12 : memref<1000xi32, #tpu.memory_space<vmem>>)
        tpu.yield
      }) : () -> ()
      %dma_start3A_145 = arith.constant 0 : i32
      %dma_start3A_146 = arith.constant 0 : i32
      %dma_start3A_147 = tpu.memref_slice %arg3[%dma_start3A_145, %dma_start3A_146] : memref<50000x16xi32, #tpu.memory_space<hbm>> -> memref<50000x16xi32, #tpu.memory_space<hbm>>
      tpu.enqueue_indirect_dma source(%dma_start3A_147 : memref<50000x16xi32, #tpu.memory_space<hbm>>) target(%arg14 : memref<1000x16xi32, #tpu.memory_space<vmem>>) offsets(%arg10 : memref<1000xi32, #tpu.memory_space<vmem>>) semaphore(%arg26 : memref<!tpu.dma_semaphore, #tpu.memory_space<semaphore_mem>>)
      %dma_start3A_148 = arith.constant 0 : i32
      %dma_start3A_149 = arith.constant 0 : i32
      %dma_start3A_150 = tpu.memref_slice %arg3[%dma_start3A_148, %dma_start3A_149] : memref<50000x16xi32, #tpu.memory_space<hbm>> -> memref<50000x16xi32, #tpu.memory_space<hbm>>
      tpu.enqueue_indirect_dma source(%dma_start3A_150 : memref<50000x16xi32, #tpu.memory_space<hbm>>) target(%arg16 : memref<1000x16xi32, #tpu.memory_space<vmem>>) offsets(%arg12 : memref<1000xi32, #tpu.memory_space<vmem>>) semaphore(%arg26 : memref<!tpu.dma_semaphore, #tpu.memory_space<semaphore_mem>>)
      %dma_start3A_151 = arith.constant 0 : i32
      %dma_start3A_152 = tpu.memref_slice %arg5[%dma_start3A_151] : memref<50000xi32, #tpu.memory_space<hbm>> -> memref<50000xi32, #tpu.memory_space<hbm>>
      tpu.enqueue_indirect_dma source(%dma_start3A_152 : memref<50000xi32, #tpu.memory_space<hbm>>) target(%arg18 : memref<1000xi32, #tpu.memory_space<vmem>>) offsets(%arg10 : memref<1000xi32, #tpu.memory_space<vmem>>) semaphore(%arg26 : memref<!tpu.dma_semaphore, #tpu.memory_space<semaphore_mem>>)
      %dma_start3A_153 = arith.constant 0 : i32
      %dma_start3A_154 = tpu.memref_slice %arg5[%dma_start3A_153] : memref<50000xi32, #tpu.memory_space<hbm>> -> memref<50000xi32, #tpu.memory_space<hbm>>
      tpu.enqueue_indirect_dma source(%dma_start3A_154 : memref<50000xi32, #tpu.memory_space<hbm>>) target(%arg20 : memref<1000xi32, #tpu.memory_space<vmem>>) offsets(%arg12 : memref<1000xi32, #tpu.memory_space<vmem>>) semaphore(%arg26 : memref<!tpu.dma_semaphore, #tpu.memory_space<semaphore_mem>>)
      %add3A_155 = arith.constant 1 : i32
      %add3A_156 = arith.addi %mul3A_94, %add3A_155 : i32
      %dma_wait3A_157 = arith.constant 0 : i32
      %dma_wait3A_158 = arith.constant 0 : i32
      %dma_wait3A_159 = tpu.memref_slice %arg3[%dma_wait3A_157, %dma_wait3A_158] : memref<50000x16xi32, #tpu.memory_space<hbm>> -> memref<50000x16xi32, #tpu.memory_space<hbm>>
      tpu.wait_indirect_dma semaphore(%arg27 : memref<!tpu.dma_semaphore, #tpu.memory_space<semaphore_mem>>) src(%dma_wait3A_159 : memref<50000x16xi32, #tpu.memory_space<hbm>>) dst(%arg15 : memref<1000x16xi32, #tpu.memory_space<vmem>>)
      %dma_wait3A_160 = arith.constant 0 : i32
      %dma_wait3A_161 = arith.constant 0 : i32
      %dma_wait3A_162 = tpu.memref_slice %arg3[%dma_wait3A_160, %dma_wait3A_161] : memref<50000x16xi32, #tpu.memory_space<hbm>> -> memref<50000x16xi32, #tpu.memory_space<hbm>>
      tpu.wait_indirect_dma semaphore(%arg27 : memref<!tpu.dma_semaphore, #tpu.memory_space<semaphore_mem>>) src(%dma_wait3A_162 : memref<50000x16xi32, #tpu.memory_space<hbm>>) dst(%arg17 : memref<1000x16xi32, #tpu.memory_space<vmem>>)
      %dma_wait3A_163 = arith.constant 0 : i32
      %dma_wait3A_164 = tpu.memref_slice %arg5[%dma_wait3A_163] : memref<50000xi32, #tpu.memory_space<hbm>> -> memref<50000xi32, #tpu.memory_space<hbm>>
      tpu.wait_indirect_dma semaphore(%arg27 : memref<!tpu.dma_semaphore, #tpu.memory_space<semaphore_mem>>) src(%dma_wait3A_164 : memref<50000xi32, #tpu.memory_space<hbm>>) dst(%arg19 : memref<1000xi32, #tpu.memory_space<vmem>>)
      %dma_wait3A_165 = arith.constant 0 : i32
      %dma_wait3A_166 = tpu.memref_slice %arg5[%dma_wait3A_165] : memref<50000xi32, #tpu.memory_space<hbm>> -> memref<50000xi32, #tpu.memory_space<hbm>>
      tpu.wait_indirect_dma semaphore(%arg27 : memref<!tpu.dma_semaphore, #tpu.memory_space<semaphore_mem>>) src(%dma_wait3A_166 : memref<50000xi32, #tpu.memory_space<hbm>>) dst(%arg21 : memref<1000xi32, #tpu.memory_space<vmem>>)
      %scan3A_167 = arith.constant 0 : i32
      %scan3A_168 = arith.constant 0 : i32
      %scan3A_169 = arith.constant 63 : i32
      %scan3A_170 = arith.addi %scan3A_168, %scan3A_169 : i32
      %scan3A_171 = arith.constant 1 : i32
      scf.for %scan3A_183 = %scan3A_168 to %scan3A_170 step %scan3A_171  : i32 {
        %mul3A_184 = arith.constant 16 : i32
        %mul3A_185 = arith.muli %scan3A_183, %mul3A_184 : i32
        %min3A = arith.constant 984 : i32
        %min3A_186 = arith.minsi %mul3A_185, %min3A : i32
        %add3A_187 = vector.broadcast %min3A_186 : i32 to vector<16xi32>
        %add3A_188 = arith.addi %add3A_187, %iota3A : vector<16xi32>
        %broadcast_in_dim3A = arith.constant 0.000000e+00 : f32
        %broadcast_in_dim3A_189 = vector.broadcast %broadcast_in_dim3A : f32 to vector<16xf32>
        %broadcast_in_dim3A_190 = arith.constant 0.000000e+00 : f32
        %broadcast_in_dim3A_191 = vector.broadcast %broadcast_in_dim3A_190 : f32 to vector<16xf32>
        %broadcast_in_dim3A_192 = arith.constant 0 : i32
        %broadcast_in_dim3A_193 = vector.broadcast %broadcast_in_dim3A_192 : i32 to vector<16xi32>
        %gather3A = tpu.vector_load_idx %arg15[%add3A_188, %broadcast_in_dim3A_193] : memref<1000x16xi32, #tpu.memory_space<vmem>>[vector<16xi32>, vector<16xi32>], vector<16xi32>,
        %gather3A_194 = tpu.vector_load_idx %arg17[%add3A_188, %broadcast_in_dim3A_193] : memref<1000x16xi32, #tpu.memory_space<vmem>>[vector<16xi32>, vector<16xi32>], vector<16xi32>,
        %shift_left3A = arith.constant 16 : i32
        %shift_left3A_195 = vector.broadcast %shift_left3A : i32 to vector<16xi32>
        %shift_left3A_196 = arith.shli %gather3A, %shift_left3A_195 : vector<16xi32>
        %bitcast3A = vector.bitcast %shift_left3A_196 : vector<16xi32> to vector<16xf32>
        %shift_left3A_197 = arith.constant 16 : i32
        %shift_left3A_198 = vector.broadcast %shift_left3A_197 : i32 to vector<16xi32>
        %shift_left3A_199 = arith.shli %gather3A_194, %shift_left3A_198 : vector<16xi32>
        %bitcast3A_200 = vector.bitcast %shift_left3A_199 : vector<16xi32> to vector<16xf32>
        %and3A = vector.broadcast %scan3A_61 : i32 to vector<16xi32>
        %and3A_201 = arith.andi %gather3A, %and3A : vector<16xi32>
        %bitcast3A_202 = vector.bitcast %and3A_201 : vector<16xi32> to vector<16xf32>
        %and3A_203 = vector.broadcast %scan3A_61 : i32 to vector<16xi32>
        %and3A_204 = arith.andi %gather3A_194, %and3A_203 : vector<16xi32>
        %bitcast3A_205 = vector.bitcast %and3A_204 : vector<16xi32> to vector<16xf32>
        %sub3A = arith.subf %bitcast3A, %bitcast3A_200 : vector<16xf32>
        %sub3A_206 = arith.subf %bitcast3A_202, %bitcast3A_205 : vector<16xf32>
        %mul3A_207 = arith.mulf %sub3A, %sub3A : vector<16xf32>
        %add3A_208 = arith.addf %mul3A_207, %broadcast_in_dim3A_189 : vector<16xf32>
        %mul3A_209 = arith.mulf %sub3A_206, %sub3A_206 : vector<16xf32>
        %add3A_210 = arith.addf %mul3A_209, %broadcast_in_dim3A_191 : vector<16xf32>
        %broadcast_in_dim3A_211 = arith.constant 1 : i32
        %broadcast_in_dim3A_212 = vector.broadcast %broadcast_in_dim3A_211 : i32 to vector<16xi32>
        %gather3A_213 = tpu.vector_load_idx %arg15[%add3A_188, %broadcast_in_dim3A_212] : memref<1000x16xi32, #tpu.memory_space<vmem>>[vector<16xi32>, vector<16xi32>], vector<16xi32>,
        %gather3A_214 = tpu.vector_load_idx %arg17[%add3A_188, %broadcast_in_dim3A_212] : memref<1000x16xi32, #tpu.memory_space<vmem>>[vector<16xi32>, vector<16xi32>], vector<16xi32>,
        %shift_left3A_215 = arith.constant 16 : i32
        %shift_left3A_216 = vector.broadcast %shift_left3A_215 : i32 to vector<16xi32>
        %shift_left3A_217 = arith.shli %gather3A_213, %shift_left3A_216 : vector<16xi32>
        %bitcast3A_218 = vector.bitcast %shift_left3A_217 : vector<16xi32> to vector<16xf32>
        %shift_left3A_219 = arith.constant 16 : i32
        %shift_left3A_220 = vector.broadcast %shift_left3A_219 : i32 to vector<16xi32>
        %shift_left3A_221 = arith.shli %gather3A_214, %shift_left3A_220 : vector<16xi32>
        %bitcast3A_222 = vector.bitcast %shift_left3A_221 : vector<16xi32> to vector<16xf32>
        %and3A_223 = vector.broadcast %scan3A_61 : i32 to vector<16xi32>
        %and3A_224 = arith.andi %gather3A_213, %and3A_223 : vector<16xi32>
        %bitcast3A_225 = vector.bitcast %and3A_224 : vector<16xi32> to vector<16xf32>
        %and3A_226 = vector.broadcast %scan3A_61 : i32 to vector<16xi32>
        %and3A_227 = arith.andi %gather3A_214, %and3A_226 : vector<16xi32>
        %bitcast3A_228 = vector.bitcast %and3A_227 : vector<16xi32> to vector<16xf32>
        %sub3A_229 = arith.subf %bitcast3A_218, %bitcast3A_222 : vector<16xf32>
        %sub3A_230 = arith.subf %bitcast3A_225, %bitcast3A_228 : vector<16xf32>
        %mul3A_231 = arith.mulf %sub3A_229, %sub3A_229 : vector<16xf32>
        %add3A_232 = arith.addf %mul3A_231, %add3A_208 : vector<16xf32>
        %mul3A_233 = arith.mulf %sub3A_230, %sub3A_230 : vector<16xf32>
        %add3A_234 = arith.addf %mul3A_233, %add3A_210 : vector<16xf32>
        %broadcast_in_dim3A_235 = arith.constant 2 : i32
        %broadcast_in_dim3A_236 = vector.broadcast %broadcast_in_dim3A_235 : i32 to vector<16xi32>
        %gather3A_237 = tpu.vector_load_idx %arg15[%add3A_188, %broadcast_in_dim3A_236] : memref<1000x16xi32, #tpu.memory_space<vmem>>[vector<16xi32>, vector<16xi32>], vector<16xi32>,
        %gather3A_238 = tpu.vector_load_idx %arg17[%add3A_188, %broadcast_in_dim3A_236] : memref<1000x16xi32, #tpu.memory_space<vmem>>[vector<16xi32>, vector<16xi32>], vector<16xi32>,
        %shift_left3A_239 = arith.constant 16 : i32
        %shift_left3A_240 = vector.broadcast %shift_left3A_239 : i32 to vector<16xi32>
        %shift_left3A_241 = arith.shli %gather3A_237, %shift_left3A_240 : vector<16xi32>
        %bitcast3A_242 = vector.bitcast %shift_left3A_241 : vector<16xi32> to vector<16xf32>
        %shift_left3A_243 = arith.constant 16 : i32
        %shift_left3A_244 = vector.broadcast %shift_left3A_243 : i32 to vector<16xi32>
        %shift_left3A_245 = arith.shli %gather3A_238, %shift_left3A_244 : vector<16xi32>
        %bitcast3A_246 = vector.bitcast %shift_left3A_245 : vector<16xi32> to vector<16xf32>
        %and3A_247 = vector.broadcast %scan3A_61 : i32 to vector<16xi32>
        %and3A_248 = arith.andi %gather3A_237, %and3A_247 : vector<16xi32>
        %bitcast3A_249 = vector.bitcast %and3A_248 : vector<16xi32> to vector<16xf32>
        %and3A_250 = vector.broadcast %scan3A_61 : i32 to vector<16xi32>
        %and3A_251 = arith.andi %gather3A_238, %and3A_250 : vector<16xi32>
        %bitcast3A_252 = vector.bitcast %and3A_251 : vector<16xi32> to vector<16xf32>
        %sub3A_253 = arith.subf %bitcast3A_242, %bitcast3A_246 : vector<16xf32>
        %sub3A_254 = arith.subf %bitcast3A_249, %bitcast3A_252 : vector<16xf32>
        %mul3A_255 = arith.mulf %sub3A_253, %sub3A_253 : vector<16xf32>
        %add3A_256 = arith.addf %mul3A_255, %add3A_232 : vector<16xf32>
        %mul3A_257 = arith.mulf %sub3A_254, %sub3A_254 : vector<16xf32>
        %add3A_258 = arith.addf %mul3A_257, %add3A_234 : vector<16xf32>
        %broadcast_in_dim3A_259 = arith.constant 3 : i32
        %broadcast_in_dim3A_260 = vector.broadcast %broadcast_in_dim3A_259 : i32 to vector<16xi32>
        %gather3A_261 = tpu.vector_load_idx %arg15[%add3A_188, %broadcast_in_dim3A_260] : memref<1000x16xi32, #tpu.memory_space<vmem>>[vector<16xi32>, vector<16xi32>], vector<16xi32>,
        %gather3A_262 = tpu.vector_load_idx %arg17[%add3A_188, %broadcast_in_dim3A_260] : memref<1000x16xi32, #tpu.memory_space<vmem>>[vector<16xi32>, vector<16xi32>], vector<16xi32>,
        %shift_left3A_263 = arith.constant 16 : i32
        %shift_left3A_264 = vector.broadcast %shift_left3A_263 : i32 to vector<16xi32>
        %shift_left3A_265 = arith.shli %gather3A_261, %shift_left3A_264 : vector<16xi32>
        %bitcast3A_266 = vector.bitcast %shift_left3A_265 : vector<16xi32> to vector<16xf32>
        %shift_left3A_267 = arith.constant 16 : i32
        %shift_left3A_268 = vector.broadcast %shift_left3A_267 : i32 to vector<16xi32>
        %shift_left3A_269 = arith.shli %gather3A_262, %shift_left3A_268 : vector<16xi32>
        %bitcast3A_270 = vector.bitcast %shift_left3A_269 : vector<16xi32> to vector<16xf32>
        %and3A_271 = vector.broadcast %scan3A_61 : i32 to vector<16xi32>
        %and3A_272 = arith.andi %gather3A_261, %and3A_271 : vector<16xi32>
        %bitcast3A_273 = vector.bitcast %and3A_272 : vector<16xi32> to vector<16xf32>
        %and3A_274 = vector.broadcast %scan3A_61 : i32 to vector<16xi32>
        %and3A_275 = arith.andi %gather3A_262, %and3A_274 : vector<16xi32>
        %bitcast3A_276 = vector.bitcast %and3A_275 : vector<16xi32> to vector<16xf32>
        %sub3A_277 = arith.subf %bitcast3A_266, %bitcast3A_270 : vector<16xf32>
        %sub3A_278 = arith.subf %bitcast3A_273, %bitcast3A_276 : vector<16xf32>
        %mul3A_279 = arith.mulf %sub3A_277, %sub3A_277 : vector<16xf32>
        %add3A_280 = arith.addf %mul3A_279, %add3A_256 : vector<16xf32>
        %mul3A_281 = arith.mulf %sub3A_278, %sub3A_278 : vector<16xf32>
        %add3A_282 = arith.addf %mul3A_281, %add3A_258 : vector<16xf32>
        %broadcast_in_dim3A_283 = arith.constant 4 : i32
        %broadcast_in_dim3A_284 = vector.broadcast %broadcast_in_dim3A_283 : i32 to vector<16xi32>
        %gather3A_285 = tpu.vector_load_idx %arg15[%add3A_188, %broadcast_in_dim3A_284] : memref<1000x16xi32, #tpu.memory_space<vmem>>[vector<16xi32>, vector<16xi32>], vector<16xi32>,
        %gather3A_286 = tpu.vector_load_idx %arg17[%add3A_188, %broadcast_in_dim3A_284] : memref<1000x16xi32, #tpu.memory_space<vmem>>[vector<16xi32>, vector<16xi32>], vector<16xi32>,
        %shift_left3A_287 = arith.constant 16 : i32
        %shift_left3A_288 = vector.broadcast %shift_left3A_287 : i32 to vector<16xi32>
        %shift_left3A_289 = arith.shli %gather3A_285, %shift_left3A_288 : vector<16xi32>
        %bitcast3A_290 = vector.bitcast %shift_left3A_289 : vector<16xi32> to vector<16xf32>
        %shift_left3A_291 = arith.constant 16 : i32
        %shift_left3A_292 = vector.broadcast %shift_left3A_291 : i32 to vector<16xi32>
        %shift_left3A_293 = arith.shli %gather3A_286, %shift_left3A_292 : vector<16xi32>
        %bitcast3A_294 = vector.bitcast %shift_left3A_293 : vector<16xi32> to vector<16xf32>
        %and3A_295 = vector.broadcast %scan3A_61 : i32 to vector<16xi32>
        %and3A_296 = arith.andi %gather3A_285, %and3A_295 : vector<16xi32>
        %bitcast3A_297 = vector.bitcast %and3A_296 : vector<16xi32> to vector<16xf32>
        %and3A_298 = vector.broadcast %scan3A_61 : i32 to vector<16xi32>
        %and3A_299 = arith.andi %gather3A_286, %and3A_298 : vector<16xi32>
        %bitcast3A_300 = vector.bitcast %and3A_299 : vector<16xi32> to vector<16xf32>
        %sub3A_301 = arith.subf %bitcast3A_290, %bitcast3A_294 : vector<16xf32>
        %sub3A_302 = arith.subf %bitcast3A_297, %bitcast3A_300 : vector<16xf32>
        %mul3A_303 = arith.mulf %sub3A_301, %sub3A_301 : vector<16xf32>
        %add3A_304 = arith.addf %mul3A_303, %add3A_280 : vector<16xf32>
        %mul3A_305 = arith.mulf %sub3A_302, %sub3A_302 : vector<16xf32>
        %add3A_306 = arith.addf %mul3A_305, %add3A_282 : vector<16xf32>
        %broadcast_in_dim3A_307 = arith.constant 5 : i32
        %broadcast_in_dim3A_308 = vector.broadcast %broadcast_in_dim3A_307 : i32 to vector<16xi32>
        %gather3A_309 = tpu.vector_load_idx %arg15[%add3A_188, %broadcast_in_dim3A_308] : memref<1000x16xi32, #tpu.memory_space<vmem>>[vector<16xi32>, vector<16xi32>], vector<16xi32>,
        %gather3A_310 = tpu.vector_load_idx %arg17[%add3A_188, %broadcast_in_dim3A_308] : memref<1000x16xi32, #tpu.memory_space<vmem>>[vector<16xi32>, vector<16xi32>], vector<16xi32>,
        %shift_left3A_311 = arith.constant 16 : i32
        %shift_left3A_312 = vector.broadcast %shift_left3A_311 : i32 to vector<16xi32>
        %shift_left3A_313 = arith.shli %gather3A_309, %shift_left3A_312 : vector<16xi32>
        %bitcast3A_314 = vector.bitcast %shift_left3A_313 : vector<16xi32> to vector<16xf32>
        %shift_left3A_315 = arith.constant 16 : i32
        %shift_left3A_316 = vector.broadcast %shift_left3A_315 : i32 to vector<16xi32>
        %shift_left3A_317 = arith.shli %gather3A_310, %shift_left3A_316 : vector<16xi32>
        %bitcast3A_318 = vector.bitcast %shift_left3A_317 : vector<16xi32> to vector<16xf32>
        %and3A_319 = vector.broadcast %scan3A_61 : i32 to vector<16xi32>
        %and3A_320 = arith.andi %gather3A_309, %and3A_319 : vector<16xi32>
        %bitcast3A_321 = vector.bitcast %and3A_320 : vector<16xi32> to vector<16xf32>
        %and3A_322 = vector.broadcast %scan3A_61 : i32 to vector<16xi32>
        %and3A_323 = arith.andi %gather3A_310, %and3A_322 : vector<16xi32>
        %bitcast3A_324 = vector.bitcast %and3A_323 : vector<16xi32> to vector<16xf32>
        %sub3A_325 = arith.subf %bitcast3A_314, %bitcast3A_318 : vector<16xf32>
        %sub3A_326 = arith.subf %bitcast3A_321, %bitcast3A_324 : vector<16xf32>
        %mul3A_327 = arith.mulf %sub3A_325, %sub3A_325 : vector<16xf32>
        %add3A_328 = arith.addf %mul3A_327, %add3A_304 : vector<16xf32>
        %mul3A_329 = arith.mulf %sub3A_326, %sub3A_326 : vector<16xf32>
        %add3A_330 = arith.addf %mul3A_329, %add3A_306 : vector<16xf32>
        %broadcast_in_dim3A_331 = arith.constant 6 : i32
        %broadcast_in_dim3A_332 = vector.broadcast %broadcast_in_dim3A_331 : i32 to vector<16xi32>
        %gather3A_333 = tpu.vector_load_idx %arg15[%add3A_188, %broadcast_in_dim3A_332] : memref<1000x16xi32, #tpu.memory_space<vmem>>[vector<16xi32>, vector<16xi32>], vector<16xi32>,
        %gather3A_334 = tpu.vector_load_idx %arg17[%add3A_188, %broadcast_in_dim3A_332] : memref<1000x16xi32, #tpu.memory_space<vmem>>[vector<16xi32>, vector<16xi32>], vector<16xi32>,
        %shift_left3A_335 = arith.constant 16 : i32
        %shift_left3A_336 = vector.broadcast %shift_left3A_335 : i32 to vector<16xi32>
        %shift_left3A_337 = arith.shli %gather3A_333, %shift_left3A_336 : vector<16xi32>
        %bitcast3A_338 = vector.bitcast %shift_left3A_337 : vector<16xi32> to vector<16xf32>
        %shift_left3A_339 = arith.constant 16 : i32
        %shift_left3A_340 = vector.broadcast %shift_left3A_339 : i32 to vector<16xi32>
        %shift_left3A_341 = arith.shli %gather3A_334, %shift_left3A_340 : vector<16xi32>
        %bitcast3A_342 = vector.bitcast %shift_left3A_341 : vector<16xi32> to vector<16xf32>
        %and3A_343 = vector.broadcast %scan3A_61 : i32 to vector<16xi32>
        %and3A_344 = arith.andi %gather3A_333, %and3A_343 : vector<16xi32>
        %bitcast3A_345 = vector.bitcast %and3A_344 : vector<16xi32> to vector<16xf32>
        %and3A_346 = vector.broadcast %scan3A_61 : i32 to vector<16xi32>
        %and3A_347 = arith.andi %gather3A_334, %and3A_346 : vector<16xi32>
        %bitcast3A_348 = vector.bitcast %and3A_347 : vector<16xi32> to vector<16xf32>
        %sub3A_349 = arith.subf %bitcast3A_338, %bitcast3A_342 : vector<16xf32>
        %sub3A_350 = arith.subf %bitcast3A_345, %bitcast3A_348 : vector<16xf32>
        %mul3A_351 = arith.mulf %sub3A_349, %sub3A_349 : vector<16xf32>
        %add3A_352 = arith.addf %mul3A_351, %add3A_328 : vector<16xf32>
        %mul3A_353 = arith.mulf %sub3A_350, %sub3A_350 : vector<16xf32>
        %add3A_354 = arith.addf %mul3A_353, %add3A_330 : vector<16xf32>
        %broadcast_in_dim3A_355 = arith.constant 7 : i32
        %broadcast_in_dim3A_356 = vector.broadcast %broadcast_in_dim3A_355 : i32 to vector<16xi32>
        %gather3A_357 = tpu.vector_load_idx %arg15[%add3A_188, %broadcast_in_dim3A_356] : memref<1000x16xi32, #tpu.memory_space<vmem>>[vector<16xi32>, vector<16xi32>], vector<16xi32>,
        %gather3A_358 = tpu.vector_load_idx %arg17[%add3A_188, %broadcast_in_dim3A_356] : memref<1000x16xi32, #tpu.memory_space<vmem>>[vector<16xi32>, vector<16xi32>], vector<16xi32>,
        %shift_left3A_359 = arith.constant 16 : i32
        %shift_left3A_360 = vector.broadcast %shift_left3A_359 : i32 to vector<16xi32>
        %shift_left3A_361 = arith.shli %gather3A_357, %shift_left3A_360 : vector<16xi32>
        %bitcast3A_362 = vector.bitcast %shift_left3A_361 : vector<16xi32> to vector<16xf32>
        %shift_left3A_363 = arith.constant 16 : i32
        %shift_left3A_364 = vector.broadcast %shift_left3A_363 : i32 to vector<16xi32>
        %shift_left3A_365 = arith.shli %gather3A_358, %shift_left3A_364 : vector<16xi32>
        %bitcast3A_366 = vector.bitcast %shift_left3A_365 : vector<16xi32> to vector<16xf32>
        %and3A_367 = vector.broadcast %scan3A_61 : i32 to vector<16xi32>
        %and3A_368 = arith.andi %gather3A_357, %and3A_367 : vector<16xi32>
        %bitcast3A_369 = vector.bitcast %and3A_368 : vector<16xi32> to vector<16xf32>
        %and3A_370 = vector.broadcast %scan3A_61 : i32 to vector<16xi32>
        %and3A_371 = arith.andi %gather3A_358, %and3A_370 : vector<16xi32>
        %bitcast3A_372 = vector.bitcast %and3A_371 : vector<16xi32> to vector<16xf32>
        %sub3A_373 = arith.subf %bitcast3A_362, %bitcast3A_366 : vector<16xf32>
        %sub3A_374 = arith.subf %bitcast3A_369, %bitcast3A_372 : vector<16xf32>
        %mul3A_375 = arith.mulf %sub3A_373, %sub3A_373 : vector<16xf32>
        %add3A_376 = arith.addf %mul3A_375, %add3A_352 : vector<16xf32>
        %mul3A_377 = arith.mulf %sub3A_374, %sub3A_374 : vector<16xf32>
        %add3A_378 = arith.addf %mul3A_377, %add3A_354 : vector<16xf32>
        %broadcast_in_dim3A_379 = arith.constant 8 : i32
        %broadcast_in_dim3A_380 = vector.broadcast %broadcast_in_dim3A_379 : i32 to vector<16xi32>
        %gather3A_381 = tpu.vector_load_idx %arg15[%add3A_188, %broadcast_in_dim3A_380] : memref<1000x16xi32, #tpu.memory_space<vmem>>[vector<16xi32>, vector<16xi32>], vector<16xi32>,
        %gather3A_382 = tpu.vector_load_idx %arg17[%add3A_188, %broadcast_in_dim3A_380] : memref<1000x16xi32, #tpu.memory_space<vmem>>[vector<16xi32>, vector<16xi32>], vector<16xi32>,
        %shift_left3A_383 = arith.constant 16 : i32
        %shift_left3A_384 = vector.broadcast %shift_left3A_383 : i32 to vector<16xi32>
        %shift_left3A_385 = arith.shli %gather3A_381, %shift_left3A_384 : vector<16xi32>
        %bitcast3A_386 = vector.bitcast %shift_left3A_385 : vector<16xi32> to vector<16xf32>
        %shift_left3A_387 = arith.constant 16 : i32
        %shift_left3A_388 = vector.broadcast %shift_left3A_387 : i32 to vector<16xi32>
        %shift_left3A_389 = arith.shli %gather3A_382, %shift_left3A_388 : vector<16xi32>
        %bitcast3A_390 = vector.bitcast %shift_left3A_389 : vector<16xi32> to vector<16xf32>
        %and3A_391 = vector.broadcast %scan3A_61 : i32 to vector<16xi32>
        %and3A_392 = arith.andi %gather3A_381, %and3A_391 : vector<16xi32>
        %bitcast3A_393 = vector.bitcast %and3A_392 : vector<16xi32> to vector<16xf32>
        %and3A_394 = vector.broadcast %scan3A_61 : i32 to vector<16xi32>
        %and3A_395 = arith.andi %gather3A_382, %and3A_394 : vector<16xi32>
        %bitcast3A_396 = vector.bitcast %and3A_395 : vector<16xi32> to vector<16xf32>
        %sub3A_397 = arith.subf %bitcast3A_386, %bitcast3A_390 : vector<16xf32>
        %sub3A_398 = arith.subf %bitcast3A_393, %bitcast3A_396 : vector<16xf32>
        %mul3A_399 = arith.mulf %sub3A_397, %sub3A_397 : vector<16xf32>
        %add3A_400 = arith.addf %mul3A_399, %add3A_376 : vector<16xf32>
        %mul3A_401 = arith.mulf %sub3A_398, %sub3A_398 : vector<16xf32>
        %add3A_402 = arith.addf %mul3A_401, %add3A_378 : vector<16xf32>
        %broadcast_in_dim3A_403 = arith.constant 9 : i32
        %broadcast_in_dim3A_404 = vector.broadcast %broadcast_in_dim3A_403 : i32 to vector<16xi32>
        %gather3A_405 = tpu.vector_load_idx %arg15[%add3A_188, %broadcast_in_dim3A_404] : memref<1000x16xi32, #tpu.memory_space<vmem>>[vector<16xi32>, vector<16xi32>], vector<16xi32>,
        %gather3A_406 = tpu.vector_load_idx %arg17[%add3A_188, %broadcast_in_dim3A_404] : memref<1000x16xi32, #tpu.memory_space<vmem>>[vector<16xi32>, vector<16xi32>], vector<16xi32>,
        %shift_left3A_407 = arith.constant 16 : i32
        %shift_left3A_408 = vector.broadcast %shift_left3A_407 : i32 to vector<16xi32>
        %shift_left3A_409 = arith.shli %gather3A_405, %shift_left3A_408 : vector<16xi32>
        %bitcast3A_410 = vector.bitcast %shift_left3A_409 : vector<16xi32> to vector<16xf32>
        %shift_left3A_411 = arith.constant 16 : i32
        %shift_left3A_412 = vector.broadcast %shift_left3A_411 : i32 to vector<16xi32>
        %shift_left3A_413 = arith.shli %gather3A_406, %shift_left3A_412 : vector<16xi32>
        %bitcast3A_414 = vector.bitcast %shift_left3A_413 : vector<16xi32> to vector<16xf32>
        %and3A_415 = vector.broadcast %scan3A_61 : i32 to vector<16xi32>
        %and3A_416 = arith.andi %gather3A_405, %and3A_415 : vector<16xi32>
        %bitcast3A_417 = vector.bitcast %and3A_416 : vector<16xi32> to vector<16xf32>
        %and3A_418 = vector.broadcast %scan3A_61 : i32 to vector<16xi32>
        %and3A_419 = arith.andi %gather3A_406, %and3A_418 : vector<16xi32>
        %bitcast3A_420 = vector.bitcast %and3A_419 : vector<16xi32> to vector<16xf32>
        %sub3A_421 = arith.subf %bitcast3A_410, %bitcast3A_414 : vector<16xf32>
        %sub3A_422 = arith.subf %bitcast3A_417, %bitcast3A_420 : vector<16xf32>
        %mul3A_423 = arith.mulf %sub3A_421, %sub3A_421 : vector<16xf32>
        %add3A_424 = arith.addf %mul3A_423, %add3A_400 : vector<16xf32>
        %mul3A_425 = arith.mulf %sub3A_422, %sub3A_422 : vector<16xf32>
        %add3A_426 = arith.addf %mul3A_425, %add3A_402 : vector<16xf32>
        %broadcast_in_dim3A_427 = arith.constant 10 : i32
        %broadcast_in_dim3A_428 = vector.broadcast %broadcast_in_dim3A_427 : i32 to vector<16xi32>
        %gather3A_429 = tpu.vector_load_idx %arg15[%add3A_188, %broadcast_in_dim3A_428] : memref<1000x16xi32, #tpu.memory_space<vmem>>[vector<16xi32>, vector<16xi32>], vector<16xi32>,
        %gather3A_430 = tpu.vector_load_idx %arg17[%add3A_188, %broadcast_in_dim3A_428] : memref<1000x16xi32, #tpu.memory_space<vmem>>[vector<16xi32>, vector<16xi32>], vector<16xi32>,
        %shift_left3A_431 = arith.constant 16 : i32
        %shift_left3A_432 = vector.broadcast %shift_left3A_431 : i32 to vector<16xi32>
        %shift_left3A_433 = arith.shli %gather3A_429, %shift_left3A_432 : vector<16xi32>
        %bitcast3A_434 = vector.bitcast %shift_left3A_433 : vector<16xi32> to vector<16xf32>
        %shift_left3A_435 = arith.constant 16 : i32
        %shift_left3A_436 = vector.broadcast %shift_left3A_435 : i32 to vector<16xi32>
        %shift_left3A_437 = arith.shli %gather3A_430, %shift_left3A_436 : vector<16xi32>
        %bitcast3A_438 = vector.bitcast %shift_left3A_437 : vector<16xi32> to vector<16xf32>
        %and3A_439 = vector.broadcast %scan3A_61 : i32 to vector<16xi32>
        %and3A_440 = arith.andi %gather3A_429, %and3A_439 : vector<16xi32>
        %bitcast3A_441 = vector.bitcast %and3A_440 : vector<16xi32> to vector<16xf32>
        %and3A_442 = vector.broadcast %scan3A_61 : i32 to vector<16xi32>
        %and3A_443 = arith.andi %gather3A_430, %and3A_442 : vector<16xi32>
        %bitcast3A_444 = vector.bitcast %and3A_443 : vector<16xi32> to vector<16xf32>
        %sub3A_445 = arith.subf %bitcast3A_434, %bitcast3A_438 : vector<16xf32>
        %sub3A_446 = arith.subf %bitcast3A_441, %bitcast3A_444 : vector<16xf32>
        %mul3A_447 = arith.mulf %sub3A_445, %sub3A_445 : vector<16xf32>
        %add3A_448 = arith.addf %mul3A_447, %add3A_424 : vector<16xf32>
        %mul3A_449 = arith.mulf %sub3A_446, %sub3A_446 : vector<16xf32>
        %add3A_450 = arith.addf %mul3A_449, %add3A_426 : vector<16xf32>
        %broadcast_in_dim3A_451 = arith.constant 11 : i32
        %broadcast_in_dim3A_452 = vector.broadcast %broadcast_in_dim3A_451 : i32 to vector<16xi32>
        %gather3A_453 = tpu.vector_load_idx %arg15[%add3A_188, %broadcast_in_dim3A_452] : memref<1000x16xi32, #tpu.memory_space<vmem>>[vector<16xi32>, vector<16xi32>], vector<16xi32>,
        %gather3A_454 = tpu.vector_load_idx %arg17[%add3A_188, %broadcast_in_dim3A_452] : memref<1000x16xi32, #tpu.memory_space<vmem>>[vector<16xi32>, vector<16xi32>], vector<16xi32>,
        %shift_left3A_455 = arith.constant 16 : i32
        %shift_left3A_456 = vector.broadcast %shift_left3A_455 : i32 to vector<16xi32>
        %shift_left3A_457 = arith.shli %gather3A_453, %shift_left3A_456 : vector<16xi32>
        %bitcast3A_458 = vector.bitcast %shift_left3A_457 : vector<16xi32> to vector<16xf32>
        %shift_left3A_459 = arith.constant 16 : i32
        %shift_left3A_460 = vector.broadcast %shift_left3A_459 : i32 to vector<16xi32>
        %shift_left3A_461 = arith.shli %gather3A_454, %shift_left3A_460 : vector<16xi32>
        %bitcast3A_462 = vector.bitcast %shift_left3A_461 : vector<16xi32> to vector<16xf32>
        %and3A_463 = vector.broadcast %scan3A_61 : i32 to vector<16xi32>
        %and3A_464 = arith.andi %gather3A_453, %and3A_463 : vector<16xi32>
        %bitcast3A_465 = vector.bitcast %and3A_464 : vector<16xi32> to vector<16xf32>
        %and3A_466 = vector.broadcast %scan3A_61 : i32 to vector<16xi32>
        %and3A_467 = arith.andi %gather3A_454, %and3A_466 : vector<16xi32>
        %bitcast3A_468 = vector.bitcast %and3A_467 : vector<16xi32> to vector<16xf32>
        %sub3A_469 = arith.subf %bitcast3A_458, %bitcast3A_462 : vector<16xf32>
        %sub3A_470 = arith.subf %bitcast3A_465, %bitcast3A_468 : vector<16xf32>
        %mul3A_471 = arith.mulf %sub3A_469, %sub3A_469 : vector<16xf32>
        %add3A_472 = arith.addf %mul3A_471, %add3A_448 : vector<16xf32>
        %mul3A_473 = arith.mulf %sub3A_470, %sub3A_470 : vector<16xf32>
        %add3A_474 = arith.addf %mul3A_473, %add3A_450 : vector<16xf32>
        %broadcast_in_dim3A_475 = arith.constant 12 : i32
        %broadcast_in_dim3A_476 = vector.broadcast %broadcast_in_dim3A_475 : i32 to vector<16xi32>
        %gather3A_477 = tpu.vector_load_idx %arg15[%add3A_188, %broadcast_in_dim3A_476] : memref<1000x16xi32, #tpu.memory_space<vmem>>[vector<16xi32>, vector<16xi32>], vector<16xi32>,
        %gather3A_478 = tpu.vector_load_idx %arg17[%add3A_188, %broadcast_in_dim3A_476] : memref<1000x16xi32, #tpu.memory_space<vmem>>[vector<16xi32>, vector<16xi32>], vector<16xi32>,
        %shift_left3A_479 = arith.constant 16 : i32
        %shift_left3A_480 = vector.broadcast %shift_left3A_479 : i32 to vector<16xi32>
        %shift_left3A_481 = arith.shli %gather3A_477, %shift_left3A_480 : vector<16xi32>
        %bitcast3A_482 = vector.bitcast %shift_left3A_481 : vector<16xi32> to vector<16xf32>
        %shift_left3A_483 = arith.constant 16 : i32
        %shift_left3A_484 = vector.broadcast %shift_left3A_483 : i32 to vector<16xi32>
        %shift_left3A_485 = arith.shli %gather3A_478, %shift_left3A_484 : vector<16xi32>
        %bitcast3A_486 = vector.bitcast %shift_left3A_485 : vector<16xi32> to vector<16xf32>
        %and3A_487 = vector.broadcast %scan3A_61 : i32 to vector<16xi32>
        %and3A_488 = arith.andi %gather3A_477, %and3A_487 : vector<16xi32>
        %bitcast3A_489 = vector.bitcast %and3A_488 : vector<16xi32> to vector<16xf32>
        %and3A_490 = vector.broadcast %scan3A_61 : i32 to vector<16xi32>
        %and3A_491 = arith.andi %gather3A_478, %and3A_490 : vector<16xi32>
        %bitcast3A_492 = vector.bitcast %and3A_491 : vector<16xi32> to vector<16xf32>
        %sub3A_493 = arith.subf %bitcast3A_482, %bitcast3A_486 : vector<16xf32>
        %sub3A_494 = arith.subf %bitcast3A_489, %bitcast3A_492 : vector<16xf32>
        %mul3A_495 = arith.mulf %sub3A_493, %sub3A_493 : vector<16xf32>
        %add3A_496 = arith.addf %mul3A_495, %add3A_472 : vector<16xf32>
        %mul3A_497 = arith.mulf %sub3A_494, %sub3A_494 : vector<16xf32>
        %add3A_498 = arith.addf %mul3A_497, %add3A_474 : vector<16xf32>
        %broadcast_in_dim3A_499 = arith.constant 13 : i32
        %broadcast_in_dim3A_500 = vector.broadcast %broadcast_in_dim3A_499 : i32 to vector<16xi32>
        %gather3A_501 = tpu.vector_load_idx %arg15[%add3A_188, %broadcast_in_dim3A_500] : memref<1000x16xi32, #tpu.memory_space<vmem>>[vector<16xi32>, vector<16xi32>], vector<16xi32>,
        %gather3A_502 = tpu.vector_load_idx %arg17[%add3A_188, %broadcast_in_dim3A_500] : memref<1000x16xi32, #tpu.memory_space<vmem>>[vector<16xi32>, vector<16xi32>], vector<16xi32>,
        %shift_left3A_503 = arith.constant 16 : i32
        %shift_left3A_504 = vector.broadcast %shift_left3A_503 : i32 to vector<16xi32>
        %shift_left3A_505 = arith.shli %gather3A_501, %shift_left3A_504 : vector<16xi32>
        %bitcast3A_506 = vector.bitcast %shift_left3A_505 : vector<16xi32> to vector<16xf32>
        %shift_left3A_507 = arith.constant 16 : i32
        %shift_left3A_508 = vector.broadcast %shift_left3A_507 : i32 to vector<16xi32>
        %shift_left3A_509 = arith.shli %gather3A_502, %shift_left3A_508 : vector<16xi32>
        %bitcast3A_510 = vector.bitcast %shift_left3A_509 : vector<16xi32> to vector<16xf32>
        %and3A_511 = vector.broadcast %scan3A_61 : i32 to vector<16xi32>
        %and3A_512 = arith.andi %gather3A_501, %and3A_511 : vector<16xi32>
        %bitcast3A_513 = vector.bitcast %and3A_512 : vector<16xi32> to vector<16xf32>
        %and3A_514 = vector.broadcast %scan3A_61 : i32 to vector<16xi32>
        %and3A_515 = arith.andi %gather3A_502, %and3A_514 : vector<16xi32>
        %bitcast3A_516 = vector.bitcast %and3A_515 : vector<16xi32> to vector<16xf32>
        %sub3A_517 = arith.subf %bitcast3A_506, %bitcast3A_510 : vector<16xf32>
        %sub3A_518 = arith.subf %bitcast3A_513, %bitcast3A_516 : vector<16xf32>
        %mul3A_519 = arith.mulf %sub3A_517, %sub3A_517 : vector<16xf32>
        %add3A_520 = arith.addf %mul3A_519, %add3A_496 : vector<16xf32>
        %mul3A_521 = arith.mulf %sub3A_518, %sub3A_518 : vector<16xf32>
        %add3A_522 = arith.addf %mul3A_521, %add3A_498 : vector<16xf32>
        %broadcast_in_dim3A_523 = arith.constant 14 : i32
        %broadcast_in_dim3A_524 = vector.broadcast %broadcast_in_dim3A_523 : i32 to vector<16xi32>
        %gather3A_525 = tpu.vector_load_idx %arg15[%add3A_188, %broadcast_in_dim3A_524] : memref<1000x16xi32, #tpu.memory_space<vmem>>[vector<16xi32>, vector<16xi32>], vector<16xi32>,
        %gather3A_526 = tpu.vector_load_idx %arg17[%add3A_188, %broadcast_in_dim3A_524] : memref<1000x16xi32, #tpu.memory_space<vmem>>[vector<16xi32>, vector<16xi32>], vector<16xi32>,
        %shift_left3A_527 = arith.constant 16 : i32
        %shift_left3A_528 = vector.broadcast %shift_left3A_527 : i32 to vector<16xi32>
        %shift_left3A_529 = arith.shli %gather3A_525, %shift_left3A_528 : vector<16xi32>
        %bitcast3A_530 = vector.bitcast %shift_left3A_529 : vector<16xi32> to vector<16xf32>
        %shift_left3A_531 = arith.constant 16 : i32
        %shift_left3A_532 = vector.broadcast %shift_left3A_531 : i32 to vector<16xi32>
        %shift_left3A_533 = arith.shli %gather3A_526, %shift_left3A_532 : vector<16xi32>
        %bitcast3A_534 = vector.bitcast %shift_left3A_533 : vector<16xi32> to vector<16xf32>
        %and3A_535 = vector.broadcast %scan3A_61 : i32 to vector<16xi32>
        %and3A_536 = arith.andi %gather3A_525, %and3A_535 : vector<16xi32>
        %bitcast3A_537 = vector.bitcast %and3A_536 : vector<16xi32> to vector<16xf32>
        %and3A_538 = vector.broadcast %scan3A_61 : i32 to vector<16xi32>
        %and3A_539 = arith.andi %gather3A_526, %and3A_538 : vector<16xi32>
        %bitcast3A_540 = vector.bitcast %and3A_539 : vector<16xi32> to vector<16xf32>
        %sub3A_541 = arith.subf %bitcast3A_530, %bitcast3A_534 : vector<16xf32>
        %sub3A_542 = arith.subf %bitcast3A_537, %bitcast3A_540 : vector<16xf32>
        %mul3A_543 = arith.mulf %sub3A_541, %sub3A_541 : vector<16xf32>
        %add3A_544 = arith.addf %mul3A_543, %add3A_520 : vector<16xf32>
        %mul3A_545 = arith.mulf %sub3A_542, %sub3A_542 : vector<16xf32>
        %add3A_546 = arith.addf %mul3A_545, %add3A_522 : vector<16xf32>
        %broadcast_in_dim3A_547 = arith.constant 15 : i32
        %broadcast_in_dim3A_548 = vector.broadcast %broadcast_in_dim3A_547 : i32 to vector<16xi32>
        %gather3A_549 = tpu.vector_load_idx %arg15[%add3A_188, %broadcast_in_dim3A_548] : memref<1000x16xi32, #tpu.memory_space<vmem>>[vector<16xi32>, vector<16xi32>], vector<16xi32>,
        %gather3A_550 = tpu.vector_load_idx %arg17[%add3A_188, %broadcast_in_dim3A_548] : memref<1000x16xi32, #tpu.memory_space<vmem>>[vector<16xi32>, vector<16xi32>], vector<16xi32>,
        %shift_left3A_551 = arith.constant 16 : i32
        %shift_left3A_552 = vector.broadcast %shift_left3A_551 : i32 to vector<16xi32>
        %shift_left3A_553 = arith.shli %gather3A_549, %shift_left3A_552 : vector<16xi32>
        %bitcast3A_554 = vector.bitcast %shift_left3A_553 : vector<16xi32> to vector<16xf32>
        %shift_left3A_555 = arith.constant 16 : i32
        %shift_left3A_556 = vector.broadcast %shift_left3A_555 : i32 to vector<16xi32>
        %shift_left3A_557 = arith.shli %gather3A_550, %shift_left3A_556 : vector<16xi32>
        %bitcast3A_558 = vector.bitcast %shift_left3A_557 : vector<16xi32> to vector<16xf32>
        %and3A_559 = vector.broadcast %scan3A_61 : i32 to vector<16xi32>
        %and3A_560 = arith.andi %gather3A_549, %and3A_559 : vector<16xi32>
        %bitcast3A_561 = vector.bitcast %and3A_560 : vector<16xi32> to vector<16xf32>
        %and3A_562 = vector.broadcast %scan3A_61 : i32 to vector<16xi32>
        %and3A_563 = arith.andi %gather3A_550, %and3A_562 : vector<16xi32>
        %bitcast3A_564 = vector.bitcast %and3A_563 : vector<16xi32> to vector<16xf32>
        %sub3A_565 = arith.subf %bitcast3A_554, %bitcast3A_558 : vector<16xf32>
        %sub3A_566 = arith.subf %bitcast3A_561, %bitcast3A_564 : vector<16xf32>
        %mul3A_567 = arith.mulf %sub3A_565, %sub3A_565 : vector<16xf32>
        %add3A_568 = arith.addf %mul3A_567, %add3A_544 : vector<16xf32>
        %mul3A_569 = arith.mulf %sub3A_566, %sub3A_566 : vector<16xf32>
        %add3A_570 = arith.addf %mul3A_569, %add3A_546 : vector<16xf32>
        %add3A_571 = arith.addf %add3A_568, %add3A_570 : vector<16xf32>
        %swap3A = arith.index_cast %min3A_186 : i32 to index
        %swap3A_572 = tpu.vector_load %arg23[%swap3A] {strides = array<i32>} : memref<1000xf32, #tpu.memory_space<vmem>>, vector<16xf32>,
        tpu.vector_store %arg23[%swap3A], %add3A_571 {strides = array<i32>} : memref<1000xf32, #tpu.memory_space<vmem>>, vector<16xf32>,
        %get3A = arith.index_cast %min3A_186 : i32 to index
        %get3A_573 = tpu.vector_load %arg19[%get3A] {strides = array<i32>} : memref<1000xi32, #tpu.memory_space<vmem>>, vector<16xi32>,
        %get3A_574 = arith.index_cast %min3A_186 : i32 to index
        %get3A_575 = tpu.vector_load %arg21[%get3A_574] {strides = array<i32>} : memref<1000xi32, #tpu.memory_space<vmem>>, vector<16xi32>,
        %shift_right_logical3A = arith.constant 4 : i32
        %shift_right_logical3A_576 = vector.broadcast %shift_right_logical3A : i32 to vector<16xi32>
        %shift_right_logical3A_577 = arith.shrui %get3A_573, %shift_right_logical3A_576 : vector<16xi32>
        %shift_right_logical3A_578 = arith.constant 4 : i32
        %shift_right_logical3A_579 = vector.broadcast %shift_right_logical3A_578 : i32 to vector<16xi32>
        %shift_right_logical3A_580 = arith.shrui %get3A_575, %shift_right_logical3A_579 : vector<16xi32>
        %eq3A = arith.cmpi eq, %shift_right_logical3A_577, %shift_right_logical3A_580 : vector<16xi32>
        %convert_element_type3A = arith.extui %eq3A : vector<16xi1> to vector<16xi32>
        %and3A_581 = arith.constant 15 : i32
        %and3A_582 = vector.broadcast %and3A_581 : i32 to vector<16xi32>
        %and3A_583 = arith.andi %get3A_573, %and3A_582 : vector<16xi32>
        %and3A_584 = arith.constant 15 : i32
        %and3A_585 = vector.broadcast %and3A_584 : i32 to vector<16xi32>
        %and3A_586 = arith.andi %get3A_575, %and3A_585 : vector<16xi32>
        %sub3A_587 = arith.subi %and3A_583, %and3A_586 : vector<16xi32>
        %abs3A = math.absi %sub3A_587 : vector<16xi32>
        %lt3A = arith.constant 3 : i32
        %lt3A_588 = vector.broadcast %lt3A : i32 to vector<16xi32>
        %lt3A_589 = arith.cmpi slt, %abs3A, %lt3A_588 : vector<16xi32>
        %convert_element_type3A_590 = arith.extui %lt3A_589 : vector<16xi1> to vector<16xi32>
        %mul3A_591 = arith.constant 2 : i32
        %mul3A_592 = vector.broadcast %mul3A_591 : i32 to vector<16xi32>
        %mul3A_593 = arith.muli %mul3A_592, %convert_element_type3A_590 : vector<16xi32>
        %add3A_594 = arith.addi %convert_element_type3A, %mul3A_593 : vector<16xi32>
        %swap3A_595 = arith.index_cast %min3A_186 : i32 to index
        %swap3A_596 = tpu.vector_load %arg25[%swap3A_595] {strides = array<i32>} : memref<1000xi32, #tpu.memory_space<vmem>>, vector<16xi32>,
        tpu.vector_store %arg25[%swap3A_595], %add3A_594 {strides = array<i32>} : memref<1000xi32, #tpu.memory_space<vmem>>, vector<16xi32>,
      }
      %scan3A_172 = arith.constant 63 : i32
      %add3A_173 = arith.constant 800000 : i32
      %add3A_174 = arith.addi %add3A_173, %mul3A_2 : i32
      %mul3A_175 = arith.constant 1000 : i32
      %mul3A_176 = arith.muli %add3A_156, %mul3A_175 : i32
      %add3A_177 = arith.addi %add3A_174, %mul3A_176 : i32
      "tpu.region"() ({
        %run_scoped3A = tpu.sem_alloc : memref<!tpu.dma_semaphore, #tpu.memory_space<semaphore_mem>>
        %dma_start3A_183 = tpu.memref_slice %arg8[%add3A_177] : memref<1600000xf32, #tpu.memory_space<hbm>> -> memref<1000xf32, #tpu.memory_space<hbm>>
        %dma_start3A_184 = tpu.memref_slice %arg8[%add3A_177] : memref<1600000xf32, #tpu.memory_space<hbm>> -> memref<1000xf32, #tpu.memory_space<hbm>>
        tpu.enqueue_dma source(%arg23 : memref<1000xf32, #tpu.memory_space<vmem>>) target(%dma_start3A_184 : memref<1000xf32, #tpu.memory_space<hbm>>) target_semaphore(%run_scoped3A : memref<!tpu.dma_semaphore, #tpu.memory_space<semaphore_mem>>)
        %dma_wait3A_185 = tpu.memref_slice %arg8[%add3A_177] : memref<1600000xf32, #tpu.memory_space<hbm>> -> memref<1000xf32, #tpu.memory_space<hbm>>
        %dma_wait3A_186 = tpu.memref_slice %arg8[%add3A_177] : memref<1600000xf32, #tpu.memory_space<hbm>> -> memref<1000xf32, #tpu.memory_space<hbm>>
        tpu.wait_dma2 semaphore(%run_scoped3A : memref<!tpu.dma_semaphore, #tpu.memory_space<semaphore_mem>>) src(%arg23 : memref<1000xf32, #tpu.memory_space<vmem>>) dst(%dma_wait3A_186 : memref<1000xf32, #tpu.memory_space<hbm>>)
        tpu.yield
      }) : () -> ()
      %add3A_178 = arith.constant 800000 : i32
      %add3A_179 = arith.addi %add3A_178, %mul3A_2 : i32
      %mul3A_180 = arith.constant 1000 : i32
      %mul3A_181 = arith.muli %add3A_156, %mul3A_180 : i32
      %add3A_182 = arith.addi %add3A_179, %mul3A_181 : i32
      "tpu.region"() ({
        %run_scoped3A = tpu.sem_alloc : memref<!tpu.dma_semaphore, #tpu.memory_space<semaphore_mem>>
        %dma_start3A_183 = tpu.memref_slice %arg9[%add3A_182] : memref<1600000xi32, #tpu.memory_space<hbm>> -> memref<1000xi32, #tpu.memory_space<hbm>>
        %dma_start3A_184 = tpu.memref_slice %arg9[%add3A_182] : memref<1600000xi32, #tpu.memory_space<hbm>> -> memref<1000xi32, #tpu.memory_space<hbm>>
        tpu.enqueue_dma source(%arg25 : memref<1000xi32, #tpu.memory_space<vmem>>) target(%dma_start3A_184 : memref<1000xi32, #tpu.memory_space<hbm>>) target_semaphore(%run_scoped3A : memref<!tpu.dma_semaphore, #tpu.memory_space<semaphore_mem>>)
        %dma_wait3A_185 = tpu.memref_slice %arg9[%add3A_182] : memref<1600000xi32, #tpu.memory_space<hbm>> -> memref<1000xi32, #tpu.memory_space<hbm>>
        %dma_wait3A_186 = tpu.memref_slice %arg9[%add3A_182] : memref<1600000xi32, #tpu.memory_space<hbm>> -> memref<1000xi32, #tpu.memory_space<hbm>>
        tpu.wait_dma2 semaphore(%run_scoped3A : memref<!tpu.dma_semaphore, #tpu.memory_space<semaphore_mem>>) src(%arg25 : memref<1000xi32, #tpu.memory_space<vmem>>) dst(%dma_wait3A_186 : memref<1000xi32, #tpu.memory_space<hbm>>)
        tpu.yield
      }) : () -> ()
    }
    %scan3A_66 = arith.constant 12 : i32
    %dma_wait3A_67 = arith.constant 0 : i32
    %dma_wait3A_68 = arith.constant 0 : i32
    %dma_wait3A_69 = tpu.memref_slice %arg3[%dma_wait3A_67, %dma_wait3A_68] : memref<50000x16xi32, #tpu.memory_space<hbm>> -> memref<50000x16xi32, #tpu.memory_space<hbm>>
    tpu.wait_indirect_dma semaphore(%arg26 : memref<!tpu.dma_semaphore, #tpu.memory_space<semaphore_mem>>) src(%dma_wait3A_69 : memref<50000x16xi32, #tpu.memory_space<hbm>>) dst(%arg14 : memref<1000x16xi32, #tpu.memory_space<vmem>>)
    %dma_wait3A_70 = arith.constant 0 : i32
    %dma_wait3A_71 = arith.constant 0 : i32
    %dma_wait3A_72 = tpu.memref_slice %arg3[%dma_wait3A_70, %dma_wait3A_71] : memref<50000x16xi32, #tpu.memory_space<hbm>> -> memref<50000x16xi32, #tpu.memory_space<hbm>>
    tpu.wait_indirect_dma semaphore(%arg26 : memref<!tpu.dma_semaphore, #tpu.memory_space<semaphore_mem>>) src(%dma_wait3A_72 : memref<50000x16xi32, #tpu.memory_space<hbm>>) dst(%arg16 : memref<1000x16xi32, #tpu.memory_space<vmem>>)
    %dma_wait3A_73 = arith.constant 0 : i32
    %dma_wait3A_74 = tpu.memref_slice %arg5[%dma_wait3A_73] : memref<50000xi32, #tpu.memory_space<hbm>> -> memref<50000xi32, #tpu.memory_space<hbm>>
    tpu.wait_indirect_dma semaphore(%arg26 : memref<!tpu.dma_semaphore, #tpu.memory_space<semaphore_mem>>) src(%dma_wait3A_74 : memref<50000xi32, #tpu.memory_space<hbm>>) dst(%arg18 : memref<1000xi32, #tpu.memory_space<vmem>>)
    %dma_wait3A_75 = arith.constant 0 : i32
    %dma_wait3A_76 = tpu.memref_slice %arg5[%dma_wait3A_75] : memref<50000xi32, #tpu.memory_space<hbm>> -> memref<50000xi32, #tpu.memory_space<hbm>>
    tpu.wait_indirect_dma semaphore(%arg26 : memref<!tpu.dma_semaphore, #tpu.memory_space<semaphore_mem>>) src(%dma_wait3A_76 : memref<50000xi32, #tpu.memory_space<hbm>>) dst(%arg20 : memref<1000xi32, #tpu.memory_space<vmem>>)
    %scan3A_77 = arith.constant 0 : i32
    %scan3A_78 = arith.constant -65536 : i32
    %scan3A_79 = arith.constant 0 : i32
    %scan3A_80 = arith.constant 63 : i32
    %scan3A_81 = arith.addi %scan3A_79, %scan3A_80 : i32
    %scan3A_82 = arith.constant 1 : i32
    scf.for %scan3A_92 = %scan3A_79 to %scan3A_81 step %scan3A_82  : i32 {
      %mul3A_93 = arith.constant 16 : i32
      %mul3A_94 = arith.muli %scan3A_92, %mul3A_93 : i32
      %min3A = arith.constant 984 : i32
      %min3A_95 = arith.minsi %mul3A_94, %min3A : i32
      %add3A_96 = vector.broadcast %min3A_95 : i32 to vector<16xi32>
      %add3A_97 = arith.addi %add3A_96, %iota3A : vector<16xi32>
      %broadcast_in_dim3A = arith.constant 0.000000e+00 : f32
      %broadcast_in_dim3A_98 = vector.broadcast %broadcast_in_dim3A : f32 to vector<16xf32>
      %broadcast_in_dim3A_99 = arith.constant 0.000000e+00 : f32
      %broadcast_in_dim3A_100 = vector.broadcast %broadcast_in_dim3A_99 : f32 to vector<16xf32>
      %broadcast_in_dim3A_101 = arith.constant 0 : i32
      %broadcast_in_dim3A_102 = vector.broadcast %broadcast_in_dim3A_101 : i32 to vector<16xi32>
      %gather3A = tpu.vector_load_idx %arg14[%add3A_97, %broadcast_in_dim3A_102] : memref<1000x16xi32, #tpu.memory_space<vmem>>[vector<16xi32>, vector<16xi32>], vector<16xi32>,
      %gather3A_103 = tpu.vector_load_idx %arg16[%add3A_97, %broadcast_in_dim3A_102] : memref<1000x16xi32, #tpu.memory_space<vmem>>[vector<16xi32>, vector<16xi32>], vector<16xi32>,
      %shift_left3A = arith.constant 16 : i32
      %shift_left3A_104 = vector.broadcast %shift_left3A : i32 to vector<16xi32>
      %shift_left3A_105 = arith.shli %gather3A, %shift_left3A_104 : vector<16xi32>
      %bitcast3A = vector.bitcast %shift_left3A_105 : vector<16xi32> to vector<16xf32>
      %shift_left3A_106 = arith.constant 16 : i32
      %shift_left3A_107 = vector.broadcast %shift_left3A_106 : i32 to vector<16xi32>
      %shift_left3A_108 = arith.shli %gather3A_103, %shift_left3A_107 : vector<16xi32>
      %bitcast3A_109 = vector.bitcast %shift_left3A_108 : vector<16xi32> to vector<16xf32>
      %and3A = vector.broadcast %scan3A_78 : i32 to vector<16xi32>
      %and3A_110 = arith.andi %gather3A, %and3A : vector<16xi32>
      %bitcast3A_111 = vector.bitcast %and3A_110 : vector<16xi32> to vector<16xf32>
      %and3A_112 = vector.broadcast %scan3A_78 : i32 to vector<16xi32>
      %and3A_113 = arith.andi %gather3A_103, %and3A_112 : vector<16xi32>
      %bitcast3A_114 = vector.bitcast %and3A_113 : vector<16xi32> to vector<16xf32>
      %sub3A = arith.subf %bitcast3A, %bitcast3A_109 : vector<16xf32>
      %sub3A_115 = arith.subf %bitcast3A_111, %bitcast3A_114 : vector<16xf32>
      %mul3A_116 = arith.mulf %sub3A, %sub3A : vector<16xf32>
      %add3A_117 = arith.addf %mul3A_116, %broadcast_in_dim3A_98 : vector<16xf32>
      %mul3A_118 = arith.mulf %sub3A_115, %sub3A_115 : vector<16xf32>
      %add3A_119 = arith.addf %mul3A_118, %broadcast_in_dim3A_100 : vector<16xf32>
      %broadcast_in_dim3A_120 = arith.constant 1 : i32
      %broadcast_in_dim3A_121 = vector.broadcast %broadcast_in_dim3A_120 : i32 to vector<16xi32>
      %gather3A_122 = tpu.vector_load_idx %arg14[%add3A_97, %broadcast_in_dim3A_121] : memref<1000x16xi32, #tpu.memory_space<vmem>>[vector<16xi32>, vector<16xi32>], vector<16xi32>,
      %gather3A_123 = tpu.vector_load_idx %arg16[%add3A_97, %broadcast_in_dim3A_121] : memref<1000x16xi32, #tpu.memory_space<vmem>>[vector<16xi32>, vector<16xi32>], vector<16xi32>,
      %shift_left3A_124 = arith.constant 16 : i32
      %shift_left3A_125 = vector.broadcast %shift_left3A_124 : i32 to vector<16xi32>
      %shift_left3A_126 = arith.shli %gather3A_122, %shift_left3A_125 : vector<16xi32>
      %bitcast3A_127 = vector.bitcast %shift_left3A_126 : vector<16xi32> to vector<16xf32>
      %shift_left3A_128 = arith.constant 16 : i32
      %shift_left3A_129 = vector.broadcast %shift_left3A_128 : i32 to vector<16xi32>
      %shift_left3A_130 = arith.shli %gather3A_123, %shift_left3A_129 : vector<16xi32>
      %bitcast3A_131 = vector.bitcast %shift_left3A_130 : vector<16xi32> to vector<16xf32>
      %and3A_132 = vector.broadcast %scan3A_78 : i32 to vector<16xi32>
      %and3A_133 = arith.andi %gather3A_122, %and3A_132 : vector<16xi32>
      %bitcast3A_134 = vector.bitcast %and3A_133 : vector<16xi32> to vector<16xf32>
      %and3A_135 = vector.broadcast %scan3A_78 : i32 to vector<16xi32>
      %and3A_136 = arith.andi %gather3A_123, %and3A_135 : vector<16xi32>
      %bitcast3A_137 = vector.bitcast %and3A_136 : vector<16xi32> to vector<16xf32>
      %sub3A_138 = arith.subf %bitcast3A_127, %bitcast3A_131 : vector<16xf32>
      %sub3A_139 = arith.subf %bitcast3A_134, %bitcast3A_137 : vector<16xf32>
      %mul3A_140 = arith.mulf %sub3A_138, %sub3A_138 : vector<16xf32>
      %add3A_141 = arith.addf %mul3A_140, %add3A_117 : vector<16xf32>
      %mul3A_142 = arith.mulf %sub3A_139, %sub3A_139 : vector<16xf32>
      %add3A_143 = arith.addf %mul3A_142, %add3A_119 : vector<16xf32>
      %broadcast_in_dim3A_144 = arith.constant 2 : i32
      %broadcast_in_dim3A_145 = vector.broadcast %broadcast_in_dim3A_144 : i32 to vector<16xi32>
      %gather3A_146 = tpu.vector_load_idx %arg14[%add3A_97, %broadcast_in_dim3A_145] : memref<1000x16xi32, #tpu.memory_space<vmem>>[vector<16xi32>, vector<16xi32>], vector<16xi32>,
      %gather3A_147 = tpu.vector_load_idx %arg16[%add3A_97, %broadcast_in_dim3A_145] : memref<1000x16xi32, #tpu.memory_space<vmem>>[vector<16xi32>, vector<16xi32>], vector<16xi32>,
      %shift_left3A_148 = arith.constant 16 : i32
      %shift_left3A_149 = vector.broadcast %shift_left3A_148 : i32 to vector<16xi32>
      %shift_left3A_150 = arith.shli %gather3A_146, %shift_left3A_149 : vector<16xi32>
      %bitcast3A_151 = vector.bitcast %shift_left3A_150 : vector<16xi32> to vector<16xf32>
      %shift_left3A_152 = arith.constant 16 : i32
      %shift_left3A_153 = vector.broadcast %shift_left3A_152 : i32 to vector<16xi32>
      %shift_left3A_154 = arith.shli %gather3A_147, %shift_left3A_153 : vector<16xi32>
      %bitcast3A_155 = vector.bitcast %shift_left3A_154 : vector<16xi32> to vector<16xf32>
      %and3A_156 = vector.broadcast %scan3A_78 : i32 to vector<16xi32>
      %and3A_157 = arith.andi %gather3A_146, %and3A_156 : vector<16xi32>
      %bitcast3A_158 = vector.bitcast %and3A_157 : vector<16xi32> to vector<16xf32>
      %and3A_159 = vector.broadcast %scan3A_78 : i32 to vector<16xi32>
      %and3A_160 = arith.andi %gather3A_147, %and3A_159 : vector<16xi32>
      %bitcast3A_161 = vector.bitcast %and3A_160 : vector<16xi32> to vector<16xf32>
      %sub3A_162 = arith.subf %bitcast3A_151, %bitcast3A_155 : vector<16xf32>
      %sub3A_163 = arith.subf %bitcast3A_158, %bitcast3A_161 : vector<16xf32>
      %mul3A_164 = arith.mulf %sub3A_162, %sub3A_162 : vector<16xf32>
      %add3A_165 = arith.addf %mul3A_164, %add3A_141 : vector<16xf32>
      %mul3A_166 = arith.mulf %sub3A_163, %sub3A_163 : vector<16xf32>
      %add3A_167 = arith.addf %mul3A_166, %add3A_143 : vector<16xf32>
      %broadcast_in_dim3A_168 = arith.constant 3 : i32
      %broadcast_in_dim3A_169 = vector.broadcast %broadcast_in_dim3A_168 : i32 to vector<16xi32>
      %gather3A_170 = tpu.vector_load_idx %arg14[%add3A_97, %broadcast_in_dim3A_169] : memref<1000x16xi32, #tpu.memory_space<vmem>>[vector<16xi32>, vector<16xi32>], vector<16xi32>,
      %gather3A_171 = tpu.vector_load_idx %arg16[%add3A_97, %broadcast_in_dim3A_169] : memref<1000x16xi32, #tpu.memory_space<vmem>>[vector<16xi32>, vector<16xi32>], vector<16xi32>,
      %shift_left3A_172 = arith.constant 16 : i32
      %shift_left3A_173 = vector.broadcast %shift_left3A_172 : i32 to vector<16xi32>
      %shift_left3A_174 = arith.shli %gather3A_170, %shift_left3A_173 : vector<16xi32>
      %bitcast3A_175 = vector.bitcast %shift_left3A_174 : vector<16xi32> to vector<16xf32>
      %shift_left3A_176 = arith.constant 16 : i32
      %shift_left3A_177 = vector.broadcast %shift_left3A_176 : i32 to vector<16xi32>
      %shift_left3A_178 = arith.shli %gather3A_171, %shift_left3A_177 : vector<16xi32>
      %bitcast3A_179 = vector.bitcast %shift_left3A_178 : vector<16xi32> to vector<16xf32>
      %and3A_180 = vector.broadcast %scan3A_78 : i32 to vector<16xi32>
      %and3A_181 = arith.andi %gather3A_170, %and3A_180 : vector<16xi32>
      %bitcast3A_182 = vector.bitcast %and3A_181 : vector<16xi32> to vector<16xf32>
      %and3A_183 = vector.broadcast %scan3A_78 : i32 to vector<16xi32>
      %and3A_184 = arith.andi %gather3A_171, %and3A_183 : vector<16xi32>
      %bitcast3A_185 = vector.bitcast %and3A_184 : vector<16xi32> to vector<16xf32>
      %sub3A_186 = arith.subf %bitcast3A_175, %bitcast3A_179 : vector<16xf32>
      %sub3A_187 = arith.subf %bitcast3A_182, %bitcast3A_185 : vector<16xf32>
      %mul3A_188 = arith.mulf %sub3A_186, %sub3A_186 : vector<16xf32>
      %add3A_189 = arith.addf %mul3A_188, %add3A_165 : vector<16xf32>
      %mul3A_190 = arith.mulf %sub3A_187, %sub3A_187 : vector<16xf32>
      %add3A_191 = arith.addf %mul3A_190, %add3A_167 : vector<16xf32>
      %broadcast_in_dim3A_192 = arith.constant 4 : i32
      %broadcast_in_dim3A_193 = vector.broadcast %broadcast_in_dim3A_192 : i32 to vector<16xi32>
      %gather3A_194 = tpu.vector_load_idx %arg14[%add3A_97, %broadcast_in_dim3A_193] : memref<1000x16xi32, #tpu.memory_space<vmem>>[vector<16xi32>, vector<16xi32>], vector<16xi32>,
      %gather3A_195 = tpu.vector_load_idx %arg16[%add3A_97, %broadcast_in_dim3A_193] : memref<1000x16xi32, #tpu.memory_space<vmem>>[vector<16xi32>, vector<16xi32>], vector<16xi32>,
      %shift_left3A_196 = arith.constant 16 : i32
      %shift_left3A_197 = vector.broadcast %shift_left3A_196 : i32 to vector<16xi32>
      %shift_left3A_198 = arith.shli %gather3A_194, %shift_left3A_197 : vector<16xi32>
      %bitcast3A_199 = vector.bitcast %shift_left3A_198 : vector<16xi32> to vector<16xf32>
      %shift_left3A_200 = arith.constant 16 : i32
      %shift_left3A_201 = vector.broadcast %shift_left3A_200 : i32 to vector<16xi32>
      %shift_left3A_202 = arith.shli %gather3A_195, %shift_left3A_201 : vector<16xi32>
      %bitcast3A_203 = vector.bitcast %shift_left3A_202 : vector<16xi32> to vector<16xf32>
      %and3A_204 = vector.broadcast %scan3A_78 : i32 to vector<16xi32>
      %and3A_205 = arith.andi %gather3A_194, %and3A_204 : vector<16xi32>
      %bitcast3A_206 = vector.bitcast %and3A_205 : vector<16xi32> to vector<16xf32>
      %and3A_207 = vector.broadcast %scan3A_78 : i32 to vector<16xi32>
      %and3A_208 = arith.andi %gather3A_195, %and3A_207 : vector<16xi32>
      %bitcast3A_209 = vector.bitcast %and3A_208 : vector<16xi32> to vector<16xf32>
      %sub3A_210 = arith.subf %bitcast3A_199, %bitcast3A_203 : vector<16xf32>
      %sub3A_211 = arith.subf %bitcast3A_206, %bitcast3A_209 : vector<16xf32>
      %mul3A_212 = arith.mulf %sub3A_210, %sub3A_210 : vector<16xf32>
      %add3A_213 = arith.addf %mul3A_212, %add3A_189 : vector<16xf32>
      %mul3A_214 = arith.mulf %sub3A_211, %sub3A_211 : vector<16xf32>
      %add3A_215 = arith.addf %mul3A_214, %add3A_191 : vector<16xf32>
      %broadcast_in_dim3A_216 = arith.constant 5 : i32
      %broadcast_in_dim3A_217 = vector.broadcast %broadcast_in_dim3A_216 : i32 to vector<16xi32>
      %gather3A_218 = tpu.vector_load_idx %arg14[%add3A_97, %broadcast_in_dim3A_217] : memref<1000x16xi32, #tpu.memory_space<vmem>>[vector<16xi32>, vector<16xi32>], vector<16xi32>,
      %gather3A_219 = tpu.vector_load_idx %arg16[%add3A_97, %broadcast_in_dim3A_217] : memref<1000x16xi32, #tpu.memory_space<vmem>>[vector<16xi32>, vector<16xi32>], vector<16xi32>,
      %shift_left3A_220 = arith.constant 16 : i32
      %shift_left3A_221 = vector.broadcast %shift_left3A_220 : i32 to vector<16xi32>
      %shift_left3A_222 = arith.shli %gather3A_218, %shift_left3A_221 : vector<16xi32>
      %bitcast3A_223 = vector.bitcast %shift_left3A_222 : vector<16xi32> to vector<16xf32>
      %shift_left3A_224 = arith.constant 16 : i32
      %shift_left3A_225 = vector.broadcast %shift_left3A_224 : i32 to vector<16xi32>
      %shift_left3A_226 = arith.shli %gather3A_219, %shift_left3A_225 : vector<16xi32>
      %bitcast3A_227 = vector.bitcast %shift_left3A_226 : vector<16xi32> to vector<16xf32>
      %and3A_228 = vector.broadcast %scan3A_78 : i32 to vector<16xi32>
      %and3A_229 = arith.andi %gather3A_218, %and3A_228 : vector<16xi32>
      %bitcast3A_230 = vector.bitcast %and3A_229 : vector<16xi32> to vector<16xf32>
      %and3A_231 = vector.broadcast %scan3A_78 : i32 to vector<16xi32>
      %and3A_232 = arith.andi %gather3A_219, %and3A_231 : vector<16xi32>
      %bitcast3A_233 = vector.bitcast %and3A_232 : vector<16xi32> to vector<16xf32>
      %sub3A_234 = arith.subf %bitcast3A_223, %bitcast3A_227 : vector<16xf32>
      %sub3A_235 = arith.subf %bitcast3A_230, %bitcast3A_233 : vector<16xf32>
      %mul3A_236 = arith.mulf %sub3A_234, %sub3A_234 : vector<16xf32>
      %add3A_237 = arith.addf %mul3A_236, %add3A_213 : vector<16xf32>
      %mul3A_238 = arith.mulf %sub3A_235, %sub3A_235 : vector<16xf32>
      %add3A_239 = arith.addf %mul3A_238, %add3A_215 : vector<16xf32>
      %broadcast_in_dim3A_240 = arith.constant 6 : i32
      %broadcast_in_dim3A_241 = vector.broadcast %broadcast_in_dim3A_240 : i32 to vector<16xi32>
      %gather3A_242 = tpu.vector_load_idx %arg14[%add3A_97, %broadcast_in_dim3A_241] : memref<1000x16xi32, #tpu.memory_space<vmem>>[vector<16xi32>, vector<16xi32>], vector<16xi32>,
      %gather3A_243 = tpu.vector_load_idx %arg16[%add3A_97, %broadcast_in_dim3A_241] : memref<1000x16xi32, #tpu.memory_space<vmem>>[vector<16xi32>, vector<16xi32>], vector<16xi32>,
      %shift_left3A_244 = arith.constant 16 : i32
      %shift_left3A_245 = vector.broadcast %shift_left3A_244 : i32 to vector<16xi32>
      %shift_left3A_246 = arith.shli %gather3A_242, %shift_left3A_245 : vector<16xi32>
      %bitcast3A_247 = vector.bitcast %shift_left3A_246 : vector<16xi32> to vector<16xf32>
      %shift_left3A_248 = arith.constant 16 : i32
      %shift_left3A_249 = vector.broadcast %shift_left3A_248 : i32 to vector<16xi32>
      %shift_left3A_250 = arith.shli %gather3A_243, %shift_left3A_249 : vector<16xi32>
      %bitcast3A_251 = vector.bitcast %shift_left3A_250 : vector<16xi32> to vector<16xf32>
      %and3A_252 = vector.broadcast %scan3A_78 : i32 to vector<16xi32>
      %and3A_253 = arith.andi %gather3A_242, %and3A_252 : vector<16xi32>
      %bitcast3A_254 = vector.bitcast %and3A_253 : vector<16xi32> to vector<16xf32>
      %and3A_255 = vector.broadcast %scan3A_78 : i32 to vector<16xi32>
      %and3A_256 = arith.andi %gather3A_243, %and3A_255 : vector<16xi32>
      %bitcast3A_257 = vector.bitcast %and3A_256 : vector<16xi32> to vector<16xf32>
      %sub3A_258 = arith.subf %bitcast3A_247, %bitcast3A_251 : vector<16xf32>
      %sub3A_259 = arith.subf %bitcast3A_254, %bitcast3A_257 : vector<16xf32>
      %mul3A_260 = arith.mulf %sub3A_258, %sub3A_258 : vector<16xf32>
      %add3A_261 = arith.addf %mul3A_260, %add3A_237 : vector<16xf32>
      %mul3A_262 = arith.mulf %sub3A_259, %sub3A_259 : vector<16xf32>
      %add3A_263 = arith.addf %mul3A_262, %add3A_239 : vector<16xf32>
      %broadcast_in_dim3A_264 = arith.constant 7 : i32
      %broadcast_in_dim3A_265 = vector.broadcast %broadcast_in_dim3A_264 : i32 to vector<16xi32>
      %gather3A_266 = tpu.vector_load_idx %arg14[%add3A_97, %broadcast_in_dim3A_265] : memref<1000x16xi32, #tpu.memory_space<vmem>>[vector<16xi32>, vector<16xi32>], vector<16xi32>,
      %gather3A_267 = tpu.vector_load_idx %arg16[%add3A_97, %broadcast_in_dim3A_265] : memref<1000x16xi32, #tpu.memory_space<vmem>>[vector<16xi32>, vector<16xi32>], vector<16xi32>,
      %shift_left3A_268 = arith.constant 16 : i32
      %shift_left3A_269 = vector.broadcast %shift_left3A_268 : i32 to vector<16xi32>
      %shift_left3A_270 = arith.shli %gather3A_266, %shift_left3A_269 : vector<16xi32>
      %bitcast3A_271 = vector.bitcast %shift_left3A_270 : vector<16xi32> to vector<16xf32>
      %shift_left3A_272 = arith.constant 16 : i32
      %shift_left3A_273 = vector.broadcast %shift_left3A_272 : i32 to vector<16xi32>
      %shift_left3A_274 = arith.shli %gather3A_267, %shift_left3A_273 : vector<16xi32>
      %bitcast3A_275 = vector.bitcast %shift_left3A_274 : vector<16xi32> to vector<16xf32>
      %and3A_276 = vector.broadcast %scan3A_78 : i32 to vector<16xi32>
      %and3A_277 = arith.andi %gather3A_266, %and3A_276 : vector<16xi32>
      %bitcast3A_278 = vector.bitcast %and3A_277 : vector<16xi32> to vector<16xf32>
      %and3A_279 = vector.broadcast %scan3A_78 : i32 to vector<16xi32>
      %and3A_280 = arith.andi %gather3A_267, %and3A_279 : vector<16xi32>
      %bitcast3A_281 = vector.bitcast %and3A_280 : vector<16xi32> to vector<16xf32>
      %sub3A_282 = arith.subf %bitcast3A_271, %bitcast3A_275 : vector<16xf32>
      %sub3A_283 = arith.subf %bitcast3A_278, %bitcast3A_281 : vector<16xf32>
      %mul3A_284 = arith.mulf %sub3A_282, %sub3A_282 : vector<16xf32>
      %add3A_285 = arith.addf %mul3A_284, %add3A_261 : vector<16xf32>
      %mul3A_286 = arith.mulf %sub3A_283, %sub3A_283 : vector<16xf32>
      %add3A_287 = arith.addf %mul3A_286, %add3A_263 : vector<16xf32>
      %broadcast_in_dim3A_288 = arith.constant 8 : i32
      %broadcast_in_dim3A_289 = vector.broadcast %broadcast_in_dim3A_288 : i32 to vector<16xi32>
      %gather3A_290 = tpu.vector_load_idx %arg14[%add3A_97, %broadcast_in_dim3A_289] : memref<1000x16xi32, #tpu.memory_space<vmem>>[vector<16xi32>, vector<16xi32>], vector<16xi32>,
      %gather3A_291 = tpu.vector_load_idx %arg16[%add3A_97, %broadcast_in_dim3A_289] : memref<1000x16xi32, #tpu.memory_space<vmem>>[vector<16xi32>, vector<16xi32>], vector<16xi32>,
      %shift_left3A_292 = arith.constant 16 : i32
      %shift_left3A_293 = vector.broadcast %shift_left3A_292 : i32 to vector<16xi32>
      %shift_left3A_294 = arith.shli %gather3A_290, %shift_left3A_293 : vector<16xi32>
      %bitcast3A_295 = vector.bitcast %shift_left3A_294 : vector<16xi32> to vector<16xf32>
      %shift_left3A_296 = arith.constant 16 : i32
      %shift_left3A_297 = vector.broadcast %shift_left3A_296 : i32 to vector<16xi32>
      %shift_left3A_298 = arith.shli %gather3A_291, %shift_left3A_297 : vector<16xi32>
      %bitcast3A_299 = vector.bitcast %shift_left3A_298 : vector<16xi32> to vector<16xf32>
      %and3A_300 = vector.broadcast %scan3A_78 : i32 to vector<16xi32>
      %and3A_301 = arith.andi %gather3A_290, %and3A_300 : vector<16xi32>
      %bitcast3A_302 = vector.bitcast %and3A_301 : vector<16xi32> to vector<16xf32>
      %and3A_303 = vector.broadcast %scan3A_78 : i32 to vector<16xi32>
      %and3A_304 = arith.andi %gather3A_291, %and3A_303 : vector<16xi32>
      %bitcast3A_305 = vector.bitcast %and3A_304 : vector<16xi32> to vector<16xf32>
      %sub3A_306 = arith.subf %bitcast3A_295, %bitcast3A_299 : vector<16xf32>
      %sub3A_307 = arith.subf %bitcast3A_302, %bitcast3A_305 : vector<16xf32>
      %mul3A_308 = arith.mulf %sub3A_306, %sub3A_306 : vector<16xf32>
      %add3A_309 = arith.addf %mul3A_308, %add3A_285 : vector<16xf32>
      %mul3A_310 = arith.mulf %sub3A_307, %sub3A_307 : vector<16xf32>
      %add3A_311 = arith.addf %mul3A_310, %add3A_287 : vector<16xf32>
      %broadcast_in_dim3A_312 = arith.constant 9 : i32
      %broadcast_in_dim3A_313 = vector.broadcast %broadcast_in_dim3A_312 : i32 to vector<16xi32>
      %gather3A_314 = tpu.vector_load_idx %arg14[%add3A_97, %broadcast_in_dim3A_313] : memref<1000x16xi32, #tpu.memory_space<vmem>>[vector<16xi32>, vector<16xi32>], vector<16xi32>,
      %gather3A_315 = tpu.vector_load_idx %arg16[%add3A_97, %broadcast_in_dim3A_313] : memref<1000x16xi32, #tpu.memory_space<vmem>>[vector<16xi32>, vector<16xi32>], vector<16xi32>,
      %shift_left3A_316 = arith.constant 16 : i32
      %shift_left3A_317 = vector.broadcast %shift_left3A_316 : i32 to vector<16xi32>
      %shift_left3A_318 = arith.shli %gather3A_314, %shift_left3A_317 : vector<16xi32>
      %bitcast3A_319 = vector.bitcast %shift_left3A_318 : vector<16xi32> to vector<16xf32>
      %shift_left3A_320 = arith.constant 16 : i32
      %shift_left3A_321 = vector.broadcast %shift_left3A_320 : i32 to vector<16xi32>
      %shift_left3A_322 = arith.shli %gather3A_315, %shift_left3A_321 : vector<16xi32>
      %bitcast3A_323 = vector.bitcast %shift_left3A_322 : vector<16xi32> to vector<16xf32>
      %and3A_324 = vector.broadcast %scan3A_78 : i32 to vector<16xi32>
      %and3A_325 = arith.andi %gather3A_314, %and3A_324 : vector<16xi32>
      %bitcast3A_326 = vector.bitcast %and3A_325 : vector<16xi32> to vector<16xf32>
      %and3A_327 = vector.broadcast %scan3A_78 : i32 to vector<16xi32>
      %and3A_328 = arith.andi %gather3A_315, %and3A_327 : vector<16xi32>
      %bitcast3A_329 = vector.bitcast %and3A_328 : vector<16xi32> to vector<16xf32>
      %sub3A_330 = arith.subf %bitcast3A_319, %bitcast3A_323 : vector<16xf32>
      %sub3A_331 = arith.subf %bitcast3A_326, %bitcast3A_329 : vector<16xf32>
      %mul3A_332 = arith.mulf %sub3A_330, %sub3A_330 : vector<16xf32>
      %add3A_333 = arith.addf %mul3A_332, %add3A_309 : vector<16xf32>
      %mul3A_334 = arith.mulf %sub3A_331, %sub3A_331 : vector<16xf32>
      %add3A_335 = arith.addf %mul3A_334, %add3A_311 : vector<16xf32>
      %broadcast_in_dim3A_336 = arith.constant 10 : i32
      %broadcast_in_dim3A_337 = vector.broadcast %broadcast_in_dim3A_336 : i32 to vector<16xi32>
      %gather3A_338 = tpu.vector_load_idx %arg14[%add3A_97, %broadcast_in_dim3A_337] : memref<1000x16xi32, #tpu.memory_space<vmem>>[vector<16xi32>, vector<16xi32>], vector<16xi32>,
      %gather3A_339 = tpu.vector_load_idx %arg16[%add3A_97, %broadcast_in_dim3A_337] : memref<1000x16xi32, #tpu.memory_space<vmem>>[vector<16xi32>, vector<16xi32>], vector<16xi32>,
      %shift_left3A_340 = arith.constant 16 : i32
      %shift_left3A_341 = vector.broadcast %shift_left3A_340 : i32 to vector<16xi32>
      %shift_left3A_342 = arith.shli %gather3A_338, %shift_left3A_341 : vector<16xi32>
      %bitcast3A_343 = vector.bitcast %shift_left3A_342 : vector<16xi32> to vector<16xf32>
      %shift_left3A_344 = arith.constant 16 : i32
      %shift_left3A_345 = vector.broadcast %shift_left3A_344 : i32 to vector<16xi32>
      %shift_left3A_346 = arith.shli %gather3A_339, %shift_left3A_345 : vector<16xi32>
      %bitcast3A_347 = vector.bitcast %shift_left3A_346 : vector<16xi32> to vector<16xf32>
      %and3A_348 = vector.broadcast %scan3A_78 : i32 to vector<16xi32>
      %and3A_349 = arith.andi %gather3A_338, %and3A_348 : vector<16xi32>
      %bitcast3A_350 = vector.bitcast %and3A_349 : vector<16xi32> to vector<16xf32>
      %and3A_351 = vector.broadcast %scan3A_78 : i32 to vector<16xi32>
      %and3A_352 = arith.andi %gather3A_339, %and3A_351 : vector<16xi32>
      %bitcast3A_353 = vector.bitcast %and3A_352 : vector<16xi32> to vector<16xf32>
      %sub3A_354 = arith.subf %bitcast3A_343, %bitcast3A_347 : vector<16xf32>
      %sub3A_355 = arith.subf %bitcast3A_350, %bitcast3A_353 : vector<16xf32>
      %mul3A_356 = arith.mulf %sub3A_354, %sub3A_354 : vector<16xf32>
      %add3A_357 = arith.addf %mul3A_356, %add3A_333 : vector<16xf32>
      %mul3A_358 = arith.mulf %sub3A_355, %sub3A_355 : vector<16xf32>
      %add3A_359 = arith.addf %mul3A_358, %add3A_335 : vector<16xf32>
      %broadcast_in_dim3A_360 = arith.constant 11 : i32
      %broadcast_in_dim3A_361 = vector.broadcast %broadcast_in_dim3A_360 : i32 to vector<16xi32>
      %gather3A_362 = tpu.vector_load_idx %arg14[%add3A_97, %broadcast_in_dim3A_361] : memref<1000x16xi32, #tpu.memory_space<vmem>>[vector<16xi32>, vector<16xi32>], vector<16xi32>,
      %gather3A_363 = tpu.vector_load_idx %arg16[%add3A_97, %broadcast_in_dim3A_361] : memref<1000x16xi32, #tpu.memory_space<vmem>>[vector<16xi32>, vector<16xi32>], vector<16xi32>,
      %shift_left3A_364 = arith.constant 16 : i32
      %shift_left3A_365 = vector.broadcast %shift_left3A_364 : i32 to vector<16xi32>
      %shift_left3A_366 = arith.shli %gather3A_362, %shift_left3A_365 : vector<16xi32>
      %bitcast3A_367 = vector.bitcast %shift_left3A_366 : vector<16xi32> to vector<16xf32>
      %shift_left3A_368 = arith.constant 16 : i32
      %shift_left3A_369 = vector.broadcast %shift_left3A_368 : i32 to vector<16xi32>
      %shift_left3A_370 = arith.shli %gather3A_363, %shift_left3A_369 : vector<16xi32>
      %bitcast3A_371 = vector.bitcast %shift_left3A_370 : vector<16xi32> to vector<16xf32>
      %and3A_372 = vector.broadcast %scan3A_78 : i32 to vector<16xi32>
      %and3A_373 = arith.andi %gather3A_362, %and3A_372 : vector<16xi32>
      %bitcast3A_374 = vector.bitcast %and3A_373 : vector<16xi32> to vector<16xf32>
      %and3A_375 = vector.broadcast %scan3A_78 : i32 to vector<16xi32>
      %and3A_376 = arith.andi %gather3A_363, %and3A_375 : vector<16xi32>
      %bitcast3A_377 = vector.bitcast %and3A_376 : vector<16xi32> to vector<16xf32>
      %sub3A_378 = arith.subf %bitcast3A_367, %bitcast3A_371 : vector<16xf32>
      %sub3A_379 = arith.subf %bitcast3A_374, %bitcast3A_377 : vector<16xf32>
      %mul3A_380 = arith.mulf %sub3A_378, %sub3A_378 : vector<16xf32>
      %add3A_381 = arith.addf %mul3A_380, %add3A_357 : vector<16xf32>
      %mul3A_382 = arith.mulf %sub3A_379, %sub3A_379 : vector<16xf32>
      %add3A_383 = arith.addf %mul3A_382, %add3A_359 : vector<16xf32>
      %broadcast_in_dim3A_384 = arith.constant 12 : i32
      %broadcast_in_dim3A_385 = vector.broadcast %broadcast_in_dim3A_384 : i32 to vector<16xi32>
      %gather3A_386 = tpu.vector_load_idx %arg14[%add3A_97, %broadcast_in_dim3A_385] : memref<1000x16xi32, #tpu.memory_space<vmem>>[vector<16xi32>, vector<16xi32>], vector<16xi32>,
      %gather3A_387 = tpu.vector_load_idx %arg16[%add3A_97, %broadcast_in_dim3A_385] : memref<1000x16xi32, #tpu.memory_space<vmem>>[vector<16xi32>, vector<16xi32>], vector<16xi32>,
      %shift_left3A_388 = arith.constant 16 : i32
      %shift_left3A_389 = vector.broadcast %shift_left3A_388 : i32 to vector<16xi32>
      %shift_left3A_390 = arith.shli %gather3A_386, %shift_left3A_389 : vector<16xi32>
      %bitcast3A_391 = vector.bitcast %shift_left3A_390 : vector<16xi32> to vector<16xf32>
      %shift_left3A_392 = arith.constant 16 : i32
      %shift_left3A_393 = vector.broadcast %shift_left3A_392 : i32 to vector<16xi32>
      %shift_left3A_394 = arith.shli %gather3A_387, %shift_left3A_393 : vector<16xi32>
      %bitcast3A_395 = vector.bitcast %shift_left3A_394 : vector<16xi32> to vector<16xf32>
      %and3A_396 = vector.broadcast %scan3A_78 : i32 to vector<16xi32>
      %and3A_397 = arith.andi %gather3A_386, %and3A_396 : vector<16xi32>
      %bitcast3A_398 = vector.bitcast %and3A_397 : vector<16xi32> to vector<16xf32>
      %and3A_399 = vector.broadcast %scan3A_78 : i32 to vector<16xi32>
      %and3A_400 = arith.andi %gather3A_387, %and3A_399 : vector<16xi32>
      %bitcast3A_401 = vector.bitcast %and3A_400 : vector<16xi32> to vector<16xf32>
      %sub3A_402 = arith.subf %bitcast3A_391, %bitcast3A_395 : vector<16xf32>
      %sub3A_403 = arith.subf %bitcast3A_398, %bitcast3A_401 : vector<16xf32>
      %mul3A_404 = arith.mulf %sub3A_402, %sub3A_402 : vector<16xf32>
      %add3A_405 = arith.addf %mul3A_404, %add3A_381 : vector<16xf32>
      %mul3A_406 = arith.mulf %sub3A_403, %sub3A_403 : vector<16xf32>
      %add3A_407 = arith.addf %mul3A_406, %add3A_383 : vector<16xf32>
      %broadcast_in_dim3A_408 = arith.constant 13 : i32
      %broadcast_in_dim3A_409 = vector.broadcast %broadcast_in_dim3A_408 : i32 to vector<16xi32>
      %gather3A_410 = tpu.vector_load_idx %arg14[%add3A_97, %broadcast_in_dim3A_409] : memref<1000x16xi32, #tpu.memory_space<vmem>>[vector<16xi32>, vector<16xi32>], vector<16xi32>,
      %gather3A_411 = tpu.vector_load_idx %arg16[%add3A_97, %broadcast_in_dim3A_409] : memref<1000x16xi32, #tpu.memory_space<vmem>>[vector<16xi32>, vector<16xi32>], vector<16xi32>,
      %shift_left3A_412 = arith.constant 16 : i32
      %shift_left3A_413 = vector.broadcast %shift_left3A_412 : i32 to vector<16xi32>
      %shift_left3A_414 = arith.shli %gather3A_410, %shift_left3A_413 : vector<16xi32>
      %bitcast3A_415 = vector.bitcast %shift_left3A_414 : vector<16xi32> to vector<16xf32>
      %shift_left3A_416 = arith.constant 16 : i32
      %shift_left3A_417 = vector.broadcast %shift_left3A_416 : i32 to vector<16xi32>
      %shift_left3A_418 = arith.shli %gather3A_411, %shift_left3A_417 : vector<16xi32>
      %bitcast3A_419 = vector.bitcast %shift_left3A_418 : vector<16xi32> to vector<16xf32>
      %and3A_420 = vector.broadcast %scan3A_78 : i32 to vector<16xi32>
      %and3A_421 = arith.andi %gather3A_410, %and3A_420 : vector<16xi32>
      %bitcast3A_422 = vector.bitcast %and3A_421 : vector<16xi32> to vector<16xf32>
      %and3A_423 = vector.broadcast %scan3A_78 : i32 to vector<16xi32>
      %and3A_424 = arith.andi %gather3A_411, %and3A_423 : vector<16xi32>
      %bitcast3A_425 = vector.bitcast %and3A_424 : vector<16xi32> to vector<16xf32>
      %sub3A_426 = arith.subf %bitcast3A_415, %bitcast3A_419 : vector<16xf32>
      %sub3A_427 = arith.subf %bitcast3A_422, %bitcast3A_425 : vector<16xf32>
      %mul3A_428 = arith.mulf %sub3A_426, %sub3A_426 : vector<16xf32>
      %add3A_429 = arith.addf %mul3A_428, %add3A_405 : vector<16xf32>
      %mul3A_430 = arith.mulf %sub3A_427, %sub3A_427 : vector<16xf32>
      %add3A_431 = arith.addf %mul3A_430, %add3A_407 : vector<16xf32>
      %broadcast_in_dim3A_432 = arith.constant 14 : i32
      %broadcast_in_dim3A_433 = vector.broadcast %broadcast_in_dim3A_432 : i32 to vector<16xi32>
      %gather3A_434 = tpu.vector_load_idx %arg14[%add3A_97, %broadcast_in_dim3A_433] : memref<1000x16xi32, #tpu.memory_space<vmem>>[vector<16xi32>, vector<16xi32>], vector<16xi32>,
      %gather3A_435 = tpu.vector_load_idx %arg16[%add3A_97, %broadcast_in_dim3A_433] : memref<1000x16xi32, #tpu.memory_space<vmem>>[vector<16xi32>, vector<16xi32>], vector<16xi32>,
      %shift_left3A_436 = arith.constant 16 : i32
      %shift_left3A_437 = vector.broadcast %shift_left3A_436 : i32 to vector<16xi32>
      %shift_left3A_438 = arith.shli %gather3A_434, %shift_left3A_437 : vector<16xi32>
      %bitcast3A_439 = vector.bitcast %shift_left3A_438 : vector<16xi32> to vector<16xf32>
      %shift_left3A_440 = arith.constant 16 : i32
      %shift_left3A_441 = vector.broadcast %shift_left3A_440 : i32 to vector<16xi32>
      %shift_left3A_442 = arith.shli %gather3A_435, %shift_left3A_441 : vector<16xi32>
      %bitcast3A_443 = vector.bitcast %shift_left3A_442 : vector<16xi32> to vector<16xf32>
      %and3A_444 = vector.broadcast %scan3A_78 : i32 to vector<16xi32>
      %and3A_445 = arith.andi %gather3A_434, %and3A_444 : vector<16xi32>
      %bitcast3A_446 = vector.bitcast %and3A_445 : vector<16xi32> to vector<16xf32>
      %and3A_447 = vector.broadcast %scan3A_78 : i32 to vector<16xi32>
      %and3A_448 = arith.andi %gather3A_435, %and3A_447 : vector<16xi32>
      %bitcast3A_449 = vector.bitcast %and3A_448 : vector<16xi32> to vector<16xf32>
      %sub3A_450 = arith.subf %bitcast3A_439, %bitcast3A_443 : vector<16xf32>
      %sub3A_451 = arith.subf %bitcast3A_446, %bitcast3A_449 : vector<16xf32>
      %mul3A_452 = arith.mulf %sub3A_450, %sub3A_450 : vector<16xf32>
      %add3A_453 = arith.addf %mul3A_452, %add3A_429 : vector<16xf32>
      %mul3A_454 = arith.mulf %sub3A_451, %sub3A_451 : vector<16xf32>
      %add3A_455 = arith.addf %mul3A_454, %add3A_431 : vector<16xf32>
      %broadcast_in_dim3A_456 = arith.constant 15 : i32
      %broadcast_in_dim3A_457 = vector.broadcast %broadcast_in_dim3A_456 : i32 to vector<16xi32>
      %gather3A_458 = tpu.vector_load_idx %arg14[%add3A_97, %broadcast_in_dim3A_457] : memref<1000x16xi32, #tpu.memory_space<vmem>>[vector<16xi32>, vector<16xi32>], vector<16xi32>,
      %gather3A_459 = tpu.vector_load_idx %arg16[%add3A_97, %broadcast_in_dim3A_457] : memref<1000x16xi32, #tpu.memory_space<vmem>>[vector<16xi32>, vector<16xi32>], vector<16xi32>,
      %shift_left3A_460 = arith.constant 16 : i32
      %shift_left3A_461 = vector.broadcast %shift_left3A_460 : i32 to vector<16xi32>
      %shift_left3A_462 = arith.shli %gather3A_458, %shift_left3A_461 : vector<16xi32>
      %bitcast3A_463 = vector.bitcast %shift_left3A_462 : vector<16xi32> to vector<16xf32>
      %shift_left3A_464 = arith.constant 16 : i32
      %shift_left3A_465 = vector.broadcast %shift_left3A_464 : i32 to vector<16xi32>
      %shift_left3A_466 = arith.shli %gather3A_459, %shift_left3A_465 : vector<16xi32>
      %bitcast3A_467 = vector.bitcast %shift_left3A_466 : vector<16xi32> to vector<16xf32>
      %and3A_468 = vector.broadcast %scan3A_78 : i32 to vector<16xi32>
      %and3A_469 = arith.andi %gather3A_458, %and3A_468 : vector<16xi32>
      %bitcast3A_470 = vector.bitcast %and3A_469 : vector<16xi32> to vector<16xf32>
      %and3A_471 = vector.broadcast %scan3A_78 : i32 to vector<16xi32>
      %and3A_472 = arith.andi %gather3A_459, %and3A_471 : vector<16xi32>
      %bitcast3A_473 = vector.bitcast %and3A_472 : vector<16xi32> to vector<16xf32>
      %sub3A_474 = arith.subf %bitcast3A_463, %bitcast3A_467 : vector<16xf32>
      %sub3A_475 = arith.subf %bitcast3A_470, %bitcast3A_473 : vector<16xf32>
      %mul3A_476 = arith.mulf %sub3A_474, %sub3A_474 : vector<16xf32>
      %add3A_477 = arith.addf %mul3A_476, %add3A_453 : vector<16xf32>
      %mul3A_478 = arith.mulf %sub3A_475, %sub3A_475 : vector<16xf32>
      %add3A_479 = arith.addf %mul3A_478, %add3A_455 : vector<16xf32>
      %add3A_480 = arith.addf %add3A_477, %add3A_479 : vector<16xf32>
      %swap3A = arith.index_cast %min3A_95 : i32 to index
      %swap3A_481 = tpu.vector_load %arg22[%swap3A] {strides = array<i32>} : memref<1000xf32, #tpu.memory_space<vmem>>, vector<16xf32>,
      tpu.vector_store %arg22[%swap3A], %add3A_480 {strides = array<i32>} : memref<1000xf32, #tpu.memory_space<vmem>>, vector<16xf32>,
      %get3A = arith.index_cast %min3A_95 : i32 to index
      %get3A_482 = tpu.vector_load %arg18[%get3A] {strides = array<i32>} : memref<1000xi32, #tpu.memory_space<vmem>>, vector<16xi32>,
      %get3A_483 = arith.index_cast %min3A_95 : i32 to index
      %get3A_484 = tpu.vector_load %arg20[%get3A_483] {strides = array<i32>} : memref<1000xi32, #tpu.memory_space<vmem>>, vector<16xi32>,
      %shift_right_logical3A = arith.constant 4 : i32
      %shift_right_logical3A_485 = vector.broadcast %shift_right_logical3A : i32 to vector<16xi32>
      %shift_right_logical3A_486 = arith.shrui %get3A_482, %shift_right_logical3A_485 : vector<16xi32>
      %shift_right_logical3A_487 = arith.constant 4 : i32
      %shift_right_logical3A_488 = vector.broadcast %shift_right_logical3A_487 : i32 to vector<16xi32>
      %shift_right_logical3A_489 = arith.shrui %get3A_484, %shift_right_logical3A_488 : vector<16xi32>
      %eq3A = arith.cmpi eq, %shift_right_logical3A_486, %shift_right_logical3A_489 : vector<16xi32>
      %convert_element_type3A = arith.extui %eq3A : vector<16xi1> to vector<16xi32>
      %and3A_490 = arith.constant 15 : i32
      %and3A_491 = vector.broadcast %and3A_490 : i32 to vector<16xi32>
      %and3A_492 = arith.andi %get3A_482, %and3A_491 : vector<16xi32>
      %and3A_493 = arith.constant 15 : i32
      %and3A_494 = vector.broadcast %and3A_493 : i32 to vector<16xi32>
      %and3A_495 = arith.andi %get3A_484, %and3A_494 : vector<16xi32>
      %sub3A_496 = arith.subi %and3A_492, %and3A_495 : vector<16xi32>
      %abs3A = math.absi %sub3A_496 : vector<16xi32>
      %lt3A = arith.constant 3 : i32
      %lt3A_497 = vector.broadcast %lt3A : i32 to vector<16xi32>
      %lt3A_498 = arith.cmpi slt, %abs3A, %lt3A_497 : vector<16xi32>
      %convert_element_type3A_499 = arith.extui %lt3A_498 : vector<16xi1> to vector<16xi32>
      %mul3A_500 = arith.constant 2 : i32
      %mul3A_501 = vector.broadcast %mul3A_500 : i32 to vector<16xi32>
      %mul3A_502 = arith.muli %mul3A_501, %convert_element_type3A_499 : vector<16xi32>
      %add3A_503 = arith.addi %convert_element_type3A, %mul3A_502 : vector<16xi32>
      %swap3A_504 = arith.index_cast %min3A_95 : i32 to index
      %swap3A_505 = tpu.vector_load %arg24[%swap3A_504] {strides = array<i32>} : memref<1000xi32, #tpu.memory_space<vmem>>, vector<16xi32>,
      tpu.vector_store %arg24[%swap3A_504], %add3A_503 {strides = array<i32>} : memref<1000xi32, #tpu.memory_space<vmem>>, vector<16xi32>,
    }
    %scan3A_83 = arith.constant 63 : i32
    %add3A_84 = arith.constant 800000 : i32
    %add3A_85 = arith.addi %add3A_84, %mul3A_2 : i32
    %add3A_86 = arith.constant 24000 : i32
    %add3A_87 = arith.addi %add3A_85, %add3A_86 : i32
    "tpu.region"() ({
      %run_scoped3A = tpu.sem_alloc : memref<!tpu.dma_semaphore, #tpu.memory_space<semaphore_mem>>
      %dma_start3A_92 = tpu.memref_slice %arg8[%add3A_87] : memref<1600000xf32, #tpu.memory_space<hbm>> -> memref<1000xf32, #tpu.memory_space<hbm>>
      %dma_start3A_93 = tpu.memref_slice %arg8[%add3A_87] : memref<1600000xf32, #tpu.memory_space<hbm>> -> memref<1000xf32, #tpu.memory_space<hbm>>
      tpu.enqueue_dma source(%arg22 : memref<1000xf32, #tpu.memory_space<vmem>>) target(%dma_start3A_93 : memref<1000xf32, #tpu.memory_space<hbm>>) target_semaphore(%run_scoped3A : memref<!tpu.dma_semaphore, #tpu.memory_space<semaphore_mem>>)
      %dma_wait3A_94 = tpu.memref_slice %arg8[%add3A_87] : memref<1600000xf32, #tpu.memory_space<hbm>> -> memref<1000xf32, #tpu.memory_space<hbm>>
      %dma_wait3A_95 = tpu.memref_slice %arg8[%add3A_87] : memref<1600000xf32, #tpu.memory_space<hbm>> -> memref<1000xf32, #tpu.memory_space<hbm>>
      tpu.wait_dma2 semaphore(%run_scoped3A : memref<!tpu.dma_semaphore, #tpu.memory_space<semaphore_mem>>) src(%arg22 : memref<1000xf32, #tpu.memory_space<vmem>>) dst(%dma_wait3A_95 : memref<1000xf32, #tpu.memory_space<hbm>>)
      tpu.yield
    }) : () -> ()
    %add3A_88 = arith.constant 800000 : i32
    %add3A_89 = arith.addi %add3A_88, %mul3A_2 : i32
    %add3A_90 = arith.constant 24000 : i32
    %add3A_91 = arith.addi %add3A_89, %add3A_90 : i32
    "tpu.region"() ({
      %run_scoped3A = tpu.sem_alloc : memref<!tpu.dma_semaphore, #tpu.memory_space<semaphore_mem>>
      %dma_start3A_92 = tpu.memref_slice %arg9[%add3A_91] : memref<1600000xi32, #tpu.memory_space<hbm>> -> memref<1000xi32, #tpu.memory_space<hbm>>
      %dma_start3A_93 = tpu.memref_slice %arg9[%add3A_91] : memref<1600000xi32, #tpu.memory_space<hbm>> -> memref<1000xi32, #tpu.memory_space<hbm>>
      tpu.enqueue_dma source(%arg24 : memref<1000xi32, #tpu.memory_space<vmem>>) target(%dma_start3A_93 : memref<1000xi32, #tpu.memory_space<hbm>>) target_semaphore(%run_scoped3A : memref<!tpu.dma_semaphore, #tpu.memory_space<semaphore_mem>>)
      %dma_wait3A_94 = tpu.memref_slice %arg9[%add3A_91] : memref<1600000xi32, #tpu.memory_space<hbm>> -> memref<1000xi32, #tpu.memory_space<hbm>>
      %dma_wait3A_95 = tpu.memref_slice %arg9[%add3A_91] : memref<1600000xi32, #tpu.memory_space<hbm>> -> memref<1000xi32, #tpu.memory_space<hbm>>
      tpu.wait_dma2 semaphore(%run_scoped3A : memref<!tpu.dma_semaphore, #tpu.memory_space<semaphore_mem>>) src(%arg24 : memref<1000xi32, #tpu.memory_space<vmem>>) dst(%dma_wait3A_95 : memref<1000xi32, #tpu.memory_space<hbm>>)
      tpu.yield
    }) : () -> ()
    return
  }
}

module attributes {stable_mosaic.version = 14 : i64} {
  func.func @_prep_body(%arg0: i32, %arg1: memref<2000x32xf32, #tpu.memory_space<vmem>>, %arg2: memref<2000x32xf32, #tpu.memory_space<vmem>>, %arg3: memref<3125x16xi32, #tpu.memory_space<vmem>>, %arg4: memref<3125x16xi32, #tpu.memory_space<vmem>>, %arg5: memref<3125x16xf32, #tpu.memory_space<vmem>>, %arg6: memref<3125x16xf32, #tpu.memory_space<vmem>>, %arg7: memref<2000x16xi32, #tpu.memory_space<vmem>>, %arg8: memref<2000x16xi32, #tpu.memory_space<vmem>>, %arg9: memref<3125x16xi32, #tpu.memory_space<vmem>>, %arg10: memref<3125x16xi32, #tpu.memory_space<vmem>>) attributes {dimension_semantics = [#tpu.dimension_semantics<arbitrary>], iteration_bounds = array<i64: 25>, scalar_prefetch = 0 : i64, scratch_operands = 0 : i64, tpu.core_type = #tpu.core_type<tc>, window_params = [{transform_indices = @transform_0, window_bounds = array<i64: 2000, 32>}, {transform_indices = @transform_1, window_bounds = array<i64: 2000, 32>}, {pipeline_mode = #tpu.pipeline_mode<synchronous>, transform_indices = @transform_2, window_bounds = array<i64: 3125, 16>}, {pipeline_mode = #tpu.pipeline_mode<synchronous>, transform_indices = @transform_3, window_bounds = array<i64: 3125, 16>}, {pipeline_mode = #tpu.pipeline_mode<synchronous>, transform_indices = @transform_4, window_bounds = array<i64: 3125, 16>}, {pipeline_mode = #tpu.pipeline_mode<synchronous>, transform_indices = @transform_5, window_bounds = array<i64: 3125, 16>}, {transform_indices = @transform_6, window_bounds = array<i64: 2000, 16>}, {transform_indices = @transform_7, window_bounds = array<i64: 2000, 16>}, {pipeline_mode = #tpu.pipeline_mode<synchronous>, transform_indices = @transform_8, window_bounds = array<i64: 3125, 16>}, {pipeline_mode = #tpu.pipeline_mode<synchronous>, transform_indices = @transform_9, window_bounds = array<i64: 3125, 16>}]} {
    %get3A = arith.constant 0 : index
    %get3A_0 = arith.constant 0 : index
    %get3A_1 = vector.load %arg1[%get3A, %get3A_0] : memref<2000x32xf32, #tpu.memory_space<vmem>>, vector<2000x32xf32>
    %reduce_max3A = arith.constant dense<0xFF800000> : vector<2000xf32>
    %reduce_max3A_2 = vector.multi_reduction <maximumf>, %get3A_1, %reduce_max3A [1] : vector<2000x32xf32> to vector<2000xf32>
    %broadcast_in_dim3A = vector.shape_cast %reduce_max3A_2 : vector<2000xf32> to vector<2000x1xf32>
    %sub3A = vector.broadcast %broadcast_in_dim3A : vector<2000x1xf32> to vector<2000x32xf32>
    %sub3A_3 = arith.subf %get3A_1, %sub3A : vector<2000x32xf32>
    %exp3A = math.exp %sub3A_3 : vector<2000x32xf32>
    %reduce_sum3A = arith.constant dense<0.000000e+00> : vector<2000xf32>
    %reduce_sum3A_4 = vector.multi_reduction <add>, %exp3A, %reduce_sum3A [1] : vector<2000x32xf32> to vector<2000xf32>
    %broadcast_in_dim3A_5 = vector.shape_cast %reduce_sum3A_4 : vector<2000xf32> to vector<2000x1xf32>
    %div3A = vector.broadcast %broadcast_in_dim3A_5 : vector<2000x1xf32> to vector<2000x32xf32>
    %div3A_6 = arith.divf %exp3A, %div3A : vector<2000x32xf32>
    %bitcast_convert_type3A = tpu.bitcast %div3A_6 : vector<2000x32xf32> -> vector<2000x32xi32>
    %add3A = arith.constant 32767 : i32
    %add3A_7 = vector.broadcast %add3A : i32 to vector<2000x32xi32>
    %add3A_8 = arith.addi %bitcast_convert_type3A, %add3A_7 : vector<2000x32xi32>
    %shift_right_logical3A = arith.constant 16 : i32
    %shift_right_logical3A_9 = vector.broadcast %shift_right_logical3A : i32 to vector<2000x32xi32>
    %shift_right_logical3A_10 = arith.shrui %bitcast_convert_type3A, %shift_right_logical3A_9 : vector<2000x32xi32>
    %and3A = arith.constant 1 : i32
    %and3A_11 = vector.broadcast %and3A : i32 to vector<2000x32xi32>
    %and3A_12 = arith.andi %shift_right_logical3A_10, %and3A_11 : vector<2000x32xi32>
    %add3A_13 = arith.addi %add3A_8, %and3A_12 : vector<2000x32xi32>
    %shift_right_logical3A_14 = arith.constant 16 : i32
    %shift_right_logical3A_15 = vector.broadcast %shift_right_logical3A_14 : i32 to vector<2000x32xi32>
    %shift_right_logical3A_16 = arith.shrui %add3A_13, %shift_right_logical3A_15 : vector<2000x32xi32>
    %slice3A = vector.extract_strided_slice %shift_right_logical3A_16 {offsets = [0, 0], sizes = [2000, 16], strides = [1, 1]} : vector<2000x32xi32> to vector<2000x16xi32>
    %slice3A_17 = vector.extract_strided_slice %shift_right_logical3A_16 {offsets = [0, 16], sizes = [2000, 16], strides = [1, 1]} : vector<2000x32xi32> to vector<2000x16xi32>
    %shift_left3A = arith.constant 16 : i32
    %shift_left3A_18 = vector.broadcast %shift_left3A : i32 to vector<2000x16xi32>
    %shift_left3A_19 = arith.shli %slice3A_17, %shift_left3A_18 : vector<2000x16xi32>
    %or3A = arith.ori %slice3A, %shift_left3A_19 : vector<2000x16xi32>
    %swap3A = arith.constant 0 : index
    %swap3A_20 = arith.constant 0 : index
    %swap3A_21 = vector.load %arg7[%swap3A, %swap3A_20] : memref<2000x16xi32, #tpu.memory_space<vmem>>, vector<2000x16xi32>
    tpu.vector_store %arg7[%swap3A, %swap3A_20], %or3A {strides = array<i32>} : memref<2000x16xi32, #tpu.memory_space<vmem>>, vector<2000x16xi32>,
    %get3A_22 = arith.constant 0 : index
    %get3A_23 = arith.constant 0 : index
    %get3A_24 = vector.load %arg2[%get3A_22, %get3A_23] : memref<2000x32xf32, #tpu.memory_space<vmem>>, vector<2000x32xf32>
    %reduce_max3A_25 = arith.constant dense<0xFF800000> : vector<2000xf32>
    %reduce_max3A_26 = vector.multi_reduction <maximumf>, %get3A_24, %reduce_max3A_25 [1] : vector<2000x32xf32> to vector<2000xf32>
    %broadcast_in_dim3A_27 = vector.shape_cast %reduce_max3A_26 : vector<2000xf32> to vector<2000x1xf32>
    %sub3A_28 = vector.broadcast %broadcast_in_dim3A_27 : vector<2000x1xf32> to vector<2000x32xf32>
    %sub3A_29 = arith.subf %get3A_24, %sub3A_28 : vector<2000x32xf32>
    %exp3A_30 = math.exp %sub3A_29 : vector<2000x32xf32>
    %reduce_sum3A_31 = arith.constant dense<0.000000e+00> : vector<2000xf32>
    %reduce_sum3A_32 = vector.multi_reduction <add>, %exp3A_30, %reduce_sum3A_31 [1] : vector<2000x32xf32> to vector<2000xf32>
    %broadcast_in_dim3A_33 = vector.shape_cast %reduce_sum3A_32 : vector<2000xf32> to vector<2000x1xf32>
    %div3A_34 = vector.broadcast %broadcast_in_dim3A_33 : vector<2000x1xf32> to vector<2000x32xf32>
    %div3A_35 = arith.divf %exp3A_30, %div3A_34 : vector<2000x32xf32>
    %bitcast_convert_type3A_36 = tpu.bitcast %div3A_35 : vector<2000x32xf32> -> vector<2000x32xi32>
    %add3A_37 = arith.constant 32767 : i32
    %add3A_38 = vector.broadcast %add3A_37 : i32 to vector<2000x32xi32>
    %add3A_39 = arith.addi %bitcast_convert_type3A_36, %add3A_38 : vector<2000x32xi32>
    %shift_right_logical3A_40 = arith.constant 16 : i32
    %shift_right_logical3A_41 = vector.broadcast %shift_right_logical3A_40 : i32 to vector<2000x32xi32>
    %shift_right_logical3A_42 = arith.shrui %bitcast_convert_type3A_36, %shift_right_logical3A_41 : vector<2000x32xi32>
    %and3A_43 = arith.constant 1 : i32
    %and3A_44 = vector.broadcast %and3A_43 : i32 to vector<2000x32xi32>
    %and3A_45 = arith.andi %shift_right_logical3A_42, %and3A_44 : vector<2000x32xi32>
    %add3A_46 = arith.addi %add3A_39, %and3A_45 : vector<2000x32xi32>
    %shift_right_logical3A_47 = arith.constant 16 : i32
    %shift_right_logical3A_48 = vector.broadcast %shift_right_logical3A_47 : i32 to vector<2000x32xi32>
    %shift_right_logical3A_49 = arith.shrui %add3A_46, %shift_right_logical3A_48 : vector<2000x32xi32>
    %slice3A_50 = vector.extract_strided_slice %shift_right_logical3A_49 {offsets = [0, 0], sizes = [2000, 16], strides = [1, 1]} : vector<2000x32xi32> to vector<2000x16xi32>
    %slice3A_51 = vector.extract_strided_slice %shift_right_logical3A_49 {offsets = [0, 16], sizes = [2000, 16], strides = [1, 1]} : vector<2000x32xi32> to vector<2000x16xi32>
    %shift_left3A_52 = arith.constant 16 : i32
    %shift_left3A_53 = vector.broadcast %shift_left3A_52 : i32 to vector<2000x16xi32>
    %shift_left3A_54 = arith.shli %slice3A_51, %shift_left3A_53 : vector<2000x16xi32>
    %or3A_55 = arith.ori %slice3A_50, %shift_left3A_54 : vector<2000x16xi32>
    %swap3A_56 = arith.constant 0 : index
    %swap3A_57 = arith.constant 0 : index
    %swap3A_58 = vector.load %arg8[%swap3A_56, %swap3A_57] : memref<2000x16xi32, #tpu.memory_space<vmem>>, vector<2000x16xi32>
    tpu.vector_store %arg8[%swap3A_56, %swap3A_57], %or3A_55 {strides = array<i32>} : memref<2000x16xi32, #tpu.memory_space<vmem>>, vector<2000x16xi32>,
    %eq3A = arith.constant 0 : i32
    %eq3A_59 = arith.cmpi eq, %arg0, %eq3A : i32
    %convert_element_type3A = arith.extui %eq3A_59 : i1 to i32
    %cond3A = arith.constant 0 : i32
    %cond3A_60 = arith.cmpi ne, %convert_element_type3A, %cond3A : i32
    scf.if %cond3A_60 {
      %get3A_61 = arith.constant 0 : index
      %get3A_62 = arith.constant 0 : index
      %get3A_63 = vector.load %arg3[%get3A_61, %get3A_62] : memref<3125x16xi32, #tpu.memory_space<vmem>>, vector<3125x16xi32>
      %mul3A = arith.constant 16 : i32
      %mul3A_64 = vector.broadcast %mul3A : i32 to vector<3125x16xi32>
      %mul3A_65 = arith.muli %get3A_63, %mul3A_64 : vector<3125x16xi32>
      %get3A_66 = arith.constant 0 : index
      %get3A_67 = arith.constant 0 : index
      %get3A_68 = vector.load %arg5[%get3A_66, %get3A_67] : memref<3125x16xf32, #tpu.memory_space<vmem>>, vector<3125x16xf32>
      %convert_element_type3A_69 = arith.fptosi %get3A_68 : vector<3125x16xf32> to vector<3125x16xi32>
      %add3A_70 = arith.addi %mul3A_65, %convert_element_type3A_69 : vector<3125x16xi32>
      %swap3A_71 = arith.constant 0 : index
      %swap3A_72 = arith.constant 0 : index
      %swap3A_73 = vector.load %arg9[%swap3A_71, %swap3A_72] : memref<3125x16xi32, #tpu.memory_space<vmem>>, vector<3125x16xi32>
      tpu.vector_store %arg9[%swap3A_71, %swap3A_72], %add3A_70 {strides = array<i32>} : memref<3125x16xi32, #tpu.memory_space<vmem>>, vector<3125x16xi32>,
      %get3A_74 = arith.constant 0 : index
      %get3A_75 = arith.constant 0 : index
      %get3A_76 = vector.load %arg4[%get3A_74, %get3A_75] : memref<3125x16xi32, #tpu.memory_space<vmem>>, vector<3125x16xi32>
      %mul3A_77 = arith.constant 16 : i32
      %mul3A_78 = vector.broadcast %mul3A_77 : i32 to vector<3125x16xi32>
      %mul3A_79 = arith.muli %get3A_76, %mul3A_78 : vector<3125x16xi32>
      %get3A_80 = arith.constant 0 : index
      %get3A_81 = arith.constant 0 : index
      %get3A_82 = vector.load %arg6[%get3A_80, %get3A_81] : memref<3125x16xf32, #tpu.memory_space<vmem>>, vector<3125x16xf32>
      %convert_element_type3A_83 = arith.fptosi %get3A_82 : vector<3125x16xf32> to vector<3125x16xi32>
      %add3A_84 = arith.addi %mul3A_79, %convert_element_type3A_83 : vector<3125x16xi32>
      %swap3A_85 = arith.constant 0 : index
      %swap3A_86 = arith.constant 0 : index
      %swap3A_87 = vector.load %arg10[%swap3A_85, %swap3A_86] : memref<3125x16xi32, #tpu.memory_space<vmem>>, vector<3125x16xi32>
      tpu.vector_store %arg10[%swap3A_85, %swap3A_86], %add3A_84 {strides = array<i32>} : memref<3125x16xi32, #tpu.memory_space<vmem>>, vector<3125x16xi32>,
    } else {
    }
    return
  }
  func.func @transform_0(%arg0: i32) -> (i32, i32) {
    %c0_i32 = arith.constant 0 : i32
    %c0_i32_0 = arith.constant 0 : i32
    return %arg0, %c0_i32 : i32, i32
  }
  func.func @transform_1(%arg0: i32) -> (i32, i32) {
    %c0_i32 = arith.constant 0 : i32
    %c0_i32_0 = arith.constant 0 : i32
    return %arg0, %c0_i32 : i32, i32
  }
  func.func @transform_2(%arg0: i32) -> (i32, i32) {
    %c0_i32 = arith.constant 0 : i32
    %c0_i32_0 = arith.constant 0 : i32
    %c0_i32_1 = arith.constant 0 : i32
    return %c0_i32, %c0_i32_0 : i32, i32
  }
  func.func @transform_3(%arg0: i32) -> (i32, i32) {
    %c0_i32 = arith.constant 0 : i32
    %c0_i32_0 = arith.constant 0 : i32
    %c0_i32_1 = arith.constant 0 : i32
    return %c0_i32, %c0_i32_0 : i32, i32
  }
  func.func @transform_4(%arg0: i32) -> (i32, i32) {
    %c0_i32 = arith.constant 0 : i32
    %c0_i32_0 = arith.constant 0 : i32
    %c0_i32_1 = arith.constant 0 : i32
    return %c0_i32, %c0_i32_0 : i32, i32
  }
  func.func @transform_5(%arg0: i32) -> (i32, i32) {
    %c0_i32 = arith.constant 0 : i32
    %c0_i32_0 = arith.constant 0 : i32
    %c0_i32_1 = arith.constant 0 : i32
    return %c0_i32, %c0_i32_0 : i32, i32
  }
  func.func @transform_6(%arg0: i32) -> (i32, i32) {
    %c0_i32 = arith.constant 0 : i32
    %c0_i32_0 = arith.constant 0 : i32
    return %arg0, %c0_i32 : i32, i32
  }
  func.func @transform_7(%arg0: i32) -> (i32, i32) {
    %c0_i32 = arith.constant 0 : i32
    %c0_i32_0 = arith.constant 0 : i32
    return %arg0, %c0_i32 : i32, i32
  }
  func.func @transform_8(%arg0: i32) -> (i32, i32) {
    %c0_i32 = arith.constant 0 : i32
    %c0_i32_0 = arith.constant 0 : i32
    %c0_i32_1 = arith.constant 0 : i32
    return %c0_i32, %c0_i32_0 : i32, i32
  }
  func.func @transform_9(%arg0: i32) -> (i32, i32) {
    %c0_i32 = arith.constant 0 : i32
    %c0_i32_0 = arith.constant 0 : i32
    %c0_i32_1 = arith.constant 0 : i32
    return %c0_i32, %c0_i32_0 : i32, i32
  }
}

module attributes {stable_mosaic.version = 14 : i64} {
  func.func @_fin_body(%arg0: memref<25x500x128xf32, #tpu.memory_space<vmem>>, %arg1: memref<25x500x128xi32, #tpu.memory_space<vmem>>, %arg2: memref<3xf32, #tpu.memory_space<smem>>, %arg3: memref<1x1xf32, #tpu.memory_space<vmem>>) attributes {dimension_semantics = [], scalar_prefetch = 0 : i64, scratch_operands = 0 : i64, tpu.core_type = #tpu.core_type<tc>} {
    %scan3A = arith.constant 0.000000e+00 : f32
    %scan3A_0 = arith.constant 0.000000e+00 : f32
    %scan3A_1 = arith.constant 0.000000e+00 : f32
    %scan3A_2 = arith.constant 0.000000e+00 : f32
    %scan3A_3 = arith.constant 0 : i32
    %scan3A_4 = arith.constant 25 : i32
    %scan3A_5 = arith.addi %scan3A_3, %scan3A_4 : i32
    %scan3A_6 = arith.constant 1 : i32
    %scan3A_7:4 = scf.for %scan3A_59 = %scan3A_3 to %scan3A_5 step %scan3A_6 iter_args(%scan3A_60 = %scan3A, %scan3A_61 = %scan3A_0, %scan3A_62 = %scan3A_1, %scan3A_63 = %scan3A_2) -> (f32, f32, f32, f32)  : i32 {
      %get3A_64 = arith.index_cast %scan3A_59 : i32 to index
      %get3A_65 = arith.constant 0 : index
      %get3A_66 = arith.constant 0 : index
      %get3A_67 = vector.load %arg0[%get3A_64, %get3A_65, %get3A_66] : memref<25x500x128xf32, #tpu.memory_space<vmem>>, vector<1x500x128xf32>
      %get3A_68 = vector.shape_cast %get3A_67 : vector<1x500x128xf32> to vector<500x128xf32>
      %get3A_69 = arith.index_cast %scan3A_59 : i32 to index
      %get3A_70 = arith.constant 0 : index
      %get3A_71 = arith.constant 0 : index
      %get3A_72 = vector.load %arg1[%get3A_69, %get3A_70, %get3A_71] : memref<25x500x128xi32, #tpu.memory_space<vmem>>, vector<1x500x128xi32>
      %get3A_73 = vector.shape_cast %get3A_72 : vector<1x500x128xi32> to vector<500x128xi32>
      %sqrt3A = math.sqrt %get3A_68 : vector<500x128xf32>
      %and3A = arith.constant 1 : i32
      %and3A_74 = vector.broadcast %and3A : i32 to vector<500x128xi32>
      %and3A_75 = arith.andi %get3A_73, %and3A_74 : vector<500x128xi32>
      %gt3A_76 = arith.constant 0 : i32
      %gt3A_77 = vector.broadcast %gt3A_76 : i32 to vector<500x128xi32>
      %gt3A_78 = arith.cmpi sgt, %and3A_75, %gt3A_77 : vector<500x128xi32>
      %and3A_79 = arith.constant 2 : i32
      %and3A_80 = vector.broadcast %and3A_79 : i32 to vector<500x128xi32>
      %and3A_81 = arith.andi %get3A_73, %and3A_80 : vector<500x128xi32>
      %gt3A_82 = arith.constant 0 : i32
      %gt3A_83 = vector.broadcast %gt3A_82 : i32 to vector<500x128xi32>
      %gt3A_84 = arith.cmpi sgt, %and3A_81, %gt3A_83 : vector<500x128xi32>
      %jit3A_85 = arith.constant 0.000000e+00 : f32
      %broadcast_in_dim3A_86 = vector.broadcast %jit3A_85 : f32 to vector<500x128xf32>
      %select_n3A_87 = arith.select %gt3A_78, %sqrt3A, %broadcast_in_dim3A_86 : vector<500x128xi1>, vector<500x128xf32>
      %reduce_sum3A = vector.shape_cast %select_n3A_87 : vector<500x128xf32> to vector<1x500x128xf32>
      %reduce_sum3A_88 = arith.constant dense<0.000000e+00> : vector<1xf32>
      %reduce_sum3A_89 = vector.multi_reduction <add>, %reduce_sum3A, %reduce_sum3A_88 [1, 2] : vector<1x500x128xf32> to vector<1xf32>
      %reduce_sum3A_90 = vector.shape_cast %reduce_sum3A_89 : vector<1xf32> to vector<1x1x1xf32>
      %reduce_sum3A_91 = vector.extract %reduce_sum3A_90[0, 0, 0] : f32 from vector<1x1x1xf32>
      %add3A_92 = arith.addf %scan3A_60, %reduce_sum3A_91 : f32
      %convert_element_type3A = arith.extui %gt3A_78 : vector<500x128xi1> to vector<500x128xi32>
      %convert_element_type3A_93 = arith.sitofp %convert_element_type3A : vector<500x128xi32> to vector<500x128xf32>
      %reduce_sum3A_94 = vector.shape_cast %convert_element_type3A_93 : vector<500x128xf32> to vector<1x500x128xf32>
      %reduce_sum3A_95 = arith.constant dense<0.000000e+00> : vector<1xf32>
      %reduce_sum3A_96 = vector.multi_reduction <add>, %reduce_sum3A_94, %reduce_sum3A_95 [1, 2] : vector<1x500x128xf32> to vector<1xf32>
      %reduce_sum3A_97 = vector.shape_cast %reduce_sum3A_96 : vector<1xf32> to vector<1x1x1xf32>
      %reduce_sum3A_98 = vector.extract %reduce_sum3A_97[0, 0, 0] : f32 from vector<1x1x1xf32>
      %add3A_99 = arith.addf %scan3A_61, %reduce_sum3A_98 : f32
      %jit3A_100 = arith.constant 0.000000e+00 : f32
      %broadcast_in_dim3A_101 = vector.broadcast %jit3A_100 : f32 to vector<500x128xf32>
      %select_n3A_102 = arith.select %gt3A_84, %sqrt3A, %broadcast_in_dim3A_101 : vector<500x128xi1>, vector<500x128xf32>
      %reduce_sum3A_103 = vector.shape_cast %select_n3A_102 : vector<500x128xf32> to vector<1x500x128xf32>
      %reduce_sum3A_104 = arith.constant dense<0.000000e+00> : vector<1xf32>
      %reduce_sum3A_105 = vector.multi_reduction <add>, %reduce_sum3A_103, %reduce_sum3A_104 [1, 2] : vector<1x500x128xf32> to vector<1xf32>
      %reduce_sum3A_106 = vector.shape_cast %reduce_sum3A_105 : vector<1xf32> to vector<1x1x1xf32>
      %reduce_sum3A_107 = vector.extract %reduce_sum3A_106[0, 0, 0] : f32 from vector<1x1x1xf32>
      %add3A_108 = arith.addf %scan3A_62, %reduce_sum3A_107 : f32
      %convert_element_type3A_109 = arith.extui %gt3A_84 : vector<500x128xi1> to vector<500x128xi32>
      %convert_element_type3A_110 = arith.sitofp %convert_element_type3A_109 : vector<500x128xi32> to vector<500x128xf32>
      %reduce_sum3A_111 = vector.shape_cast %convert_element_type3A_110 : vector<500x128xf32> to vector<1x500x128xf32>
      %reduce_sum3A_112 = arith.constant dense<0.000000e+00> : vector<1xf32>
      %reduce_sum3A_113 = vector.multi_reduction <add>, %reduce_sum3A_111, %reduce_sum3A_112 [1, 2] : vector<1x500x128xf32> to vector<1xf32>
      %reduce_sum3A_114 = vector.shape_cast %reduce_sum3A_113 : vector<1xf32> to vector<1x1x1xf32>
      %reduce_sum3A_115 = vector.extract %reduce_sum3A_114[0, 0, 0] : f32 from vector<1x1x1xf32>
      %add3A_116 = arith.addf %scan3A_63, %reduce_sum3A_115 : f32
      scf.yield %add3A_92, %add3A_99, %add3A_108, %add3A_116 : f32, f32, f32, f32
    }
    %scan3A_8 = arith.constant 25 : i32
    %scan3A_9 = arith.constant -1 : i32
    %scan3A_10 = arith.constant 1082130432 : i32
    %scan3A_11 = arith.constant 0 : i32
    %scan3A_12 = arith.constant 31 : i32
    %scan3A_13 = arith.addi %scan3A_11, %scan3A_12 : i32
    %scan3A_14 = arith.constant 1 : i32
    %scan3A_15:2 = scf.for %scan3A_59 = %scan3A_11 to %scan3A_13 step %scan3A_14 iter_args(%scan3A_60 = %scan3A_9, %scan3A_61 = %scan3A_10) -> (i32, i32)  : i32 {
      %sub3A_62 = arith.subi %scan3A_61, %scan3A_60 : i32
      %shift_right_logical3A = arith.constant 1 : i32
      %shift_right_logical3A_63 = arith.shrui %sub3A_62, %shift_right_logical3A : i32
      %add3A_64 = arith.addi %scan3A_60, %shift_right_logical3A_63 : i32
      %scan3A_65 = arith.constant 0 : i32
      %scan3A_66 = arith.constant 0 : i32
      %scan3A_67 = arith.constant 25 : i32
      %scan3A_68 = arith.addi %scan3A_66, %scan3A_67 : i32
      %scan3A_69 = arith.constant 1 : i32
      %scan3A_70 = scf.for %scan3A_75 = %scan3A_66 to %scan3A_68 step %scan3A_69 iter_args(%scan3A_76 = %scan3A_65) -> (i32)  : i32 {
        %get3A_77 = arith.index_cast %scan3A_75 : i32 to index
        %get3A_78 = arith.constant 0 : index
        %get3A_79 = arith.constant 0 : index
        %get3A_80 = vector.load %arg0[%get3A_77, %get3A_78, %get3A_79] : memref<25x500x128xf32, #tpu.memory_space<vmem>>, vector<1x500x128xf32>
        %get3A_81 = vector.shape_cast %get3A_80 : vector<1x500x128xf32> to vector<500x128xf32>
        %bitcast_convert_type3A = tpu.bitcast %get3A_81 : vector<500x128xf32> -> vector<500x128xi32>
        %le3A = vector.broadcast %add3A_64 : i32 to vector<500x128xi32>
        %le3A_82 = arith.cmpi sle, %bitcast_convert_type3A, %le3A : vector<500x128xi32>
        %convert_element_type3A = arith.extui %le3A_82 : vector<500x128xi1> to vector<500x128xi32>
        %reduce_sum3A = vector.shape_cast %convert_element_type3A : vector<500x128xi32> to vector<1x500x128xi32>
        %reduce_sum3A_83 = arith.constant dense<0> : vector<1xi32>
        %reduce_sum3A_84 = vector.multi_reduction <add>, %reduce_sum3A, %reduce_sum3A_83 [1, 2] : vector<1x500x128xi32> to vector<1xi32>
        %reduce_sum3A_85 = vector.shape_cast %reduce_sum3A_84 : vector<1xi32> to vector<1x1x1xi32>
        %reduce_sum3A_86 = vector.extract %reduce_sum3A_85[0, 0, 0] : i32 from vector<1x1x1xi32>
        %add3A_87 = arith.addi %scan3A_76, %reduce_sum3A_86 : i32
        scf.yield %add3A_87 : i32
      }
      %scan3A_71 = arith.constant 25 : i32
      %ge3A = arith.constant 1440000 : i32
      %ge3A_72 = arith.cmpi sge, %scan3A_70, %ge3A : i32
      %select_n3A_73 = arith.select %ge3A_72, %scan3A_60, %add3A_64 : i32
      %select_n3A_74 = arith.select %ge3A_72, %add3A_64, %scan3A_61 : i32
      scf.yield %select_n3A_73, %select_n3A_74 : i32, i32
    }
    %scan3A_16 = arith.constant 0.000000e+00 : f32
    %scan3A_17 = arith.constant 0.000000e+00 : f32
    %scan3A_18 = arith.constant 0 : i32
    %scan3A_19 = arith.constant 25 : i32
    %scan3A_20 = arith.addi %scan3A_18, %scan3A_19 : i32
    %scan3A_21 = arith.constant 1 : i32
    %scan3A_22:2 = scf.for %scan3A_59 = %scan3A_18 to %scan3A_20 step %scan3A_21 iter_args(%scan3A_60 = %scan3A_16, %scan3A_61 = %scan3A_17) -> (f32, f32)  : i32 {
      %get3A_62 = arith.index_cast %scan3A_59 : i32 to index
      %get3A_63 = arith.constant 0 : index
      %get3A_64 = arith.constant 0 : index
      %get3A_65 = vector.load %arg0[%get3A_62, %get3A_63, %get3A_64] : memref<25x500x128xf32, #tpu.memory_space<vmem>>, vector<1x500x128xf32>
      %get3A_66 = vector.shape_cast %get3A_65 : vector<1x500x128xf32> to vector<500x128xf32>
      %bitcast_convert_type3A = tpu.bitcast %get3A_66 : vector<500x128xf32> -> vector<500x128xi32>
      %gt3A_67 = vector.broadcast %scan3A_15#1 : i32 to vector<500x128xi32>
      %gt3A_68 = arith.cmpi sgt, %bitcast_convert_type3A, %gt3A_67 : vector<500x128xi32>
      %sqrt3A = math.sqrt %get3A_66 : vector<500x128xf32>
      %jit3A_69 = arith.constant 0.000000e+00 : f32
      %broadcast_in_dim3A_70 = vector.broadcast %jit3A_69 : f32 to vector<500x128xf32>
      %select_n3A_71 = arith.select %gt3A_68, %sqrt3A, %broadcast_in_dim3A_70 : vector<500x128xi1>, vector<500x128xf32>
      %reduce_sum3A = vector.shape_cast %select_n3A_71 : vector<500x128xf32> to vector<1x500x128xf32>
      %reduce_sum3A_72 = arith.constant dense<0.000000e+00> : vector<1xf32>
      %reduce_sum3A_73 = vector.multi_reduction <add>, %reduce_sum3A, %reduce_sum3A_72 [1, 2] : vector<1x500x128xf32> to vector<1xf32>
      %reduce_sum3A_74 = vector.shape_cast %reduce_sum3A_73 : vector<1xf32> to vector<1x1x1xf32>
      %reduce_sum3A_75 = vector.extract %reduce_sum3A_74[0, 0, 0] : f32 from vector<1x1x1xf32>
      %add3A_76 = arith.addf %scan3A_60, %reduce_sum3A_75 : f32
      %convert_element_type3A = arith.extui %gt3A_68 : vector<500x128xi1> to vector<500x128xi32>
      %convert_element_type3A_77 = arith.sitofp %convert_element_type3A : vector<500x128xi32> to vector<500x128xf32>
      %reduce_sum3A_78 = vector.shape_cast %convert_element_type3A_77 : vector<500x128xf32> to vector<1x500x128xf32>
      %reduce_sum3A_79 = arith.constant dense<0.000000e+00> : vector<1xf32>
      %reduce_sum3A_80 = vector.multi_reduction <add>, %reduce_sum3A_78, %reduce_sum3A_79 [1, 2] : vector<1x500x128xf32> to vector<1xf32>
      %reduce_sum3A_81 = vector.shape_cast %reduce_sum3A_80 : vector<1xf32> to vector<1x1x1xf32>
      %reduce_sum3A_82 = vector.extract %reduce_sum3A_81[0, 0, 0] : f32 from vector<1x1x1xf32>
      %add3A_83 = arith.addf %scan3A_61, %reduce_sum3A_82 : f32
      scf.yield %add3A_76, %add3A_83 : f32, f32
    }
    %scan3A_23 = arith.constant 25 : i32
    %gt3A = arith.constant 0.000000e+00 : f32
    %gt3A_24 = arith.cmpf ogt, %scan3A_7#1, %gt3A : f32
    %max3A = arith.constant 1.000000e+00 : f32
    %max3A_25 = arith.maximumf %scan3A_7#1, %max3A : f32
    %div3A = arith.divf %scan3A_7#0, %max3A_25 : f32
    %jit3A = arith.constant 0.000000e+00 : f32
    %select_n3A = arith.select %gt3A_24, %div3A, %jit3A : f32
    %gt3A_26 = arith.constant 0.000000e+00 : f32
    %gt3A_27 = arith.cmpf ogt, %scan3A_7#3, %gt3A_26 : f32
    %max3A_28 = arith.constant 1.000000e+00 : f32
    %max3A_29 = arith.maximumf %scan3A_7#3, %max3A_28 : f32
    %div3A_30 = arith.divf %scan3A_7#2, %max3A_29 : f32
    %jit3A_31 = arith.constant 0.000000e+00 : f32
    %select_n3A_32 = arith.select %gt3A_27, %div3A_30, %jit3A_31 : f32
    %gt3A_33 = arith.constant 0.000000e+00 : f32
    %gt3A_34 = arith.cmpf ogt, %scan3A_22#1, %gt3A_33 : f32
    %max3A_35 = arith.constant 1.000000e+00 : f32
    %max3A_36 = arith.maximumf %scan3A_22#1, %max3A_35 : f32
    %div3A_37 = arith.divf %scan3A_22#0, %max3A_36 : f32
    %jit3A_38 = arith.constant 0.000000e+00 : f32
    %select_n3A_39 = arith.select %gt3A_34, %div3A_37, %jit3A_38 : f32
    %get3A = arith.constant 0 : index
    %get3A_40 = memref.load %arg2[%get3A] : memref<3xf32, #tpu.memory_space<smem>>
    %get3A_41 = arith.constant 1 : index
    %get3A_42 = memref.load %arg2[%get3A_41] : memref<3xf32, #tpu.memory_space<smem>>
    %get3A_43 = arith.constant 2 : index
    %get3A_44 = memref.load %arg2[%get3A_43] : memref<3xf32, #tpu.memory_space<smem>>
    %max3A_45 = arith.maximumf %get3A_42, %get3A_44 : f32
    %max3A_46 = arith.maximumf %get3A_40, %max3A_45 : f32
    %sub3A = arith.subf %get3A_40, %max3A_46 : f32
    %exp3A = math.exp %sub3A : f32
    %sub3A_47 = arith.subf %get3A_42, %max3A_46 : f32
    %exp3A_48 = math.exp %sub3A_47 : f32
    %sub3A_49 = arith.subf %get3A_44, %max3A_46 : f32
    %exp3A_50 = math.exp %sub3A_49 : f32
    %add3A = arith.addf %exp3A, %exp3A_48 : f32
    %add3A_51 = arith.addf %add3A, %exp3A_50 : f32
    %mul3A = arith.mulf %exp3A, %select_n3A : f32
    %mul3A_52 = arith.mulf %exp3A_48, %select_n3A_32 : f32
    %add3A_53 = arith.addf %mul3A, %mul3A_52 : f32
    %mul3A_54 = arith.mulf %exp3A_50, %select_n3A_39 : f32
    %add3A_55 = arith.addf %add3A_53, %mul3A_54 : f32
    %div3A_56 = arith.divf %add3A_55, %add3A_51 : f32
    %broadcast_in_dim3A = vector.broadcast %div3A_56 : f32 to vector<1x1xf32>
    %swap3A = arith.constant 0 : index
    %swap3A_57 = arith.constant 0 : index
    %swap3A_58 = vector.load %arg3[%swap3A, %swap3A_57] : memref<1x1xf32, #tpu.memory_space<vmem>>, vector<1x1xf32>
    tpu.vector_store %arg3[%swap3A, %swap3A_57], %broadcast_in_dim3A {strides = array<i32>} : memref<1x1xf32, #tpu.memory_space<vmem>>, vector<1x1xf32>,
    return
  }
}

</mosaic_0001>

<sc_bundles>
// kernel: kernel.5.cloned.1.call-start
scs
__scs_entry_jumppad:
0x0: {  	(pc) =	sbr.rel $0x88, $3  }
0x1: {  	(tag) =	ssettag $0x0;
	lr =	simm.s32 $0x1  }
0x2: {  	[smem:$0x3F98] =	sst lr;
	_ =	strace $0xD0000000  }
0x3: {  	_ = 	snop  }
0x4: {  	_ = 	snop  }
0x5: {  	_ = 	snop  }
0x6: {  	_ = 	snop  }
0x7: {  	_ = 	snop  }
__scs_overlays_trampoline_lowered:
0x8: {  	[smem:$0x3FA7] =	sst s0  }
0x9: {  	[smem:$0x3FA8] =	sst s1  }
0xa: {  	[smem:$0x3FA9] =	sst s2  }
0xb: {  	[smem:$0x3FAA] =	sst s3  }
0xc: {  	[smem:$0x3FAB] =	sst s4  }
0xd: {  	[smem:$0x3FAC] =	sst s5  }
0xe: {  	[smem:$0x3FAD] =	sst s6  }
0xf: {  	[smem:$0x3FAE] =	sst s7  }
0x10: {  	[smem:$0x3FAF] =	sst s8  }
0x11: {  	[smem:$0x3FB0] =	sst s9;
	s0 =	simm.s32 @!p0 $0x0  }
0x12: {  	s1 =	sld [smem:$0x3F96];
	s0 =	simm.s32 @p0 $0x1  }
0x13: {  	[smem:$0x3FB1] =	sst s0;
	s0 =	simm.s32 @!p1 $0x0  }
0x14: {  	s2 =	sld [smem:$0x3F95];
	s0 =	simm.s32 @p1 $0x1  }
0x15: {  	[smem:$0x3FB2] =	sst s0;
	s0 =	simm.s32 @!p2 $0x0  }
0x16: {  	s3 =	sld [smem:$0x3FDB];
	s0 =	simm.s32 @p2 $0x1  }
0x17: {  	s4 =	simm.s32 $0x1BF5;
	[smem:$0x3FB4] =	sst s0  }
0x18: {  	s0 =	sld [smem:$0x3F97];
	_ =	swait.ge [sflag:s4], $0x0  }
0x19: {  	s7 =	sld [smem:$0x3F98]  }
0x1a: {  	s8 =	sadd.s32 $0xFFFFE003, lr  }
0x1b: {  	s9 =	sadd.s32 $0xFFFFFEF7, lr;
	s5 =	simm.s32 $0xFFFFFFFF;
	p2 =	slt.u32 s8, $0xFFFFF086  }
0x1c: {  	p1 =	slt.u32 s9, $0xF7A;
	s5 =	simm.s32 @!p2 $0x0  }
0x1d: {  	s5 =	simm.s32 @p1 $0x1;
	p0 =	seq.s32 s7, s2  }
0x1e: {  	s7 =	smul.u32 @!p0 $0xF7A, s2;
	p2 =	seq.s32 @!p0 s5, $0x0  }
0x1f: {  	s9 =	smul.u32 $0xF7A, s1;
	s8 =	simm.s32 @!p0 $0x1BF5;
	p2 =	por !p2, p0  }
0x20: {  	[sflag:s8] =	ssyncset.s32 @!p0 $0xFFFFF086;
	s6 =	sadd.s32 @!p0 s3, s7;
	s7 =	simm.s32 @!p0 $0x108  }
0x21: {  	s3 =	sadd.s32 s3, s9;
	s6 =	sadd.s32 @!p0 $0x88, s6;
	s7 =	simm.s32 @p2 $0x1082  }
0x22: {  	[simem:s7], [sflag:s8] =	dma.local @!p0 [hbm:s6], $0xF7A  }
0x23: {  	s9 =	sor.u32 $0xD0000000, s2;
	s6 =	simm.s32 $0x108;
	_ =	swait.ge @!p0 [sflag:s8], $0x0  }
0x24: {  	s3 =	sadd.s32 $0x88, s3;
	s6 =	simm.s32 @!p1 $0x1082;
	[sflag:s4] =	ssyncset.s32 $0xFFFFF086  }
0x25: {  	[simem:s6], [sflag:s4] =	dma.local [hbm:s3], $0xF7A  }
0x26: {  	[smem:$0x3F98] =	sst s1;
	(tag) =	ssettag s2;
	_ =	strace s9  }
0x27: {  	s1 =	sld [smem:$0x3FA8]  }
0x28: {  	s2 =	sld [smem:$0x3FA9]  }
0x29: {  	s4 =	sld [smem:$0x3FAB]  }
0x2a: {  	p0 =	seq.s32 s5, $0x0;
	s5 =	sld [smem:$0x3FAC]  }
0x2b: {  	s6 =	sld [smem:$0x3FAD]  }
0x2c: {  	s7 =	sld [smem:$0x3FAE]  }
0x2d: {  	s3 =	simm.s32 $0x108;
	s8 =	sld [smem:$0x3FAF]  }
0x2e: {  	s3 =	simm.s32 @!p0 $0x1082;
	s9 =	sld [smem:$0x3FB0]  }
0x2f: {  	lr =	sadd.s32 s0, s3;
	s0 =	sld [smem:$0x3FA7]  }
0x30: {  	s3 =	sld [smem:$0x3FAA]  }
0x31: {  	[smem:$0x3FB3] =	sst s10  }
0x32: {  	s10 =	sld [smem:$0x3FB1];
	_ =	sdelay $0x3  }
0x33: {  	p0 =	seq.s32 s10, $0x1;
	s10 =	sld [smem:$0x3FB3];
	_ =	sdelay $0x3  }
0x34: {  	[smem:$0x3FB3] =	sst s10  }
0x35: {  	s10 =	sld [smem:$0x3FB2];
	_ =	sdelay $0x3  }
0x36: {  	p1 =	seq.s32 s10, $0x1;
	s10 =	sld [smem:$0x3FB3];
	_ =	sdelay $0x3  }
0x37: {  	[smem:$0x3FB3] =	sst s10  }
0x38: {  	s10 =	sld [smem:$0x3FB4]  }
0x39: {  	_ = 	snop;
	(pc) =	sbr.ind lr, $3  }
0x3a: {  	_ = 	snop  }
0x3b: {  	_ = 	snop  }
0x3c: {  	p2 =	seq.s32 s10, $0x1;
	s10 =	sld [smem:$0x3FB3]  }
0x3d: {  	_ =	shalt  }
0x3e: {  	_ =	shalt  }
0x3f: {  	_ =	shalt  }
0x40: {  	_ =	shalt  }
0x41: {  	_ =	shalt  }
0x42: {  	_ =	shalt  }
0x43: {  	_ =	shalt  }
0x44: {  	_ =	shalt  }
0x45: {  	_ =	shalt  }
0x46: {  	_ =	shalt  }
0x47: {  	_ =	shalt  }
0x48: {  	_ =	shalt  }
0x49: {  	_ =	shalt  }
0x4a: {  	_ =	shalt  }
0x4b: {  	_ =	shalt  }
0x4c: {  	_ =	shalt  }
0x4d: {  	_ =	shalt  }
0x4e: {  	_ =	shalt  }
0x4f: {  	_ =	shalt  }
0x50: {  	_ =	shalt  }
0x51: {  	_ =	shalt  }
0x52: {  	_ =	shalt  }
0x53: {  	_ =	shalt  }
0x54: {  	_ =	shalt  }
0x55: {  	_ =	shalt  }
0x56: {  	_ =	shalt  }
0x57: {  	_ =	shalt  }
0x58: {  	_ =	shalt  }
0x59: {  	_ =	shalt  }
0x5a: {  	_ =	shalt  }
0x5b: {  	_ =	shalt  }
0x5c: {  	_ =	shalt  }
0x5d: {  	_ =	shalt  }
0x5e: {  	_ =	shalt  }
0x5f: {  	_ =	shalt  }
0x60: {  	_ =	shalt  }
0x61: {  	_ =	shalt  }
0x62: {  	_ =	shalt  }
0x63: {  	_ =	shalt  }
0x64: {  	_ =	shalt  }
0x65: {  	_ =	shalt  }
0x66: {  	_ =	shalt  }
0x67: {  	_ =	shalt  }
0x68: {  	_ =	shalt  }
0x69: {  	_ =	shalt  }
0x6a: {  	_ =	shalt  }
0x6b: {  	_ =	shalt  }
0x6c: {  	_ =	shalt  }
0x6d: {  	_ =	shalt  }
0x6e: {  	_ =	shalt  }
0x6f: {  	_ =	shalt  }
0x70: {  	_ =	shalt  }
0x71: {  	_ =	shalt  }
0x72: {  	_ =	shalt  }
0x73: {  	_ =	shalt  }
0x74: {  	_ =	shalt  }
0x75: {  	_ =	shalt  }
0x76: {  	_ =	shalt  }
0x77: {  	_ =	shalt  }
0x78: {  	_ =	shalt  }
0x79: {  	_ =	shalt  }
0x7a: {  	_ =	shalt  }
0x7b: {  	_ =	shalt  }
0x7c: {  	_ =	shalt  }
0x7d: {  	_ =	shalt  }
0x7e: {  	_ =	shalt  }
0x7f: {  	_ =	shalt  }
0x80: {  	_ =	shalt  }
0x81: {  	_ =	shalt  }
0x82: {  	_ =	shalt  }
0x83: {  	_ =	shalt  }
0x84: {  	_ =	shalt  }
0x85: {  	_ =	shalt  }
0x86: {  	_ =	shalt  }
0x87: {  	_ =	shalt  }
.Lfunc_end0:
.L_simem_size_0:
called_computation_lowered:
.L_overlay_start_0:
0x88: {  	s2 =	sld [smem:$0x3FD9]  }
0x89: {  	s3 =	sld [smem:$0x3FFE];
	_ =	sdelay $0x1  }
0x8a: {  	s1 =	srdreg.scid  }
0x8b: {  	s0 =	sand.u32 $0x1, s1  }
0x8c: {  	s16 =	sshll.u32 s0, $0xA;
	s2 =	sadd.s32 s3, s2  }
0x8d: {  	s2 =	sadd.s32 s2, s16  }
0x8e: {  	[smem:$0x3FBF] =	sst s2  }
0x8f: {  	_ = 	snop  }
0x90: {  	(tm) =	ssettm $0x1  }
0x91: {  	s17 =	sld [smem:$0x3FFB];
	_ =	sdelay $0x3  }
0x92: {  	_ =	strace s17  }
0x93: {  	s2 =	sld [smem:$0x3FFC];
	_ =	sdelay $0x3  }
0x94: {  	_ =	strace s2  }
0x95: {  	s2 =	sld [smem:$0x3FFD];
	_ =	sdelay $0x3  }
0x96: {  	_ =	strace s2  }
0x97: {  	_ =	strace $0x8FFFFFFF  }
0x98: {  	s18 =	sld [smem:$0x3FDB];
	_ =	sdelay $0x1  }
0x99: {  	s19 =	simm.s32 $_scs_section_size  }
0x9a: {  	s4 =	simm.s32 $_size__tile_overlayer_lowered;
	s5 =	simm.s32 $_tile_overlayer_lowered  }
0x9b: {  	s22 =	simm.s32 $0x1BFF;
	s21 =	sshll.u32 s5, $0x1;
	s2 =	sadd.s32 s19, s18  }
0x9c: {  	s6 =	simm.s32 $0x0;
	s20 =	sshll.u32 s4, $0x1;
	s4 =	sadd.s32 s21, s2  }
0x9d: {  	[timem:s6], [sflag:s22] =	dma.local [hbm:s4], s20  }
0x9e: {  	_ =	swait.ge [sflag:s22], s20  }
0x9f: {  	s3 =	ssub.s32 $0x0, s20;
	[sflag:s22] =	ssyncset.done $0x0  }
0xa0: {  	[sflag:s22] =	ssyncadd.s32 s3;
	_ =	sdelay $0x1  }
0xa1: {  	s23 =	simm.s32 $0x1B8B  }
0xa2: {  	_ =	swait.ge [sflag:s23], $0x1  }
0xa3: {  	[sflag:s23] =	ssyncset.done $0x0  }
0xa4: {  	s25 =	simm.s32 $0x1B8E;
	s24 =	sld [smem:$0x3FFE];
	[sflag:s23] =	ssyncadd.s32 $0xFFFFFFFF  }
0xa5: {  	s26 =	simm.s32 $execute0_lowered;
	[smem:$0x3FD2] =	sst s25  }
0xa6: {  	s4 =	sshll.u32 s26, $0x1;
	_ =	strace $0x80000046;
	[dreg:$0x1] =	wrdreg $0xFFFFFFFF  }
0xa7: {  	s28 =	simm.s32 $_size_execute0_lowered;
	s2 =	sadd.s32 s2, s4;
	[dreg:$0x0] =	wrdreg $0x0  }
0xa8: {  	s4 =	sshll.u32 s28, $0x1;
	[dreg:$0x2] =	wrdreg s2  }
0xa9: {  	[dreg:$0x3] =	wrdreg s4  }
0xaa: {  	[dreg:$0x4] =	wrdreg $0xC0  }
0xab: {  	_ =	task [dreg:s6], $0x5FFFF  }
0xac: {  	[dreg:$0x1] =	wrdreg $0xFFFFFFFF  }
0xad: {  	[dreg:$0x0] =	wrdreg $0x60  }
0xae: {  	[dreg:$0x2] =	wrdreg s24  }
0xaf: {  	[dreg:$0x3] =	wrdreg $0x9  }
0xb0: {  	_ =	task.clear_ibuf [dreg:s6], $0x4FFFF;
	_ =	strace $0x90000046  }
0xb1: {  	s29 =	simm.s32 $0x9;
	_ =	strace $0x80000048  }
0xb2: {  	_ =	swait.ge [sflag:s29], $0x1  }
0xb3: {  	[sflag:s29] =	ssyncadd.s32 $0xFFFFFFFF  }
0xb4: {  	_ =	strace $0x90000048  }
0xb5: {  	_ =	sfence  }
0xb6: {  	s30 =	sld [smem:$0x0];
	_ =	sdelay $0x2  }
0xb7: {  	s31 =	sshll.u32 s1, $0xD;
	s1 =	sshrl.u32 s1, $0x2  }
0xb8: {  	s3 =	sand.u32 $0x4000, s31;
	s1 =	sadd.s32 s1, s30  }
0xb9: {  	s0 =	sor.u32 s3, s0;
	s1 =	sshll.u32 s1, $0x11  }
0xba: {  	s0 =	sor.u32 s1, s0  }
0xbb: {  	s0 =	sadd.s32 $0x8F2B, s0  }
0xbc: {  	[sflag:s0] =	ssyncadd.remote.s32 $0x1  }
0xbd: {  	_ =	sfence.sel $0xFFFF  }
0xbe: {  	[dreg:$0x0] =	wrdreg $0xFFFFFFFF;
	(pc) =	sbr.abs _section_cstart, $3  }
0xbf: {  	[dreg:$0x1] =	wrdreg $0xFFFFFFFF  }
0xc0: {  	_ =	task.clear_ibuf [dreg:s6], $0x2FFFF;
	_ =	strace $0x9FFFFFFF  }
0xc1: {  	(tm) =	ssettm $0x7FFFFFFF  }
tec
execute0_lowered:
.L_overlay_start_1:
0x0: {  	(tag) =	ssettag $0x1  }
0x1: {  	s0 =	rddreg [dreg:$0x0];
	s2 =	simm.s32 $0x0;
	s1 =	srdreg.scid  }
0x2: {  	s3 =	stileid.u32;
	s28 =	simm.s32 $0xFA0;
	s29 =	simm.s32 $0x8CA0  }
0x3: {  	s18 =	simm.s32 $0x1;
	[smem:$0x7FF] =	sst s2;
	s1 =	sand.u32 $0x1, s1  }
0x4: {  	s5 =	sshll.u32 s3, $0x1;
	s3 =	sadd.s32 $0x1AA00, s0;
	s4 =	sadd.s32 $0x2200, s0  }
0x5: {  	s6 =	sadd.s32 $0x33200, s0;
	s8 =	sadd.s32 $0x67400, s0;
	s9 =	sadd.s32 $0x36600, s0  }
0x6: {  	s10 =	sadd.s32 $0x98200, s0;
	s7 =	sor.u32 s1, s5;
	s21 =	ssub.s32 $0x2, s1  }
0x7: {  	s11 =	sadd.s32 $0xC9000, s0;
	s7 =	smul.u32 $0x61A8, s7;
	s1 =	sshrl.u32 s21, $0x1  }
0x8: {  	_ =	strace $0x80000047;
	s5 =	sadd.s32 $0x34C00, s0;
	s0 =	ssub.s32 s21, s1  }
0x9: {  	s12 =	sadd.s32 $0xC3500, s7;
	s13 =	sshrl.u32 s7, $0x3;
	s0 =	smax.u32 s0, $0x1  }
0xa: {  	s31 =	sadd.s32 $0x3E8, s7;
	s14 =	sshrl.u32 s12, $0x3;
	[dreg:$0xb] =	wrdreg s0  }
0xb: {  	s22 =	sadd.s32 s8, s13;
	s24 =	sadd.s32 $0xBB8, s13;
	[dreg:$0x4] =	wrdreg s31  }
0xc: {  	s25 =	sadd.s32 $0x19258, s13;
	s13 =	sadd.s32 s9, s13;
	[dreg:$0x2] =	wrdreg s22  }
0xd: {  	s19 =	simm.s32 $0x11940;
	s23 =	sadd.s32 s8, s14;
	[dreg:$0x7] =	wrdreg s13  }
0xe: {  	s20 =	simm.s32 $0x12110;
	s15 =	sadd.s32 s10, s24;
	[dreg:$0x3] =	wrdreg s23  }
0xf: {  	s21 =	simm.s32 $0x2;
	s1 =	sadd.s32 s11, s24;
	[dreg:$0x5] =	wrdreg s15  }
0x10: {  	s16 =	sadd.s32 $0x7D0, s7;
	s26 =	sadd.s32 s9, s14;
	[dreg:$0x6] =	wrdreg s1  }
0x11: {  	s0 =	simm.s32 $0xBB8;
	s30 =	sadd.s32 s10, s25;
	[dreg:$0x8] =	wrdreg s26  }
0x12: {  	s24 =	simm.s32 $0x3;
	s13 =	simm.s32 $0xCB20;
	[dreg:$0x9] =	wrdreg s30  }
0x13: {  	v0 =	vlaneseq.u32;
	s1 =	sadd.s32 s11, s25;
	s25 =	simm.s32 $0x7D0;
	s26 =	simm.s32 $0x3E8  }
0x14: {  	v1 =	vimm.s32 $0x2;
	v2 =	vimm.s32 $0x0;
	v0 =	vmul.u32 $0x10, v0;
	s15 =	simm.s32 $0x0;
	[dreg:$0xa] =	wrdreg s1;
	s1 =	simm.s32 $0x4E20  }
.LBB2_1:
0x15: {  	[dreg:$0xc] =	wrdreg s15  }
0x16: {  	s14 =	rddreg [dreg:$0x2]  }
0x17: {  	[tilespmem:s2], [sflag:$0x3] =	stream.linear.gather [hbm4b:s14+s2], $0x3E8, $0x38;
	[tilespmem:$0x128E0] =	vst v63  }
0x18: {  	_ =	swait.ge [sflag:s24], $0x3E8  }
0x19: {  	[sflag:s24] =	ssyncset.done $0x0  }
0x1a: {  	s22 =	rddreg [dreg:$0x3];
	[sflag:s24] =	ssyncadd.s32 $0xFFFFFC18  }
0x1b: {  	[tilespmem:s25], [sflag:$0x3] =	stream.linear.gather [hbm4b:s22+s2], $0x3E8, $0x38;
	[tilespmem:$0x128E0] =	vst v63  }
0x1c: {  	_ =	swait.ge [sflag:s24], $0x3E8  }
0x1d: {  	[sflag:s24] =	ssyncset.done $0x0  }
0x1e: {  	[sflag:s24] =	ssyncadd.s32 $0xFFFFFC18  }
0x1f: {  	[tilespmem:s28], [sflag:$0x1] =	stream.indirect.gather [hbm4b:s3+s26], $0x10, s2, s26, $0xb8;
	[tilespmem:$0x128E0] =	vst v63  }
0x20: {  	_ = 	snop  }
0x21: {  	[tilespmem:s29], [sflag:$0x1] =	stream.indirect.gather [hbm4b:s3+s26], $0x10, s25, s26, $0xb8;
	[tilespmem:$0x128E0] =	vst v63  }
0x22: {  	s23 =	simm.s32 $0x109A0  }
0x23: {  	[tilespmem:s23], [sflag:$0x1] =	stream.indirect.gather [hbm4b:s5+s26], $0x1, s2, s26, $0xb8;
	[tilespmem:$0x128E0] =	vst v63  }
0x24: {  	s30 =	simm.s32 $0x11170;
	s14 =	simm.s32 $0x0  }
0x25: {  	[tilespmem:s30], [sflag:$0x1] =	stream.indirect.gather [hbm4b:s5+s26], $0x1, s25, s26, $0xb8;
	[tilespmem:$0x128E0] =	vst v63  }
.LBB2_2:
0x26: {  	s17 =	smul.u32 $0x7D0, s14;
	_ =	sdelay $0x1  }
0x27: {  	s15 =	sadd.s32 s17, s31  }
0x28: {  	s15 =	sshrl.u32 s15, $0x3  }
0x29: {  	s23 =	simm.s32 $0x0;
	s22 =	sadd.s32 s8, s15  }
0x2a: {  	[tilespmem:s26], [sflag:$0x3] =	stream.linear.gather [hbm4b:s22+s23], $0x3E8, $0x38;
	[tilespmem:$0x128E0] =	vst v63  }
0x2b: {  	_ =	swait.ge [sflag:s24], $0x3E8  }
0x2c: {  	[sflag:s24] =	ssyncset.done $0x0  }
0x2d: {  	s22 =	sadd.s32 $0x186A0, s22;
	[sflag:s24] =	ssyncadd.s32 $0xFFFFFC18  }
0x2e: {  	[tilespmem:s0], [sflag:$0x3] =	stream.linear.gather [hbm4b:s22+s23], $0x3E8, $0x38;
	[tilespmem:$0x128E0] =	vst v63  }
0x2f: {  	_ =	swait.ge [sflag:s24], $0x3E8  }
0x30: {  	[sflag:s24] =	ssyncset.done $0x0  }
0x31: {  	[sflag:s24] =	ssyncadd.s32 $0xFFFFFC18  }
0x32: {  	[tilespmem:s1], [sflag:$0x2] =	stream.indirect.gather [hbm4b:s3+s26], $0x10, s26, s26, $0xb8;
	[tilespmem:$0x128E0] =	vst v63  }
0x33: {  	_ = 	snop  }
0x34: {  	[tilespmem:s13], [sflag:$0x2] =	stream.indirect.gather [hbm4b:s3+s26], $0x10, s0, s26, $0xb8;
	[tilespmem:$0x128E0] =	vst v63  }
0x35: {  	s30 =	simm.s32 $0x10D88  }
0x36: {  	[tilespmem:s30], [sflag:$0x2] =	stream.indirect.gather [hbm4b:s5+s26], $0x1, s26, s26, $0xb8;
	[tilespmem:$0x128E0] =	vst v63  }
0x37: {  	s30 =	simm.s32 $0x11558  }
0x38: {  	[tilespmem:s30], [sflag:$0x2] =	stream.indirect.gather [hbm4b:s5+s26], $0x1, s0, s26, $0xb8;
	[tilespmem:$0x128E0] =	vst v63  }
0x39: {  	_ =	swait.ge [sflag:s18], $0x3E80  }
0x3a: {  	[sflag:s18] =	ssyncset.done $0x0  }
0x3b: {  	[sflag:s18] =	ssyncadd.s32 $0xFFFFC180  }
0x3c: {  	_ =	swait.ge [sflag:s18], $0x3E80  }
0x3d: {  	[sflag:s18] =	ssyncset.done $0x0  }
0x3e: {  	s22 =	smin.u32 s23, $0x3D8;
	[sflag:s18] =	ssyncadd.s32 $0xFFFFC180  }
0x3f: {  	v3 =	vmov s22;
	_ =	swait.ge [sflag:s18], $0x3E8  }
0x40: {  	v3 =	vshll.u32 v3, $0x4;
	[sflag:s18] =	ssyncset.done $0x0  }
0x41: {  	v4 =	vadd.s32 v0, v3;
	[sflag:s18] =	ssyncadd.s32 $0xFFFFFC18  }
0x42: {  	v5 =	vor.u32 $0x2, v4;
	_ =	swait.ge [sflag:s18], $0x3E8  }
0x43: {  	v7 =	vor.u32 $0x3, v4;
	[sflag:s18] =	ssyncset.done $0x0  }
0x44: {  	[sflag:s18] =	ssyncadd.s32 $0xFFFFFC18  }
0x45: {  	v3 =	vld [tilespmem:s22+$0x109A0]  }
0x46: {  	v6 =	vld [tilespmem:s22+$0x11170]  }
0x47: {  	v9 =	vor.u32 $0x4, v4;
	v11 =	vld.idx.msk [tilespmem:v5+s29+$0x0], $0xffff  }
0x48: {  	v21 =	vor.u32 $0xB, v4;
	v14 =	vld.idx.msk [tilespmem:v7+s29+$0x0], $0xffff  }
0x49: {  	v5 =	vld.idx.msk [tilespmem:v5+s28+$0x0], $0xffff  }
0x4a: {  	v8 =	vor.u32 $0x1, v4  }
0x4b: {  	v10 =	vor.u32 $0x5, v4;
	v16 =	vor.u32 $0xD, v4;
	v15 =	vor.u32 $0x7, v4  }
0x4c: {  	v17 =	vor.u32 $0x8, v4;
	v27 =	vld.idx.msk [tilespmem:v9+s29+$0x0], $0xffff;
	v12 =	vand.u32 $0xF, v3;
	v13 =	vand.u32 $0xF, v6  }
0x4d: {  	v40 =	vld.idx.msk [tilespmem:v21+s29+$0x0], $0xffff;
	v3 =	vxor.u32 v3, v6;
	v22 =	vand.u32 $0xFFFF0000, v11;
	v25 =	vand.u32 $0xFFFF0000, v14  }
0x4e: {  	v28 =	vshll.u32 v5, $0x10;
	v5 =	vand.u32 $0xFFFF0000, v5;
	v12 =	vsub.s32 v12, v13;
	v13 =	vld.idx.msk [tilespmem:v4+s28+$0x0], $0xffff  }
0x4f: {  	v22 =	vsub.f32 v5, v22;
	v5 =	vshll.u32 v14, $0x10;
	v14 =	vld.idx.msk [tilespmem:v8+s29+$0x0], $0xffff;
	v6 =	vadd.s32 $0xFFFFFFFD, v12  }
0x50: {  	v18 =	vor.u32 $0x9, v4;
	v11 =	vshll.u32 v11, $0x10;
	vm1 =	vlt.u32 v6, $0xFFFFFFFB;
	v6 =	vld.idx.msk [tilespmem:v7+s28+$0x0], $0xffff  }
0x51: {  	v23 =	vor.u32 $0xF, v4;
	vm0 =	vlt.u32 v3, $0x10;
	v11 =	vsub.f32 v28, v11;
	v7 =	vld.idx.msk [tilespmem:v4+s29+$0x0], $0xffff  }
0x52: {  	v9 =	vld.idx.msk [tilespmem:v9+s28+$0x0], $0xffff;
	v12 =	vor.u32 $0xE, v4;
	v19 =	vsel vm0, $0x1, v2;
	v3 =	vsel vm1, $0x0, v1  }
0x53: {  	v20 =	vor.u32 $0xA, v4;
	v26 =	vor.u32 $0xC, v4;
	v24 =	vor.u32 v19, v3;
	v3 =	vld.idx.msk [tilespmem:v16+s28+$0x0], $0xffff  }
0x54: {  	v29 =	vor.u32 $0x6, v4;
	v60 =	vshll.u32 v40, $0x10;
	v11 =	vmul.f32 v11, v11;
	v19 =	vld.idx.msk [tilespmem:v8+s28+$0x0], $0xffff  }
0x55: {  	v39 =	vmul.f32 v22, v22;
	v8 =	vld.idx.msk [tilespmem:v10+s28+$0x0], $0xffff;
	v30 =	vand.u32 $0xFFFF0000, v13;
	v36 =	vshll.u32 v14, $0x10  }
0x56: {  	v14 =	vand.u32 $0xFFFF0000, v14;
	v28 =	vand.u32 $0xFFFF0000, v6;
	v31 =	vand.u32 $0xFFFF0000, v7  }
0x57: {  	v4 =	vld.idx.msk [tilespmem:v12+s29+$0x0], $0xffff;
	v6 =	vshll.u32 v6, $0x10;
	v25 =	vsub.f32 v28, v25;
	v30 =	vsub.f32 v30, v31  }
0x58: {  	v28 =	vld.idx.msk [tilespmem:v10+s29+$0x0], $0xffff;
	v10 =	vshll.u32 v13, $0x10;
	v13 =	vshll.u32 v7, $0x10;
	v6 =	vsub.f32 v6, v5  }
0x59: {  	v5 =	vld.idx.msk [tilespmem:v12+s28+$0x0], $0xffff;
	v12 =	vshll.u32 v9, $0x10;
	v9 =	vand.u32 $0xFFFF0000, v9;
	v31 =	vshll.u32 v19, $0x10  }
0x5a: {  	v34 =	vld.idx.msk [tilespmem:v29+s29+$0x0], $0xffff;
	v7 =	vand.u32 $0xFFFF0000, v3;
	v19 =	vand.u32 $0xFFFF0000, v19;
	v37 =	vshll.u32 v8, $0x10  }
0x5b: {  	v29 =	vld.idx.msk [tilespmem:v29+s28+$0x0], $0xffff;
	v38 =	vand.u32 $0xFFFF0000, v8;
	v10 =	vsub.f32 v10, v13;
	v32 =	vmul.f32 v25, v25  }
0x5c: {  	v25 =	vld.idx.msk [tilespmem:v17+s29+$0x0], $0xffff;
	v33 =	vmul.f32 v6, v6;
	v6 =	vshll.u32 v27, $0x10;
	v27 =	vand.u32 $0xFFFF0000, v27  }
0x5d: {  	v17 =	vld.idx.msk [tilespmem:v17+s28+$0x0], $0xffff;
	v30 =	vmul.f32 v30, v30;
	v12 =	vsub.f32 v12, v6;
	v6 =	vand.u32 $0xFFFF0000, v4  }
0x5e: {  	v9 =	vsub.f32 v9, v27;
	v10 =	vmul.f32 v10, v10;
	v35 =	vand.u32 $0xFFFF0000, v28  }
0x5f: {  	v28 =	vshll.u32 v28, $0x10;
	v8 =	vand.u32 $0xFFFF0000, v5;
	v41 =	vmul.f32 v12, v12  }
0x60: {  	v27 =	vld.idx.msk [tilespmem:v15+s28+$0x0], $0xffff;
	v42 =	vmul.f32 v9, v9;
	v9 =	vshll.u32 v29, $0x10;
	v12 =	vsub.f32 v19, v14  }
0x61: {  	v57 =	vld.idx.msk [tilespmem:v20+s28+$0x0], $0xffff;
	v19 =	vsub.f32 v31, v36;
	v29 =	vand.u32 $0xFFFF0000, v29;
	v22 =	vsub.f32 v37, v28  }
0x62: {  	v44 =	vld.idx.msk [tilespmem:v18+s29+$0x0], $0xffff;
	v31 =	vsub.f32 v38, v35;
	v13 =	vshll.u32 v25, $0x10;
	v43 =	vshll.u32 v17, $0x10  }
0x63: {  	v28 =	vld.idx.msk [tilespmem:v15+s29+$0x0], $0xffff;
	v12 =	vmul.f32 v12, v12;
	v14 =	vand.u32 $0xFFFF0000, v25;
	v25 =	vmul.f32 v19, v19  }
0x64: {  	v37 =	vmul.f32 v22, v22;
	v22 =	vshll.u32 v34, $0x10;
	v34 =	vand.u32 $0xFFFF0000, v34  }
0x65: {  	v59 =	vld.idx.msk [tilespmem:v18+s28+$0x0], $0xffff;
	v58 =	vand.u32 $0xFFFF0000, v27;
	v13 =	vsub.f32 v43, v13;
	v29 =	vsub.f32 v29, v34  }
0x66: {  	v19 =	vshll.u32 v27, $0x10;
	v12 =	vadd.f32 v12, v30;
	v10 =	vadd.f32 v25, v10  }
0x67: {  	v61 =	vsub.f32 v9, v22;
	v25 =	vmul.f32 v31, v31;
	v22 =	vshll.u32 v57, $0x10  }
0x68: {  	v30 =	vld.idx.msk [tilespmem:v21+s28+$0x0], $0xffff;
	v31 =	vand.u32 $0xFFFF0000, v57;
	v21 =	vand.u32 $0xFFFF0000, v44;
	v15 =	vshll.u32 v28, $0x10  }
0x69: {  	v27 =	vand.u32 $0xFFFF0000, v28;
	v28 =	vld.idx.msk [tilespmem:v20+s29+$0x0], $0xffff;
	v20 =	vand.u32 $0xFFFF0000, v17;
	v9 =	vadd.f32 v39, v12  }
0x6a: {  	v17 =	vmul.f32 v13, v13;
	v12 =	vand.u32 $0xFFFF0000, v59;
	v10 =	vadd.f32 v11, v10  }
0x6b: {  	v11 =	vshll.u32 v59, $0x10;
	v13 =	vshll.u32 v44, $0x10;
	v36 =	vsub.f32 v58, v27  }
0x6c: {  	v18 =	vmul.f32 v29, v29;
	v11 =	vsub.f32 v11, v13;
	v13 =	vsub.f32 v12, v21;
	v12 =	vld.idx.msk [tilespmem:v26+s28+$0x0], $0xffff  }
0x6d: {  	v29 =	vadd.f32 v32, v9;
	v9 =	vld.idx.msk [tilespmem:v16+s29+$0x0], $0xffff;
	v33 =	vadd.f32 v33, v10;
	v32 =	vand.u32 $0xFFFF0000, v40  }
0x6e: {  	v10 =	vld.idx.msk [tilespmem:v23+s29+$0x0], $0xffff;
	v62 =	vshll.u32 v30, $0x10;
	v21 =	vmul.f32 v11, v11;
	v16 =	vand.u32 $0xFFFF0000, v28  }
0x6f: {  	v13 =	vmul.f32 v13, v13;
	v29 =	vadd.f32 v42, v29;
	v35 =	vsub.f32 v31, v16;
	v16 =	vld.idx.msk [tilespmem:v26+s29+$0x0], $0xffff  }
0x70: {  	v11 =	vld.idx.msk [tilespmem:v23+s28+$0x0], $0xffff;
	v23 =	vadd.f32 v41, v33;
	v63 =	vsub.f32 v62, v60;
	v27 =	vshll.u32 v28, $0x10  }
0x71: {  	v28 =	vmul.f32 v61, v61;
	v26 =	vmul.f32 v36, v36;
	v31 =	vand.u32 $0xFFFF0000, v30  }
0x72: {  	s23 =	simm.s32 $0x10;
	[tilespmem:s22+$0x12110] =	vst v24;
	v30 =	vadd.f32 v37, v23;
	v23 =	vmul.f32 v63, v63;
	v24 =	vmul.f32 v35, v35  }
.LBB2_3:
0x73: {  	p0 =	sne.s32 s23, $0x3E0;
	v25 =	vadd.f32 v25, v29;
	v29 =	vsub.f32 v31, v32;
	v31 =	vshll.u32 v12, $0x10;
	s30 =	smov.u32 s23;
	s23 =	sadd.s32 $0x10, s23  }
0x74: {  	v15 =	vsub.f32 v19, v15;
	v19 =	vand.u32 $0xFFFF0000, v16;
	v32 =	vand.u32 $0xFFFF0000, v9  }
0x75: {  	v22 =	vsub.f32 v22, v27;
	v7 =	vsub.f32 v7, v32;
	v27 =	vmul.f32 v29, v29  }
0x76: {  	v14 =	vsub.f32 v20, v14;
	v9 =	vshll.u32 v9, $0x10;
	v28 =	vadd.f32 v28, v30  }
0x77: {  	v12 =	vand.u32 $0xFFFF0000, v12;
	v18 =	vadd.f32 v18, v25;
	v15 =	vmul.f32 v15, v15  }
0x78: {  	v4 =	vshll.u32 v4, $0x10;
	v12 =	vsub.f32 v12, v19;
	v14 =	vmul.f32 v14, v14  }
0x79: {  	v6 =	vsub.f32 v8, v6;
	v7 =	vmul.f32 v7, v7;
	v15 =	vadd.f32 v15, v28  }
0x7a: {  	v5 =	vshll.u32 v5, $0x10;
	v8 =	vadd.f32 v26, v18;
	v18 =	vmul.f32 v22, v22  }
0x7b: {  	v4 =	vsub.f32 v5, v4;
	v15 =	vadd.f32 v17, v15  }
0x7c: {  	v5 =	vadd.f32 v14, v8  }
0x7d: {  	v8 =	vadd.f32 v21, v15  }
0x7e: {  	v3 =	vshll.u32 v3, $0x10;
	v5 =	vadd.f32 v13, v5;
	v13 =	vshll.u32 v16, $0x10  }
0x7f: {  	v3 =	vsub.f32 v3, v9;
	v8 =	vadd.f32 v18, v8  }
0x80: {  	v12 =	vmul.f32 v12, v12;
	v9 =	vsub.f32 v31, v13;
	v5 =	vadd.f32 v24, v5  }
0x81: {  	v3 =	vmul.f32 v3, v3;
	v8 =	vadd.f32 v23, v8  }
0x82: {  	v13 =	vand.u32 $0xFFFF0000, v11;
	v9 =	vmul.f32 v9, v9;
	v5 =	vadd.f32 v27, v5  }
0x83: {  	v14 =	vshll.u32 v10, $0x10;
	v10 =	vand.u32 $0xFFFF0000, v10;
	v11 =	vshll.u32 v11, $0x10  }
0x84: {  	v6 =	vmul.f32 v6, v6;
	v8 =	vadd.f32 v9, v8;
	v5 =	vadd.f32 v12, v5  }
0x85: {  	v10 =	vsub.f32 v13, v10;
	v9 =	vsub.f32 v11, v14  }
0x86: {  	v4 =	vmul.f32 v4, v4;
	v3 =	vadd.f32 v3, v8;
	v5 =	vadd.f32 v7, v5  }
0x87: {  	s30 =	smin.u32 s30, $0x3D8;
	v7 =	vmul.f32 v10, v10  }
0x88: {  	v8 =	vmov s30;
	v3 =	vadd.f32 v4, v3;
	v4 =	vmul.f32 v9, v9;
	v11 =	vld [tilespmem:s30+$0x109A0]  }
0x89: {  	v8 =	vshll.u32 v8, $0x4;
	v5 =	vadd.f32 v6, v5;
	v9 =	vld [tilespmem:s30+$0x11170]  }
0x8a: {  	v6 =	vadd.s32 v0, v8;
	v3 =	vadd.f32 v4, v3  }
0x8b: {  	v8 =	vor.u32 $0x2, v6;
	v4 =	vor.u32 $0x1, v6;
	v5 =	vadd.f32 v7, v5  }
0x8c: {  	v12 =	vor.u32 $0x4, v6;
	v14 =	vor.u32 $0x5, v6;
	v7 =	vor.u32 $0x3, v6  }
0x8d: {  	v15 =	vor.u32 $0x7, v6;
	v17 =	vor.u32 $0x8, v6;
	v3 =	vadd.f32 v5, v3  }
0x8e: {  	v10 =	vor.u32 $0x9, v6;
	v5 =	vxor.u32 v11, v9;
	v11 =	vand.u32 $0xF, v11  }
0x8f: {  	vm0 =	vlt.u32 v5, $0x10;
	v5 =	vand.u32 $0xF, v9;
	[tilespmem:s22+$0x11940] =	vst v3;
	s22 =	smov.u32 s30  }
0x90: {  	v18 =	vor.u32 $0xD, v6;
	v19 =	vor.u32 $0xE, v6;
	v9 =	vld.idx.msk [tilespmem:v8+s29+$0x0], $0xffff;
	v3 =	vsub.s32 v11, v5  }
0x91: {  	v11 =	vor.u32 $0xF, v6;
	v20 =	vld.idx.msk [tilespmem:v6+s29+$0x0], $0xffff;
	v3 =	vadd.s32 $0xFFFFFFFD, v3  }
0x92: {  	v5 =	vld.idx.msk [tilespmem:v7+s29+$0x0], $0xffff;
	vm1 =	vlt.u32 v3, $0xFFFFFFFB  }
0x93: {  	v21 =	vld.idx.msk [tilespmem:v6+s28+$0x0], $0xffff;
	v3 =	vsel vm1, $0x0, v1  }
0x94: {  	v13 =	vsel vm0, $0x1, v2;
	v8 =	vld.idx.msk [tilespmem:v8+s28+$0x0], $0xffff  }
0x95: {  	v22 =	vor.u32 $0xA, v6;
	v13 =	vor.u32 v13, v3;
	v7 =	vld.idx.msk [tilespmem:v7+s28+$0x0], $0xffff  }
0x96: {  	v23 =	vor.u32 $0xB, v6;
	v3 =	vld.idx.msk [tilespmem:v18+s28+$0x0], $0xffff  }
0x97: {  	v24 =	vld.idx.msk [tilespmem:v4+s28+$0x0], $0xffff  }
0x98: {  	v25 =	vld.idx.msk [tilespmem:v4+s29+$0x0], $0xffff  }
0x99: {  	v16 =	vor.u32 $0xC, v6;
	v26 =	vand.u32 $0xFFFF0000, v9;
	v27 =	vand.u32 $0xFFFF0000, v5;
	v28 =	vld.idx.msk [tilespmem:v12+s29+$0x0], $0xffff  }
0x9a: {  	v6 =	vor.u32 $0x6, v6;
	v9 =	vshll.u32 v9, $0x10;
	v4 =	vshll.u32 v8, $0x10;
	v12 =	vld.idx.msk [tilespmem:v12+s28+$0x0], $0xffff  }
0x9b: {  	v29 =	vand.u32 $0xFFFF0000, v21;
	v30 =	vsub.f32 v4, v9;
	v9 =	vand.u32 $0xFFFF0000, v7;
	v4 =	vld.idx.msk [tilespmem:v19+s29+$0x0], $0xffff  }
0x9c: {  	v31 =	vand.u32 $0xFFFF0000, v20;
	v8 =	vand.u32 $0xFFFF0000, v8;
	v9 =	vsub.f32 v9, v27;
	v27 =	vld.idx.msk [tilespmem:v14+s29+$0x0], $0xffff  }
0x9d: {  	v29 =	vsub.f32 v29, v31;
	v8 =	vsub.f32 v8, v26;
	v26 =	vshll.u32 v5, $0x10;
	v14 =	vld.idx.msk [tilespmem:v14+s28+$0x0], $0xffff  }
0x9e: {  	v7 =	vshll.u32 v7, $0x10;
	v31 =	vshll.u32 v24, $0x10;
	v32 =	vmul.f32 v9, v9;
	v5 =	vld.idx.msk [tilespmem:v19+s28+$0x0], $0xffff  }
0x9f: {  	v20 =	vshll.u32 v20, $0x10;
	v19 =	vshll.u32 v21, $0x10;
	v21 =	vsub.f32 v7, v26;
	v9 =	vld.idx.msk [tilespmem:v18+s29+$0x0], $0xffff  }
0xa0: {  	v26 =	vmul.f32 v30, v30;
	v7 =	vand.u32 $0xFFFF0000, v3;
	v18 =	vshll.u32 v12, $0x10;
	v30 =	vld.idx.msk [tilespmem:v17+s29+$0x0], $0xffff  }
0xa1: {  	v24 =	vand.u32 $0xFFFF0000, v24;
	v33 =	vshll.u32 v28, $0x10;
	v21 =	vmul.f32 v21, v21;
	v34 =	vld.idx.msk [tilespmem:v6+s29+$0x0], $0xffff  }
0xa2: {  	v18 =	vsub.f32 v18, v33;
	v33 =	vand.u32 $0xFFFF0000, v27;
	v35 =	vld.idx.msk [tilespmem:v6+s28+$0x0], $0xffff;
	v6 =	vand.u32 $0xFFFF0000, v4  }
0xa3: {  	v36 =	vshll.u32 v25, $0x10;
	v12 =	vand.u32 $0xFFFF0000, v12;
	v27 =	vshll.u32 v27, $0x10;
	v17 =	vld.idx.msk [tilespmem:v17+s28+$0x0], $0xffff  }
0xa4: {  	v28 =	vand.u32 $0xFFFF0000, v28;
	v37 =	vshll.u32 v14, $0x10;
	v14 =	vand.u32 $0xFFFF0000, v14;
	v38 =	vld.idx.msk [tilespmem:v15+s28+$0x0], $0xffff  }
0xa5: {  	v39 =	vmul.f32 v8, v8;
	v27 =	vsub.f32 v37, v27;
	v8 =	vand.u32 $0xFFFF0000, v5;
	v37 =	vld.idx.msk [tilespmem:v15+s29+$0x0], $0xffff  }
0xa6: {  	v15 =	vsub.f32 v19, v20;
	v19 =	vsub.f32 v12, v28;
	v20 =	vshll.u32 v30, $0x10;
	v12 =	vld.idx.msk [tilespmem:v16+s28+$0x0], $0xffff  }
0xa7: {  	v25 =	vand.u32 $0xFFFF0000, v25;
	v28 =	vmul.f32 v29, v29;
	v40 =	vmul.f32 v27, v27;
	v41 =	vld.idx.msk [tilespmem:v23+s29+$0x0], $0xffff  }
0xa8: {  	v42 =	vmul.f32 v18, v18;
	v29 =	vmul.f32 v19, v19;
	v27 =	vshll.u32 v35, $0x10;
	v23 =	vld.idx.msk [tilespmem:v23+s28+$0x0], $0xffff  }
0xa9: {  	v18 =	vsub.f32 v24, v25;
	v24 =	vshll.u32 v34, $0x10;
	v25 =	vshll.u32 v17, $0x10;
	v43 =	vld.idx.msk [tilespmem:v22+s29+$0x0], $0xffff  }
0xaa: {  	v19 =	vsub.f32 v31, v36;
	v31 =	vsub.f32 v14, v33;
	v33 =	vand.u32 $0xFFFF0000, v34;
	v34 =	vld.idx.msk [tilespmem:v22+s28+$0x0], $0xffff  }
0xab: {  	v35 =	vand.u32 $0xFFFF0000, v35;
	v22 =	vmul.f32 v15, v15;
	v15 =	vshll.u32 v37, $0x10;
	v36 =	vld.idx.msk [tilespmem:v10+s28+$0x0], $0xffff  }
0xac: {  	v18 =	vmul.f32 v18, v18;
	v14 =	vand.u32 $0xFFFF0000, v30;
	v44 =	vand.u32 $0xFFFF0000, v38;
	v30 =	vld.idx.msk [tilespmem:v10+s29+$0x0], $0xffff  }
0xad: {  	v33 =	vsub.f32 v35, v33;
	v10 =	vmul.f32 v19, v19;
	v35 =	vshll.u32 v41, $0x10  }
0xae: {  	v28 =	vadd.f32 v18, v28;
	v37 =	vand.u32 $0xFFFF0000, v37;
	v19 =	vshll.u32 v38, $0x10  }
0xaf: {  	v18 =	vmul.f32 v33, v33;
	v33 =	vsub.f32 v25, v20;
	v10 =	vadd.f32 v10, v22  }
0xb0: {  	v24 =	vsub.f32 v27, v24;
	v20 =	vand.u32 $0xFFFF0000, v17;
	v37 =	vsub.f32 v44, v37  }
0xb1: {  	v25 =	vmul.f32 v31, v31;
	v22 =	vshll.u32 v34, $0x10;
	v31 =	vand.u32 $0xFFFF0000, v34  }
0xb2: {  	v27 =	vadd.f32 v39, v28;
	v17 =	vmul.f32 v33, v33;
	v28 =	vand.u32 $0xFFFF0000, v36  }
0xb3: {  	v26 =	vadd.f32 v26, v10;
	v33 =	vshll.u32 v36, $0x10;
	v34 =	vshll.u32 v30, $0x10;
	v10 =	vld.idx.msk [tilespmem:v11+s29+$0x0], $0xffff  }
0xb4: {  	v32 =	vadd.f32 v32, v27;
	v27 =	vand.u32 $0xFFFF0000, v30;
	v30 =	vsub.f32 v33, v34;
	v11 =	vld.idx.msk [tilespmem:v11+s28+$0x0], $0xffff  }
0xb5: {  	v28 =	vsub.f32 v28, v27;
	v33 =	vand.u32 $0xFFFF0000, v43;
	v34 =	vshll.u32 v23, $0x10;
	v16 =	vld.idx.msk [tilespmem:v16+s29+$0x0], $0xffff  }
.Ltmp0:
0xb6: {  	v26 =	vadd.f32 v21, v26;
	v27 =	vshll.u32 v43, $0x10;
	v21 =	vmul.f32 v30, v30;
	[tilespmem:s22+$0x12110] =	vst v13;
	(pc) =	sbr.rel @p0 .LBB2_3-.Ltmp0, $4  }
0xb7: {  	v29 =	vadd.f32 v29, v32;
	v33 =	vsub.f32 v31, v33;
	v13 =	vmul.f32 v28, v28  }
0xb8: {  	v34 =	vsub.f32 v34, v35;
	v30 =	vadd.f32 v42, v26;
	v28 =	vmul.f32 v24, v24  }
0xb9: {  	v32 =	vand.u32 $0xFFFF0000, v41;
	v31 =	vand.u32 $0xFFFF0000, v23;
	v26 =	vmul.f32 v37, v37  }
0xba: {  	v23 =	vmul.f32 v34, v34;
	v30 =	vadd.f32 v40, v30;
	v24 =	vmul.f32 v33, v33  }
0xbb: {  	v15 =	vsub.f32 v19, v15;
	v19 =	vadd.f32 v25, v29  }
0xbc: {  	v25 =	vsub.f32 v31, v32;
	v29 =	vshll.u32 v12, $0x10;
	v31 =	vand.u32 $0xFFFF0000, v16  }
0xbd: {  	v14 =	vsub.f32 v20, v14;
	v12 =	vand.u32 $0xFFFF0000, v12;
	v4 =	vshll.u32 v4, $0x10  }
0xbe: {  	v28 =	vadd.f32 v28, v30;
	v15 =	vmul.f32 v15, v15;
	v18 =	vadd.f32 v18, v19  }
0xbf: {  	v6 =	vsub.f32 v8, v6;
	v3 =	vshll.u32 v3, $0x10;
	v5 =	vshll.u32 v5, $0x10  }
0xc0: {  	v14 =	vmul.f32 v14, v14;
	v15 =	vadd.f32 v15, v28;
	v18 =	vadd.f32 v26, v18  }
0xc1: {  	v30 =	vand.u32 $0xFFFF0000, v9;
	v12 =	vsub.f32 v12, v31;
	v19 =	vsub.f32 v22, v27  }
0xc2: {  	v9 =	vshll.u32 v9, $0x10;
	v15 =	vadd.f32 v17, v15;
	v14 =	vadd.f32 v14, v18  }
0xc3: {  	v4 =	vsub.f32 v5, v4;
	v7 =	vsub.f32 v7, v30;
	v17 =	vmul.f32 v19, v19  }
0xc4: {  	v15 =	vadd.f32 v21, v15;
	v8 =	vadd.f32 v13, v14;
	v13 =	vshll.u32 v16, $0x10  }
0xc5: {  	v20 =	vmul.f32 v25, v25;
	v3 =	vsub.f32 v3, v9;
	v9 =	vsub.f32 v29, v13  }
0xc6: {  	v5 =	vmul.f32 v12, v12;
	v14 =	vadd.f32 v17, v15;
	v8 =	vadd.f32 v24, v8  }
0xc7: {  	v7 =	vmul.f32 v7, v7;
	v3 =	vmul.f32 v3, v3  }
0xc8: {  	v9 =	vmul.f32 v9, v9;
	v12 =	vadd.f32 v23, v14;
	v8 =	vadd.f32 v20, v8  }
0xc9: {  	v13 =	vand.u32 $0xFFFF0000, v11;
	v11 =	vshll.u32 v11, $0x10;
	v14 =	vshll.u32 v10, $0x10  }
0xca: {  	v10 =	vand.u32 $0xFFFF0000, v10;
	v9 =	vadd.f32 v9, v12;
	v5 =	vadd.f32 v5, v8  }
0xcb: {  	v6 =	vmul.f32 v6, v6;
	v10 =	vsub.f32 v13, v10;
	v8 =	vsub.f32 v11, v14  }
0xcc: {  	v4 =	vmul.f32 v4, v4;
	v3 =	vadd.f32 v3, v9;
	v5 =	vadd.f32 v7, v5  }
0xcd: {  	v7 =	vmul.f32 v10, v10  }
0xce: {  	v3 =	vadd.f32 v4, v3;
	v4 =	vmul.f32 v8, v8;
	v5 =	vadd.f32 v6, v5;
	_ =	sdelay $0x1  }
0xcf: {  	v3 =	vadd.f32 v4, v3;
	v4 =	vadd.f32 v7, v5;
	_ =	sdelay $0x1  }
0xd0: {  	s23 =	sadd.s32 s7, s17;
	v3 =	vadd.f32 v4, v3  }
0xd1: {  	s23 =	sshrl.u32 s23, $0x3  }
0xd2: {  	s30 =	simm.s32 $0x0;
	[tilespmem:s22+$0x11940] =	vst v3;
	s22 =	sadd.s32 s10, s23  }
0xd3: {  	[hbm4b:s22+s30] =	stream.linear.scatter [tilespmem:s19], [sflag:$0x3], $0x3E8, $0x38;
	[tilespmem:$0x128E0] =	vst v63  }
0xd4: {  	_ =	swait.ge [sflag:s24], $0x3E8  }
0xd5: {  	[sflag:s24] =	ssyncset.done $0x0  }
0xd6: {  	s23 =	sadd.s32 s11, s23;
	[sflag:s24] =	ssyncadd.s32 $0xFFFFFC18  }
0xd7: {  	[hbm4b:s23+s30] =	stream.linear.scatter [tilespmem:s20], [sflag:$0x3], $0x3E8, $0x38;
	[tilespmem:$0x128E0] =	vst v63  }
0xd8: {  	s23 =	sadd.s32 s17, s16;
	_ =	swait.ge [sflag:s24], $0x3E8  }
0xd9: {  	s17 =	sshrl.u32 s23, $0x3;
	[sflag:s24] =	ssyncset.done $0x0  }
0xda: {  	s17 =	sadd.s32 s8, s17;
	[sflag:s24] =	ssyncadd.s32 $0xFFFFFC18  }
0xdb: {  	[tilespmem:s30], [sflag:$0x3] =	stream.linear.gather [hbm4b:s17+s30], $0x3E8, $0x38;
	[tilespmem:$0x128E0] =	vst v63  }
0xdc: {  	_ =	swait.ge [sflag:s24], $0x3E8  }
0xdd: {  	[sflag:s24] =	ssyncset.done $0x0  }
0xde: {  	s17 =	sadd.s32 $0x186A0, s17;
	[sflag:s24] =	ssyncadd.s32 $0xFFFFFC18  }
0xdf: {  	[tilespmem:s25], [sflag:$0x3] =	stream.linear.gather [hbm4b:s17+s30], $0x3E8, $0x38;
	[tilespmem:$0x128E0] =	vst v63  }
0xe0: {  	_ =	swait.ge [sflag:s24], $0x3E8  }
0xe1: {  	[sflag:s24] =	ssyncset.done $0x0  }
0xe2: {  	[sflag:s24] =	ssyncadd.s32 $0xFFFFFC18  }
0xe3: {  	[tilespmem:s28], [sflag:$0x1] =	stream.indirect.gather [hbm4b:s3+s26], $0x10, s30, s26, $0xb8;
	[tilespmem:$0x128E0] =	vst v63  }
0xe4: {  	_ = 	snop  }
0xe5: {  	[tilespmem:s29], [sflag:$0x1] =	stream.indirect.gather [hbm4b:s3+s26], $0x10, s25, s26, $0xb8;
	[tilespmem:$0x128E0] =	vst v63  }
0xe6: {  	s22 =	simm.s32 $0x109A0  }
0xe7: {  	[tilespmem:s22], [sflag:$0x1] =	stream.indirect.gather [hbm4b:s5+s26], $0x1, s30, s26, $0xb8;
	[tilespmem:$0x128E0] =	vst v63  }
0xe8: {  	s23 =	simm.s32 $0x11170  }
0xe9: {  	[tilespmem:s23], [sflag:$0x1] =	stream.indirect.gather [hbm4b:s5+s26], $0x1, s25, s26, $0xb8;
	[tilespmem:$0x128E0] =	vst v63  }
0xea: {  	_ =	swait.ge [sflag:s21], $0x3E80  }
0xeb: {  	[sflag:s21] =	ssyncset.done $0x0  }
0xec: {  	[sflag:s21] =	ssyncadd.s32 $0xFFFFC180  }
0xed: {  	_ =	swait.ge [sflag:s21], $0x3E80  }
0xee: {  	[sflag:s21] =	ssyncset.done $0x0  }
0xef: {  	s17 =	smin.u32 s30, $0x3D8;
	[sflag:s21] =	ssyncadd.s32 $0xFFFFC180  }
0xf0: {  	v3 =	vmov s17;
	_ =	swait.ge [sflag:s21], $0x3E8  }
0xf1: {  	v3 =	vshll.u32 v3, $0x4;
	[sflag:s21] =	ssyncset.done $0x0  }
0xf2: {  	v4 =	vadd.s32 v0, v3;
	[sflag:s21] =	ssyncadd.s32 $0xFFFFFC18  }
0xf3: {  	v5 =	vor.u32 $0x2, v4;
	_ =	swait.ge [sflag:s21], $0x3E8  }
0xf4: {  	v7 =	vor.u32 $0x3, v4;
	[sflag:s21] =	ssyncset.done $0x0  }
0xf5: {  	[sflag:s21] =	ssyncadd.s32 $0xFFFFFC18  }
0xf6: {  	v3 =	vld [tilespmem:s17+$0x10D88]  }
0xf7: {  	v6 =	vld [tilespmem:s17+$0x11558]  }
0xf8: {  	v9 =	vor.u32 $0x4, v4;
	v11 =	vld.idx.msk [tilespmem:v5+s13+$0x0], $0xffff  }
0xf9: {  	v21 =	vor.u32 $0xB, v4;
	v14 =	vld.idx.msk [tilespmem:v7+s13+$0x0], $0xffff  }
0xfa: {  	v8 =	vor.u32 $0x1, v4;
	v5 =	vld.idx.msk [tilespmem:v5+s1+$0x0], $0xffff  }
0xfb: {  	v10 =	vor.u32 $0x5, v4;
	v16 =	vor.u32 $0xD, v4;
	v15 =	vor.u32 $0x7, v4  }
0xfc: {  	v17 =	vor.u32 $0x8, v4;
	v18 =	vor.u32 $0x9, v4;
	v23 =	vor.u32 $0xF, v4  }
0xfd: {  	v20 =	vor.u32 $0xA, v4;
	v27 =	vld.idx.msk [tilespmem:v9+s13+$0x0], $0xffff;
	v12 =	vand.u32 $0xF, v3;
	v13 =	vand.u32 $0xF, v6  }
0xfe: {  	v40 =	vld.idx.msk [tilespmem:v21+s13+$0x0], $0xffff;
	v3 =	vxor.u32 v3, v6;
	v22 =	vand.u32 $0xFFFF0000, v11;
	v25 =	vand.u32 $0xFFFF0000, v14  }
0xff: {  	v28 =	vshll.u32 v5, $0x10;
	v5 =	vand.u32 $0xFFFF0000, v5;
	v12 =	vsub.s32 v12, v13;
	v13 =	vld.idx.msk [tilespmem:v4+s1+$0x0], $0xffff  }
0x100: {  	v22 =	vsub.f32 v5, v22;
	v5 =	vshll.u32 v14, $0x10;
	v14 =	vld.idx.msk [tilespmem:v8+s13+$0x0], $0xffff;
	v6 =	vadd.s32 $0xFFFFFFFD, v12  }
0x101: {  	v26 =	vor.u32 $0xC, v4;
	v29 =	vor.u32 $0x6, v4;
	vm1 =	vlt.u32 v6, $0xFFFFFFFB;
	v6 =	vld.idx.msk [tilespmem:v7+s1+$0x0], $0xffff  }
0x102: {  	v11 =	vshll.u32 v11, $0x10;
	vm0 =	vlt.u32 v3, $0x10;
	v12 =	vor.u32 $0xE, v4;
	v7 =	vld.idx.msk [tilespmem:v4+s13+$0x0], $0xffff  }
0x103: {  	v9 =	vld.idx.msk [tilespmem:v9+s1+$0x0], $0xffff;
	v11 =	vsub.f32 v28, v11;
	v19 =	vsel vm0, $0x1, v2;
	v3 =	vsel vm1, $0x0, v1  }
0x104: {  	v60 =	vshll.u32 v40, $0x10;
	v32 =	vand.u32 $0xFFFF0000, v40;
	v24 =	vor.u32 v19, v3;
	v3 =	vld.idx.msk [tilespmem:v16+s1+$0x0], $0xffff  }
0x105: {  	v11 =	vmul.f32 v11, v11;
	v39 =	vmul.f32 v22, v22;
	v19 =	vld.idx.msk [tilespmem:v8+s1+$0x0], $0xffff;
	v30 =	vand.u32 $0xFFFF0000, v13  }
0x106: {  	v8 =	vld.idx.msk [tilespmem:v10+s1+$0x0], $0xffff;
	v36 =	vshll.u32 v14, $0x10;
	v14 =	vand.u32 $0xFFFF0000, v14;
	v28 =	vand.u32 $0xFFFF0000, v6  }
0x107: {  	v4 =	vld.idx.msk [tilespmem:v12+s13+$0x0], $0xffff;
	v31 =	vand.u32 $0xFFFF0000, v7;
	v6 =	vshll.u32 v6, $0x10;
	v25 =	vsub.f32 v28, v25  }
0x108: {  	v28 =	vld.idx.msk [tilespmem:v10+s13+$0x0], $0xffff;
	v30 =	vsub.f32 v30, v31;
	v10 =	vshll.u32 v13, $0x10;
	v13 =	vshll.u32 v7, $0x10  }
0x109: {  	v6 =	vsub.f32 v6, v5;
	v5 =	vld.idx.msk [tilespmem:v12+s1+$0x0], $0xffff;
	v12 =	vshll.u32 v9, $0x10;
	v9 =	vand.u32 $0xFFFF0000, v9  }
0x10a: {  	v34 =	vld.idx.msk [tilespmem:v29+s13+$0x0], $0xffff;
	v31 =	vshll.u32 v19, $0x10;
	v7 =	vand.u32 $0xFFFF0000, v3;
	v19 =	vand.u32 $0xFFFF0000, v19  }
0x10b: {  	v29 =	vld.idx.msk [tilespmem:v29+s1+$0x0], $0xffff;
	v37 =	vshll.u32 v8, $0x10;
	v38 =	vand.u32 $0xFFFF0000, v8;
	v10 =	vsub.f32 v10, v13  }
0x10c: {  	v56 =	vmul.f32 v25, v25;
	v33 =	vmul.f32 v6, v6;
	v6 =	vshll.u32 v27, $0x10  }
0x10d: {  	v25 =	vld.idx.msk [tilespmem:v17+s13+$0x0], $0xffff;
	v27 =	vand.u32 $0xFFFF0000, v27;
	v30 =	vmul.f32 v30, v30;
	v12 =	vsub.f32 v12, v6  }
0x10e: {  	v17 =	vld.idx.msk [tilespmem:v17+s1+$0x0], $0xffff;
	v6 =	vand.u32 $0xFFFF0000, v4;
	v9 =	vsub.f32 v9, v27;
	v10 =	vmul.f32 v10, v10  }
0x10f: {  	v35 =	vand.u32 $0xFFFF0000, v28;
	v28 =	vshll.u32 v28, $0x10;
	v8 =	vand.u32 $0xFFFF0000, v5  }
0x110: {  	v27 =	vld.idx.msk [tilespmem:v15+s1+$0x0], $0xffff;
	v41 =	vmul.f32 v12, v12;
	v42 =	vmul.f32 v9, v9;
	v9 =	vshll.u32 v29, $0x10  }
0x111: {  	v57 =	vld.idx.msk [tilespmem:v20+s1+$0x0], $0xffff;
	v12 =	vsub.f32 v19, v14;
	v19 =	vsub.f32 v31, v36;
	v29 =	vand.u32 $0xFFFF0000, v29  }
0x112: {  	v44 =	vld.idx.msk [tilespmem:v18+s13+$0x0], $0xffff;
	v22 =	vsub.f32 v37, v28;
	v31 =	vsub.f32 v38, v35;
	v13 =	vshll.u32 v25, $0x10  }
0x113: {  	v28 =	vld.idx.msk [tilespmem:v15+s13+$0x0], $0xffff;
	v43 =	vshll.u32 v17, $0x10;
	v12 =	vmul.f32 v12, v12;
	v14 =	vand.u32 $0xFFFF0000, v25  }
0x114: {  	v25 =	vmul.f32 v19, v19;
	v37 =	vmul.f32 v22, v22;
	v22 =	vshll.u32 v34, $0x10  }
0x115: {  	v59 =	vld.idx.msk [tilespmem:v18+s1+$0x0], $0xffff;
	v34 =	vand.u32 $0xFFFF0000, v34;
	v58 =	vand.u32 $0xFFFF0000, v27;
	v13 =	vsub.f32 v43, v13  }
0x116: {  	v19 =	vshll.u32 v27, $0x10;
	v29 =	vsub.f32 v29, v34;
	v12 =	vadd.f32 v12, v30  }
0x117: {  	v10 =	vadd.f32 v25, v10;
	v61 =	vsub.f32 v9, v22;
	v25 =	vmul.f32 v31, v31  }
0x118: {  	v30 =	vld.idx.msk [tilespmem:v21+s1+$0x0], $0xffff;
	v22 =	vshll.u32 v57, $0x10;
	v21 =	vand.u32 $0xFFFF0000, v44;
	v15 =	vshll.u32 v28, $0x10  }
0x119: {  	v27 =	vand.u32 $0xFFFF0000, v28;
	v28 =	vld.idx.msk [tilespmem:v20+s13+$0x0], $0xffff;
	v20 =	vand.u32 $0xFFFF0000, v17;
	v9 =	vadd.f32 v39, v12  }
0x11a: {  	v17 =	vmul.f32 v13, v13;
	v12 =	vand.u32 $0xFFFF0000, v59;
	v10 =	vadd.f32 v11, v10  }
0x11b: {  	v11 =	vshll.u32 v59, $0x10;
	v13 =	vshll.u32 v44, $0x10;
	v36 =	vsub.f32 v58, v27  }
0x11c: {  	v31 =	vand.u32 $0xFFFF0000, v57;
	v11 =	vsub.f32 v11, v13;
	v13 =	vsub.f32 v12, v21;
	v12 =	vld.idx.msk [tilespmem:v26+s1+$0x0], $0xffff  }
0x11d: {  	v18 =	vmul.f32 v29, v29;
	v29 =	vadd.f32 v56, v9;
	v9 =	vld.idx.msk [tilespmem:v16+s13+$0x0], $0xffff;
	v33 =	vadd.f32 v33, v10  }
0x11e: {  	v10 =	vld.idx.msk [tilespmem:v23+s13+$0x0], $0xffff;
	v62 =	vshll.u32 v30, $0x10;
	v21 =	vmul.f32 v11, v11;
	v16 =	vand.u32 $0xFFFF0000, v28  }
0x11f: {  	v13 =	vmul.f32 v13, v13;
	v29 =	vadd.f32 v42, v29;
	v35 =	vsub.f32 v31, v16;
	v16 =	vld.idx.msk [tilespmem:v26+s13+$0x0], $0xffff  }
0x120: {  	v11 =	vld.idx.msk [tilespmem:v23+s1+$0x0], $0xffff;
	v23 =	vadd.f32 v41, v33;
	v63 =	vsub.f32 v62, v60;
	v27 =	vshll.u32 v28, $0x10  }
0x121: {  	v28 =	vmul.f32 v61, v61;
	v26 =	vmul.f32 v36, v36;
	v31 =	vand.u32 $0xFFFF0000, v30  }
0x122: {  	s22 =	simm.s32 $0x10;
	[tilespmem:s17+$0x124F8] =	vst v24;
	v30 =	vadd.f32 v37, v23;
	v23 =	vmul.f32 v63, v63;
	v24 =	vmul.f32 v35, v35  }
.LBB2_5:
0x123: {  	p0 =	sne.s32 s22, $0x3E0;
	v25 =	vadd.f32 v25, v29;
	v29 =	vsub.f32 v31, v32;
	v31 =	vshll.u32 v12, $0x10;
	s23 =	smov.u32 s22;
	s22 =	sadd.s32 $0x10, s22  }
0x124: {  	v15 =	vsub.f32 v19, v15;
	v19 =	vand.u32 $0xFFFF0000, v16;
	v32 =	vand.u32 $0xFFFF0000, v9  }
0x125: {  	v22 =	vsub.f32 v22, v27;
	v7 =	vsub.f32 v7, v32;
	v27 =	vmul.f32 v29, v29  }
0x126: {  	v14 =	vsub.f32 v20, v14;
	v9 =	vshll.u32 v9, $0x10;
	v28 =	vadd.f32 v28, v30  }
0x127: {  	v12 =	vand.u32 $0xFFFF0000, v12;
	v18 =	vadd.f32 v18, v25;
	v15 =	vmul.f32 v15, v15  }
0x128: {  	v4 =	vshll.u32 v4, $0x10;
	v12 =	vsub.f32 v12, v19;
	v14 =	vmul.f32 v14, v14  }
0x129: {  	v6 =	vsub.f32 v8, v6;
	v7 =	vmul.f32 v7, v7;
	v15 =	vadd.f32 v15, v28  }
0x12a: {  	v5 =	vshll.u32 v5, $0x10;
	v8 =	vadd.f32 v26, v18;
	v18 =	vmul.f32 v22, v22  }
0x12b: {  	v4 =	vsub.f32 v5, v4;
	v15 =	vadd.f32 v17, v15  }
0x12c: {  	v5 =	vadd.f32 v14, v8  }
0x12d: {  	v8 =	vadd.f32 v21, v15  }
0x12e: {  	v3 =	vshll.u32 v3, $0x10;
	v5 =	vadd.f32 v13, v5;
	v13 =	vshll.u32 v16, $0x10  }
0x12f: {  	v3 =	vsub.f32 v3, v9;
	v8 =	vadd.f32 v18, v8  }
0x130: {  	v12 =	vmul.f32 v12, v12;
	v9 =	vsub.f32 v31, v13;
	v5 =	vadd.f32 v24, v5  }
0x131: {  	v3 =	vmul.f32 v3, v3;
	v8 =	vadd.f32 v23, v8  }
0x132: {  	v13 =	vand.u32 $0xFFFF0000, v11;
	v9 =	vmul.f32 v9, v9;
	v5 =	vadd.f32 v27, v5  }
0x133: {  	v14 =	vshll.u32 v10, $0x10;
	v10 =	vand.u32 $0xFFFF0000, v10;
	v11 =	vshll.u32 v11, $0x10  }
0x134: {  	v6 =	vmul.f32 v6, v6;
	v8 =	vadd.f32 v9, v8;
	v5 =	vadd.f32 v12, v5  }
0x135: {  	v10 =	vsub.f32 v13, v10;
	v9 =	vsub.f32 v11, v14  }
0x136: {  	v4 =	vmul.f32 v4, v4;
	v3 =	vadd.f32 v3, v8;
	v5 =	vadd.f32 v7, v5  }
0x137: {  	s23 =	smin.u32 s23, $0x3D8;
	v7 =	vmul.f32 v10, v10  }
0x138: {  	v8 =	vmov s23;
	v3 =	vadd.f32 v4, v3;
	v4 =	vmul.f32 v9, v9;
	v11 =	vld [tilespmem:s23+$0x10D88]  }
0x139: {  	v8 =	vshll.u32 v8, $0x4;
	v5 =	vadd.f32 v6, v5;
	v9 =	vld [tilespmem:s23+$0x11558]  }
0x13a: {  	v6 =	vadd.s32 v0, v8;
	v3 =	vadd.f32 v4, v3  }
0x13b: {  	v8 =	vor.u32 $0x2, v6;
	v4 =	vor.u32 $0x1, v6;
	v5 =	vadd.f32 v7, v5  }
0x13c: {  	v12 =	vor.u32 $0x4, v6;
	v14 =	vor.u32 $0x5, v6;
	v7 =	vor.u32 $0x3, v6  }
0x13d: {  	v15 =	vor.u32 $0x7, v6;
	v17 =	vor.u32 $0x8, v6;
	v3 =	vadd.f32 v5, v3  }
0x13e: {  	v10 =	vor.u32 $0x9, v6;
	v5 =	vxor.u32 v11, v9;
	v11 =	vand.u32 $0xF, v11  }
0x13f: {  	vm0 =	vlt.u32 v5, $0x10;
	v5 =	vand.u32 $0xF, v9;
	[tilespmem:s17+$0x11D28] =	vst v3;
	s17 =	smov.u32 s23  }
0x140: {  	v18 =	vor.u32 $0xD, v6;
	v19 =	vor.u32 $0xE, v6;
	v9 =	vld.idx.msk [tilespmem:v8+s13+$0x0], $0xffff;
	v3 =	vsub.s32 v11, v5  }
0x141: {  	v11 =	vor.u32 $0xF, v6;
	v20 =	vld.idx.msk [tilespmem:v6+s13+$0x0], $0xffff;
	v3 =	vadd.s32 $0xFFFFFFFD, v3  }
0x142: {  	v5 =	vld.idx.msk [tilespmem:v7+s13+$0x0], $0xffff;
	vm1 =	vlt.u32 v3, $0xFFFFFFFB  }
0x143: {  	v21 =	vld.idx.msk [tilespmem:v6+s1+$0x0], $0xffff;
	v3 =	vsel vm1, $0x0, v1  }
0x144: {  	v13 =	vsel vm0, $0x1, v2;
	v8 =	vld.idx.msk [tilespmem:v8+s1+$0x0], $0xffff  }
0x145: {  	v22 =	vor.u32 $0xA, v6;
	v13 =	vor.u32 v13, v3;
	v7 =	vld.idx.msk [tilespmem:v7+s1+$0x0], $0xffff  }
0x146: {  	v23 =	vor.u32 $0xB, v6;
	v3 =	vld.idx.msk [tilespmem:v18+s1+$0x0], $0xffff  }
0x147: {  	v24 =	vld.idx.msk [tilespmem:v4+s1+$0x0], $0xffff  }
0x148: {  	v25 =	vld.idx.msk [tilespmem:v4+s13+$0x0], $0xffff  }
0x149: {  	v16 =	vor.u32 $0xC, v6;
	v26 =	vand.u32 $0xFFFF0000, v9;
	v27 =	vand.u32 $0xFFFF0000, v5;
	v28 =	vld.idx.msk [tilespmem:v12+s13+$0x0], $0xffff  }
0x14a: {  	v6 =	vor.u32 $0x6, v6;
	v9 =	vshll.u32 v9, $0x10;
	v4 =	vshll.u32 v8, $0x10;
	v12 =	vld.idx.msk [tilespmem:v12+s1+$0x0], $0xffff  }
0x14b: {  	v29 =	vand.u32 $0xFFFF0000, v21;
	v30 =	vsub.f32 v4, v9;
	v9 =	vand.u32 $0xFFFF0000, v7;
	v4 =	vld.idx.msk [tilespmem:v19+s13+$0x0], $0xffff  }
0x14c: {  	v31 =	vand.u32 $0xFFFF0000, v20;
	v8 =	vand.u32 $0xFFFF0000, v8;
	v9 =	vsub.f32 v9, v27;
	v27 =	vld.idx.msk [tilespmem:v14+s13+$0x0], $0xffff  }
0x14d: {  	v29 =	vsub.f32 v29, v31;
	v8 =	vsub.f32 v8, v26;
	v26 =	vshll.u32 v5, $0x10;
	v14 =	vld.idx.msk [tilespmem:v14+s1+$0x0], $0xffff  }
0x14e: {  	v7 =	vshll.u32 v7, $0x10;
	v31 =	vshll.u32 v24, $0x10;
	v32 =	vmul.f32 v9, v9;
	v5 =	vld.idx.msk [tilespmem:v19+s1+$0x0], $0xffff  }
0x14f: {  	v20 =	vshll.u32 v20, $0x10;
	v19 =	vshll.u32 v21, $0x10;
	v21 =	vsub.f32 v7, v26;
	v9 =	vld.idx.msk [tilespmem:v18+s13+$0x0], $0xffff  }
0x150: {  	v26 =	vmul.f32 v30, v30;
	v7 =	vand.u32 $0xFFFF0000, v3;
	v18 =	vshll.u32 v12, $0x10;
	v30 =	vld.idx.msk [tilespmem:v17+s13+$0x0], $0xffff  }
0x151: {  	v24 =	vand.u32 $0xFFFF0000, v24;
	v33 =	vshll.u32 v28, $0x10;
	v21 =	vmul.f32 v21, v21;
	v34 =	vld.idx.msk [tilespmem:v6+s13+$0x0], $0xffff  }
0x152: {  	v18 =	vsub.f32 v18, v33;
	v33 =	vand.u32 $0xFFFF0000, v27;
	v35 =	vld.idx.msk [tilespmem:v6+s1+$0x0], $0xffff;
	v6 =	vand.u32 $0xFFFF0000, v4  }
0x153: {  	v36 =	vshll.u32 v25, $0x10;
	v12 =	vand.u32 $0xFFFF0000, v12;
	v27 =	vshll.u32 v27, $0x10;
	v17 =	vld.idx.msk [tilespmem:v17+s1+$0x0], $0xffff  }
0x154: {  	v28 =	vand.u32 $0xFFFF0000, v28;
	v37 =	vshll.u32 v14, $0x10;
	v14 =	vand.u32 $0xFFFF0000, v14;
	v38 =	vld.idx.msk [tilespmem:v15+s1+$0x0], $0xffff  }
0x155: {  	v39 =	vmul.f32 v8, v8;
	v27 =	vsub.f32 v37, v27;
	v8 =	vand.u32 $0xFFFF0000, v5;
	v37 =	vld.idx.msk [tilespmem:v15+s13+$0x0], $0xffff  }
0x156: {  	v15 =	vsub.f32 v19, v20;
	v19 =	vsub.f32 v12, v28;
	v20 =	vshll.u32 v30, $0x10;
	v12 =	vld.idx.msk [tilespmem:v16+s1+$0x0], $0xffff  }
0x157: {  	v25 =	vand.u32 $0xFFFF0000, v25;
	v28 =	vmul.f32 v29, v29;
	v40 =	vmul.f32 v27, v27;
	v41 =	vld.idx.msk [tilespmem:v23+s13+$0x0], $0xffff  }
0x158: {  	v42 =	vmul.f32 v18, v18;
	v29 =	vmul.f32 v19, v19;
	v27 =	vshll.u32 v35, $0x10;
	v23 =	vld.idx.msk [tilespmem:v23+s1+$0x0], $0xffff  }
0x159: {  	v18 =	vsub.f32 v24, v25;
	v24 =	vshll.u32 v34, $0x10;
	v25 =	vshll.u32 v17, $0x10;
	v43 =	vld.idx.msk [tilespmem:v22+s13+$0x0], $0xffff  }
0x15a: {  	v19 =	vsub.f32 v31, v36;
	v31 =	vsub.f32 v14, v33;
	v33 =	vand.u32 $0xFFFF0000, v34;
	v34 =	vld.idx.msk [tilespmem:v22+s1+$0x0], $0xffff  }
0x15b: {  	v35 =	vand.u32 $0xFFFF0000, v35;
	v22 =	vmul.f32 v15, v15;
	v15 =	vshll.u32 v37, $0x10;
	v36 =	vld.idx.msk [tilespmem:v10+s1+$0x0], $0xffff  }
0x15c: {  	v18 =	vmul.f32 v18, v18;
	v14 =	vand.u32 $0xFFFF0000, v30;
	v44 =	vand.u32 $0xFFFF0000, v38;
	v30 =	vld.idx.msk [tilespmem:v10+s13+$0x0], $0xffff  }
0x15d: {  	v33 =	vsub.f32 v35, v33;
	v10 =	vmul.f32 v19, v19;
	v35 =	vshll.u32 v41, $0x10  }
0x15e: {  	v28 =	vadd.f32 v18, v28;
	v37 =	vand.u32 $0xFFFF0000, v37;
	v19 =	vshll.u32 v38, $0x10  }
0x15f: {  	v18 =	vmul.f32 v33, v33;
	v33 =	vsub.f32 v25, v20;
	v10 =	vadd.f32 v10, v22  }
0x160: {  	v24 =	vsub.f32 v27, v24;
	v20 =	vand.u32 $0xFFFF0000, v17;
	v37 =	vsub.f32 v44, v37  }
0x161: {  	v25 =	vmul.f32 v31, v31;
	v22 =	vshll.u32 v34, $0x10;
	v31 =	vand.u32 $0xFFFF0000, v34  }
0x162: {  	v27 =	vadd.f32 v39, v28;
	v17 =	vmul.f32 v33, v33;
	v28 =	vand.u32 $0xFFFF0000, v36  }
0x163: {  	v26 =	vadd.f32 v26, v10;
	v33 =	vshll.u32 v36, $0x10;
	v34 =	vshll.u32 v30, $0x10;
	v10 =	vld.idx.msk [tilespmem:v11+s13+$0x0], $0xffff  }
0x164: {  	v32 =	vadd.f32 v32, v27;
	v27 =	vand.u32 $0xFFFF0000, v30;
	v30 =	vsub.f32 v33, v34;
	v11 =	vld.idx.msk [tilespmem:v11+s1+$0x0], $0xffff  }
0x165: {  	v28 =	vsub.f32 v28, v27;
	v33 =	vand.u32 $0xFFFF0000, v43;
	v34 =	vshll.u32 v23, $0x10;
	v16 =	vld.idx.msk [tilespmem:v16+s13+$0x0], $0xffff  }
.Ltmp1:
0x166: {  	v26 =	vadd.f32 v21, v26;
	v27 =	vshll.u32 v43, $0x10;
	v21 =	vmul.f32 v30, v30;
	[tilespmem:s17+$0x124F8] =	vst v13;
	(pc) =	sbr.rel @p0 .LBB2_5-.Ltmp1, $4  }
0x167: {  	v29 =	vadd.f32 v29, v32;
	v33 =	vsub.f32 v31, v33;
	v13 =	vmul.f32 v28, v28  }
0x168: {  	v34 =	vsub.f32 v34, v35;
	v30 =	vadd.f32 v42, v26;
	v28 =	vmul.f32 v24, v24  }
0x169: {  	v32 =	vand.u32 $0xFFFF0000, v41;
	v31 =	vand.u32 $0xFFFF0000, v23;
	v26 =	vmul.f32 v37, v37  }
0x16a: {  	v23 =	vmul.f32 v34, v34;
	v30 =	vadd.f32 v40, v30;
	v24 =	vmul.f32 v33, v33  }
0x16b: {  	v15 =	vsub.f32 v19, v15  }
0x16c: {  	v40 =	vadd.f32 v25, v29;
	v41 =	vsub.f32 v31, v32;
	v42 =	vshll.u32 v12, $0x10  }
0x16d: {  	v43 =	vand.u32 $0xFFFF0000, v16;
	v44 =	vand.u32 $0xFFFF0000, v9;
	v14 =	vsub.f32 v20, v14  }
0x16e: {  	v28 =	vadd.f32 v28, v30;
	v15 =	vmul.f32 v15, v15;
	v18 =	vadd.f32 v18, v40  }
0x16f: {  	v45 =	vsub.f32 v22, v27;
	v47 =	vshll.u32 v9, $0x10;
	v48 =	vand.u32 $0xFFFF0000, v12  }
0x170: {  	v14 =	vmul.f32 v14, v14;
	v15 =	vadd.f32 v15, v28;
	v18 =	vadd.f32 v26, v18  }
0x171: {  	v4 =	vshll.u32 v4, $0x10;
	v6 =	vsub.f32 v8, v6;
	v3 =	vshll.u32 v3, $0x10  }
0x172: {  	v51 =	vshll.u32 v16, $0x10;
	v15 =	vadd.f32 v17, v15;
	v14 =	vadd.f32 v14, v18  }
0x173: {  	v5 =	vshll.u32 v5, $0x10;
	v56 =	vand.u32 $0xFFFF0000, v11;
	v57 =	vshll.u32 v11, $0x10  }
0x174: {  	v49 =	vmul.f32 v45, v45;
	v15 =	vadd.f32 v21, v15;
	v50 =	vadd.f32 v13, v14  }
0x175: {  	v58 =	vshll.u32 v10, $0x10;
	v12 =	vsub.f32 v48, v43;
	v53 =	vsub.f32 v42, v51  }
0x176: {  	v46 =	vmul.f32 v41, v41;
	v52 =	vadd.f32 v49, v15;
	v8 =	vadd.f32 v24, v50  }
0x177: {  	v7 =	vsub.f32 v7, v44;
	v3 =	vsub.f32 v3, v47;
	v54 =	vmul.f32 v12, v12  }
0x178: {  	v9 =	vmul.f32 v53, v53;
	v55 =	vadd.f32 v23, v52;
	v8 =	vadd.f32 v46, v8  }
0x179: {  	v59 =	vand.u32 $0xFFFF0000, v10;
	v4 =	vsub.f32 v5, v4;
	v7 =	vmul.f32 v7, v7  }
0x17a: {  	v3 =	vmul.f32 v3, v3;
	v9 =	vadd.f32 v9, v55;
	v5 =	vadd.f32 v54, v8  }
0x17b: {  	v60 =	vsub.f32 v57, v58;
	v10 =	vsub.f32 v56, v59;
	v6 =	vmul.f32 v6, v6  }
0x17c: {  	v4 =	vmul.f32 v4, v4;
	v3 =	vadd.f32 v3, v9;
	v5 =	vadd.f32 v7, v5  }
0x17d: {  	v61 =	vmul.f32 v10, v10  }
0x17e: {  	v62 =	vmul.f32 v60, v60;
	v3 =	vadd.f32 v4, v3;
	v5 =	vadd.f32 v6, v5;
	_ =	sdelay $0x1  }
0x17f: {  	v3 =	vadd.f32 v62, v3;
	v63 =	vadd.f32 v61, v5;
	_ =	sdelay $0x1  }
0x180: {  	v3 =	vadd.f32 v63, v3;
	_ =	sdelay $0x1  }
0x181: {  	s30 =	sadd.s32 s10, s15;
	s22 =	simm.s32 $0x11D28;
	[tilespmem:s17+$0x11D28] =	vst v3  }
0x182: {  	[hbm4b:s30+s2] =	stream.linear.scatter [tilespmem:s22], [sflag:$0x3], $0x3E8, $0x38;
	[tilespmem:$0x128E0] =	vst v63  }
0x183: {  	s14 =	sadd.s32 $0x1, s14;
	_ =	swait.ge [sflag:s24], $0x3E8  }
0x184: {  	s23 =	sadd.s32 s11, s15;
	p0 =	sne.s32 s14, $0xC;
	[sflag:s24] =	ssyncset.done $0x0  }
.Ltmp2:
0x185: {  	s30 =	simm.s32 $0x124F8;
	[sflag:s24] =	ssyncadd.s32 $0xFFFFFC18;
	(pc) =	sbr.rel @p0 .LBB2_2-.Ltmp2, $4  }
0x186: {  	[hbm4b:s23+s2] =	stream.linear.scatter [tilespmem:s30], [sflag:$0x3], $0x3E8, $0x38;
	[tilespmem:$0x128E0] =	vst v63  }
0x187: {  	_ =	swait.ge [sflag:s24], $0x3E8  }
0x188: {  	[sflag:s24] =	ssyncset.done $0x0  }
0x189: {  	[sflag:s24] =	ssyncadd.s32 $0xFFFFFC18  }
0x18a: {  	_ =	swait.ge [sflag:s18], $0x3E80  }
0x18b: {  	[sflag:s18] =	ssyncset.done $0x0  }
0x18c: {  	[sflag:s18] =	ssyncadd.s32 $0xFFFFC180  }
0x18d: {  	_ =	swait.ge [sflag:s18], $0x3E80  }
0x18e: {  	s14 =	simm.s32 $0x0;
	[sflag:s18] =	ssyncset.done $0x0  }
0x18f: {  	s14 =	smin.u32 s14, $0x3D8;
	[sflag:s18] =	ssyncadd.s32 $0xFFFFC180  }
0x190: {  	v3 =	vmov s14;
	_ =	swait.ge [sflag:s18], $0x3E8  }
0x191: {  	v3 =	vshll.u32 v3, $0x4;
	[sflag:s18] =	ssyncset.done $0x0  }
0x192: {  	v4 =	vadd.s32 v0, v3;
	[sflag:s18] =	ssyncadd.s32 $0xFFFFFC18  }
0x193: {  	v5 =	vor.u32 $0x2, v4;
	_ =	swait.ge [sflag:s18], $0x3E8  }
0x194: {  	v7 =	vor.u32 $0x3, v4;
	[sflag:s18] =	ssyncset.done $0x0  }
0x195: {  	[sflag:s18] =	ssyncadd.s32 $0xFFFFFC18  }
0x196: {  	v3 =	vld [tilespmem:s14+$0x109A0]  }
0x197: {  	v6 =	vld [tilespmem:s14+$0x11170]  }
0x198: {  	v9 =	vor.u32 $0x4, v4;
	v11 =	vld.idx.msk [tilespmem:v5+s29+$0x0], $0xffff  }
0x199: {  	v21 =	vor.u32 $0xB, v4;
	v14 =	vld.idx.msk [tilespmem:v7+s29+$0x0], $0xffff  }
0x19a: {  	v5 =	vld.idx.msk [tilespmem:v5+s28+$0x0], $0xffff  }
0x19b: {  	v8 =	vor.u32 $0x1, v4  }
0x19c: {  	v10 =	vor.u32 $0x5, v4;
	v16 =	vor.u32 $0xD, v4;
	v15 =	vor.u32 $0x7, v4  }
0x19d: {  	v17 =	vor.u32 $0x8, v4;
	v27 =	vld.idx.msk [tilespmem:v9+s29+$0x0], $0xffff;
	v12 =	vand.u32 $0xF, v3;
	v13 =	vand.u32 $0xF, v6  }
0x19e: {  	v40 =	vld.idx.msk [tilespmem:v21+s29+$0x0], $0xffff;
	v3 =	vxor.u32 v3, v6;
	v22 =	vand.u32 $0xFFFF0000, v11;
	v25 =	vand.u32 $0xFFFF0000, v14  }
0x19f: {  	v28 =	vshll.u32 v5, $0x10;
	v5 =	vand.u32 $0xFFFF0000, v5;
	v12 =	vsub.s32 v12, v13;
	v13 =	vld.idx.msk [tilespmem:v4+s28+$0x0], $0xffff  }
0x1a0: {  	v22 =	vsub.f32 v5, v22;
	v5 =	vshll.u32 v14, $0x10;
	v14 =	vld.idx.msk [tilespmem:v8+s29+$0x0], $0xffff;
	v6 =	vadd.s32 $0xFFFFFFFD, v12  }
0x1a1: {  	v18 =	vor.u32 $0x9, v4;
	v11 =	vshll.u32 v11, $0x10;
	vm1 =	vlt.u32 v6, $0xFFFFFFFB;
	v6 =	vld.idx.msk [tilespmem:v7+s28+$0x0], $0xffff  }
0x1a2: {  	v23 =	vor.u32 $0xF, v4;
	vm0 =	vlt.u32 v3, $0x10;
	v11 =	vsub.f32 v28, v11;
	v7 =	vld.idx.msk [tilespmem:v4+s29+$0x0], $0xffff  }
0x1a3: {  	v9 =	vld.idx.msk [tilespmem:v9+s28+$0x0], $0xffff;
	v12 =	vor.u32 $0xE, v4;
	v19 =	vsel vm0, $0x1, v2;
	v3 =	vsel vm1, $0x0, v1  }
0x1a4: {  	v20 =	vor.u32 $0xA, v4;
	v26 =	vor.u32 $0xC, v4;
	v24 =	vor.u32 v19, v3;
	v3 =	vld.idx.msk [tilespmem:v16+s28+$0x0], $0xffff  }
0x1a5: {  	v29 =	vor.u32 $0x6, v4;
	v60 =	vshll.u32 v40, $0x10;
	v11 =	vmul.f32 v11, v11;
	v19 =	vld.idx.msk [tilespmem:v8+s28+$0x0], $0xffff  }
0x1a6: {  	v39 =	vmul.f32 v22, v22;
	v8 =	vld.idx.msk [tilespmem:v10+s28+$0x0], $0xffff;
	v30 =	vand.u32 $0xFFFF0000, v13;
	v36 =	vshll.u32 v14, $0x10  }
0x1a7: {  	v14 =	vand.u32 $0xFFFF0000, v14;
	v28 =	vand.u32 $0xFFFF0000, v6;
	v31 =	vand.u32 $0xFFFF0000, v7  }
0x1a8: {  	v4 =	vld.idx.msk [tilespmem:v12+s29+$0x0], $0xffff;
	v6 =	vshll.u32 v6, $0x10;
	v25 =	vsub.f32 v28, v25;
	v30 =	vsub.f32 v30, v31  }
0x1a9: {  	v28 =	vld.idx.msk [tilespmem:v10+s29+$0x0], $0xffff;
	v10 =	vshll.u32 v13, $0x10;
	v13 =	vshll.u32 v7, $0x10;
	v6 =	vsub.f32 v6, v5  }
0x1aa: {  	v5 =	vld.idx.msk [tilespmem:v12+s28+$0x0], $0xffff;
	v12 =	vshll.u32 v9, $0x10;
	v9 =	vand.u32 $0xFFFF0000, v9;
	v31 =	vshll.u32 v19, $0x10  }
0x1ab: {  	v34 =	vld.idx.msk [tilespmem:v29+s29+$0x0], $0xffff;
	v7 =	vand.u32 $0xFFFF0000, v3;
	v19 =	vand.u32 $0xFFFF0000, v19;
	v37 =	vshll.u32 v8, $0x10  }
0x1ac: {  	v29 =	vld.idx.msk [tilespmem:v29+s28+$0x0], $0xffff;
	v38 =	vand.u32 $0xFFFF0000, v8;
	v10 =	vsub.f32 v10, v13;
	v32 =	vmul.f32 v25, v25  }
0x1ad: {  	v25 =	vld.idx.msk [tilespmem:v17+s29+$0x0], $0xffff;
	v33 =	vmul.f32 v6, v6;
	v6 =	vshll.u32 v27, $0x10;
	v27 =	vand.u32 $0xFFFF0000, v27  }
0x1ae: {  	v17 =	vld.idx.msk [tilespmem:v17+s28+$0x0], $0xffff;
	v30 =	vmul.f32 v30, v30;
	v12 =	vsub.f32 v12, v6;
	v6 =	vand.u32 $0xFFFF0000, v4  }
0x1af: {  	v9 =	vsub.f32 v9, v27;
	v10 =	vmul.f32 v10, v10;
	v35 =	vand.u32 $0xFFFF0000, v28  }
0x1b0: {  	v28 =	vshll.u32 v28, $0x10;
	v8 =	vand.u32 $0xFFFF0000, v5;
	v41 =	vmul.f32 v12, v12  }
0x1b1: {  	v27 =	vld.idx.msk [tilespmem:v15+s28+$0x0], $0xffff;
	v42 =	vmul.f32 v9, v9;
	v9 =	vshll.u32 v29, $0x10;
	v12 =	vsub.f32 v19, v14  }
0x1b2: {  	v57 =	vld.idx.msk [tilespmem:v20+s28+$0x0], $0xffff;
	v19 =	vsub.f32 v31, v36;
	v29 =	vand.u32 $0xFFFF0000, v29;
	v22 =	vsub.f32 v37, v28  }
0x1b3: {  	v44 =	vld.idx.msk [tilespmem:v18+s29+$0x0], $0xffff;
	v31 =	vsub.f32 v38, v35;
	v13 =	vshll.u32 v25, $0x10;
	v43 =	vshll.u32 v17, $0x10  }
0x1b4: {  	v28 =	vld.idx.msk [tilespmem:v15+s29+$0x0], $0xffff;
	v12 =	vmul.f32 v12, v12;
	v14 =	vand.u32 $0xFFFF0000, v25;
	v25 =	vmul.f32 v19, v19  }
0x1b5: {  	v37 =	vmul.f32 v22, v22;
	v22 =	vshll.u32 v34, $0x10;
	v34 =	vand.u32 $0xFFFF0000, v34  }
0x1b6: {  	v59 =	vld.idx.msk [tilespmem:v18+s28+$0x0], $0xffff;
	v58 =	vand.u32 $0xFFFF0000, v27;
	v13 =	vsub.f32 v43, v13;
	v29 =	vsub.f32 v29, v34  }
0x1b7: {  	v19 =	vshll.u32 v27, $0x10;
	v12 =	vadd.f32 v12, v30;
	v10 =	vadd.f32 v25, v10  }
0x1b8: {  	v61 =	vsub.f32 v9, v22;
	v25 =	vmul.f32 v31, v31;
	v22 =	vshll.u32 v57, $0x10  }
0x1b9: {  	v30 =	vld.idx.msk [tilespmem:v21+s28+$0x0], $0xffff;
	v31 =	vand.u32 $0xFFFF0000, v57;
	v21 =	vand.u32 $0xFFFF0000, v44;
	v15 =	vshll.u32 v28, $0x10  }
0x1ba: {  	v27 =	vand.u32 $0xFFFF0000, v28;
	v28 =	vld.idx.msk [tilespmem:v20+s29+$0x0], $0xffff;
	v20 =	vand.u32 $0xFFFF0000, v17;
	v9 =	vadd.f32 v39, v12  }
0x1bb: {  	v17 =	vmul.f32 v13, v13;
	v12 =	vand.u32 $0xFFFF0000, v59;
	v10 =	vadd.f32 v11, v10  }
0x1bc: {  	v11 =	vshll.u32 v59, $0x10;
	v13 =	vshll.u32 v44, $0x10;
	v36 =	vsub.f32 v58, v27  }
0x1bd: {  	v18 =	vmul.f32 v29, v29;
	v11 =	vsub.f32 v11, v13;
	v13 =	vsub.f32 v12, v21;
	v12 =	vld.idx.msk [tilespmem:v26+s28+$0x0], $0xffff  }
0x1be: {  	v29 =	vadd.f32 v32, v9;
	v9 =	vld.idx.msk [tilespmem:v16+s29+$0x0], $0xffff;
	v33 =	vadd.f32 v33, v10;
	v32 =	vand.u32 $0xFFFF0000, v40  }
0x1bf: {  	v10 =	vld.idx.msk [tilespmem:v23+s29+$0x0], $0xffff;
	v62 =	vshll.u32 v30, $0x10;
	v21 =	vmul.f32 v11, v11;
	v16 =	vand.u32 $0xFFFF0000, v28  }
0x1c0: {  	v13 =	vmul.f32 v13, v13;
	v29 =	vadd.f32 v42, v29;
	v35 =	vsub.f32 v31, v16;
	v16 =	vld.idx.msk [tilespmem:v26+s29+$0x0], $0xffff  }
0x1c1: {  	v11 =	vld.idx.msk [tilespmem:v23+s28+$0x0], $0xffff;
	v23 =	vadd.f32 v41, v33;
	v63 =	vsub.f32 v62, v60;
	v27 =	vshll.u32 v28, $0x10  }
0x1c2: {  	v28 =	vmul.f32 v61, v61;
	v26 =	vmul.f32 v36, v36;
	v31 =	vand.u32 $0xFFFF0000, v30  }
0x1c3: {  	s15 =	simm.s32 $0x10;
	[tilespmem:s14+$0x12110] =	vst v24;
	v30 =	vadd.f32 v37, v23;
	v23 =	vmul.f32 v63, v63;
	v24 =	vmul.f32 v35, v35  }
.LBB2_8:
0x1c4: {  	p0 =	sne.s32 s15, $0x3E0;
	v25 =	vadd.f32 v25, v29;
	v29 =	vsub.f32 v31, v32;
	v31 =	vshll.u32 v12, $0x10;
	s17 =	smov.u32 s15;
	s15 =	sadd.s32 $0x10, s15  }
0x1c5: {  	v15 =	vsub.f32 v19, v15;
	v19 =	vand.u32 $0xFFFF0000, v16;
	v32 =	vand.u32 $0xFFFF0000, v9  }
0x1c6: {  	v22 =	vsub.f32 v22, v27;
	v7 =	vsub.f32 v7, v32;
	v27 =	vmul.f32 v29, v29  }
0x1c7: {  	v14 =	vsub.f32 v20, v14;
	v9 =	vshll.u32 v9, $0x10;
	v28 =	vadd.f32 v28, v30  }
0x1c8: {  	v12 =	vand.u32 $0xFFFF0000, v12;
	v18 =	vadd.f32 v18, v25;
	v15 =	vmul.f32 v15, v15  }
0x1c9: {  	v4 =	vshll.u32 v4, $0x10;
	v12 =	vsub.f32 v12, v19;
	v14 =	vmul.f32 v14, v14  }
0x1ca: {  	v6 =	vsub.f32 v8, v6;
	v7 =	vmul.f32 v7, v7;
	v15 =	vadd.f32 v15, v28  }
0x1cb: {  	v5 =	vshll.u32 v5, $0x10;
	v8 =	vadd.f32 v26, v18;
	v18 =	vmul.f32 v22, v22  }
0x1cc: {  	v4 =	vsub.f32 v5, v4;
	v15 =	vadd.f32 v17, v15  }
0x1cd: {  	v5 =	vadd.f32 v14, v8  }
0x1ce: {  	v8 =	vadd.f32 v21, v15  }
0x1cf: {  	v3 =	vshll.u32 v3, $0x10;
	v5 =	vadd.f32 v13, v5;
	v13 =	vshll.u32 v16, $0x10  }
0x1d0: {  	v3 =	vsub.f32 v3, v9;
	v8 =	vadd.f32 v18, v8  }
0x1d1: {  	v12 =	vmul.f32 v12, v12;
	v9 =	vsub.f32 v31, v13;
	v5 =	vadd.f32 v24, v5  }
0x1d2: {  	v3 =	vmul.f32 v3, v3;
	v8 =	vadd.f32 v23, v8  }
0x1d3: {  	v13 =	vand.u32 $0xFFFF0000, v11;
	v9 =	vmul.f32 v9, v9;
	v5 =	vadd.f32 v27, v5  }
0x1d4: {  	v14 =	vshll.u32 v10, $0x10;
	v10 =	vand.u32 $0xFFFF0000, v10;
	v11 =	vshll.u32 v11, $0x10  }
0x1d5: {  	v6 =	vmul.f32 v6, v6;
	v8 =	vadd.f32 v9, v8;
	v5 =	vadd.f32 v12, v5  }
0x1d6: {  	v10 =	vsub.f32 v13, v10;
	v9 =	vsub.f32 v11, v14  }
0x1d7: {  	v4 =	vmul.f32 v4, v4;
	v3 =	vadd.f32 v3, v8;
	v5 =	vadd.f32 v7, v5  }
0x1d8: {  	s17 =	smin.u32 s17, $0x3D8;
	v7 =	vmul.f32 v10, v10  }
0x1d9: {  	v8 =	vmov s17;
	v3 =	vadd.f32 v4, v3;
	v4 =	vmul.f32 v9, v9;
	v11 =	vld [tilespmem:s17+$0x109A0]  }
0x1da: {  	v8 =	vshll.u32 v8, $0x4;
	v5 =	vadd.f32 v6, v5;
	v9 =	vld [tilespmem:s17+$0x11170]  }
0x1db: {  	v6 =	vadd.s32 v0, v8;
	v3 =	vadd.f32 v4, v3  }
0x1dc: {  	v8 =	vor.u32 $0x2, v6;
	v4 =	vor.u32 $0x1, v6;
	v5 =	vadd.f32 v7, v5  }
0x1dd: {  	v12 =	vor.u32 $0x4, v6;
	v14 =	vor.u32 $0x5, v6;
	v7 =	vor.u32 $0x3, v6  }
0x1de: {  	v15 =	vor.u32 $0x7, v6;
	v17 =	vor.u32 $0x8, v6;
	v3 =	vadd.f32 v5, v3  }
0x1df: {  	v10 =	vor.u32 $0x9, v6;
	v5 =	vxor.u32 v11, v9;
	v11 =	vand.u32 $0xF, v11  }
0x1e0: {  	vm0 =	vlt.u32 v5, $0x10;
	v5 =	vand.u32 $0xF, v9;
	[tilespmem:s14+$0x11940] =	vst v3;
	s14 =	smov.u32 s17  }
0x1e1: {  	v18 =	vor.u32 $0xD, v6;
	v19 =	vor.u32 $0xE, v6;
	v9 =	vld.idx.msk [tilespmem:v8+s29+$0x0], $0xffff;
	v3 =	vsub.s32 v11, v5  }
0x1e2: {  	v11 =	vor.u32 $0xF, v6;
	v20 =	vld.idx.msk [tilespmem:v6+s29+$0x0], $0xffff;
	v3 =	vadd.s32 $0xFFFFFFFD, v3  }
0x1e3: {  	v5 =	vld.idx.msk [tilespmem:v7+s29+$0x0], $0xffff;
	vm1 =	vlt.u32 v3, $0xFFFFFFFB  }
0x1e4: {  	v21 =	vld.idx.msk [tilespmem:v6+s28+$0x0], $0xffff;
	v3 =	vsel vm1, $0x0, v1  }
0x1e5: {  	v13 =	vsel vm0, $0x1, v2;
	v8 =	vld.idx.msk [tilespmem:v8+s28+$0x0], $0xffff  }
0x1e6: {  	v22 =	vor.u32 $0xA, v6;
	v13 =	vor.u32 v13, v3;
	v7 =	vld.idx.msk [tilespmem:v7+s28+$0x0], $0xffff  }
0x1e7: {  	v23 =	vor.u32 $0xB, v6;
	v3 =	vld.idx.msk [tilespmem:v18+s28+$0x0], $0xffff  }
0x1e8: {  	v24 =	vld.idx.msk [tilespmem:v4+s28+$0x0], $0xffff  }
0x1e9: {  	v25 =	vld.idx.msk [tilespmem:v4+s29+$0x0], $0xffff  }
0x1ea: {  	v16 =	vor.u32 $0xC, v6;
	v26 =	vand.u32 $0xFFFF0000, v9;
	v27 =	vand.u32 $0xFFFF0000, v5;
	v28 =	vld.idx.msk [tilespmem:v12+s29+$0x0], $0xffff  }
0x1eb: {  	v6 =	vor.u32 $0x6, v6;
	v9 =	vshll.u32 v9, $0x10;
	v4 =	vshll.u32 v8, $0x10;
	v12 =	vld.idx.msk [tilespmem:v12+s28+$0x0], $0xffff  }
0x1ec: {  	v29 =	vand.u32 $0xFFFF0000, v21;
	v30 =	vsub.f32 v4, v9;
	v9 =	vand.u32 $0xFFFF0000, v7;
	v4 =	vld.idx.msk [tilespmem:v19+s29+$0x0], $0xffff  }
0x1ed: {  	v31 =	vand.u32 $0xFFFF0000, v20;
	v8 =	vand.u32 $0xFFFF0000, v8;
	v9 =	vsub.f32 v9, v27;
	v27 =	vld.idx.msk [tilespmem:v14+s29+$0x0], $0xffff  }
0x1ee: {  	v29 =	vsub.f32 v29, v31;
	v8 =	vsub.f32 v8, v26;
	v26 =	vshll.u32 v5, $0x10;
	v14 =	vld.idx.msk [tilespmem:v14+s28+$0x0], $0xffff  }
0x1ef: {  	v7 =	vshll.u32 v7, $0x10;
	v31 =	vshll.u32 v24, $0x10;
	v32 =	vmul.f32 v9, v9;
	v5 =	vld.idx.msk [tilespmem:v19+s28+$0x0], $0xffff  }
0x1f0: {  	v20 =	vshll.u32 v20, $0x10;
	v19 =	vshll.u32 v21, $0x10;
	v21 =	vsub.f32 v7, v26;
	v9 =	vld.idx.msk [tilespmem:v18+s29+$0x0], $0xffff  }
0x1f1: {  	v26 =	vmul.f32 v30, v30;
	v7 =	vand.u32 $0xFFFF0000, v3;
	v18 =	vshll.u32 v12, $0x10;
	v30 =	vld.idx.msk [tilespmem:v17+s29+$0x0], $0xffff  }
0x1f2: {  	v24 =	vand.u32 $0xFFFF0000, v24;
	v33 =	vshll.u32 v28, $0x10;
	v21 =	vmul.f32 v21, v21;
	v34 =	vld.idx.msk [tilespmem:v6+s29+$0x0], $0xffff  }
0x1f3: {  	v18 =	vsub.f32 v18, v33;
	v33 =	vand.u32 $0xFFFF0000, v27;
	v35 =	vld.idx.msk [tilespmem:v6+s28+$0x0], $0xffff;
	v6 =	vand.u32 $0xFFFF0000, v4  }
0x1f4: {  	v36 =	vshll.u32 v25, $0x10;
	v12 =	vand.u32 $0xFFFF0000, v12;
	v27 =	vshll.u32 v27, $0x10;
	v17 =	vld.idx.msk [tilespmem:v17+s28+$0x0], $0xffff  }
0x1f5: {  	v28 =	vand.u32 $0xFFFF0000, v28;
	v37 =	vshll.u32 v14, $0x10;
	v14 =	vand.u32 $0xFFFF0000, v14;
	v38 =	vld.idx.msk [tilespmem:v15+s28+$0x0], $0xffff  }
0x1f6: {  	v39 =	vmul.f32 v8, v8;
	v27 =	vsub.f32 v37, v27;
	v8 =	vand.u32 $0xFFFF0000, v5;
	v37 =	vld.idx.msk [tilespmem:v15+s29+$0x0], $0xffff  }
0x1f7: {  	v15 =	vsub.f32 v19, v20;
	v19 =	vsub.f32 v12, v28;
	v20 =	vshll.u32 v30, $0x10;
	v12 =	vld.idx.msk [tilespmem:v16+s28+$0x0], $0xffff  }
0x1f8: {  	v25 =	vand.u32 $0xFFFF0000, v25;
	v28 =	vmul.f32 v29, v29;
	v40 =	vmul.f32 v27, v27;
	v41 =	vld.idx.msk [tilespmem:v23+s29+$0x0], $0xffff  }
0x1f9: {  	v42 =	vmul.f32 v18, v18;
	v29 =	vmul.f32 v19, v19;
	v27 =	vshll.u32 v35, $0x10;
	v23 =	vld.idx.msk [tilespmem:v23+s28+$0x0], $0xffff  }
0x1fa: {  	v18 =	vsub.f32 v24, v25;
	v24 =	vshll.u32 v34, $0x10;
	v25 =	vshll.u32 v17, $0x10;
	v43 =	vld.idx.msk [tilespmem:v22+s29+$0x0], $0xffff  }
0x1fb: {  	v19 =	vsub.f32 v31, v36;
	v31 =	vsub.f32 v14, v33;
	v33 =	vand.u32 $0xFFFF0000, v34;
	v34 =	vld.idx.msk [tilespmem:v22+s28+$0x0], $0xffff  }
0x1fc: {  	v35 =	vand.u32 $0xFFFF0000, v35;
	v22 =	vmul.f32 v15, v15;
	v15 =	vshll.u32 v37, $0x10;
	v36 =	vld.idx.msk [tilespmem:v10+s28+$0x0], $0xffff  }
0x1fd: {  	v18 =	vmul.f32 v18, v18;
	v14 =	vand.u32 $0xFFFF0000, v30;
	v44 =	vand.u32 $0xFFFF0000, v38;
	v30 =	vld.idx.msk [tilespmem:v10+s29+$0x0], $0xffff  }
0x1fe: {  	v33 =	vsub.f32 v35, v33;
	v10 =	vmul.f32 v19, v19;
	v35 =	vshll.u32 v41, $0x10  }
0x1ff: {  	v28 =	vadd.f32 v18, v28;
	v37 =	vand.u32 $0xFFFF0000, v37;
	v19 =	vshll.u32 v38, $0x10  }
0x200: {  	v18 =	vmul.f32 v33, v33;
	v33 =	vsub.f32 v25, v20;
	v10 =	vadd.f32 v10, v22  }
0x201: {  	v24 =	vsub.f32 v27, v24;
	v20 =	vand.u32 $0xFFFF0000, v17;
	v37 =	vsub.f32 v44, v37  }
0x202: {  	v25 =	vmul.f32 v31, v31;
	v22 =	vshll.u32 v34, $0x10;
	v31 =	vand.u32 $0xFFFF0000, v34  }
0x203: {  	v27 =	vadd.f32 v39, v28;
	v17 =	vmul.f32 v33, v33;
	v28 =	vand.u32 $0xFFFF0000, v36  }
0x204: {  	v26 =	vadd.f32 v26, v10;
	v33 =	vshll.u32 v36, $0x10;
	v34 =	vshll.u32 v30, $0x10;
	v10 =	vld.idx.msk [tilespmem:v11+s29+$0x0], $0xffff  }
0x205: {  	v32 =	vadd.f32 v32, v27;
	v27 =	vand.u32 $0xFFFF0000, v30;
	v30 =	vsub.f32 v33, v34;
	v11 =	vld.idx.msk [tilespmem:v11+s28+$0x0], $0xffff  }
0x206: {  	v28 =	vsub.f32 v28, v27;
	v33 =	vand.u32 $0xFFFF0000, v43;
	v34 =	vshll.u32 v23, $0x10;
	v16 =	vld.idx.msk [tilespmem:v16+s29+$0x0], $0xffff  }
.Ltmp3:
0x207: {  	v26 =	vadd.f32 v21, v26;
	v27 =	vshll.u32 v43, $0x10;
	v21 =	vmul.f32 v30, v30;
	[tilespmem:s14+$0x12110] =	vst v13;
	(pc) =	sbr.rel @p0 .LBB2_8-.Ltmp3, $4  }
0x208: {  	v29 =	vadd.f32 v29, v32;
	v33 =	vsub.f32 v31, v33;
	v13 =	vmul.f32 v28, v28  }
0x209: {  	v34 =	vsub.f32 v34, v35;
	v30 =	vadd.f32 v42, v26;
	v28 =	vmul.f32 v24, v24  }
0x20a: {  	v32 =	vand.u32 $0xFFFF0000, v41;
	v31 =	vand.u32 $0xFFFF0000, v23;
	v26 =	vmul.f32 v37, v37  }
0x20b: {  	v23 =	vmul.f32 v34, v34;
	v30 =	vadd.f32 v40, v30;
	v24 =	vmul.f32 v33, v33  }
0x20c: {  	v15 =	vsub.f32 v19, v15  }
0x20d: {  	v40 =	vadd.f32 v25, v29;
	v41 =	vsub.f32 v31, v32;
	v42 =	vshll.u32 v12, $0x10  }
0x20e: {  	v43 =	vand.u32 $0xFFFF0000, v16;
	v44 =	vand.u32 $0xFFFF0000, v9;
	v14 =	vsub.f32 v20, v14  }
0x20f: {  	v28 =	vadd.f32 v28, v30;
	v15 =	vmul.f32 v15, v15;
	v18 =	vadd.f32 v18, v40  }
0x210: {  	v45 =	vsub.f32 v22, v27;
	v47 =	vshll.u32 v9, $0x10;
	v48 =	vand.u32 $0xFFFF0000, v12  }
0x211: {  	v14 =	vmul.f32 v14, v14;
	v15 =	vadd.f32 v15, v28;
	v18 =	vadd.f32 v26, v18  }
0x212: {  	v4 =	vshll.u32 v4, $0x10;
	v6 =	vsub.f32 v8, v6;
	v3 =	vshll.u32 v3, $0x10  }
0x213: {  	v51 =	vshll.u32 v16, $0x10;
	v15 =	vadd.f32 v17, v15;
	v14 =	vadd.f32 v14, v18  }
0x214: {  	v5 =	vshll.u32 v5, $0x10;
	v56 =	vand.u32 $0xFFFF0000, v11;
	v57 =	vshll.u32 v11, $0x10  }
0x215: {  	v49 =	vmul.f32 v45, v45;
	v15 =	vadd.f32 v21, v15;
	v50 =	vadd.f32 v13, v14  }
0x216: {  	v58 =	vshll.u32 v10, $0x10;
	v12 =	vsub.f32 v48, v43;
	v53 =	vsub.f32 v42, v51  }
0x217: {  	v46 =	vmul.f32 v41, v41;
	v52 =	vadd.f32 v49, v15;
	v8 =	vadd.f32 v24, v50  }
0x218: {  	v7 =	vsub.f32 v7, v44;
	v3 =	vsub.f32 v3, v47;
	v54 =	vmul.f32 v12, v12  }
0x219: {  	v9 =	vmul.f32 v53, v53;
	v55 =	vadd.f32 v23, v52;
	v8 =	vadd.f32 v46, v8  }
0x21a: {  	v59 =	vand.u32 $0xFFFF0000, v10;
	v4 =	vsub.f32 v5, v4;
	v7 =	vmul.f32 v7, v7  }
0x21b: {  	v3 =	vmul.f32 v3, v3;
	v9 =	vadd.f32 v9, v55;
	v5 =	vadd.f32 v54, v8  }
0x21c: {  	v60 =	vsub.f32 v57, v58;
	v10 =	vsub.f32 v56, v59;
	v6 =	vmul.f32 v6, v6  }
0x21d: {  	v4 =	vmul.f32 v4, v4;
	v3 =	vadd.f32 v3, v9;
	v5 =	vadd.f32 v7, v5  }
0x21e: {  	v61 =	vmul.f32 v10, v10  }
0x21f: {  	v62 =	vmul.f32 v60, v60;
	v3 =	vadd.f32 v4, v3;
	v5 =	vadd.f32 v6, v5;
	_ =	sdelay $0x1  }
0x220: {  	v3 =	vadd.f32 v62, v3;
	v63 =	vadd.f32 v61, v5;
	_ =	sdelay $0x1  }
0x221: {  	v3 =	vadd.f32 v63, v3;
	_ =	sdelay $0x1  }
0x222: {  	s15 =	simm.s32 $0x0;
	s31 =	rddreg [dreg:$0x5];
	[tilespmem:s14+$0x11940] =	vst v3  }
0x223: {  	[hbm4b:s31+s15] =	stream.linear.scatter [tilespmem:s19], [sflag:$0x3], $0x3E8, $0x38;
	[tilespmem:$0x128E0] =	vst v63  }
0x224: {  	_ =	swait.ge [sflag:s24], $0x3E8  }
0x225: {  	[sflag:s24] =	ssyncset.done $0x0  }
0x226: {  	s17 =	rddreg [dreg:$0x6];
	[sflag:s24] =	ssyncadd.s32 $0xFFFFFC18  }
0x227: {  	[hbm4b:s17+s15] =	stream.linear.scatter [tilespmem:s20], [sflag:$0x3], $0x3E8, $0x38;
	[tilespmem:$0x128E0] =	vst v63  }
0x228: {  	_ =	swait.ge [sflag:s24], $0x3E8  }
0x229: {  	[sflag:s24] =	ssyncset.done $0x0  }
0x22a: {  	s22 =	rddreg [dreg:$0x7];
	[sflag:s24] =	ssyncadd.s32 $0xFFFFFC18  }
0x22b: {  	[tilespmem:s15], [sflag:$0x3] =	stream.linear.gather [hbm4b:s22+s15], $0x3E8, $0x38;
	[tilespmem:$0x128E0] =	vst v63  }
0x22c: {  	_ =	swait.ge [sflag:s24], $0x3E8  }
0x22d: {  	[sflag:s24] =	ssyncset.done $0x0  }
0x22e: {  	s23 =	rddreg [dreg:$0x8];
	[sflag:s24] =	ssyncadd.s32 $0xFFFFFC18  }
0x22f: {  	[tilespmem:s25], [sflag:$0x3] =	stream.linear.gather [hbm4b:s23+s15], $0x3E8, $0x38;
	[tilespmem:$0x128E0] =	vst v63  }
0x230: {  	_ =	swait.ge [sflag:s24], $0x3E8  }
0x231: {  	[sflag:s24] =	ssyncset.done $0x0  }
0x232: {  	[sflag:s24] =	ssyncadd.s32 $0xFFFFFC18  }
0x233: {  	[tilespmem:s28], [sflag:$0x1] =	stream.indirect.gather [hbm4b:s4+s26], $0x10, s15, s26, $0xb8;
	[tilespmem:$0x128E0] =	vst v63  }
0x234: {  	_ = 	snop  }
0x235: {  	[tilespmem:s29], [sflag:$0x1] =	stream.indirect.gather [hbm4b:s4+s26], $0x10, s25, s26, $0xb8;
	[tilespmem:$0x128E0] =	vst v63  }
0x236: {  	s30 =	simm.s32 $0x109A0  }
0x237: {  	[tilespmem:s30], [sflag:$0x1] =	stream.indirect.gather [hbm4b:s6+s26], $0x1, s15, s26, $0xb8;
	[tilespmem:$0x128E0] =	vst v63  }
0x238: {  	s14 =	simm.s32 $0x0;
	s31 =	simm.s32 $0x11170  }
0x239: {  	[tilespmem:s31], [sflag:$0x1] =	stream.indirect.gather [hbm4b:s6+s26], $0x1, s25, s26, $0xb8;
	[tilespmem:$0x128E0] =	vst v63  }
.LBB2_10:
0x23a: {  	s22 =	smul.u32 $0x7D0, s14;
	_ =	sdelay $0x1  }
0x23b: {  	s17 =	sadd.s32 $0x3E8, s22  }
0x23c: {  	s23 =	sadd.s32 s7, s17  }
0x23d: {  	s23 =	sshrl.u32 s23, $0x3  }
0x23e: {  	s23 =	sadd.s32 s9, s23  }
0x23f: {  	[tilespmem:s26], [sflag:$0x3] =	stream.linear.gather [hbm4b:s23+s15], $0x3E8, $0x38;
	[tilespmem:$0x128E0] =	vst v63  }
0x240: {  	_ =	swait.ge [sflag:s24], $0x3E8  }
0x241: {  	[sflag:s24] =	ssyncset.done $0x0  }
0x242: {  	s23 =	sadd.s32 $0x186A0, s23;
	[sflag:s24] =	ssyncadd.s32 $0xFFFFFC18  }
0x243: {  	[tilespmem:s0], [sflag:$0x3] =	stream.linear.gather [hbm4b:s23+s15], $0x3E8, $0x38;
	[tilespmem:$0x128E0] =	vst v63  }
0x244: {  	_ =	swait.ge [sflag:s24], $0x3E8  }
0x245: {  	[sflag:s24] =	ssyncset.done $0x0  }
0x246: {  	[sflag:s24] =	ssyncadd.s32 $0xFFFFFC18  }
0x247: {  	[tilespmem:s1], [sflag:$0x2] =	stream.indirect.gather [hbm4b:s4+s26], $0x10, s26, s26, $0xb8;
	[tilespmem:$0x128E0] =	vst v63  }
0x248: {  	_ = 	snop  }
0x249: {  	[tilespmem:s13], [sflag:$0x2] =	stream.indirect.gather [hbm4b:s4+s26], $0x10, s0, s26, $0xb8;
	[tilespmem:$0x128E0] =	vst v63  }
0x24a: {  	s31 =	simm.s32 $0x10D88  }
0x24b: {  	[tilespmem:s31], [sflag:$0x2] =	stream.indirect.gather [hbm4b:s6+s26], $0x1, s26, s26, $0xb8;
	[tilespmem:$0x128E0] =	vst v63  }
0x24c: {  	s31 =	simm.s32 $0x11558  }
0x24d: {  	[tilespmem:s31], [sflag:$0x2] =	stream.indirect.gather [hbm4b:s6+s26], $0x1, s0, s26, $0xb8;
	[tilespmem:$0x128E0] =	vst v63  }
0x24e: {  	_ =	swait.ge [sflag:s18], $0x3E80  }
0x24f: {  	[sflag:s18] =	ssyncset.done $0x0  }
0x250: {  	[sflag:s18] =	ssyncadd.s32 $0xFFFFC180  }
0x251: {  	_ =	swait.ge [sflag:s18], $0x3E80  }
0x252: {  	[sflag:s18] =	ssyncset.done $0x0  }
0x253: {  	s23 =	smin.u32 s15, $0x3D8;
	[sflag:s18] =	ssyncadd.s32 $0xFFFFC180  }
0x254: {  	v3 =	vmov s23;
	_ =	swait.ge [sflag:s18], $0x3E8  }
0x255: {  	v3 =	vshll.u32 v3, $0x4;
	[sflag:s18] =	ssyncset.done $0x0  }
0x256: {  	v4 =	vadd.s32 v0, v3;
	[sflag:s18] =	ssyncadd.s32 $0xFFFFFC18  }
0x257: {  	v5 =	vor.u32 $0x2, v4;
	_ =	swait.ge [sflag:s18], $0x3E8  }
0x258: {  	v7 =	vor.u32 $0x3, v4;
	[sflag:s18] =	ssyncset.done $0x0  }
0x259: {  	[sflag:s18] =	ssyncadd.s32 $0xFFFFFC18  }
0x25a: {  	v3 =	vld [tilespmem:s23+$0x109A0]  }
0x25b: {  	v6 =	vld [tilespmem:s23+$0x11170]  }
0x25c: {  	v9 =	vor.u32 $0x4, v4;
	v11 =	vld.idx.msk [tilespmem:v5+s29+$0x0], $0xffff  }
0x25d: {  	v21 =	vor.u32 $0xB, v4;
	v14 =	vld.idx.msk [tilespmem:v7+s29+$0x0], $0xffff  }
0x25e: {  	v5 =	vld.idx.msk [tilespmem:v5+s28+$0x0], $0xffff  }
0x25f: {  	v8 =	vor.u32 $0x1, v4  }
0x260: {  	v10 =	vor.u32 $0x5, v4;
	v16 =	vor.u32 $0xD, v4;
	v15 =	vor.u32 $0x7, v4  }
0x261: {  	v17 =	vor.u32 $0x8, v4;
	v27 =	vld.idx.msk [tilespmem:v9+s29+$0x0], $0xffff;
	v12 =	vand.u32 $0xF, v3;
	v13 =	vand.u32 $0xF, v6  }
0x262: {  	v40 =	vld.idx.msk [tilespmem:v21+s29+$0x0], $0xffff;
	v3 =	vxor.u32 v3, v6;
	v22 =	vand.u32 $0xFFFF0000, v11;
	v25 =	vand.u32 $0xFFFF0000, v14  }
0x263: {  	v28 =	vshll.u32 v5, $0x10;
	v5 =	vand.u32 $0xFFFF0000, v5;
	v12 =	vsub.s32 v12, v13;
	v13 =	vld.idx.msk [tilespmem:v4+s28+$0x0], $0xffff  }
0x264: {  	v22 =	vsub.f32 v5, v22;
	v5 =	vshll.u32 v14, $0x10;
	v14 =	vld.idx.msk [tilespmem:v8+s29+$0x0], $0xffff;
	v6 =	vadd.s32 $0xFFFFFFFD, v12  }
0x265: {  	v18 =	vor.u32 $0x9, v4;
	v11 =	vshll.u32 v11, $0x10;
	vm1 =	vlt.u32 v6, $0xFFFFFFFB;
	v6 =	vld.idx.msk [tilespmem:v7+s28+$0x0], $0xffff  }
0x266: {  	v23 =	vor.u32 $0xF, v4;
	vm0 =	vlt.u32 v3, $0x10;
	v11 =	vsub.f32 v28, v11;
	v7 =	vld.idx.msk [tilespmem:v4+s29+$0x0], $0xffff  }
0x267: {  	v9 =	vld.idx.msk [tilespmem:v9+s28+$0x0], $0xffff;
	v12 =	vor.u32 $0xE, v4;
	v19 =	vsel vm0, $0x1, v2;
	v3 =	vsel vm1, $0x0, v1  }
0x268: {  	v20 =	vor.u32 $0xA, v4;
	v26 =	vor.u32 $0xC, v4;
	v24 =	vor.u32 v19, v3;
	v3 =	vld.idx.msk [tilespmem:v16+s28+$0x0], $0xffff  }
0x269: {  	v29 =	vor.u32 $0x6, v4;
	v60 =	vshll.u32 v40, $0x10;
	v11 =	vmul.f32 v11, v11;
	v19 =	vld.idx.msk [tilespmem:v8+s28+$0x0], $0xffff  }
0x26a: {  	v39 =	vmul.f32 v22, v22;
	v8 =	vld.idx.msk [tilespmem:v10+s28+$0x0], $0xffff;
	v30 =	vand.u32 $0xFFFF0000, v13;
	v36 =	vshll.u32 v14, $0x10  }
0x26b: {  	v14 =	vand.u32 $0xFFFF0000, v14;
	v28 =	vand.u32 $0xFFFF0000, v6;
	v31 =	vand.u32 $0xFFFF0000, v7  }
0x26c: {  	v4 =	vld.idx.msk [tilespmem:v12+s29+$0x0], $0xffff;
	v6 =	vshll.u32 v6, $0x10;
	v25 =	vsub.f32 v28, v25;
	v30 =	vsub.f32 v30, v31  }
0x26d: {  	v28 =	vld.idx.msk [tilespmem:v10+s29+$0x0], $0xffff;
	v10 =	vshll.u32 v13, $0x10;
	v13 =	vshll.u32 v7, $0x10;
	v6 =	vsub.f32 v6, v5  }
0x26e: {  	v5 =	vld.idx.msk [tilespmem:v12+s28+$0x0], $0xffff;
	v12 =	vshll.u32 v9, $0x10;
	v9 =	vand.u32 $0xFFFF0000, v9;
	v31 =	vshll.u32 v19, $0x10  }
0x26f: {  	v34 =	vld.idx.msk [tilespmem:v29+s29+$0x0], $0xffff;
	v7 =	vand.u32 $0xFFFF0000, v3;
	v19 =	vand.u32 $0xFFFF0000, v19;
	v37 =	vshll.u32 v8, $0x10  }
0x270: {  	v29 =	vld.idx.msk [tilespmem:v29+s28+$0x0], $0xffff;
	v38 =	vand.u32 $0xFFFF0000, v8;
	v10 =	vsub.f32 v10, v13;
	v32 =	vmul.f32 v25, v25  }
0x271: {  	v25 =	vld.idx.msk [tilespmem:v17+s29+$0x0], $0xffff;
	v33 =	vmul.f32 v6, v6;
	v6 =	vshll.u32 v27, $0x10;
	v27 =	vand.u32 $0xFFFF0000, v27  }
0x272: {  	v17 =	vld.idx.msk [tilespmem:v17+s28+$0x0], $0xffff;
	v30 =	vmul.f32 v30, v30;
	v12 =	vsub.f32 v12, v6;
	v6 =	vand.u32 $0xFFFF0000, v4  }
0x273: {  	v9 =	vsub.f32 v9, v27;
	v10 =	vmul.f32 v10, v10;
	v35 =	vand.u32 $0xFFFF0000, v28  }
0x274: {  	v28 =	vshll.u32 v28, $0x10;
	v8 =	vand.u32 $0xFFFF0000, v5;
	v41 =	vmul.f32 v12, v12  }
0x275: {  	v27 =	vld.idx.msk [tilespmem:v15+s28+$0x0], $0xffff;
	v42 =	vmul.f32 v9, v9;
	v9 =	vshll.u32 v29, $0x10;
	v12 =	vsub.f32 v19, v14  }
0x276: {  	v57 =	vld.idx.msk [tilespmem:v20+s28+$0x0], $0xffff;
	v19 =	vsub.f32 v31, v36;
	v29 =	vand.u32 $0xFFFF0000, v29;
	v22 =	vsub.f32 v37, v28  }
0x277: {  	v44 =	vld.idx.msk [tilespmem:v18+s29+$0x0], $0xffff;
	v31 =	vsub.f32 v38, v35;
	v13 =	vshll.u32 v25, $0x10;
	v43 =	vshll.u32 v17, $0x10  }
0x278: {  	v28 =	vld.idx.msk [tilespmem:v15+s29+$0x0], $0xffff;
	v12 =	vmul.f32 v12, v12;
	v14 =	vand.u32 $0xFFFF0000, v25;
	v25 =	vmul.f32 v19, v19  }
0x279: {  	v37 =	vmul.f32 v22, v22;
	v22 =	vshll.u32 v34, $0x10;
	v34 =	vand.u32 $0xFFFF0000, v34  }
0x27a: {  	v59 =	vld.idx.msk [tilespmem:v18+s28+$0x0], $0xffff;
	v58 =	vand.u32 $0xFFFF0000, v27;
	v13 =	vsub.f32 v43, v13;
	v29 =	vsub.f32 v29, v34  }
0x27b: {  	v19 =	vshll.u32 v27, $0x10;
	v12 =	vadd.f32 v12, v30;
	v10 =	vadd.f32 v25, v10  }
0x27c: {  	v61 =	vsub.f32 v9, v22;
	v25 =	vmul.f32 v31, v31;
	v22 =	vshll.u32 v57, $0x10  }
0x27d: {  	v30 =	vld.idx.msk [tilespmem:v21+s28+$0x0], $0xffff;
	v31 =	vand.u32 $0xFFFF0000, v57;
	v21 =	vand.u32 $0xFFFF0000, v44;
	v15 =	vshll.u32 v28, $0x10  }
0x27e: {  	v27 =	vand.u32 $0xFFFF0000, v28;
	v28 =	vld.idx.msk [tilespmem:v20+s29+$0x0], $0xffff;
	v20 =	vand.u32 $0xFFFF0000, v17;
	v9 =	vadd.f32 v39, v12  }
0x27f: {  	v17 =	vmul.f32 v13, v13;
	v12 =	vand.u32 $0xFFFF0000, v59;
	v10 =	vadd.f32 v11, v10  }
0x280: {  	v11 =	vshll.u32 v59, $0x10;
	v13 =	vshll.u32 v44, $0x10;
	v36 =	vsub.f32 v58, v27  }
0x281: {  	v18 =	vmul.f32 v29, v29;
	v11 =	vsub.f32 v11, v13;
	v13 =	vsub.f32 v12, v21;
	v12 =	vld.idx.msk [tilespmem:v26+s28+$0x0], $0xffff  }
0x282: {  	v29 =	vadd.f32 v32, v9;
	v9 =	vld.idx.msk [tilespmem:v16+s29+$0x0], $0xffff;
	v33 =	vadd.f32 v33, v10;
	v32 =	vand.u32 $0xFFFF0000, v40  }
0x283: {  	v10 =	vld.idx.msk [tilespmem:v23+s29+$0x0], $0xffff;
	v62 =	vshll.u32 v30, $0x10;
	v21 =	vmul.f32 v11, v11;
	v16 =	vand.u32 $0xFFFF0000, v28  }
0x284: {  	v13 =	vmul.f32 v13, v13;
	v29 =	vadd.f32 v42, v29;
	v35 =	vsub.f32 v31, v16;
	v16 =	vld.idx.msk [tilespmem:v26+s29+$0x0], $0xffff  }
0x285: {  	v11 =	vld.idx.msk [tilespmem:v23+s28+$0x0], $0xffff;
	v23 =	vadd.f32 v41, v33;
	v63 =	vsub.f32 v62, v60;
	v27 =	vshll.u32 v28, $0x10  }
0x286: {  	v28 =	vmul.f32 v61, v61;
	v26 =	vmul.f32 v36, v36;
	v31 =	vand.u32 $0xFFFF0000, v30  }
0x287: {  	s30 =	simm.s32 $0x10;
	[tilespmem:s23+$0x12110] =	vst v24;
	v30 =	vadd.f32 v37, v23;
	v23 =	vmul.f32 v63, v63;
	v24 =	vmul.f32 v35, v35  }
.LBB2_11:
0x288: {  	p0 =	sne.s32 s30, $0x3E0;
	v25 =	vadd.f32 v25, v29;
	v29 =	vsub.f32 v31, v32;
	v31 =	vshll.u32 v12, $0x10;
	s31 =	smov.u32 s30;
	s30 =	sadd.s32 $0x10, s30  }
0x289: {  	v15 =	vsub.f32 v19, v15;
	v19 =	vand.u32 $0xFFFF0000, v16;
	v32 =	vand.u32 $0xFFFF0000, v9  }
0x28a: {  	v22 =	vsub.f32 v22, v27;
	v7 =	vsub.f32 v7, v32;
	v27 =	vmul.f32 v29, v29  }
0x28b: {  	v14 =	vsub.f32 v20, v14;
	v9 =	vshll.u32 v9, $0x10;
	v28 =	vadd.f32 v28, v30  }
0x28c: {  	v12 =	vand.u32 $0xFFFF0000, v12;
	v18 =	vadd.f32 v18, v25;
	v15 =	vmul.f32 v15, v15  }
0x28d: {  	v4 =	vshll.u32 v4, $0x10;
	v12 =	vsub.f32 v12, v19;
	v14 =	vmul.f32 v14, v14  }
0x28e: {  	v6 =	vsub.f32 v8, v6;
	v7 =	vmul.f32 v7, v7;
	v15 =	vadd.f32 v15, v28  }
0x28f: {  	v5 =	vshll.u32 v5, $0x10;
	v8 =	vadd.f32 v26, v18;
	v18 =	vmul.f32 v22, v22  }
0x290: {  	v4 =	vsub.f32 v5, v4;
	v15 =	vadd.f32 v17, v15  }
0x291: {  	v5 =	vadd.f32 v14, v8  }
0x292: {  	v8 =	vadd.f32 v21, v15  }
0x293: {  	v3 =	vshll.u32 v3, $0x10;
	v5 =	vadd.f32 v13, v5;
	v13 =	vshll.u32 v16, $0x10  }
0x294: {  	v3 =	vsub.f32 v3, v9;
	v8 =	vadd.f32 v18, v8  }
0x295: {  	v12 =	vmul.f32 v12, v12;
	v9 =	vsub.f32 v31, v13;
	v5 =	vadd.f32 v24, v5  }
0x296: {  	v3 =	vmul.f32 v3, v3;
	v8 =	vadd.f32 v23, v8  }
0x297: {  	v13 =	vand.u32 $0xFFFF0000, v11;
	v9 =	vmul.f32 v9, v9;
	v5 =	vadd.f32 v27, v5  }
0x298: {  	v14 =	vshll.u32 v10, $0x10;
	v10 =	vand.u32 $0xFFFF0000, v10;
	v11 =	vshll.u32 v11, $0x10  }
0x299: {  	v6 =	vmul.f32 v6, v6;
	v8 =	vadd.f32 v9, v8;
	v5 =	vadd.f32 v12, v5  }
0x29a: {  	v10 =	vsub.f32 v13, v10;
	v9 =	vsub.f32 v11, v14  }
0x29b: {  	v4 =	vmul.f32 v4, v4;
	v3 =	vadd.f32 v3, v8;
	v5 =	vadd.f32 v7, v5  }
0x29c: {  	s31 =	smin.u32 s31, $0x3D8;
	v7 =	vmul.f32 v10, v10  }
0x29d: {  	v8 =	vmov s31;
	v3 =	vadd.f32 v4, v3;
	v4 =	vmul.f32 v9, v9;
	v11 =	vld [tilespmem:s31+$0x109A0]  }
0x29e: {  	v8 =	vshll.u32 v8, $0x4;
	v5 =	vadd.f32 v6, v5;
	v9 =	vld [tilespmem:s31+$0x11170]  }
0x29f: {  	v6 =	vadd.s32 v0, v8;
	v3 =	vadd.f32 v4, v3  }
0x2a0: {  	v8 =	vor.u32 $0x2, v6;
	v4 =	vor.u32 $0x1, v6;
	v5 =	vadd.f32 v7, v5  }
0x2a1: {  	v12 =	vor.u32 $0x4, v6;
	v14 =	vor.u32 $0x5, v6;
	v7 =	vor.u32 $0x3, v6  }
0x2a2: {  	v15 =	vor.u32 $0x7, v6;
	v17 =	vor.u32 $0x8, v6;
	v3 =	vadd.f32 v5, v3  }
0x2a3: {  	v10 =	vor.u32 $0x9, v6;
	v5 =	vxor.u32 v11, v9;
	v11 =	vand.u32 $0xF, v11  }
0x2a4: {  	vm0 =	vlt.u32 v5, $0x10;
	v5 =	vand.u32 $0xF, v9;
	[tilespmem:s23+$0x11940] =	vst v3;
	s23 =	smov.u32 s31  }
0x2a5: {  	v18 =	vor.u32 $0xD, v6;
	v19 =	vor.u32 $0xE, v6;
	v9 =	vld.idx.msk [tilespmem:v8+s29+$0x0], $0xffff;
	v3 =	vsub.s32 v11, v5  }
0x2a6: {  	v11 =	vor.u32 $0xF, v6;
	v20 =	vld.idx.msk [tilespmem:v6+s29+$0x0], $0xffff;
	v3 =	vadd.s32 $0xFFFFFFFD, v3  }
0x2a7: {  	v5 =	vld.idx.msk [tilespmem:v7+s29+$0x0], $0xffff;
	vm1 =	vlt.u32 v3, $0xFFFFFFFB  }
0x2a8: {  	v21 =	vld.idx.msk [tilespmem:v6+s28+$0x0], $0xffff;
	v3 =	vsel vm1, $0x0, v1  }
0x2a9: {  	v13 =	vsel vm0, $0x1, v2;
	v8 =	vld.idx.msk [tilespmem:v8+s28+$0x0], $0xffff  }
0x2aa: {  	v22 =	vor.u32 $0xA, v6;
	v13 =	vor.u32 v13, v3;
	v7 =	vld.idx.msk [tilespmem:v7+s28+$0x0], $0xffff  }
0x2ab: {  	v23 =	vor.u32 $0xB, v6;
	v3 =	vld.idx.msk [tilespmem:v18+s28+$0x0], $0xffff  }
0x2ac: {  	v24 =	vld.idx.msk [tilespmem:v4+s28+$0x0], $0xffff  }
0x2ad: {  	v25 =	vld.idx.msk [tilespmem:v4+s29+$0x0], $0xffff  }
0x2ae: {  	v16 =	vor.u32 $0xC, v6;
	v26 =	vand.u32 $0xFFFF0000, v9;
	v27 =	vand.u32 $0xFFFF0000, v5;
	v28 =	vld.idx.msk [tilespmem:v12+s29+$0x0], $0xffff  }
0x2af: {  	v6 =	vor.u32 $0x6, v6;
	v9 =	vshll.u32 v9, $0x10;
	v4 =	vshll.u32 v8, $0x10;
	v12 =	vld.idx.msk [tilespmem:v12+s28+$0x0], $0xffff  }
0x2b0: {  	v29 =	vand.u32 $0xFFFF0000, v21;
	v30 =	vsub.f32 v4, v9;
	v9 =	vand.u32 $0xFFFF0000, v7;
	v4 =	vld.idx.msk [tilespmem:v19+s29+$0x0], $0xffff  }
0x2b1: {  	v31 =	vand.u32 $0xFFFF0000, v20;
	v8 =	vand.u32 $0xFFFF0000, v8;
	v9 =	vsub.f32 v9, v27;
	v27 =	vld.idx.msk [tilespmem:v14+s29+$0x0], $0xffff  }
0x2b2: {  	v29 =	vsub.f32 v29, v31;
	v8 =	vsub.f32 v8, v26;
	v26 =	vshll.u32 v5, $0x10;
	v14 =	vld.idx.msk [tilespmem:v14+s28+$0x0], $0xffff  }
0x2b3: {  	v7 =	vshll.u32 v7, $0x10;
	v31 =	vshll.u32 v24, $0x10;
	v32 =	vmul.f32 v9, v9;
	v5 =	vld.idx.msk [tilespmem:v19+s28+$0x0], $0xffff  }
0x2b4: {  	v20 =	vshll.u32 v20, $0x10;
	v19 =	vshll.u32 v21, $0x10;
	v21 =	vsub.f32 v7, v26;
	v9 =	vld.idx.msk [tilespmem:v18+s29+$0x0], $0xffff  }
0x2b5: {  	v26 =	vmul.f32 v30, v30;
	v7 =	vand.u32 $0xFFFF0000, v3;
	v18 =	vshll.u32 v12, $0x10;
	v30 =	vld.idx.msk [tilespmem:v17+s29+$0x0], $0xffff  }
0x2b6: {  	v24 =	vand.u32 $0xFFFF0000, v24;
	v33 =	vshll.u32 v28, $0x10;
	v21 =	vmul.f32 v21, v21;
	v34 =	vld.idx.msk [tilespmem:v6+s29+$0x0], $0xffff  }
0x2b7: {  	v18 =	vsub.f32 v18, v33;
	v33 =	vand.u32 $0xFFFF0000, v27;
	v35 =	vld.idx.msk [tilespmem:v6+s28+$0x0], $0xffff;
	v6 =	vand.u32 $0xFFFF0000, v4  }
0x2b8: {  	v36 =	vshll.u32 v25, $0x10;
	v12 =	vand.u32 $0xFFFF0000, v12;
	v27 =	vshll.u32 v27, $0x10;
	v17 =	vld.idx.msk [tilespmem:v17+s28+$0x0], $0xffff  }
0x2b9: {  	v28 =	vand.u32 $0xFFFF0000, v28;
	v37 =	vshll.u32 v14, $0x10;
	v14 =	vand.u32 $0xFFFF0000, v14;
	v38 =	vld.idx.msk [tilespmem:v15+s28+$0x0], $0xffff  }
0x2ba: {  	v39 =	vmul.f32 v8, v8;
	v27 =	vsub.f32 v37, v27;
	v8 =	vand.u32 $0xFFFF0000, v5;
	v37 =	vld.idx.msk [tilespmem:v15+s29+$0x0], $0xffff  }
0x2bb: {  	v15 =	vsub.f32 v19, v20;
	v19 =	vsub.f32 v12, v28;
	v20 =	vshll.u32 v30, $0x10;
	v12 =	vld.idx.msk [tilespmem:v16+s28+$0x0], $0xffff  }
0x2bc: {  	v25 =	vand.u32 $0xFFFF0000, v25;
	v28 =	vmul.f32 v29, v29;
	v40 =	vmul.f32 v27, v27;
	v41 =	vld.idx.msk [tilespmem:v23+s29+$0x0], $0xffff  }
0x2bd: {  	v42 =	vmul.f32 v18, v18;
	v29 =	vmul.f32 v19, v19;
	v27 =	vshll.u32 v35, $0x10;
	v23 =	vld.idx.msk [tilespmem:v23+s28+$0x0], $0xffff  }
0x2be: {  	v18 =	vsub.f32 v24, v25;
	v24 =	vshll.u32 v34, $0x10;
	v25 =	vshll.u32 v17, $0x10;
	v43 =	vld.idx.msk [tilespmem:v22+s29+$0x0], $0xffff  }
0x2bf: {  	v19 =	vsub.f32 v31, v36;
	v31 =	vsub.f32 v14, v33;
	v33 =	vand.u32 $0xFFFF0000, v34;
	v34 =	vld.idx.msk [tilespmem:v22+s28+$0x0], $0xffff  }
0x2c0: {  	v35 =	vand.u32 $0xFFFF0000, v35;
	v22 =	vmul.f32 v15, v15;
	v15 =	vshll.u32 v37, $0x10;
	v36 =	vld.idx.msk [tilespmem:v10+s28+$0x0], $0xffff  }
0x2c1: {  	v18 =	vmul.f32 v18, v18;
	v14 =	vand.u32 $0xFFFF0000, v30;
	v44 =	vand.u32 $0xFFFF0000, v38;
	v30 =	vld.idx.msk [tilespmem:v10+s29+$0x0], $0xffff  }
0x2c2: {  	v33 =	vsub.f32 v35, v33;
	v10 =	vmul.f32 v19, v19;
	v35 =	vshll.u32 v41, $0x10  }
0x2c3: {  	v28 =	vadd.f32 v18, v28;
	v37 =	vand.u32 $0xFFFF0000, v37;
	v19 =	vshll.u32 v38, $0x10  }
0x2c4: {  	v18 =	vmul.f32 v33, v33;
	v33 =	vsub.f32 v25, v20;
	v10 =	vadd.f32 v10, v22  }
0x2c5: {  	v24 =	vsub.f32 v27, v24;
	v20 =	vand.u32 $0xFFFF0000, v17;
	v37 =	vsub.f32 v44, v37  }
0x2c6: {  	v25 =	vmul.f32 v31, v31;
	v22 =	vshll.u32 v34, $0x10;
	v31 =	vand.u32 $0xFFFF0000, v34  }
0x2c7: {  	v27 =	vadd.f32 v39, v28;
	v17 =	vmul.f32 v33, v33;
	v28 =	vand.u32 $0xFFFF0000, v36  }
0x2c8: {  	v26 =	vadd.f32 v26, v10;
	v33 =	vshll.u32 v36, $0x10;
	v34 =	vshll.u32 v30, $0x10;
	v10 =	vld.idx.msk [tilespmem:v11+s29+$0x0], $0xffff  }
0x2c9: {  	v32 =	vadd.f32 v32, v27;
	v27 =	vand.u32 $0xFFFF0000, v30;
	v30 =	vsub.f32 v33, v34;
	v11 =	vld.idx.msk [tilespmem:v11+s28+$0x0], $0xffff  }
0x2ca: {  	v28 =	vsub.f32 v28, v27;
	v33 =	vand.u32 $0xFFFF0000, v43;
	v34 =	vshll.u32 v23, $0x10;
	v16 =	vld.idx.msk [tilespmem:v16+s29+$0x0], $0xffff  }
.Ltmp4:
0x2cb: {  	v26 =	vadd.f32 v21, v26;
	v27 =	vshll.u32 v43, $0x10;
	v21 =	vmul.f32 v30, v30;
	[tilespmem:s23+$0x12110] =	vst v13;
	(pc) =	sbr.rel @p0 .LBB2_11-.Ltmp4, $4  }
0x2cc: {  	v29 =	vadd.f32 v29, v32;
	v33 =	vsub.f32 v31, v33;
	v13 =	vmul.f32 v28, v28  }
0x2cd: {  	v34 =	vsub.f32 v34, v35;
	v30 =	vadd.f32 v42, v26;
	v28 =	vmul.f32 v24, v24  }
0x2ce: {  	v32 =	vand.u32 $0xFFFF0000, v41;
	v31 =	vand.u32 $0xFFFF0000, v23;
	v26 =	vmul.f32 v37, v37  }
0x2cf: {  	v23 =	vmul.f32 v34, v34;
	v30 =	vadd.f32 v40, v30;
	v24 =	vmul.f32 v33, v33  }
0x2d0: {  	v15 =	vsub.f32 v19, v15;
	v19 =	vadd.f32 v25, v29  }
0x2d1: {  	v25 =	vsub.f32 v31, v32;
	v29 =	vshll.u32 v12, $0x10;
	v31 =	vand.u32 $0xFFFF0000, v16  }
0x2d2: {  	v14 =	vsub.f32 v20, v14;
	v12 =	vand.u32 $0xFFFF0000, v12;
	v4 =	vshll.u32 v4, $0x10  }
0x2d3: {  	v28 =	vadd.f32 v28, v30;
	v15 =	vmul.f32 v15, v15;
	v18 =	vadd.f32 v18, v19  }
0x2d4: {  	v6 =	vsub.f32 v8, v6;
	v3 =	vshll.u32 v3, $0x10;
	v5 =	vshll.u32 v5, $0x10  }
0x2d5: {  	v14 =	vmul.f32 v14, v14;
	v15 =	vadd.f32 v15, v28;
	v18 =	vadd.f32 v26, v18  }
0x2d6: {  	v30 =	vand.u32 $0xFFFF0000, v9;
	v12 =	vsub.f32 v12, v31;
	v19 =	vsub.f32 v22, v27  }
0x2d7: {  	v9 =	vshll.u32 v9, $0x10;
	v15 =	vadd.f32 v17, v15;
	v14 =	vadd.f32 v14, v18  }
0x2d8: {  	v4 =	vsub.f32 v5, v4;
	v7 =	vsub.f32 v7, v30;
	v17 =	vmul.f32 v19, v19  }
0x2d9: {  	v15 =	vadd.f32 v21, v15;
	v8 =	vadd.f32 v13, v14;
	v13 =	vshll.u32 v16, $0x10  }
0x2da: {  	v20 =	vmul.f32 v25, v25;
	v3 =	vsub.f32 v3, v9;
	v9 =	vsub.f32 v29, v13  }
0x2db: {  	v5 =	vmul.f32 v12, v12;
	v14 =	vadd.f32 v17, v15;
	v8 =	vadd.f32 v24, v8  }
0x2dc: {  	v7 =	vmul.f32 v7, v7;
	v3 =	vmul.f32 v3, v3  }
0x2dd: {  	v9 =	vmul.f32 v9, v9;
	v12 =	vadd.f32 v23, v14;
	v8 =	vadd.f32 v20, v8  }
0x2de: {  	v13 =	vand.u32 $0xFFFF0000, v11;
	v11 =	vshll.u32 v11, $0x10;
	v14 =	vshll.u32 v10, $0x10  }
0x2df: {  	v10 =	vand.u32 $0xFFFF0000, v10;
	v9 =	vadd.f32 v9, v12;
	v5 =	vadd.f32 v5, v8  }
0x2e0: {  	v6 =	vmul.f32 v6, v6;
	v10 =	vsub.f32 v13, v10;
	v8 =	vsub.f32 v11, v14  }
0x2e1: {  	v4 =	vmul.f32 v4, v4;
	v3 =	vadd.f32 v3, v9;
	v5 =	vadd.f32 v7, v5  }
0x2e2: {  	v7 =	vmul.f32 v10, v10  }
0x2e3: {  	v3 =	vadd.f32 v4, v3;
	v4 =	vmul.f32 v8, v8;
	v5 =	vadd.f32 v6, v5;
	_ =	sdelay $0x1  }
0x2e4: {  	v3 =	vadd.f32 v4, v3;
	v4 =	vadd.f32 v7, v5;
	_ =	sdelay $0x1  }
0x2e5: {  	s30 =	sadd.s32 s12, s22;
	v3 =	vadd.f32 v4, v3  }
0x2e6: {  	s30 =	sshrl.u32 s30, $0x3  }
0x2e7: {  	s31 =	simm.s32 $0x0;
	[tilespmem:s23+$0x11940] =	vst v3;
	s23 =	sadd.s32 s10, s30  }
0x2e8: {  	[hbm4b:s23+s31] =	stream.linear.scatter [tilespmem:s19], [sflag:$0x3], $0x3E8, $0x38;
	[tilespmem:$0x128E0] =	vst v63  }
0x2e9: {  	_ =	swait.ge [sflag:s24], $0x3E8  }
0x2ea: {  	[sflag:s24] =	ssyncset.done $0x0  }
0x2eb: {  	s30 =	sadd.s32 s11, s30;
	[sflag:s24] =	ssyncadd.s32 $0xFFFFFC18  }
0x2ec: {  	[hbm4b:s30+s31] =	stream.linear.scatter [tilespmem:s20], [sflag:$0x3], $0x3E8, $0x38;
	[tilespmem:$0x128E0] =	vst v63  }
0x2ed: {  	s30 =	sadd.s32 s22, s16;
	_ =	swait.ge [sflag:s24], $0x3E8  }
0x2ee: {  	s22 =	sshrl.u32 s30, $0x3;
	[sflag:s24] =	ssyncset.done $0x0  }
0x2ef: {  	s22 =	sadd.s32 s9, s22;
	[sflag:s24] =	ssyncadd.s32 $0xFFFFFC18  }
0x2f0: {  	[tilespmem:s31], [sflag:$0x3] =	stream.linear.gather [hbm4b:s22+s31], $0x3E8, $0x38;
	[tilespmem:$0x128E0] =	vst v63  }
0x2f1: {  	_ =	swait.ge [sflag:s24], $0x3E8  }
0x2f2: {  	[sflag:s24] =	ssyncset.done $0x0  }
0x2f3: {  	s22 =	sadd.s32 $0x186A0, s22;
	[sflag:s24] =	ssyncadd.s32 $0xFFFFFC18  }
0x2f4: {  	[tilespmem:s25], [sflag:$0x3] =	stream.linear.gather [hbm4b:s22+s31], $0x3E8, $0x38;
	[tilespmem:$0x128E0] =	vst v63  }
0x2f5: {  	_ =	swait.ge [sflag:s24], $0x3E8  }
0x2f6: {  	[sflag:s24] =	ssyncset.done $0x0  }
0x2f7: {  	[sflag:s24] =	ssyncadd.s32 $0xFFFFFC18  }
0x2f8: {  	[tilespmem:s28], [sflag:$0x1] =	stream.indirect.gather [hbm4b:s4+s26], $0x10, s31, s26, $0xb8;
	[tilespmem:$0x128E0] =	vst v63  }
0x2f9: {  	_ = 	snop  }
0x2fa: {  	[tilespmem:s29], [sflag:$0x1] =	stream.indirect.gather [hbm4b:s4+s26], $0x10, s25, s26, $0xb8;
	[tilespmem:$0x128E0] =	vst v63  }
0x2fb: {  	s23 =	simm.s32 $0x109A0  }
0x2fc: {  	[tilespmem:s23], [sflag:$0x1] =	stream.indirect.gather [hbm4b:s6+s26], $0x1, s31, s26, $0xb8;
	[tilespmem:$0x128E0] =	vst v63  }
0x2fd: {  	s30 =	simm.s32 $0x11170  }
0x2fe: {  	[tilespmem:s30], [sflag:$0x1] =	stream.indirect.gather [hbm4b:s6+s26], $0x1, s25, s26, $0xb8;
	[tilespmem:$0x128E0] =	vst v63  }
0x2ff: {  	_ =	swait.ge [sflag:s21], $0x3E80  }
0x300: {  	[sflag:s21] =	ssyncset.done $0x0  }
0x301: {  	[sflag:s21] =	ssyncadd.s32 $0xFFFFC180  }
0x302: {  	_ =	swait.ge [sflag:s21], $0x3E80  }
0x303: {  	[sflag:s21] =	ssyncset.done $0x0  }
0x304: {  	s22 =	smin.u32 s31, $0x3D8;
	[sflag:s21] =	ssyncadd.s32 $0xFFFFC180  }
0x305: {  	v3 =	vmov s22;
	_ =	swait.ge [sflag:s21], $0x3E8  }
0x306: {  	v3 =	vshll.u32 v3, $0x4;
	[sflag:s21] =	ssyncset.done $0x0  }
0x307: {  	v4 =	vadd.s32 v0, v3;
	[sflag:s21] =	ssyncadd.s32 $0xFFFFFC18  }
0x308: {  	v5 =	vor.u32 $0x2, v4;
	_ =	swait.ge [sflag:s21], $0x3E8  }
0x309: {  	v7 =	vor.u32 $0x3, v4;
	[sflag:s21] =	ssyncset.done $0x0  }
0x30a: {  	[sflag:s21] =	ssyncadd.s32 $0xFFFFFC18  }
0x30b: {  	v3 =	vld [tilespmem:s22+$0x10D88]  }
0x30c: {  	v6 =	vld [tilespmem:s22+$0x11558]  }
0x30d: {  	v9 =	vor.u32 $0x4, v4;
	v11 =	vld.idx.msk [tilespmem:v5+s13+$0x0], $0xffff  }
0x30e: {  	v21 =	vor.u32 $0xB, v4;
	v14 =	vld.idx.msk [tilespmem:v7+s13+$0x0], $0xffff  }
0x30f: {  	v8 =	vor.u32 $0x1, v4;
	v5 =	vld.idx.msk [tilespmem:v5+s1+$0x0], $0xffff  }
0x310: {  	v10 =	vor.u32 $0x5, v4;
	v16 =	vor.u32 $0xD, v4;
	v15 =	vor.u32 $0x7, v4  }
0x311: {  	v17 =	vor.u32 $0x8, v4;
	v18 =	vor.u32 $0x9, v4;
	v23 =	vor.u32 $0xF, v4  }
0x312: {  	v20 =	vor.u32 $0xA, v4;
	v27 =	vld.idx.msk [tilespmem:v9+s13+$0x0], $0xffff;
	v12 =	vand.u32 $0xF, v3;
	v13 =	vand.u32 $0xF, v6  }
0x313: {  	v40 =	vld.idx.msk [tilespmem:v21+s13+$0x0], $0xffff;
	v3 =	vxor.u32 v3, v6;
	v22 =	vand.u32 $0xFFFF0000, v11;
	v25 =	vand.u32 $0xFFFF0000, v14  }
0x314: {  	v28 =	vshll.u32 v5, $0x10;
	v5 =	vand.u32 $0xFFFF0000, v5;
	v12 =	vsub.s32 v12, v13;
	v13 =	vld.idx.msk [tilespmem:v4+s1+$0x0], $0xffff  }
0x315: {  	v22 =	vsub.f32 v5, v22;
	v5 =	vshll.u32 v14, $0x10;
	v14 =	vld.idx.msk [tilespmem:v8+s13+$0x0], $0xffff;
	v6 =	vadd.s32 $0xFFFFFFFD, v12  }
0x316: {  	v26 =	vor.u32 $0xC, v4;
	v29 =	vor.u32 $0x6, v4;
	vm1 =	vlt.u32 v6, $0xFFFFFFFB;
	v6 =	vld.idx.msk [tilespmem:v7+s1+$0x0], $0xffff  }
0x317: {  	v11 =	vshll.u32 v11, $0x10;
	vm0 =	vlt.u32 v3, $0x10;
	v12 =	vor.u32 $0xE, v4;
	v7 =	vld.idx.msk [tilespmem:v4+s13+$0x0], $0xffff  }
0x318: {  	v9 =	vld.idx.msk [tilespmem:v9+s1+$0x0], $0xffff;
	v11 =	vsub.f32 v28, v11;
	v19 =	vsel vm0, $0x1, v2;
	v3 =	vsel vm1, $0x0, v1  }
0x319: {  	v60 =	vshll.u32 v40, $0x10;
	v32 =	vand.u32 $0xFFFF0000, v40;
	v24 =	vor.u32 v19, v3;
	v3 =	vld.idx.msk [tilespmem:v16+s1+$0x0], $0xffff  }
0x31a: {  	v11 =	vmul.f32 v11, v11;
	v39 =	vmul.f32 v22, v22;
	v19 =	vld.idx.msk [tilespmem:v8+s1+$0x0], $0xffff;
	v30 =	vand.u32 $0xFFFF0000, v13  }
0x31b: {  	v8 =	vld.idx.msk [tilespmem:v10+s1+$0x0], $0xffff;
	v36 =	vshll.u32 v14, $0x10;
	v14 =	vand.u32 $0xFFFF0000, v14;
	v28 =	vand.u32 $0xFFFF0000, v6  }
0x31c: {  	v4 =	vld.idx.msk [tilespmem:v12+s13+$0x0], $0xffff;
	v31 =	vand.u32 $0xFFFF0000, v7;
	v6 =	vshll.u32 v6, $0x10;
	v25 =	vsub.f32 v28, v25  }
0x31d: {  	v28 =	vld.idx.msk [tilespmem:v10+s13+$0x0], $0xffff;
	v30 =	vsub.f32 v30, v31;
	v10 =	vshll.u32 v13, $0x10;
	v13 =	vshll.u32 v7, $0x10  }
0x31e: {  	v6 =	vsub.f32 v6, v5;
	v5 =	vld.idx.msk [tilespmem:v12+s1+$0x0], $0xffff;
	v12 =	vshll.u32 v9, $0x10;
	v9 =	vand.u32 $0xFFFF0000, v9  }
0x31f: {  	v34 =	vld.idx.msk [tilespmem:v29+s13+$0x0], $0xffff;
	v31 =	vshll.u32 v19, $0x10;
	v7 =	vand.u32 $0xFFFF0000, v3;
	v19 =	vand.u32 $0xFFFF0000, v19  }
0x320: {  	v29 =	vld.idx.msk [tilespmem:v29+s1+$0x0], $0xffff;
	v37 =	vshll.u32 v8, $0x10;
	v38 =	vand.u32 $0xFFFF0000, v8;
	v10 =	vsub.f32 v10, v13  }
0x321: {  	v56 =	vmul.f32 v25, v25;
	v33 =	vmul.f32 v6, v6;
	v6 =	vshll.u32 v27, $0x10  }
0x322: {  	v25 =	vld.idx.msk [tilespmem:v17+s13+$0x0], $0xffff;
	v27 =	vand.u32 $0xFFFF0000, v27;
	v30 =	vmul.f32 v30, v30;
	v12 =	vsub.f32 v12, v6  }
0x323: {  	v17 =	vld.idx.msk [tilespmem:v17+s1+$0x0], $0xffff;
	v6 =	vand.u32 $0xFFFF0000, v4;
	v9 =	vsub.f32 v9, v27;
	v10 =	vmul.f32 v10, v10  }
0x324: {  	v35 =	vand.u32 $0xFFFF0000, v28;
	v28 =	vshll.u32 v28, $0x10;
	v8 =	vand.u32 $0xFFFF0000, v5  }
0x325: {  	v27 =	vld.idx.msk [tilespmem:v15+s1+$0x0], $0xffff;
	v41 =	vmul.f32 v12, v12;
	v42 =	vmul.f32 v9, v9;
	v9 =	vshll.u32 v29, $0x10  }
0x326: {  	v57 =	vld.idx.msk [tilespmem:v20+s1+$0x0], $0xffff;
	v12 =	vsub.f32 v19, v14;
	v19 =	vsub.f32 v31, v36;
	v29 =	vand.u32 $0xFFFF0000, v29  }
0x327: {  	v44 =	vld.idx.msk [tilespmem:v18+s13+$0x0], $0xffff;
	v22 =	vsub.f32 v37, v28;
	v31 =	vsub.f32 v38, v35;
	v13 =	vshll.u32 v25, $0x10  }
0x328: {  	v28 =	vld.idx.msk [tilespmem:v15+s13+$0x0], $0xffff;
	v43 =	vshll.u32 v17, $0x10;
	v12 =	vmul.f32 v12, v12;
	v14 =	vand.u32 $0xFFFF0000, v25  }
0x329: {  	v25 =	vmul.f32 v19, v19;
	v37 =	vmul.f32 v22, v22;
	v22 =	vshll.u32 v34, $0x10  }
0x32a: {  	v59 =	vld.idx.msk [tilespmem:v18+s1+$0x0], $0xffff;
	v34 =	vand.u32 $0xFFFF0000, v34;
	v58 =	vand.u32 $0xFFFF0000, v27;
	v13 =	vsub.f32 v43, v13  }
0x32b: {  	v19 =	vshll.u32 v27, $0x10;
	v29 =	vsub.f32 v29, v34;
	v12 =	vadd.f32 v12, v30  }
0x32c: {  	v10 =	vadd.f32 v25, v10;
	v61 =	vsub.f32 v9, v22;
	v25 =	vmul.f32 v31, v31  }
0x32d: {  	v30 =	vld.idx.msk [tilespmem:v21+s1+$0x0], $0xffff;
	v22 =	vshll.u32 v57, $0x10;
	v21 =	vand.u32 $0xFFFF0000, v44;
	v15 =	vshll.u32 v28, $0x10  }
0x32e: {  	v27 =	vand.u32 $0xFFFF0000, v28;
	v28 =	vld.idx.msk [tilespmem:v20+s13+$0x0], $0xffff;
	v20 =	vand.u32 $0xFFFF0000, v17;
	v9 =	vadd.f32 v39, v12  }
0x32f: {  	v17 =	vmul.f32 v13, v13;
	v12 =	vand.u32 $0xFFFF0000, v59;
	v10 =	vadd.f32 v11, v10  }
0x330: {  	v11 =	vshll.u32 v59, $0x10;
	v13 =	vshll.u32 v44, $0x10;
	v36 =	vsub.f32 v58, v27  }
0x331: {  	v31 =	vand.u32 $0xFFFF0000, v57;
	v11 =	vsub.f32 v11, v13;
	v13 =	vsub.f32 v12, v21;
	v12 =	vld.idx.msk [tilespmem:v26+s1+$0x0], $0xffff  }
0x332: {  	v18 =	vmul.f32 v29, v29;
	v29 =	vadd.f32 v56, v9;
	v9 =	vld.idx.msk [tilespmem:v16+s13+$0x0], $0xffff;
	v33 =	vadd.f32 v33, v10  }
0x333: {  	v10 =	vld.idx.msk [tilespmem:v23+s13+$0x0], $0xffff;
	v62 =	vshll.u32 v30, $0x10;
	v21 =	vmul.f32 v11, v11;
	v16 =	vand.u32 $0xFFFF0000, v28  }
0x334: {  	v13 =	vmul.f32 v13, v13;
	v29 =	vadd.f32 v42, v29;
	v35 =	vsub.f32 v31, v16;
	v16 =	vld.idx.msk [tilespmem:v26+s13+$0x0], $0xffff  }
0x335: {  	v11 =	vld.idx.msk [tilespmem:v23+s1+$0x0], $0xffff;
	v23 =	vadd.f32 v41, v33;
	v63 =	vsub.f32 v62, v60;
	v27 =	vshll.u32 v28, $0x10  }
0x336: {  	v28 =	vmul.f32 v61, v61;
	v26 =	vmul.f32 v36, v36;
	v31 =	vand.u32 $0xFFFF0000, v30  }
0x337: {  	s23 =	simm.s32 $0x10;
	[tilespmem:s22+$0x124F8] =	vst v24;
	v30 =	vadd.f32 v37, v23;
	v23 =	vmul.f32 v63, v63;
	v24 =	vmul.f32 v35, v35  }
.LBB2_13:
0x338: {  	p0 =	sne.s32 s23, $0x3E0;
	v25 =	vadd.f32 v25, v29;
	v29 =	vsub.f32 v31, v32;
	v31 =	vshll.u32 v12, $0x10;
	s30 =	smov.u32 s23;
	s23 =	sadd.s32 $0x10, s23  }
0x339: {  	v15 =	vsub.f32 v19, v15;
	v19 =	vand.u32 $0xFFFF0000, v16;
	v32 =	vand.u32 $0xFFFF0000, v9  }
0x33a: {  	v22 =	vsub.f32 v22, v27;
	v7 =	vsub.f32 v7, v32;
	v27 =	vmul.f32 v29, v29  }
0x33b: {  	v14 =	vsub.f32 v20, v14;
	v9 =	vshll.u32 v9, $0x10;
	v28 =	vadd.f32 v28, v30  }
0x33c: {  	v12 =	vand.u32 $0xFFFF0000, v12;
	v18 =	vadd.f32 v18, v25;
	v15 =	vmul.f32 v15, v15  }
0x33d: {  	v4 =	vshll.u32 v4, $0x10;
	v12 =	vsub.f32 v12, v19;
	v14 =	vmul.f32 v14, v14  }
0x33e: {  	v6 =	vsub.f32 v8, v6;
	v7 =	vmul.f32 v7, v7;
	v15 =	vadd.f32 v15, v28  }
0x33f: {  	v5 =	vshll.u32 v5, $0x10;
	v8 =	vadd.f32 v26, v18;
	v18 =	vmul.f32 v22, v22  }
0x340: {  	v4 =	vsub.f32 v5, v4;
	v15 =	vadd.f32 v17, v15  }
0x341: {  	v5 =	vadd.f32 v14, v8  }
0x342: {  	v8 =	vadd.f32 v21, v15  }
0x343: {  	v3 =	vshll.u32 v3, $0x10;
	v5 =	vadd.f32 v13, v5;
	v13 =	vshll.u32 v16, $0x10  }
0x344: {  	v3 =	vsub.f32 v3, v9;
	v8 =	vadd.f32 v18, v8  }
0x345: {  	v12 =	vmul.f32 v12, v12;
	v9 =	vsub.f32 v31, v13;
	v5 =	vadd.f32 v24, v5  }
0x346: {  	v3 =	vmul.f32 v3, v3;
	v8 =	vadd.f32 v23, v8  }
0x347: {  	v13 =	vand.u32 $0xFFFF0000, v11;
	v9 =	vmul.f32 v9, v9;
	v5 =	vadd.f32 v27, v5  }
0x348: {  	v14 =	vshll.u32 v10, $0x10;
	v10 =	vand.u32 $0xFFFF0000, v10;
	v11 =	vshll.u32 v11, $0x10  }
0x349: {  	v6 =	vmul.f32 v6, v6;
	v8 =	vadd.f32 v9, v8;
	v5 =	vadd.f32 v12, v5  }
0x34a: {  	v10 =	vsub.f32 v13, v10;
	v9 =	vsub.f32 v11, v14  }
0x34b: {  	v4 =	vmul.f32 v4, v4;
	v3 =	vadd.f32 v3, v8;
	v5 =	vadd.f32 v7, v5  }
0x34c: {  	s30 =	smin.u32 s30, $0x3D8;
	v7 =	vmul.f32 v10, v10  }
0x34d: {  	v8 =	vmov s30;
	v3 =	vadd.f32 v4, v3;
	v4 =	vmul.f32 v9, v9;
	v11 =	vld [tilespmem:s30+$0x10D88]  }
0x34e: {  	v8 =	vshll.u32 v8, $0x4;
	v5 =	vadd.f32 v6, v5;
	v9 =	vld [tilespmem:s30+$0x11558]  }
0x34f: {  	v6 =	vadd.s32 v0, v8;
	v3 =	vadd.f32 v4, v3  }
0x350: {  	v8 =	vor.u32 $0x2, v6;
	v4 =	vor.u32 $0x1, v6;
	v5 =	vadd.f32 v7, v5  }
0x351: {  	v12 =	vor.u32 $0x4, v6;
	v14 =	vor.u32 $0x5, v6;
	v7 =	vor.u32 $0x3, v6  }
0x352: {  	v15 =	vor.u32 $0x7, v6;
	v17 =	vor.u32 $0x8, v6;
	v3 =	vadd.f32 v5, v3  }
0x353: {  	v10 =	vor.u32 $0x9, v6;
	v5 =	vxor.u32 v11, v9;
	v11 =	vand.u32 $0xF, v11  }
0x354: {  	vm0 =	vlt.u32 v5, $0x10;
	v5 =	vand.u32 $0xF, v9;
	[tilespmem:s22+$0x11D28] =	vst v3;
	s22 =	smov.u32 s30  }
0x355: {  	v18 =	vor.u32 $0xD, v6;
	v19 =	vor.u32 $0xE, v6;
	v9 =	vld.idx.msk [tilespmem:v8+s13+$0x0], $0xffff;
	v3 =	vsub.s32 v11, v5  }
0x356: {  	v11 =	vor.u32 $0xF, v6;
	v20 =	vld.idx.msk [tilespmem:v6+s13+$0x0], $0xffff;
	v3 =	vadd.s32 $0xFFFFFFFD, v3  }
0x357: {  	v5 =	vld.idx.msk [tilespmem:v7+s13+$0x0], $0xffff;
	vm1 =	vlt.u32 v3, $0xFFFFFFFB  }
0x358: {  	v21 =	vld.idx.msk [tilespmem:v6+s1+$0x0], $0xffff;
	v3 =	vsel vm1, $0x0, v1  }
0x359: {  	v13 =	vsel vm0, $0x1, v2;
	v8 =	vld.idx.msk [tilespmem:v8+s1+$0x0], $0xffff  }
0x35a: {  	v22 =	vor.u32 $0xA, v6;
	v13 =	vor.u32 v13, v3;
	v7 =	vld.idx.msk [tilespmem:v7+s1+$0x0], $0xffff  }
0x35b: {  	v23 =	vor.u32 $0xB, v6;
	v3 =	vld.idx.msk [tilespmem:v18+s1+$0x0], $0xffff  }
0x35c: {  	v24 =	vld.idx.msk [tilespmem:v4+s1+$0x0], $0xffff  }
0x35d: {  	v25 =	vld.idx.msk [tilespmem:v4+s13+$0x0], $0xffff  }
0x35e: {  	v16 =	vor.u32 $0xC, v6;
	v26 =	vand.u32 $0xFFFF0000, v9;
	v27 =	vand.u32 $0xFFFF0000, v5;
	v28 =	vld.idx.msk [tilespmem:v12+s13+$0x0], $0xffff  }
0x35f: {  	v6 =	vor.u32 $0x6, v6;
	v9 =	vshll.u32 v9, $0x10;
	v4 =	vshll.u32 v8, $0x10;
	v12 =	vld.idx.msk [tilespmem:v12+s1+$0x0], $0xffff  }
0x360: {  	v29 =	vand.u32 $0xFFFF0000, v21;
	v30 =	vsub.f32 v4, v9;
	v9 =	vand.u32 $0xFFFF0000, v7;
	v4 =	vld.idx.msk [tilespmem:v19+s13+$0x0], $0xffff  }
0x361: {  	v31 =	vand.u32 $0xFFFF0000, v20;
	v8 =	vand.u32 $0xFFFF0000, v8;
	v9 =	vsub.f32 v9, v27;
	v27 =	vld.idx.msk [tilespmem:v14+s13+$0x0], $0xffff  }
0x362: {  	v29 =	vsub.f32 v29, v31;
	v8 =	vsub.f32 v8, v26;
	v26 =	vshll.u32 v5, $0x10;
	v14 =	vld.idx.msk [tilespmem:v14+s1+$0x0], $0xffff  }
0x363: {  	v7 =	vshll.u32 v7, $0x10;
	v31 =	vshll.u32 v24, $0x10;
	v32 =	vmul.f32 v9, v9;
	v5 =	vld.idx.msk [tilespmem:v19+s1+$0x0], $0xffff  }
0x364: {  	v20 =	vshll.u32 v20, $0x10;
	v19 =	vshll.u32 v21, $0x10;
	v21 =	vsub.f32 v7, v26;
	v9 =	vld.idx.msk [tilespmem:v18+s13+$0x0], $0xffff  }
0x365: {  	v26 =	vmul.f32 v30, v30;
	v7 =	vand.u32 $0xFFFF0000, v3;
	v18 =	vshll.u32 v12, $0x10;
	v30 =	vld.idx.msk [tilespmem:v17+s13+$0x0], $0xffff  }
0x366: {  	v24 =	vand.u32 $0xFFFF0000, v24;
	v33 =	vshll.u32 v28, $0x10;
	v21 =	vmul.f32 v21, v21;
	v34 =	vld.idx.msk [tilespmem:v6+s13+$0x0], $0xffff  }
0x367: {  	v18 =	vsub.f32 v18, v33;
	v33 =	vand.u32 $0xFFFF0000, v27;
	v35 =	vld.idx.msk [tilespmem:v6+s1+$0x0], $0xffff;
	v6 =	vand.u32 $0xFFFF0000, v4  }
0x368: {  	v36 =	vshll.u32 v25, $0x10;
	v12 =	vand.u32 $0xFFFF0000, v12;
	v27 =	vshll.u32 v27, $0x10;
	v17 =	vld.idx.msk [tilespmem:v17+s1+$0x0], $0xffff  }
0x369: {  	v28 =	vand.u32 $0xFFFF0000, v28;
	v37 =	vshll.u32 v14, $0x10;
	v14 =	vand.u32 $0xFFFF0000, v14;
	v38 =	vld.idx.msk [tilespmem:v15+s1+$0x0], $0xffff  }
0x36a: {  	v39 =	vmul.f32 v8, v8;
	v27 =	vsub.f32 v37, v27;
	v8 =	vand.u32 $0xFFFF0000, v5;
	v37 =	vld.idx.msk [tilespmem:v15+s13+$0x0], $0xffff  }
0x36b: {  	v15 =	vsub.f32 v19, v20;
	v19 =	vsub.f32 v12, v28;
	v20 =	vshll.u32 v30, $0x10;
	v12 =	vld.idx.msk [tilespmem:v16+s1+$0x0], $0xffff  }
0x36c: {  	v25 =	vand.u32 $0xFFFF0000, v25;
	v28 =	vmul.f32 v29, v29;
	v40 =	vmul.f32 v27, v27;
	v41 =	vld.idx.msk [tilespmem:v23+s13+$0x0], $0xffff  }
0x36d: {  	v42 =	vmul.f32 v18, v18;
	v29 =	vmul.f32 v19, v19;
	v27 =	vshll.u32 v35, $0x10;
	v23 =	vld.idx.msk [tilespmem:v23+s1+$0x0], $0xffff  }
0x36e: {  	v18 =	vsub.f32 v24, v25;
	v24 =	vshll.u32 v34, $0x10;
	v25 =	vshll.u32 v17, $0x10;
	v43 =	vld.idx.msk [tilespmem:v22+s13+$0x0], $0xffff  }
0x36f: {  	v19 =	vsub.f32 v31, v36;
	v31 =	vsub.f32 v14, v33;
	v33 =	vand.u32 $0xFFFF0000, v34;
	v34 =	vld.idx.msk [tilespmem:v22+s1+$0x0], $0xffff  }
0x370: {  	v35 =	vand.u32 $0xFFFF0000, v35;
	v22 =	vmul.f32 v15, v15;
	v15 =	vshll.u32 v37, $0x10;
	v36 =	vld.idx.msk [tilespmem:v10+s1+$0x0], $0xffff  }
0x371: {  	v18 =	vmul.f32 v18, v18;
	v14 =	vand.u32 $0xFFFF0000, v30;
	v44 =	vand.u32 $0xFFFF0000, v38;
	v30 =	vld.idx.msk [tilespmem:v10+s13+$0x0], $0xffff  }
0x372: {  	v33 =	vsub.f32 v35, v33;
	v10 =	vmul.f32 v19, v19;
	v35 =	vshll.u32 v41, $0x10  }
0x373: {  	v28 =	vadd.f32 v18, v28;
	v37 =	vand.u32 $0xFFFF0000, v37;
	v19 =	vshll.u32 v38, $0x10  }
0x374: {  	v18 =	vmul.f32 v33, v33;
	v33 =	vsub.f32 v25, v20;
	v10 =	vadd.f32 v10, v22  }
0x375: {  	v24 =	vsub.f32 v27, v24;
	v20 =	vand.u32 $0xFFFF0000, v17;
	v37 =	vsub.f32 v44, v37  }
0x376: {  	v25 =	vmul.f32 v31, v31;
	v22 =	vshll.u32 v34, $0x10;
	v31 =	vand.u32 $0xFFFF0000, v34  }
0x377: {  	v27 =	vadd.f32 v39, v28;
	v17 =	vmul.f32 v33, v33;
	v28 =	vand.u32 $0xFFFF0000, v36  }
0x378: {  	v26 =	vadd.f32 v26, v10;
	v33 =	vshll.u32 v36, $0x10;
	v34 =	vshll.u32 v30, $0x10;
	v10 =	vld.idx.msk [tilespmem:v11+s13+$0x0], $0xffff  }
0x379: {  	v32 =	vadd.f32 v32, v27;
	v27 =	vand.u32 $0xFFFF0000, v30;
	v30 =	vsub.f32 v33, v34;
	v11 =	vld.idx.msk [tilespmem:v11+s1+$0x0], $0xffff  }
0x37a: {  	v28 =	vsub.f32 v28, v27;
	v33 =	vand.u32 $0xFFFF0000, v43;
	v34 =	vshll.u32 v23, $0x10;
	v16 =	vld.idx.msk [tilespmem:v16+s13+$0x0], $0xffff  }
.Ltmp5:
0x37b: {  	v26 =	vadd.f32 v21, v26;
	v27 =	vshll.u32 v43, $0x10;
	v21 =	vmul.f32 v30, v30;
	[tilespmem:s22+$0x124F8] =	vst v13;
	(pc) =	sbr.rel @p0 .LBB2_13-.Ltmp5, $4  }
0x37c: {  	v29 =	vadd.f32 v29, v32;
	v33 =	vsub.f32 v31, v33;
	v13 =	vmul.f32 v28, v28  }
0x37d: {  	v34 =	vsub.f32 v34, v35;
	v30 =	vadd.f32 v42, v26;
	v28 =	vmul.f32 v24, v24  }
0x37e: {  	v32 =	vand.u32 $0xFFFF0000, v41;
	v31 =	vand.u32 $0xFFFF0000, v23;
	v26 =	vmul.f32 v37, v37  }
0x37f: {  	v23 =	vmul.f32 v34, v34;
	v30 =	vadd.f32 v40, v30;
	v24 =	vmul.f32 v33, v33  }
0x380: {  	v15 =	vsub.f32 v19, v15  }
0x381: {  	v40 =	vadd.f32 v25, v29;
	v41 =	vsub.f32 v31, v32;
	v42 =	vshll.u32 v12, $0x10  }
0x382: {  	v43 =	vand.u32 $0xFFFF0000, v16;
	v44 =	vand.u32 $0xFFFF0000, v9;
	v14 =	vsub.f32 v20, v14  }
0x383: {  	v28 =	vadd.f32 v28, v30;
	v15 =	vmul.f32 v15, v15;
	v18 =	vadd.f32 v18, v40  }
0x384: {  	v45 =	vsub.f32 v22, v27;
	v47 =	vshll.u32 v9, $0x10;
	v48 =	vand.u32 $0xFFFF0000, v12  }
0x385: {  	v14 =	vmul.f32 v14, v14;
	v15 =	vadd.f32 v15, v28;
	v18 =	vadd.f32 v26, v18  }
0x386: {  	v4 =	vshll.u32 v4, $0x10;
	v6 =	vsub.f32 v8, v6;
	v3 =	vshll.u32 v3, $0x10  }
0x387: {  	v51 =	vshll.u32 v16, $0x10;
	v15 =	vadd.f32 v17, v15;
	v14 =	vadd.f32 v14, v18  }
0x388: {  	v5 =	vshll.u32 v5, $0x10;
	v56 =	vand.u32 $0xFFFF0000, v11;
	v57 =	vshll.u32 v11, $0x10  }
0x389: {  	v49 =	vmul.f32 v45, v45;
	v15 =	vadd.f32 v21, v15;
	v50 =	vadd.f32 v13, v14  }
0x38a: {  	v58 =	vshll.u32 v10, $0x10;
	v12 =	vsub.f32 v48, v43;
	v53 =	vsub.f32 v42, v51  }
0x38b: {  	v46 =	vmul.f32 v41, v41;
	v52 =	vadd.f32 v49, v15;
	v8 =	vadd.f32 v24, v50  }
0x38c: {  	v7 =	vsub.f32 v7, v44;
	v3 =	vsub.f32 v3, v47;
	v54 =	vmul.f32 v12, v12  }
0x38d: {  	v9 =	vmul.f32 v53, v53;
	v55 =	vadd.f32 v23, v52;
	v8 =	vadd.f32 v46, v8  }
0x38e: {  	v59 =	vand.u32 $0xFFFF0000, v10;
	v4 =	vsub.f32 v5, v4;
	v7 =	vmul.f32 v7, v7  }
0x38f: {  	v3 =	vmul.f32 v3, v3;
	v9 =	vadd.f32 v9, v55;
	v5 =	vadd.f32 v54, v8  }
0x390: {  	v60 =	vsub.f32 v57, v58;
	v10 =	vsub.f32 v56, v59;
	v6 =	vmul.f32 v6, v6  }
0x391: {  	v4 =	vmul.f32 v4, v4;
	v3 =	vadd.f32 v3, v9;
	v5 =	vadd.f32 v7, v5  }
0x392: {  	v61 =	vmul.f32 v10, v10  }
0x393: {  	v62 =	vmul.f32 v60, v60;
	v3 =	vadd.f32 v4, v3;
	v5 =	vadd.f32 v6, v5;
	_ =	sdelay $0x1  }
0x394: {  	v3 =	vadd.f32 v62, v3;
	v63 =	vadd.f32 v61, v5;
	_ =	sdelay $0x1  }
0x395: {  	s17 =	sadd.s32 s12, s17;
	v3 =	vadd.f32 v63, v3  }
0x396: {  	s17 =	sshrl.u32 s17, $0x3  }
0x397: {  	s23 =	simm.s32 $0x11D28;
	s30 =	sadd.s32 s10, s17;
	[tilespmem:s22+$0x11D28] =	vst v3  }
0x398: {  	[hbm4b:s30+s2] =	stream.linear.scatter [tilespmem:s23], [sflag:$0x3], $0x3E8, $0x38;
	[tilespmem:$0x128E0] =	vst v63  }
0x399: {  	s14 =	sadd.s32 $0x1, s14;
	_ =	swait.ge [sflag:s24], $0x3E8  }
0x39a: {  	s31 =	simm.s32 $0x124F8;
	p0 =	sne.s32 s14, $0xC;
	[sflag:s24] =	ssyncset.done $0x0  }
.Ltmp6:
0x39b: {  	s17 =	sadd.s32 s11, s17;
	[sflag:s24] =	ssyncadd.s32 $0xFFFFFC18;
	(pc) =	sbr.rel @p0 .LBB2_10-.Ltmp6, $4  }
0x39c: {  	[hbm4b:s17+s2] =	stream.linear.scatter [tilespmem:s31], [sflag:$0x3], $0x3E8, $0x38;
	[tilespmem:$0x128E0] =	vst v63  }
0x39d: {  	_ =	swait.ge [sflag:s24], $0x3E8  }
0x39e: {  	[sflag:s24] =	ssyncset.done $0x0  }
0x39f: {  	[sflag:s24] =	ssyncadd.s32 $0xFFFFFC18  }
0x3a0: {  	_ =	swait.ge [sflag:s18], $0x3E80  }
0x3a1: {  	[sflag:s18] =	ssyncset.done $0x0  }
0x3a2: {  	[sflag:s18] =	ssyncadd.s32 $0xFFFFC180  }
0x3a3: {  	_ =	swait.ge [sflag:s18], $0x3E80  }
0x3a4: {  	s14 =	simm.s32 $0x0;
	[sflag:s18] =	ssyncset.done $0x0  }
0x3a5: {  	s14 =	smin.u32 s14, $0x3D8;
	[sflag:s18] =	ssyncadd.s32 $0xFFFFC180  }
0x3a6: {  	v3 =	vmov s14;
	_ =	swait.ge [sflag:s18], $0x3E8  }
0x3a7: {  	v3 =	vshll.u32 v3, $0x4;
	[sflag:s18] =	ssyncset.done $0x0  }
0x3a8: {  	v4 =	vadd.s32 v0, v3;
	[sflag:s18] =	ssyncadd.s32 $0xFFFFFC18  }
0x3a9: {  	v5 =	vor.u32 $0x2, v4;
	_ =	swait.ge [sflag:s18], $0x3E8  }
0x3aa: {  	v7 =	vor.u32 $0x3, v4;
	[sflag:s18] =	ssyncset.done $0x0  }
0x3ab: {  	[sflag:s18] =	ssyncadd.s32 $0xFFFFFC18  }
0x3ac: {  	v3 =	vld [tilespmem:s14+$0x109A0]  }
0x3ad: {  	v6 =	vld [tilespmem:s14+$0x11170]  }
0x3ae: {  	v9 =	vor.u32 $0x4, v4;
	v11 =	vld.idx.msk [tilespmem:v5+s29+$0x0], $0xffff  }
0x3af: {  	v21 =	vor.u32 $0xB, v4;
	v14 =	vld.idx.msk [tilespmem:v7+s29+$0x0], $0xffff  }
0x3b0: {  	v5 =	vld.idx.msk [tilespmem:v5+s28+$0x0], $0xffff  }
0x3b1: {  	v8 =	vor.u32 $0x1, v4  }
0x3b2: {  	v10 =	vor.u32 $0x5, v4;
	v16 =	vor.u32 $0xD, v4;
	v15 =	vor.u32 $0x7, v4  }
0x3b3: {  	v17 =	vor.u32 $0x8, v4;
	v27 =	vld.idx.msk [tilespmem:v9+s29+$0x0], $0xffff;
	v12 =	vand.u32 $0xF, v3;
	v13 =	vand.u32 $0xF, v6  }
0x3b4: {  	v40 =	vld.idx.msk [tilespmem:v21+s29+$0x0], $0xffff;
	v3 =	vxor.u32 v3, v6;
	v22 =	vand.u32 $0xFFFF0000, v11;
	v25 =	vand.u32 $0xFFFF0000, v14  }
0x3b5: {  	v28 =	vshll.u32 v5, $0x10;
	v5 =	vand.u32 $0xFFFF0000, v5;
	v12 =	vsub.s32 v12, v13;
	v13 =	vld.idx.msk [tilespmem:v4+s28+$0x0], $0xffff  }
0x3b6: {  	v22 =	vsub.f32 v5, v22;
	v5 =	vshll.u32 v14, $0x10;
	v14 =	vld.idx.msk [tilespmem:v8+s29+$0x0], $0xffff;
	v6 =	vadd.s32 $0xFFFFFFFD, v12  }
0x3b7: {  	v18 =	vor.u32 $0x9, v4;
	v11 =	vshll.u32 v11, $0x10;
	vm1 =	vlt.u32 v6, $0xFFFFFFFB;
	v6 =	vld.idx.msk [tilespmem:v7+s28+$0x0], $0xffff  }
0x3b8: {  	v23 =	vor.u32 $0xF, v4;
	vm0 =	vlt.u32 v3, $0x10;
	v11 =	vsub.f32 v28, v11;
	v7 =	vld.idx.msk [tilespmem:v4+s29+$0x0], $0xffff  }
0x3b9: {  	v9 =	vld.idx.msk [tilespmem:v9+s28+$0x0], $0xffff;
	v12 =	vor.u32 $0xE, v4;
	v19 =	vsel vm0, $0x1, v2;
	v3 =	vsel vm1, $0x0, v1  }
0x3ba: {  	v20 =	vor.u32 $0xA, v4;
	v26 =	vor.u32 $0xC, v4;
	v24 =	vor.u32 v19, v3;
	v3 =	vld.idx.msk [tilespmem:v16+s28+$0x0], $0xffff  }
0x3bb: {  	v29 =	vor.u32 $0x6, v4;
	v60 =	vshll.u32 v40, $0x10;
	v11 =	vmul.f32 v11, v11;
	v19 =	vld.idx.msk [tilespmem:v8+s28+$0x0], $0xffff  }
0x3bc: {  	v39 =	vmul.f32 v22, v22;
	v8 =	vld.idx.msk [tilespmem:v10+s28+$0x0], $0xffff;
	v30 =	vand.u32 $0xFFFF0000, v13;
	v36 =	vshll.u32 v14, $0x10  }
0x3bd: {  	v14 =	vand.u32 $0xFFFF0000, v14;
	v28 =	vand.u32 $0xFFFF0000, v6;
	v31 =	vand.u32 $0xFFFF0000, v7  }
0x3be: {  	v4 =	vld.idx.msk [tilespmem:v12+s29+$0x0], $0xffff;
	v6 =	vshll.u32 v6, $0x10;
	v25 =	vsub.f32 v28, v25;
	v30 =	vsub.f32 v30, v31  }
0x3bf: {  	v28 =	vld.idx.msk [tilespmem:v10+s29+$0x0], $0xffff;
	v10 =	vshll.u32 v13, $0x10;
	v13 =	vshll.u32 v7, $0x10;
	v6 =	vsub.f32 v6, v5  }
0x3c0: {  	v5 =	vld.idx.msk [tilespmem:v12+s28+$0x0], $0xffff;
	v12 =	vshll.u32 v9, $0x10;
	v9 =	vand.u32 $0xFFFF0000, v9;
	v31 =	vshll.u32 v19, $0x10  }
0x3c1: {  	v34 =	vld.idx.msk [tilespmem:v29+s29+$0x0], $0xffff;
	v7 =	vand.u32 $0xFFFF0000, v3;
	v19 =	vand.u32 $0xFFFF0000, v19;
	v37 =	vshll.u32 v8, $0x10  }
0x3c2: {  	v29 =	vld.idx.msk [tilespmem:v29+s28+$0x0], $0xffff;
	v38 =	vand.u32 $0xFFFF0000, v8;
	v10 =	vsub.f32 v10, v13;
	v32 =	vmul.f32 v25, v25  }
0x3c3: {  	v25 =	vld.idx.msk [tilespmem:v17+s29+$0x0], $0xffff;
	v33 =	vmul.f32 v6, v6;
	v6 =	vshll.u32 v27, $0x10;
	v27 =	vand.u32 $0xFFFF0000, v27  }
0x3c4: {  	v17 =	vld.idx.msk [tilespmem:v17+s28+$0x0], $0xffff;
	v30 =	vmul.f32 v30, v30;
	v12 =	vsub.f32 v12, v6;
	v6 =	vand.u32 $0xFFFF0000, v4  }
0x3c5: {  	v9 =	vsub.f32 v9, v27;
	v10 =	vmul.f32 v10, v10;
	v35 =	vand.u32 $0xFFFF0000, v28  }
0x3c6: {  	v28 =	vshll.u32 v28, $0x10;
	v8 =	vand.u32 $0xFFFF0000, v5;
	v41 =	vmul.f32 v12, v12  }
0x3c7: {  	v27 =	vld.idx.msk [tilespmem:v15+s28+$0x0], $0xffff;
	v42 =	vmul.f32 v9, v9;
	v9 =	vshll.u32 v29, $0x10;
	v12 =	vsub.f32 v19, v14  }
0x3c8: {  	v57 =	vld.idx.msk [tilespmem:v20+s28+$0x0], $0xffff;
	v19 =	vsub.f32 v31, v36;
	v29 =	vand.u32 $0xFFFF0000, v29;
	v22 =	vsub.f32 v37, v28  }
0x3c9: {  	v44 =	vld.idx.msk [tilespmem:v18+s29+$0x0], $0xffff;
	v31 =	vsub.f32 v38, v35;
	v13 =	vshll.u32 v25, $0x10;
	v43 =	vshll.u32 v17, $0x10  }
0x3ca: {  	v28 =	vld.idx.msk [tilespmem:v15+s29+$0x0], $0xffff;
	v12 =	vmul.f32 v12, v12;
	v14 =	vand.u32 $0xFFFF0000, v25;
	v25 =	vmul.f32 v19, v19  }
0x3cb: {  	v37 =	vmul.f32 v22, v22;
	v22 =	vshll.u32 v34, $0x10;
	v34 =	vand.u32 $0xFFFF0000, v34  }
0x3cc: {  	v59 =	vld.idx.msk [tilespmem:v18+s28+$0x0], $0xffff;
	v58 =	vand.u32 $0xFFFF0000, v27;
	v13 =	vsub.f32 v43, v13;
	v29 =	vsub.f32 v29, v34  }
0x3cd: {  	v19 =	vshll.u32 v27, $0x10;
	v12 =	vadd.f32 v12, v30;
	v10 =	vadd.f32 v25, v10  }
0x3ce: {  	v61 =	vsub.f32 v9, v22;
	v25 =	vmul.f32 v31, v31;
	v22 =	vshll.u32 v57, $0x10  }
0x3cf: {  	v30 =	vld.idx.msk [tilespmem:v21+s28+$0x0], $0xffff;
	v31 =	vand.u32 $0xFFFF0000, v57;
	v21 =	vand.u32 $0xFFFF0000, v44;
	v15 =	vshll.u32 v28, $0x10  }
0x3d0: {  	v27 =	vand.u32 $0xFFFF0000, v28;
	v28 =	vld.idx.msk [tilespmem:v20+s29+$0x0], $0xffff;
	v20 =	vand.u32 $0xFFFF0000, v17;
	v9 =	vadd.f32 v39, v12  }
0x3d1: {  	v17 =	vmul.f32 v13, v13;
	v12 =	vand.u32 $0xFFFF0000, v59;
	v10 =	vadd.f32 v11, v10  }
0x3d2: {  	v11 =	vshll.u32 v59, $0x10;
	v13 =	vshll.u32 v44, $0x10;
	v36 =	vsub.f32 v58, v27  }
0x3d3: {  	v18 =	vmul.f32 v29, v29;
	v11 =	vsub.f32 v11, v13;
	v13 =	vsub.f32 v12, v21;
	v12 =	vld.idx.msk [tilespmem:v26+s28+$0x0], $0xffff  }
0x3d4: {  	v29 =	vadd.f32 v32, v9;
	v9 =	vld.idx.msk [tilespmem:v16+s29+$0x0], $0xffff;
	v33 =	vadd.f32 v33, v10;
	v32 =	vand.u32 $0xFFFF0000, v40  }
0x3d5: {  	v10 =	vld.idx.msk [tilespmem:v23+s29+$0x0], $0xffff;
	v62 =	vshll.u32 v30, $0x10;
	v21 =	vmul.f32 v11, v11;
	v16 =	vand.u32 $0xFFFF0000, v28  }
0x3d6: {  	v13 =	vmul.f32 v13, v13;
	v29 =	vadd.f32 v42, v29;
	v35 =	vsub.f32 v31, v16;
	v16 =	vld.idx.msk [tilespmem:v26+s29+$0x0], $0xffff  }
0x3d7: {  	v11 =	vld.idx.msk [tilespmem:v23+s28+$0x0], $0xffff;
	v23 =	vadd.f32 v41, v33;
	v63 =	vsub.f32 v62, v60;
	v27 =	vshll.u32 v28, $0x10  }
0x3d8: {  	v28 =	vmul.f32 v61, v61;
	v26 =	vmul.f32 v36, v36;
	v31 =	vand.u32 $0xFFFF0000, v30  }
0x3d9: {  	s15 =	simm.s32 $0x10;
	[tilespmem:s14+$0x12110] =	vst v24;
	v30 =	vadd.f32 v37, v23;
	v23 =	vmul.f32 v63, v63;
	v24 =	vmul.f32 v35, v35  }
.LBB2_16:
0x3da: {  	p0 =	sne.s32 s15, $0x3E0;
	v25 =	vadd.f32 v25, v29;
	v29 =	vsub.f32 v31, v32;
	v31 =	vshll.u32 v12, $0x10;
	s17 =	smov.u32 s15;
	s15 =	sadd.s32 $0x10, s15  }
0x3db: {  	v15 =	vsub.f32 v19, v15;
	v19 =	vand.u32 $0xFFFF0000, v16;
	v32 =	vand.u32 $0xFFFF0000, v9  }
0x3dc: {  	v22 =	vsub.f32 v22, v27;
	v7 =	vsub.f32 v7, v32;
	v27 =	vmul.f32 v29, v29  }
0x3dd: {  	v14 =	vsub.f32 v20, v14;
	v9 =	vshll.u32 v9, $0x10;
	v28 =	vadd.f32 v28, v30  }
0x3de: {  	v12 =	vand.u32 $0xFFFF0000, v12;
	v18 =	vadd.f32 v18, v25;
	v15 =	vmul.f32 v15, v15  }
0x3df: {  	v4 =	vshll.u32 v4, $0x10;
	v12 =	vsub.f32 v12, v19;
	v14 =	vmul.f32 v14, v14  }
0x3e0: {  	v6 =	vsub.f32 v8, v6;
	v7 =	vmul.f32 v7, v7;
	v15 =	vadd.f32 v15, v28  }
0x3e1: {  	v5 =	vshll.u32 v5, $0x10;
	v8 =	vadd.f32 v26, v18;
	v18 =	vmul.f32 v22, v22  }
0x3e2: {  	v4 =	vsub.f32 v5, v4;
	v15 =	vadd.f32 v17, v15  }
0x3e3: {  	v5 =	vadd.f32 v14, v8  }
0x3e4: {  	v8 =	vadd.f32 v21, v15  }
0x3e5: {  	v3 =	vshll.u32 v3, $0x10;
	v5 =	vadd.f32 v13, v5;
	v13 =	vshll.u32 v16, $0x10  }
0x3e6: {  	v3 =	vsub.f32 v3, v9;
	v8 =	vadd.f32 v18, v8  }
0x3e7: {  	v12 =	vmul.f32 v12, v12;
	v9 =	vsub.f32 v31, v13;
	v5 =	vadd.f32 v24, v5  }
0x3e8: {  	v3 =	vmul.f32 v3, v3;
	v8 =	vadd.f32 v23, v8  }
0x3e9: {  	v13 =	vand.u32 $0xFFFF0000, v11;
	v9 =	vmul.f32 v9, v9;
	v5 =	vadd.f32 v27, v5  }
0x3ea: {  	v14 =	vshll.u32 v10, $0x10;
	v10 =	vand.u32 $0xFFFF0000, v10;
	v11 =	vshll.u32 v11, $0x10  }
0x3eb: {  	v6 =	vmul.f32 v6, v6;
	v8 =	vadd.f32 v9, v8;
	v5 =	vadd.f32 v12, v5  }
0x3ec: {  	v10 =	vsub.f32 v13, v10;
	v9 =	vsub.f32 v11, v14  }
0x3ed: {  	v4 =	vmul.f32 v4, v4;
	v3 =	vadd.f32 v3, v8;
	v5 =	vadd.f32 v7, v5  }
0x3ee: {  	s17 =	smin.u32 s17, $0x3D8;
	v7 =	vmul.f32 v10, v10  }
0x3ef: {  	v8 =	vmov s17;
	v3 =	vadd.f32 v4, v3;
	v4 =	vmul.f32 v9, v9;
	v11 =	vld [tilespmem:s17+$0x109A0]  }
0x3f0: {  	v8 =	vshll.u32 v8, $0x4;
	v5 =	vadd.f32 v6, v5;
	v9 =	vld [tilespmem:s17+$0x11170]  }
0x3f1: {  	v6 =	vadd.s32 v0, v8;
	v3 =	vadd.f32 v4, v3  }
0x3f2: {  	v8 =	vor.u32 $0x2, v6;
	v4 =	vor.u32 $0x1, v6;
	v5 =	vadd.f32 v7, v5  }
0x3f3: {  	v12 =	vor.u32 $0x4, v6;
	v14 =	vor.u32 $0x5, v6;
	v7 =	vor.u32 $0x3, v6  }
0x3f4: {  	v15 =	vor.u32 $0x7, v6;
	v17 =	vor.u32 $0x8, v6;
	v3 =	vadd.f32 v5, v3  }
0x3f5: {  	v10 =	vor.u32 $0x9, v6;
	v5 =	vxor.u32 v11, v9;
	v11 =	vand.u32 $0xF, v11  }
0x3f6: {  	vm0 =	vlt.u32 v5, $0x10;
	v5 =	vand.u32 $0xF, v9;
	[tilespmem:s14+$0x11940] =	vst v3;
	s14 =	smov.u32 s17  }
0x3f7: {  	v18 =	vor.u32 $0xD, v6;
	v19 =	vor.u32 $0xE, v6;
	v9 =	vld.idx.msk [tilespmem:v8+s29+$0x0], $0xffff;
	v3 =	vsub.s32 v11, v5  }
0x3f8: {  	v11 =	vor.u32 $0xF, v6;
	v20 =	vld.idx.msk [tilespmem:v6+s29+$0x0], $0xffff;
	v3 =	vadd.s32 $0xFFFFFFFD, v3  }
0x3f9: {  	v5 =	vld.idx.msk [tilespmem:v7+s29+$0x0], $0xffff;
	vm1 =	vlt.u32 v3, $0xFFFFFFFB  }
0x3fa: {  	v21 =	vld.idx.msk [tilespmem:v6+s28+$0x0], $0xffff;
	v3 =	vsel vm1, $0x0, v1  }
0x3fb: {  	v13 =	vsel vm0, $0x1, v2;
	v8 =	vld.idx.msk [tilespmem:v8+s28+$0x0], $0xffff  }
0x3fc: {  	v22 =	vor.u32 $0xA, v6;
	v13 =	vor.u32 v13, v3;
	v7 =	vld.idx.msk [tilespmem:v7+s28+$0x0], $0xffff  }
0x3fd: {  	v23 =	vor.u32 $0xB, v6;
	v3 =	vld.idx.msk [tilespmem:v18+s28+$0x0], $0xffff  }
0x3fe: {  	v24 =	vld.idx.msk [tilespmem:v4+s28+$0x0], $0xffff  }
0x3ff: {  	v25 =	vld.idx.msk [tilespmem:v4+s29+$0x0], $0xffff  }
0x400: {  	v16 =	vor.u32 $0xC, v6;
	v26 =	vand.u32 $0xFFFF0000, v9;
	v27 =	vand.u32 $0xFFFF0000, v5;
	v28 =	vld.idx.msk [tilespmem:v12+s29+$0x0], $0xffff  }
0x401: {  	v6 =	vor.u32 $0x6, v6;
	v9 =	vshll.u32 v9, $0x10;
	v4 =	vshll.u32 v8, $0x10;
	v12 =	vld.idx.msk [tilespmem:v12+s28+$0x0], $0xffff  }
0x402: {  	v29 =	vand.u32 $0xFFFF0000, v21;
	v30 =	vsub.f32 v4, v9;
	v9 =	vand.u32 $0xFFFF0000, v7;
	v4 =	vld.idx.msk [tilespmem:v19+s29+$0x0], $0xffff  }
0x403: {  	v31 =	vand.u32 $0xFFFF0000, v20;
	v8 =	vand.u32 $0xFFFF0000, v8;
	v9 =	vsub.f32 v9, v27;
	v27 =	vld.idx.msk [tilespmem:v14+s29+$0x0], $0xffff  }
0x404: {  	v29 =	vsub.f32 v29, v31;
	v8 =	vsub.f32 v8, v26;
	v26 =	vshll.u32 v5, $0x10;
	v14 =	vld.idx.msk [tilespmem:v14+s28+$0x0], $0xffff  }
0x405: {  	v7 =	vshll.u32 v7, $0x10;
	v31 =	vshll.u32 v24, $0x10;
	v32 =	vmul.f32 v9, v9;
	v5 =	vld.idx.msk [tilespmem:v19+s28+$0x0], $0xffff  }
0x406: {  	v20 =	vshll.u32 v20, $0x10;
	v19 =	vshll.u32 v21, $0x10;
	v21 =	vsub.f32 v7, v26;
	v9 =	vld.idx.msk [tilespmem:v18+s29+$0x0], $0xffff  }
0x407: {  	v26 =	vmul.f32 v30, v30;
	v7 =	vand.u32 $0xFFFF0000, v3;
	v18 =	vshll.u32 v12, $0x10;
	v30 =	vld.idx.msk [tilespmem:v17+s29+$0x0], $0xffff  }
0x408: {  	v24 =	vand.u32 $0xFFFF0000, v24;
	v33 =	vshll.u32 v28, $0x10;
	v21 =	vmul.f32 v21, v21;
	v34 =	vld.idx.msk [tilespmem:v6+s29+$0x0], $0xffff  }
0x409: {  	v18 =	vsub.f32 v18, v33;
	v33 =	vand.u32 $0xFFFF0000, v27;
	v35 =	vld.idx.msk [tilespmem:v6+s28+$0x0], $0xffff;
	v6 =	vand.u32 $0xFFFF0000, v4  }
0x40a: {  	v36 =	vshll.u32 v25, $0x10;
	v12 =	vand.u32 $0xFFFF0000, v12;
	v27 =	vshll.u32 v27, $0x10;
	v17 =	vld.idx.msk [tilespmem:v17+s28+$0x0], $0xffff  }
0x40b: {  	v28 =	vand.u32 $0xFFFF0000, v28;
	v37 =	vshll.u32 v14, $0x10;
	v14 =	vand.u32 $0xFFFF0000, v14;
	v38 =	vld.idx.msk [tilespmem:v15+s28+$0x0], $0xffff  }
0x40c: {  	v39 =	vmul.f32 v8, v8;
	v27 =	vsub.f32 v37, v27;
	v8 =	vand.u32 $0xFFFF0000, v5;
	v37 =	vld.idx.msk [tilespmem:v15+s29+$0x0], $0xffff  }
0x40d: {  	v15 =	vsub.f32 v19, v20;
	v19 =	vsub.f32 v12, v28;
	v20 =	vshll.u32 v30, $0x10;
	v12 =	vld.idx.msk [tilespmem:v16+s28+$0x0], $0xffff  }
0x40e: {  	v25 =	vand.u32 $0xFFFF0000, v25;
	v28 =	vmul.f32 v29, v29;
	v40 =	vmul.f32 v27, v27;
	v41 =	vld.idx.msk [tilespmem:v23+s29+$0x0], $0xffff  }
0x40f: {  	v42 =	vmul.f32 v18, v18;
	v29 =	vmul.f32 v19, v19;
	v27 =	vshll.u32 v35, $0x10;
	v23 =	vld.idx.msk [tilespmem:v23+s28+$0x0], $0xffff  }
0x410: {  	v18 =	vsub.f32 v24, v25;
	v24 =	vshll.u32 v34, $0x10;
	v25 =	vshll.u32 v17, $0x10;
	v43 =	vld.idx.msk [tilespmem:v22+s29+$0x0], $0xffff  }
0x411: {  	v19 =	vsub.f32 v31, v36;
	v31 =	vsub.f32 v14, v33;
	v33 =	vand.u32 $0xFFFF0000, v34;
	v34 =	vld.idx.msk [tilespmem:v22+s28+$0x0], $0xffff  }
0x412: {  	v35 =	vand.u32 $0xFFFF0000, v35;
	v22 =	vmul.f32 v15, v15;
	v15 =	vshll.u32 v37, $0x10;
	v36 =	vld.idx.msk [tilespmem:v10+s28+$0x0], $0xffff  }
0x413: {  	v18 =	vmul.f32 v18, v18;
	v14 =	vand.u32 $0xFFFF0000, v30;
	v44 =	vand.u32 $0xFFFF0000, v38;
	v30 =	vld.idx.msk [tilespmem:v10+s29+$0x0], $0xffff  }
0x414: {  	v33 =	vsub.f32 v35, v33;
	v10 =	vmul.f32 v19, v19;
	v35 =	vshll.u32 v41, $0x10  }
0x415: {  	v28 =	vadd.f32 v18, v28;
	v37 =	vand.u32 $0xFFFF0000, v37;
	v19 =	vshll.u32 v38, $0x10  }
0x416: {  	v18 =	vmul.f32 v33, v33;
	v33 =	vsub.f32 v25, v20;
	v10 =	vadd.f32 v10, v22  }
0x417: {  	v24 =	vsub.f32 v27, v24;
	v20 =	vand.u32 $0xFFFF0000, v17;
	v37 =	vsub.f32 v44, v37  }
0x418: {  	v25 =	vmul.f32 v31, v31;
	v22 =	vshll.u32 v34, $0x10;
	v31 =	vand.u32 $0xFFFF0000, v34  }
0x419: {  	v27 =	vadd.f32 v39, v28;
	v17 =	vmul.f32 v33, v33;
	v28 =	vand.u32 $0xFFFF0000, v36  }
0x41a: {  	v26 =	vadd.f32 v26, v10;
	v33 =	vshll.u32 v36, $0x10;
	v34 =	vshll.u32 v30, $0x10;
	v10 =	vld.idx.msk [tilespmem:v11+s29+$0x0], $0xffff  }
0x41b: {  	v32 =	vadd.f32 v32, v27;
	v27 =	vand.u32 $0xFFFF0000, v30;
	v30 =	vsub.f32 v33, v34;
	v11 =	vld.idx.msk [tilespmem:v11+s28+$0x0], $0xffff  }
0x41c: {  	v28 =	vsub.f32 v28, v27;
	v33 =	vand.u32 $0xFFFF0000, v43;
	v34 =	vshll.u32 v23, $0x10;
	v16 =	vld.idx.msk [tilespmem:v16+s29+$0x0], $0xffff  }
.Ltmp7:
0x41d: {  	v26 =	vadd.f32 v21, v26;
	v27 =	vshll.u32 v43, $0x10;
	v21 =	vmul.f32 v30, v30;
	[tilespmem:s14+$0x12110] =	vst v13;
	(pc) =	sbr.rel @p0 .LBB2_16-.Ltmp7, $4  }
0x41e: {  	v29 =	vadd.f32 v29, v32;
	v33 =	vsub.f32 v31, v33;
	v13 =	vmul.f32 v28, v28  }
0x41f: {  	v34 =	vsub.f32 v34, v35;
	v30 =	vadd.f32 v42, v26;
	v28 =	vmul.f32 v24, v24  }
0x420: {  	v32 =	vand.u32 $0xFFFF0000, v41;
	v31 =	vand.u32 $0xFFFF0000, v23;
	v26 =	vmul.f32 v37, v37  }
0x421: {  	v23 =	vmul.f32 v34, v34;
	v30 =	vadd.f32 v40, v30;
	v24 =	vmul.f32 v33, v33  }
0x422: {  	v15 =	vsub.f32 v19, v15  }
0x423: {  	v40 =	vadd.f32 v25, v29;
	v41 =	vsub.f32 v31, v32;
	v42 =	vshll.u32 v12, $0x10  }
0x424: {  	v43 =	vand.u32 $0xFFFF0000, v16;
	v44 =	vand.u32 $0xFFFF0000, v9;
	v14 =	vsub.f32 v20, v14  }
0x425: {  	v28 =	vadd.f32 v28, v30;
	v15 =	vmul.f32 v15, v15;
	v18 =	vadd.f32 v18, v40  }
0x426: {  	v45 =	vsub.f32 v22, v27;
	v47 =	vshll.u32 v9, $0x10;
	v48 =	vand.u32 $0xFFFF0000, v12  }
0x427: {  	v14 =	vmul.f32 v14, v14;
	v15 =	vadd.f32 v15, v28;
	v18 =	vadd.f32 v26, v18  }
0x428: {  	v4 =	vshll.u32 v4, $0x10;
	v6 =	vsub.f32 v8, v6;
	v3 =	vshll.u32 v3, $0x10  }
0x429: {  	v51 =	vshll.u32 v16, $0x10;
	v15 =	vadd.f32 v17, v15;
	v14 =	vadd.f32 v14, v18  }
0x42a: {  	v5 =	vshll.u32 v5, $0x10;
	v56 =	vand.u32 $0xFFFF0000, v11;
	v57 =	vshll.u32 v11, $0x10  }
0x42b: {  	v49 =	vmul.f32 v45, v45;
	v15 =	vadd.f32 v21, v15;
	v50 =	vadd.f32 v13, v14  }
0x42c: {  	v58 =	vshll.u32 v10, $0x10;
	v12 =	vsub.f32 v48, v43;
	v53 =	vsub.f32 v42, v51  }
0x42d: {  	v46 =	vmul.f32 v41, v41;
	v52 =	vadd.f32 v49, v15;
	v8 =	vadd.f32 v24, v50  }
0x42e: {  	v7 =	vsub.f32 v7, v44;
	v3 =	vsub.f32 v3, v47;
	v54 =	vmul.f32 v12, v12  }
0x42f: {  	v9 =	vmul.f32 v53, v53;
	v55 =	vadd.f32 v23, v52;
	v8 =	vadd.f32 v46, v8  }
0x430: {  	v59 =	vand.u32 $0xFFFF0000, v10;
	v4 =	vsub.f32 v5, v4;
	v7 =	vmul.f32 v7, v7  }
0x431: {  	v3 =	vmul.f32 v3, v3;
	v9 =	vadd.f32 v9, v55;
	v5 =	vadd.f32 v54, v8  }
0x432: {  	v60 =	vsub.f32 v57, v58;
	v10 =	vsub.f32 v56, v59;
	v6 =	vmul.f32 v6, v6  }
0x433: {  	v4 =	vmul.f32 v4, v4;
	v3 =	vadd.f32 v3, v9;
	v5 =	vadd.f32 v7, v5  }
0x434: {  	v61 =	vmul.f32 v10, v10  }
0x435: {  	v62 =	vmul.f32 v60, v60;
	v3 =	vadd.f32 v4, v3;
	v5 =	vadd.f32 v6, v5;
	_ =	sdelay $0x1  }
0x436: {  	v3 =	vadd.f32 v62, v3;
	v63 =	vadd.f32 v61, v5;
	_ =	sdelay $0x1  }
0x437: {  	v3 =	vadd.f32 v63, v3;
	_ =	sdelay $0x1  }
0x438: {  	s22 =	rddreg [dreg:$0x9];
	[tilespmem:s14+$0x11940] =	vst v3  }
0x439: {  	[hbm4b:s22+s2] =	stream.linear.scatter [tilespmem:s19], [sflag:$0x3], $0x3E8, $0x38;
	[tilespmem:$0x128E0] =	vst v63  }
0x43a: {  	_ =	swait.ge [sflag:s24], $0x3E8  }
0x43b: {  	[sflag:s24] =	ssyncset.done $0x0  }
0x43c: {  	s23 =	rddreg [dreg:$0xa];
	[sflag:s24] =	ssyncadd.s32 $0xFFFFFC18  }
0x43d: {  	[hbm4b:s23+s2] =	stream.linear.scatter [tilespmem:s20], [sflag:$0x3], $0x3E8, $0x38;
	[tilespmem:$0x128E0] =	vst v63  }
0x43e: {  	_ =	swait.ge [sflag:s24], $0x3E8  }
0x43f: {  	s15 =	rddreg [dreg:$0xc]  }
0x440: {  	s30 =	rddreg [dreg:$0xb];
	s15 =	sadd.s32 $0x1, s15  }
0x441: {  	p0 =	sne.s32 s15, s30  }
.Ltmp8:
0x442: {  	_ = 	snop;
	(pc) =	sbr.rel @p0 .LBB2_1-.Ltmp8, $3  }
0x443: {  	_ =	sdelay $0x1  }
0x444: {  	[sflag:s24] =	ssyncset.done $0x0  }
0x445: {  	s31 =	rddreg [dreg:$0x4];
	[sflag:s24] =	ssyncadd.s32 $0xFFFFFC18  }
0x446: {  	_ =	sfence.sel $0x180000  }
0x447: {  	[bflag:$0x0] =	sbarrier.arrive $0xFFFF  }
0x448: {  	_ =	strace $0x90000047  }
0x449: {  	s0 =	stileid.u32;
	[bflag:$0x2] =	sbarrier.arrive $0xFFFF  }
0x44a: {  	p0 =	sne.s32 s0, $0x0;
	s0 =	rddreg [dreg:$0x1]  }
0x44b: {  	s0 =	sadd.s32 @!p0 $0x100000, s0  }
0x44c: {  	[sflag:s0] =	ssyncadd.tile.s32 @!p0 $0x1;
	_ =	shalt  }
.Lfunc_end2:
_tile_overlayer_lowered:
.L_overlay_start_2:
0x44d: {  	(tag) =	ssettag $0x2  }
0x44e: {  	s0 =	rddreg [dreg:$0x0];
	s2 =	stileid.u32  }
0x44f: {  	s1 =	rddreg [dreg:$0x1];
	p0 =	sne.s32 s2, $0x0  }
0x450: {  	s3 =	rddreg [dreg:$0x2];
	[bflag:$0x3] =	sbarrier.arrive $0xFFFF;
	s2 =	simm.s32 @!p0 $0x1C03  }
0x451: {  	[timem:s3], [sflag:s2] =	dma.local @!p0 [hbm:s0], s1  }
0x452: {  	s0 =	simm.s32 @!p0 $0x3  }
0x453: {  	_ =	swait.ge @!p0 [sflag:s0], s1  }
0x454: {  	s1 =	ssub.s32 @!p0 $0x0, s1;
	[sflag:s0] =	ssyncset.done @!p0 $0x0  }
0x455: {  	[sflag:s0] =	ssyncadd.s32 @!p0 s1  }
0x456: {  	[bflag:$0x3] =	sbarrier.arrive $0xFFFF  }
0x457: {  	_ =	shalt  }

</sc_bundles>
